<compile_context>
chip_gen: v7x
topology: tpu7x:2x2x1
jax: 0.10.2.dev20260603
libtpu: 0.0.44.dev20260713+nightly
codegen_flags: <defaults>
</compile_context>

<pallas_src>
import functools

import jax
import jax.numpy as jnp
from jax import lax
from jax.experimental import pallas as pl
from jax.experimental.pallas import tpu as pltpu
from jax.experimental.pallas import tpu_sc as plsc

_LANES = 16
_NW = 32
_BATCH = 16384
_NF = 16
_BPW = _BATCH // _NW
_NBLK = _BPW // _LANES
_NCHUNK = 4
_CHUNK = _BPW // _NCHUNK


def _shuf(v, idx):
    return v.at[idx].get(mode="promise_in_bounds")


@functools.partial(
    pl.kernel,
    mesh=plsc.VectorSubcoreMesh(core_axis_name="c", subcore_axis_name="s"),
    out_type=jax.ShapeDtypeStruct((_BATCH,), jnp.float32),
    compiler_params=pltpu.CompilerParams(use_tc_tiling_on_sc=False),
    scratch_types=[
        pltpu.VMEM((2 * _BPW,), jnp.int32),
        pltpu.VMEM((_NCHUNK, _CHUNK), jnp.int32),
        pltpu.VMEM((_NCHUNK, _CHUNK), jnp.int32),
        pltpu.VMEM((_BPW, _NF), jnp.float32),
        pltpu.VMEM((_BPW, _NF), jnp.float32),
        pltpu.VMEM((_BPW,), jnp.float32),
        pltpu.SemaphoreType.DMA,
    ],
)
def _sc_dot(x_hbm, uf_hbm, mf_hbm, out_hbm,
            x_v, uidx_v, midx_v, u_v, m_v, o_v, sem):
    wid = lax.axis_index("s") * 2 + lax.axis_index("c")
    base = wid * _BPW

    pltpu.sync_copy(x_hbm.at[pl.ds(2 * base, 2 * _BPW)], x_v)

    iota = lax.broadcasted_iota(jnp.int32, (_LANES,), 0)
    even = (iota * 2) % _LANES
    odd = even + 1
    lo_half = iota < (_LANES // 2)

    for j in range(_NBLK):
        a = x_v[pl.ds(2 * j * _LANES, _LANES)]
        b = x_v[pl.ds(2 * j * _LANES + _LANES, _LANES)]
        u_i = jnp.where(lo_half, _shuf(a, even), _shuf(b, even))
        m_i = jnp.where(lo_half, _shuf(a, odd), _shuf(b, odd))
        uidx_v[j // 8, pl.ds((j % 8) * _LANES, _LANES)] = u_i
        midx_v[j // 8, pl.ds((j % 8) * _LANES, _LANES)] = m_i

    copies = []
    for k in range(_NCHUNK):
        copies.append(pltpu.async_copy(
            uf_hbm.at[uidx_v.at[k]], u_v.at[pl.ds(k * _CHUNK, _CHUNK), :], sem))
        copies.append(pltpu.async_copy(
            mf_hbm.at[midx_v.at[k]], m_v.at[pl.ds(k * _CHUNK, _CHUNK), :], sem))
    for c in copies:
        c.wait()

    bfly = [iota ^ (1 << s) for s in range(4)]

    def blk(j, carry):
        row0 = j * _LANES
        acc = jnp.zeros((_LANES,), jnp.float32)
        for r in range(_LANES):
            p = u_v[row0 + r, :] * m_v[row0 + r, :]
            for idx in bfly:
                p = p + _shuf(p, idx)
            acc = jnp.where(iota == r, p, acc)
        o_v[pl.ds(row0, _LANES)] = 5.5 / (1.0 + jnp.exp(-acc))
        return carry

    lax.fori_loop(0, _NBLK, blk, 0)

    pltpu.sync_copy(o_v, out_hbm.at[pl.ds(base, _BPW)])


def kernel(x, user_factors, movie_factors):
    return _sc_dot(x.reshape(-1), user_factors, movie_factors)

# --- scband reference (transcript-rebuilt; emitter-appended) ---
"""Pipeline reference for scband-dot-product-24335284699424 (READ-ONLY COPY).

The authoritative reference and input builder live on the scoring server;
editing this copy changes nothing except your own understanding.
"""

import jax, jax.numpy as jnp
import numpy as np

N_USERS = 1000000
N_MOVIES = 1000000
N_FACTORS = 16
BATCH = 16384
Y_LOW = 0.0
Y_HIGH = 5.5


def setup_inputs(seed: int = 0) -> dict:
    key = jax.random.key(seed)
    k1, k2, k3 = jax.random.split(key, 3)
    x = jax.random.randint(k1, (BATCH, 2), 0, N_USERS, dtype=jnp.int64 if jax.config.jax_enable_x64 else jnp.int32).astype(jnp.int32)
    user_factors = jax.random.normal(k2, (N_USERS, N_FACTORS), dtype=jnp.float32)
    movie_factors = jax.random.normal(k3, (N_MOVIES, N_FACTORS), dtype=jnp.float32)
    return {"x": x, "user_factors": user_factors, "movie_factors": movie_factors}


def sigmoid_range(v, low, high):
    return jax.nn.sigmoid(v) * (high - low) + low


def reference(x, user_factors, movie_factors):
    users = jnp.take(user_factors, x[:, 0], axis=0)
    movies = jnp.take(movie_factors, x[:, 1], axis=0)
    dots = jnp.sum(users * movies, axis=1)
    return sigmoid_range(dots, Y_LOW, Y_HIGH)

if __name__ == "__main__":
    import jax
    _d = setup_inputs()
    print(jax.jit(kernel)(*tuple(_d.values())))

</pallas_src>

<mosaic_0001>
#map = affine_map<(d0, d1) -> (0)>
#map1 = affine_map<(d0, d1) -> (0, 0)>
module attributes {stable_mosaic.version = 14 : i64} {
  func.func @_sc_dot(%arg0: i32, %arg1: i32, %arg2: memref<32768xi32, #tpu.memory_space<hbm>>, %arg3: memref<1000000x16xf32, #tpu.memory_space<hbm>>, %arg4: memref<1000000x16xf32, #tpu.memory_space<hbm>>, %arg5: memref<16384xf32, #tpu.memory_space<hbm>>, %arg6: memref<1024xi32, #tpu.memory_space<vmem>>, %arg7: memref<4x128xi32, #tpu.memory_space<vmem>>, %arg8: memref<4x128xi32, #tpu.memory_space<vmem>>, %arg9: memref<512x16xf32, #tpu.memory_space<vmem>>, %arg10: memref<512x16xf32, #tpu.memory_space<vmem>>, %arg11: memref<512xf32, #tpu.memory_space<vmem>>, %arg12: memref<!tpu.dma_semaphore, #tpu.memory_space<semaphore_mem>>) attributes {dimension_semantics = [#tpu.dimension_semantics<core_parallel>, #tpu.dimension_semantics<subcore_parallel>], iteration_bounds = array<i64: 2, 16>, scalar_prefetch = 0 : i64, scratch_operands = 7 : i64, tpu.core_type = #tpu.core_type<sc_vector_subcore>, window_params = [{transform_indices = #map}, {transform_indices = #map1}, {transform_indices = #map1}, {transform_indices = #map}]} {
    %mul3A = arith.constant 2 : i32
    %mul3A_0 = arith.muli %arg1, %mul3A : i32
    %add3A = arith.addi %mul3A_0, %arg0 : i32
    %mul3A_1 = arith.constant 512 : i32
    %mul3A_2 = arith.muli %add3A, %mul3A_1 : i32
    %mul3A_3 = arith.constant 2 : i32
    %mul3A_4 = arith.muli %mul3A_3, %mul3A_2 : i32
    "tpu.region"() ({
      %run_scoped3A = tpu.sem_alloc : memref<!tpu.dma_semaphore, #tpu.memory_space<semaphore_mem>>
      %dma_start3A_2119 = tpu.memref_slice %arg2[%mul3A_4] : memref<32768xi32, #tpu.memory_space<hbm>> -> memref<1024xi32, #tpu.memory_space<hbm>>
      %dma_start3A_2120 = tpu.memref_slice %arg2[%mul3A_4] : memref<32768xi32, #tpu.memory_space<hbm>> -> memref<1024xi32, #tpu.memory_space<hbm>>
      tpu.enqueue_dma source(%dma_start3A_2120 : memref<1024xi32, #tpu.memory_space<hbm>>) target(%arg6 : memref<1024xi32, #tpu.memory_space<vmem>>) target_semaphore(%run_scoped3A : memref<!tpu.dma_semaphore, #tpu.memory_space<semaphore_mem>>)
      %dma_wait3A_2121 = tpu.memref_slice %arg2[%mul3A_4] : memref<32768xi32, #tpu.memory_space<hbm>> -> memref<1024xi32, #tpu.memory_space<hbm>>
      %dma_wait3A_2122 = tpu.memref_slice %arg2[%mul3A_4] : memref<32768xi32, #tpu.memory_space<hbm>> -> memref<1024xi32, #tpu.memory_space<hbm>>
      tpu.wait_dma2 semaphore(%run_scoped3A : memref<!tpu.dma_semaphore, #tpu.memory_space<semaphore_mem>>) src(%dma_wait3A_2122 : memref<1024xi32, #tpu.memory_space<hbm>>) dst(%arg6 : memref<1024xi32, #tpu.memory_space<vmem>>)
      tpu.yield
    }) : () -> ()
    %iota3A = tpu.iota {dimensions = array<i32: 0>} : vector<16xi32>
    %mul3A_5 = arith.constant 2 : i32
    %mul3A_6 = vector.broadcast %mul3A_5 : i32 to vector<16xi32>
    %mul3A_7 = arith.muli %iota3A, %mul3A_6 : vector<16xi32>
    %jit3A = arith.constant 16 : i32
    %eq3A = arith.constant 0 : i32
    %eq3A_8 = arith.cmpi eq, %jit3A, %eq3A : i32
    %jit3A_9 = arith.constant 1 : i32
    %select_n3A = arith.select %eq3A_8, %jit3A_9, %jit3A : i32
    %rem3A = vector.broadcast %select_n3A : i32 to vector<16xi32>
    %rem3A_10 = arith.remsi %mul3A_7, %rem3A : vector<16xi32>
    %ne3A = arith.constant 0 : i32
    %ne3A_11 = vector.broadcast %ne3A : i32 to vector<16xi32>
    %ne3A_12 = arith.cmpi ne, %rem3A_10, %ne3A_11 : vector<16xi32>
    %lt3A = arith.constant 0 : i32
    %lt3A_13 = vector.broadcast %lt3A : i32 to vector<16xi32>
    %lt3A_14 = arith.cmpi slt, %rem3A_10, %lt3A_13 : vector<16xi32>
    %lt3A_15 = arith.constant 0 : i32
    %lt3A_16 = arith.cmpi slt, %select_n3A, %lt3A_15 : i32
    %ne3A_17 = vector.broadcast %lt3A_16 : i1 to vector<16xi1>
    %ne3A_18 = vector.broadcast %ne3A_17 : vector<16xi1> to vector<16xi1>
    %ne3A_19 = arith.xori %lt3A_14, %ne3A_18 : vector<16xi1>
    %and3A = arith.andi %ne3A_19, %ne3A_12 : vector<16xi1>
    %add3A_20 = vector.broadcast %select_n3A : i32 to vector<16xi32>
    %add3A_21 = arith.addi %rem3A_10, %add3A_20 : vector<16xi32>
    %select_n3A_22 = arith.select %and3A, %add3A_21, %rem3A_10 : vector<16xi1>, vector<16xi32>
    %add3A_23 = arith.constant 1 : i32
    %add3A_24 = vector.broadcast %add3A_23 : i32 to vector<16xi32>
    %add3A_25 = arith.addi %select_n3A_22, %add3A_24 : vector<16xi32>
    %lt3A_26 = arith.constant 8 : i32
    %lt3A_27 = vector.broadcast %lt3A_26 : i32 to vector<16xi32>
    %lt3A_28 = arith.cmpi slt, %iota3A, %lt3A_27 : vector<16xi32>
    %get3A = arith.constant 0 : index
    %get3A_29 = tpu.vector_load %arg6[%get3A] {strides = array<i32>} : memref<1024xi32, #tpu.memory_space<vmem>>, vector<16xi32>,
    %get3A_30 = vector.shape_cast %get3A_29 : vector<16xi32> to vector<16xi32>
    %get3A_31 = arith.constant 16 : index
    %get3A_32 = tpu.vector_load %arg6[%get3A_31] {strides = array<i32>} : memref<1024xi32, #tpu.memory_space<vmem>>, vector<16xi32>,
    %get3A_33 = vector.shape_cast %get3A_32 : vector<16xi32> to vector<16xi32>
    %lt3A_34 = arith.constant 0 : i32
    %lt3A_35 = vector.broadcast %lt3A_34 : i32 to vector<16xi32>
    %lt3A_36 = arith.cmpi slt, %select_n3A_22, %lt3A_35 : vector<16xi32>
    %add3A_37 = arith.constant 16 : i32
    %add3A_38 = vector.broadcast %add3A_37 : i32 to vector<16xi32>
    %add3A_39 = arith.addi %select_n3A_22, %add3A_38 : vector<16xi32>
    %select_n3A_40 = arith.select %lt3A_36, %add3A_39, %select_n3A_22 : vector<16xi1>, vector<16xi32>
    %broadcast_in_dim3A = vector.shape_cast %select_n3A_40 : vector<16xi32> to vector<16x1xi32>
    %gather3A = vector.shape_cast %broadcast_in_dim3A : vector<16x1xi32> to vector<16xi32>
    %gather3A_41 = tpu.dynamic_gather %get3A_30[%gather3A] in [0] : vector<16xi32>, vector<16xi32> -> vector<16xi32>
    %lt3A_42 = arith.constant 0 : i32
    %lt3A_43 = vector.broadcast %lt3A_42 : i32 to vector<16xi32>
    %lt3A_44 = arith.cmpi slt, %select_n3A_22, %lt3A_43 : vector<16xi32>
    %add3A_45 = arith.constant 16 : i32
    %add3A_46 = vector.broadcast %add3A_45 : i32 to vector<16xi32>
    %add3A_47 = arith.addi %select_n3A_22, %add3A_46 : vector<16xi32>
    %select_n3A_48 = arith.select %lt3A_44, %add3A_47, %select_n3A_22 : vector<16xi1>, vector<16xi32>
    %broadcast_in_dim3A_49 = vector.shape_cast %select_n3A_48 : vector<16xi32> to vector<16x1xi32>
    %gather3A_50 = vector.shape_cast %broadcast_in_dim3A_49 : vector<16x1xi32> to vector<16xi32>
    %gather3A_51 = tpu.dynamic_gather %get3A_33[%gather3A_50] in [0] : vector<16xi32>, vector<16xi32> -> vector<16xi32>
    %select_n3A_52 = arith.select %lt3A_28, %gather3A_41, %gather3A_51 : vector<16xi1>, vector<16xi32>
    %lt3A_53 = arith.constant 0 : i32
    %lt3A_54 = vector.broadcast %lt3A_53 : i32 to vector<16xi32>
    %lt3A_55 = arith.cmpi slt, %add3A_25, %lt3A_54 : vector<16xi32>
    %add3A_56 = arith.constant 16 : i32
    %add3A_57 = vector.broadcast %add3A_56 : i32 to vector<16xi32>
    %add3A_58 = arith.addi %add3A_25, %add3A_57 : vector<16xi32>
    %select_n3A_59 = arith.select %lt3A_55, %add3A_58, %add3A_25 : vector<16xi1>, vector<16xi32>
    %broadcast_in_dim3A_60 = vector.shape_cast %select_n3A_59 : vector<16xi32> to vector<16x1xi32>
    %gather3A_61 = vector.shape_cast %broadcast_in_dim3A_60 : vector<16x1xi32> to vector<16xi32>
    %gather3A_62 = tpu.dynamic_gather %get3A_30[%gather3A_61] in [0] : vector<16xi32>, vector<16xi32> -> vector<16xi32>
    %lt3A_63 = arith.constant 0 : i32
    %lt3A_64 = vector.broadcast %lt3A_63 : i32 to vector<16xi32>
    %lt3A_65 = arith.cmpi slt, %add3A_25, %lt3A_64 : vector<16xi32>
    %add3A_66 = arith.constant 16 : i32
    %add3A_67 = vector.broadcast %add3A_66 : i32 to vector<16xi32>
    %add3A_68 = arith.addi %add3A_25, %add3A_67 : vector<16xi32>
    %select_n3A_69 = arith.select %lt3A_65, %add3A_68, %add3A_25 : vector<16xi1>, vector<16xi32>
    %broadcast_in_dim3A_70 = vector.shape_cast %select_n3A_69 : vector<16xi32> to vector<16x1xi32>
    %gather3A_71 = vector.shape_cast %broadcast_in_dim3A_70 : vector<16x1xi32> to vector<16xi32>
    %gather3A_72 = tpu.dynamic_gather %get3A_33[%gather3A_71] in [0] : vector<16xi32>, vector<16xi32> -> vector<16xi32>
    %select_n3A_73 = arith.select %lt3A_28, %gather3A_62, %gather3A_72 : vector<16xi1>, vector<16xi32>
    %swap3A = arith.constant 0 : i32
    %swap3A_74 = arith.index_cast %swap3A : i32 to index
    %swap3A_75 = arith.constant 0 : index
    %swap3A_76 = tpu.vector_load %arg7[%swap3A_74, %swap3A_75] {strides = array<i32>} : memref<4x128xi32, #tpu.memory_space<vmem>>, vector<1x16xi32>,
    %swap3A_77 = vector.shape_cast %swap3A_76 : vector<1x16xi32> to vector<16xi32>
    %swap3A_78 = vector.shape_cast %select_n3A_52 : vector<16xi32> to vector<1x16xi32>
    tpu.vector_store %arg7[%swap3A_74, %swap3A_75], %swap3A_78 {strides = array<i32>} : memref<4x128xi32, #tpu.memory_space<vmem>>, vector<1x16xi32>,
    %swap3A_79 = arith.constant 0 : i32
    %swap3A_80 = arith.index_cast %swap3A_79 : i32 to index
    %swap3A_81 = arith.constant 0 : index
    %swap3A_82 = tpu.vector_load %arg8[%swap3A_80, %swap3A_81] {strides = array<i32>} : memref<4x128xi32, #tpu.memory_space<vmem>>, vector<1x16xi32>,
    %swap3A_83 = vector.shape_cast %swap3A_82 : vector<1x16xi32> to vector<16xi32>
    %swap3A_84 = vector.shape_cast %select_n3A_73 : vector<16xi32> to vector<1x16xi32>
    tpu.vector_store %arg8[%swap3A_80, %swap3A_81], %swap3A_84 {strides = array<i32>} : memref<4x128xi32, #tpu.memory_space<vmem>>, vector<1x16xi32>,
    %get3A_85 = arith.constant 32 : index
    %get3A_86 = tpu.vector_load %arg6[%get3A_85] {strides = array<i32>} : memref<1024xi32, #tpu.memory_space<vmem>>, vector<16xi32>,
    %get3A_87 = vector.shape_cast %get3A_86 : vector<16xi32> to vector<16xi32>
    %get3A_88 = arith.constant 48 : index
    %get3A_89 = tpu.vector_load %arg6[%get3A_88] {strides = array<i32>} : memref<1024xi32, #tpu.memory_space<vmem>>, vector<16xi32>,
    %get3A_90 = vector.shape_cast %get3A_89 : vector<16xi32> to vector<16xi32>
    %lt3A_91 = arith.constant 0 : i32
    %lt3A_92 = vector.broadcast %lt3A_91 : i32 to vector<16xi32>
    %lt3A_93 = arith.cmpi slt, %select_n3A_22, %lt3A_92 : vector<16xi32>
    %add3A_94 = arith.constant 16 : i32
    %add3A_95 = vector.broadcast %add3A_94 : i32 to vector<16xi32>
    %add3A_96 = arith.addi %select_n3A_22, %add3A_95 : vector<16xi32>
    %select_n3A_97 = arith.select %lt3A_93, %add3A_96, %select_n3A_22 : vector<16xi1>, vector<16xi32>
    %broadcast_in_dim3A_98 = vector.shape_cast %select_n3A_97 : vector<16xi32> to vector<16x1xi32>
    %gather3A_99 = vector.shape_cast %broadcast_in_dim3A_98 : vector<16x1xi32> to vector<16xi32>
    %gather3A_100 = tpu.dynamic_gather %get3A_87[%gather3A_99] in [0] : vector<16xi32>, vector<16xi32> -> vector<16xi32>
    %lt3A_101 = arith.constant 0 : i32
    %lt3A_102 = vector.broadcast %lt3A_101 : i32 to vector<16xi32>
    %lt3A_103 = arith.cmpi slt, %select_n3A_22, %lt3A_102 : vector<16xi32>
    %add3A_104 = arith.constant 16 : i32
    %add3A_105 = vector.broadcast %add3A_104 : i32 to vector<16xi32>
    %add3A_106 = arith.addi %select_n3A_22, %add3A_105 : vector<16xi32>
    %select_n3A_107 = arith.select %lt3A_103, %add3A_106, %select_n3A_22 : vector<16xi1>, vector<16xi32>
    %broadcast_in_dim3A_108 = vector.shape_cast %select_n3A_107 : vector<16xi32> to vector<16x1xi32>
    %gather3A_109 = vector.shape_cast %broadcast_in_dim3A_108 : vector<16x1xi32> to vector<16xi32>
    %gather3A_110 = tpu.dynamic_gather %get3A_90[%gather3A_109] in [0] : vector<16xi32>, vector<16xi32> -> vector<16xi32>
    %select_n3A_111 = arith.select %lt3A_28, %gather3A_100, %gather3A_110 : vector<16xi1>, vector<16xi32>
    %lt3A_112 = arith.constant 0 : i32
    %lt3A_113 = vector.broadcast %lt3A_112 : i32 to vector<16xi32>
    %lt3A_114 = arith.cmpi slt, %add3A_25, %lt3A_113 : vector<16xi32>
    %add3A_115 = arith.constant 16 : i32
    %add3A_116 = vector.broadcast %add3A_115 : i32 to vector<16xi32>
    %add3A_117 = arith.addi %add3A_25, %add3A_116 : vector<16xi32>
    %select_n3A_118 = arith.select %lt3A_114, %add3A_117, %add3A_25 : vector<16xi1>, vector<16xi32>
    %broadcast_in_dim3A_119 = vector.shape_cast %select_n3A_118 : vector<16xi32> to vector<16x1xi32>
    %gather3A_120 = vector.shape_cast %broadcast_in_dim3A_119 : vector<16x1xi32> to vector<16xi32>
    %gather3A_121 = tpu.dynamic_gather %get3A_87[%gather3A_120] in [0] : vector<16xi32>, vector<16xi32> -> vector<16xi32>
    %lt3A_122 = arith.constant 0 : i32
    %lt3A_123 = vector.broadcast %lt3A_122 : i32 to vector<16xi32>
    %lt3A_124 = arith.cmpi slt, %add3A_25, %lt3A_123 : vector<16xi32>
    %add3A_125 = arith.constant 16 : i32
    %add3A_126 = vector.broadcast %add3A_125 : i32 to vector<16xi32>
    %add3A_127 = arith.addi %add3A_25, %add3A_126 : vector<16xi32>
    %select_n3A_128 = arith.select %lt3A_124, %add3A_127, %add3A_25 : vector<16xi1>, vector<16xi32>
    %broadcast_in_dim3A_129 = vector.shape_cast %select_n3A_128 : vector<16xi32> to vector<16x1xi32>
    %gather3A_130 = vector.shape_cast %broadcast_in_dim3A_129 : vector<16x1xi32> to vector<16xi32>
    %gather3A_131 = tpu.dynamic_gather %get3A_90[%gather3A_130] in [0] : vector<16xi32>, vector<16xi32> -> vector<16xi32>
    %select_n3A_132 = arith.select %lt3A_28, %gather3A_121, %gather3A_131 : vector<16xi1>, vector<16xi32>
    %swap3A_133 = arith.constant 0 : i32
    %swap3A_134 = arith.index_cast %swap3A_133 : i32 to index
    %swap3A_135 = arith.constant 16 : index
    %swap3A_136 = tpu.vector_load %arg7[%swap3A_134, %swap3A_135] {strides = array<i32>} : memref<4x128xi32, #tpu.memory_space<vmem>>, vector<1x16xi32>,
    %swap3A_137 = vector.shape_cast %swap3A_136 : vector<1x16xi32> to vector<16xi32>
    %swap3A_138 = vector.shape_cast %select_n3A_111 : vector<16xi32> to vector<1x16xi32>
    tpu.vector_store %arg7[%swap3A_134, %swap3A_135], %swap3A_138 {strides = array<i32>} : memref<4x128xi32, #tpu.memory_space<vmem>>, vector<1x16xi32>,
    %swap3A_139 = arith.constant 0 : i32
    %swap3A_140 = arith.index_cast %swap3A_139 : i32 to index
    %swap3A_141 = arith.constant 16 : index
    %swap3A_142 = tpu.vector_load %arg8[%swap3A_140, %swap3A_141] {strides = array<i32>} : memref<4x128xi32, #tpu.memory_space<vmem>>, vector<1x16xi32>,
    %swap3A_143 = vector.shape_cast %swap3A_142 : vector<1x16xi32> to vector<16xi32>
    %swap3A_144 = vector.shape_cast %select_n3A_132 : vector<16xi32> to vector<1x16xi32>
    tpu.vector_store %arg8[%swap3A_140, %swap3A_141], %swap3A_144 {strides = array<i32>} : memref<4x128xi32, #tpu.memory_space<vmem>>, vector<1x16xi32>,
    %get3A_145 = arith.constant 64 : index
    %get3A_146 = tpu.vector_load %arg6[%get3A_145] {strides = array<i32>} : memref<1024xi32, #tpu.memory_space<vmem>>, vector<16xi32>,
    %get3A_147 = vector.shape_cast %get3A_146 : vector<16xi32> to vector<16xi32>
    %get3A_148 = arith.constant 80 : index
    %get3A_149 = tpu.vector_load %arg6[%get3A_148] {strides = array<i32>} : memref<1024xi32, #tpu.memory_space<vmem>>, vector<16xi32>,
    %get3A_150 = vector.shape_cast %get3A_149 : vector<16xi32> to vector<16xi32>
    %lt3A_151 = arith.constant 0 : i32
    %lt3A_152 = vector.broadcast %lt3A_151 : i32 to vector<16xi32>
    %lt3A_153 = arith.cmpi slt, %select_n3A_22, %lt3A_152 : vector<16xi32>
    %add3A_154 = arith.constant 16 : i32
    %add3A_155 = vector.broadcast %add3A_154 : i32 to vector<16xi32>
    %add3A_156 = arith.addi %select_n3A_22, %add3A_155 : vector<16xi32>
    %select_n3A_157 = arith.select %lt3A_153, %add3A_156, %select_n3A_22 : vector<16xi1>, vector<16xi32>
    %broadcast_in_dim3A_158 = vector.shape_cast %select_n3A_157 : vector<16xi32> to vector<16x1xi32>
    %gather3A_159 = vector.shape_cast %broadcast_in_dim3A_158 : vector<16x1xi32> to vector<16xi32>
    %gather3A_160 = tpu.dynamic_gather %get3A_147[%gather3A_159] in [0] : vector<16xi32>, vector<16xi32> -> vector<16xi32>
    %lt3A_161 = arith.constant 0 : i32
    %lt3A_162 = vector.broadcast %lt3A_161 : i32 to vector<16xi32>
    %lt3A_163 = arith.cmpi slt, %select_n3A_22, %lt3A_162 : vector<16xi32>
    %add3A_164 = arith.constant 16 : i32
    %add3A_165 = vector.broadcast %add3A_164 : i32 to vector<16xi32>
    %add3A_166 = arith.addi %select_n3A_22, %add3A_165 : vector<16xi32>
    %select_n3A_167 = arith.select %lt3A_163, %add3A_166, %select_n3A_22 : vector<16xi1>, vector<16xi32>
    %broadcast_in_dim3A_168 = vector.shape_cast %select_n3A_167 : vector<16xi32> to vector<16x1xi32>
    %gather3A_169 = vector.shape_cast %broadcast_in_dim3A_168 : vector<16x1xi32> to vector<16xi32>
    %gather3A_170 = tpu.dynamic_gather %get3A_150[%gather3A_169] in [0] : vector<16xi32>, vector<16xi32> -> vector<16xi32>
    %select_n3A_171 = arith.select %lt3A_28, %gather3A_160, %gather3A_170 : vector<16xi1>, vector<16xi32>
    %lt3A_172 = arith.constant 0 : i32
    %lt3A_173 = vector.broadcast %lt3A_172 : i32 to vector<16xi32>
    %lt3A_174 = arith.cmpi slt, %add3A_25, %lt3A_173 : vector<16xi32>
    %add3A_175 = arith.constant 16 : i32
    %add3A_176 = vector.broadcast %add3A_175 : i32 to vector<16xi32>
    %add3A_177 = arith.addi %add3A_25, %add3A_176 : vector<16xi32>
    %select_n3A_178 = arith.select %lt3A_174, %add3A_177, %add3A_25 : vector<16xi1>, vector<16xi32>
    %broadcast_in_dim3A_179 = vector.shape_cast %select_n3A_178 : vector<16xi32> to vector<16x1xi32>
    %gather3A_180 = vector.shape_cast %broadcast_in_dim3A_179 : vector<16x1xi32> to vector<16xi32>
    %gather3A_181 = tpu.dynamic_gather %get3A_147[%gather3A_180] in [0] : vector<16xi32>, vector<16xi32> -> vector<16xi32>
    %lt3A_182 = arith.constant 0 : i32
    %lt3A_183 = vector.broadcast %lt3A_182 : i32 to vector<16xi32>
    %lt3A_184 = arith.cmpi slt, %add3A_25, %lt3A_183 : vector<16xi32>
    %add3A_185 = arith.constant 16 : i32
    %add3A_186 = vector.broadcast %add3A_185 : i32 to vector<16xi32>
    %add3A_187 = arith.addi %add3A_25, %add3A_186 : vector<16xi32>
    %select_n3A_188 = arith.select %lt3A_184, %add3A_187, %add3A_25 : vector<16xi1>, vector<16xi32>
    %broadcast_in_dim3A_189 = vector.shape_cast %select_n3A_188 : vector<16xi32> to vector<16x1xi32>
    %gather3A_190 = vector.shape_cast %broadcast_in_dim3A_189 : vector<16x1xi32> to vector<16xi32>
    %gather3A_191 = tpu.dynamic_gather %get3A_150[%gather3A_190] in [0] : vector<16xi32>, vector<16xi32> -> vector<16xi32>
    %select_n3A_192 = arith.select %lt3A_28, %gather3A_181, %gather3A_191 : vector<16xi1>, vector<16xi32>
    %swap3A_193 = arith.constant 0 : i32
    %swap3A_194 = arith.index_cast %swap3A_193 : i32 to index
    %swap3A_195 = arith.constant 32 : index
    %swap3A_196 = tpu.vector_load %arg7[%swap3A_194, %swap3A_195] {strides = array<i32>} : memref<4x128xi32, #tpu.memory_space<vmem>>, vector<1x16xi32>,
    %swap3A_197 = vector.shape_cast %swap3A_196 : vector<1x16xi32> to vector<16xi32>
    %swap3A_198 = vector.shape_cast %select_n3A_171 : vector<16xi32> to vector<1x16xi32>
    tpu.vector_store %arg7[%swap3A_194, %swap3A_195], %swap3A_198 {strides = array<i32>} : memref<4x128xi32, #tpu.memory_space<vmem>>, vector<1x16xi32>,
    %swap3A_199 = arith.constant 0 : i32
    %swap3A_200 = arith.index_cast %swap3A_199 : i32 to index
    %swap3A_201 = arith.constant 32 : index
    %swap3A_202 = tpu.vector_load %arg8[%swap3A_200, %swap3A_201] {strides = array<i32>} : memref<4x128xi32, #tpu.memory_space<vmem>>, vector<1x16xi32>,
    %swap3A_203 = vector.shape_cast %swap3A_202 : vector<1x16xi32> to vector<16xi32>
    %swap3A_204 = vector.shape_cast %select_n3A_192 : vector<16xi32> to vector<1x16xi32>
    tpu.vector_store %arg8[%swap3A_200, %swap3A_201], %swap3A_204 {strides = array<i32>} : memref<4x128xi32, #tpu.memory_space<vmem>>, vector<1x16xi32>,
    %get3A_205 = arith.constant 96 : index
    %get3A_206 = tpu.vector_load %arg6[%get3A_205] {strides = array<i32>} : memref<1024xi32, #tpu.memory_space<vmem>>, vector<16xi32>,
    %get3A_207 = vector.shape_cast %get3A_206 : vector<16xi32> to vector<16xi32>
    %get3A_208 = arith.constant 112 : index
    %get3A_209 = tpu.vector_load %arg6[%get3A_208] {strides = array<i32>} : memref<1024xi32, #tpu.memory_space<vmem>>, vector<16xi32>,
    %get3A_210 = vector.shape_cast %get3A_209 : vector<16xi32> to vector<16xi32>
    %lt3A_211 = arith.constant 0 : i32
    %lt3A_212 = vector.broadcast %lt3A_211 : i32 to vector<16xi32>
    %lt3A_213 = arith.cmpi slt, %select_n3A_22, %lt3A_212 : vector<16xi32>
    %add3A_214 = arith.constant 16 : i32
    %add3A_215 = vector.broadcast %add3A_214 : i32 to vector<16xi32>
    %add3A_216 = arith.addi %select_n3A_22, %add3A_215 : vector<16xi32>
    %select_n3A_217 = arith.select %lt3A_213, %add3A_216, %select_n3A_22 : vector<16xi1>, vector<16xi32>
    %broadcast_in_dim3A_218 = vector.shape_cast %select_n3A_217 : vector<16xi32> to vector<16x1xi32>
    %gather3A_219 = vector.shape_cast %broadcast_in_dim3A_218 : vector<16x1xi32> to vector<16xi32>
    %gather3A_220 = tpu.dynamic_gather %get3A_207[%gather3A_219] in [0] : vector<16xi32>, vector<16xi32> -> vector<16xi32>
    %lt3A_221 = arith.constant 0 : i32
    %lt3A_222 = vector.broadcast %lt3A_221 : i32 to vector<16xi32>
    %lt3A_223 = arith.cmpi slt, %select_n3A_22, %lt3A_222 : vector<16xi32>
    %add3A_224 = arith.constant 16 : i32
    %add3A_225 = vector.broadcast %add3A_224 : i32 to vector<16xi32>
    %add3A_226 = arith.addi %select_n3A_22, %add3A_225 : vector<16xi32>
    %select_n3A_227 = arith.select %lt3A_223, %add3A_226, %select_n3A_22 : vector<16xi1>, vector<16xi32>
    %broadcast_in_dim3A_228 = vector.shape_cast %select_n3A_227 : vector<16xi32> to vector<16x1xi32>
    %gather3A_229 = vector.shape_cast %broadcast_in_dim3A_228 : vector<16x1xi32> to vector<16xi32>
    %gather3A_230 = tpu.dynamic_gather %get3A_210[%gather3A_229] in [0] : vector<16xi32>, vector<16xi32> -> vector<16xi32>
    %select_n3A_231 = arith.select %lt3A_28, %gather3A_220, %gather3A_230 : vector<16xi1>, vector<16xi32>
    %lt3A_232 = arith.constant 0 : i32
    %lt3A_233 = vector.broadcast %lt3A_232 : i32 to vector<16xi32>
    %lt3A_234 = arith.cmpi slt, %add3A_25, %lt3A_233 : vector<16xi32>
    %add3A_235 = arith.constant 16 : i32
    %add3A_236 = vector.broadcast %add3A_235 : i32 to vector<16xi32>
    %add3A_237 = arith.addi %add3A_25, %add3A_236 : vector<16xi32>
    %select_n3A_238 = arith.select %lt3A_234, %add3A_237, %add3A_25 : vector<16xi1>, vector<16xi32>
    %broadcast_in_dim3A_239 = vector.shape_cast %select_n3A_238 : vector<16xi32> to vector<16x1xi32>
    %gather3A_240 = vector.shape_cast %broadcast_in_dim3A_239 : vector<16x1xi32> to vector<16xi32>
    %gather3A_241 = tpu.dynamic_gather %get3A_207[%gather3A_240] in [0] : vector<16xi32>, vector<16xi32> -> vector<16xi32>
    %lt3A_242 = arith.constant 0 : i32
    %lt3A_243 = vector.broadcast %lt3A_242 : i32 to vector<16xi32>
    %lt3A_244 = arith.cmpi slt, %add3A_25, %lt3A_243 : vector<16xi32>
    %add3A_245 = arith.constant 16 : i32
    %add3A_246 = vector.broadcast %add3A_245 : i32 to vector<16xi32>
    %add3A_247 = arith.addi %add3A_25, %add3A_246 : vector<16xi32>
    %select_n3A_248 = arith.select %lt3A_244, %add3A_247, %add3A_25 : vector<16xi1>, vector<16xi32>
    %broadcast_in_dim3A_249 = vector.shape_cast %select_n3A_248 : vector<16xi32> to vector<16x1xi32>
    %gather3A_250 = vector.shape_cast %broadcast_in_dim3A_249 : vector<16x1xi32> to vector<16xi32>
    %gather3A_251 = tpu.dynamic_gather %get3A_210[%gather3A_250] in [0] : vector<16xi32>, vector<16xi32> -> vector<16xi32>
    %select_n3A_252 = arith.select %lt3A_28, %gather3A_241, %gather3A_251 : vector<16xi1>, vector<16xi32>
    %swap3A_253 = arith.constant 0 : i32
    %swap3A_254 = arith.index_cast %swap3A_253 : i32 to index
    %swap3A_255 = arith.constant 48 : index
    %swap3A_256 = tpu.vector_load %arg7[%swap3A_254, %swap3A_255] {strides = array<i32>} : memref<4x128xi32, #tpu.memory_space<vmem>>, vector<1x16xi32>,
    %swap3A_257 = vector.shape_cast %swap3A_256 : vector<1x16xi32> to vector<16xi32>
    %swap3A_258 = vector.shape_cast %select_n3A_231 : vector<16xi32> to vector<1x16xi32>
    tpu.vector_store %arg7[%swap3A_254, %swap3A_255], %swap3A_258 {strides = array<i32>} : memref<4x128xi32, #tpu.memory_space<vmem>>, vector<1x16xi32>,
    %swap3A_259 = arith.constant 0 : i32
    %swap3A_260 = arith.index_cast %swap3A_259 : i32 to index
    %swap3A_261 = arith.constant 48 : index
    %swap3A_262 = tpu.vector_load %arg8[%swap3A_260, %swap3A_261] {strides = array<i32>} : memref<4x128xi32, #tpu.memory_space<vmem>>, vector<1x16xi32>,
    %swap3A_263 = vector.shape_cast %swap3A_262 : vector<1x16xi32> to vector<16xi32>
    %swap3A_264 = vector.shape_cast %select_n3A_252 : vector<16xi32> to vector<1x16xi32>
    tpu.vector_store %arg8[%swap3A_260, %swap3A_261], %swap3A_264 {strides = array<i32>} : memref<4x128xi32, #tpu.memory_space<vmem>>, vector<1x16xi32>,
    %get3A_265 = arith.constant 128 : index
    %get3A_266 = tpu.vector_load %arg6[%get3A_265] {strides = array<i32>} : memref<1024xi32, #tpu.memory_space<vmem>>, vector<16xi32>,
    %get3A_267 = vector.shape_cast %get3A_266 : vector<16xi32> to vector<16xi32>
    %get3A_268 = arith.constant 144 : index
    %get3A_269 = tpu.vector_load %arg6[%get3A_268] {strides = array<i32>} : memref<1024xi32, #tpu.memory_space<vmem>>, vector<16xi32>,
    %get3A_270 = vector.shape_cast %get3A_269 : vector<16xi32> to vector<16xi32>
    %lt3A_271 = arith.constant 0 : i32
    %lt3A_272 = vector.broadcast %lt3A_271 : i32 to vector<16xi32>
    %lt3A_273 = arith.cmpi slt, %select_n3A_22, %lt3A_272 : vector<16xi32>
    %add3A_274 = arith.constant 16 : i32
    %add3A_275 = vector.broadcast %add3A_274 : i32 to vector<16xi32>
    %add3A_276 = arith.addi %select_n3A_22, %add3A_275 : vector<16xi32>
    %select_n3A_277 = arith.select %lt3A_273, %add3A_276, %select_n3A_22 : vector<16xi1>, vector<16xi32>
    %broadcast_in_dim3A_278 = vector.shape_cast %select_n3A_277 : vector<16xi32> to vector<16x1xi32>
    %gather3A_279 = vector.shape_cast %broadcast_in_dim3A_278 : vector<16x1xi32> to vector<16xi32>
    %gather3A_280 = tpu.dynamic_gather %get3A_267[%gather3A_279] in [0] : vector<16xi32>, vector<16xi32> -> vector<16xi32>
    %lt3A_281 = arith.constant 0 : i32
    %lt3A_282 = vector.broadcast %lt3A_281 : i32 to vector<16xi32>
    %lt3A_283 = arith.cmpi slt, %select_n3A_22, %lt3A_282 : vector<16xi32>
    %add3A_284 = arith.constant 16 : i32
    %add3A_285 = vector.broadcast %add3A_284 : i32 to vector<16xi32>
    %add3A_286 = arith.addi %select_n3A_22, %add3A_285 : vector<16xi32>
    %select_n3A_287 = arith.select %lt3A_283, %add3A_286, %select_n3A_22 : vector<16xi1>, vector<16xi32>
    %broadcast_in_dim3A_288 = vector.shape_cast %select_n3A_287 : vector<16xi32> to vector<16x1xi32>
    %gather3A_289 = vector.shape_cast %broadcast_in_dim3A_288 : vector<16x1xi32> to vector<16xi32>
    %gather3A_290 = tpu.dynamic_gather %get3A_270[%gather3A_289] in [0] : vector<16xi32>, vector<16xi32> -> vector<16xi32>
    %select_n3A_291 = arith.select %lt3A_28, %gather3A_280, %gather3A_290 : vector<16xi1>, vector<16xi32>
    %lt3A_292 = arith.constant 0 : i32
    %lt3A_293 = vector.broadcast %lt3A_292 : i32 to vector<16xi32>
    %lt3A_294 = arith.cmpi slt, %add3A_25, %lt3A_293 : vector<16xi32>
    %add3A_295 = arith.constant 16 : i32
    %add3A_296 = vector.broadcast %add3A_295 : i32 to vector<16xi32>
    %add3A_297 = arith.addi %add3A_25, %add3A_296 : vector<16xi32>
    %select_n3A_298 = arith.select %lt3A_294, %add3A_297, %add3A_25 : vector<16xi1>, vector<16xi32>
    %broadcast_in_dim3A_299 = vector.shape_cast %select_n3A_298 : vector<16xi32> to vector<16x1xi32>
    %gather3A_300 = vector.shape_cast %broadcast_in_dim3A_299 : vector<16x1xi32> to vector<16xi32>
    %gather3A_301 = tpu.dynamic_gather %get3A_267[%gather3A_300] in [0] : vector<16xi32>, vector<16xi32> -> vector<16xi32>
    %lt3A_302 = arith.constant 0 : i32
    %lt3A_303 = vector.broadcast %lt3A_302 : i32 to vector<16xi32>
    %lt3A_304 = arith.cmpi slt, %add3A_25, %lt3A_303 : vector<16xi32>
    %add3A_305 = arith.constant 16 : i32
    %add3A_306 = vector.broadcast %add3A_305 : i32 to vector<16xi32>
    %add3A_307 = arith.addi %add3A_25, %add3A_306 : vector<16xi32>
    %select_n3A_308 = arith.select %lt3A_304, %add3A_307, %add3A_25 : vector<16xi1>, vector<16xi32>
    %broadcast_in_dim3A_309 = vector.shape_cast %select_n3A_308 : vector<16xi32> to vector<16x1xi32>
    %gather3A_310 = vector.shape_cast %broadcast_in_dim3A_309 : vector<16x1xi32> to vector<16xi32>
    %gather3A_311 = tpu.dynamic_gather %get3A_270[%gather3A_310] in [0] : vector<16xi32>, vector<16xi32> -> vector<16xi32>
    %select_n3A_312 = arith.select %lt3A_28, %gather3A_301, %gather3A_311 : vector<16xi1>, vector<16xi32>
    %swap3A_313 = arith.constant 0 : i32
    %swap3A_314 = arith.index_cast %swap3A_313 : i32 to index
    %swap3A_315 = arith.constant 64 : index
    %swap3A_316 = tpu.vector_load %arg7[%swap3A_314, %swap3A_315] {strides = array<i32>} : memref<4x128xi32, #tpu.memory_space<vmem>>, vector<1x16xi32>,
    %swap3A_317 = vector.shape_cast %swap3A_316 : vector<1x16xi32> to vector<16xi32>
    %swap3A_318 = vector.shape_cast %select_n3A_291 : vector<16xi32> to vector<1x16xi32>
    tpu.vector_store %arg7[%swap3A_314, %swap3A_315], %swap3A_318 {strides = array<i32>} : memref<4x128xi32, #tpu.memory_space<vmem>>, vector<1x16xi32>,
    %swap3A_319 = arith.constant 0 : i32
    %swap3A_320 = arith.index_cast %swap3A_319 : i32 to index
    %swap3A_321 = arith.constant 64 : index
    %swap3A_322 = tpu.vector_load %arg8[%swap3A_320, %swap3A_321] {strides = array<i32>} : memref<4x128xi32, #tpu.memory_space<vmem>>, vector<1x16xi32>,
    %swap3A_323 = vector.shape_cast %swap3A_322 : vector<1x16xi32> to vector<16xi32>
    %swap3A_324 = vector.shape_cast %select_n3A_312 : vector<16xi32> to vector<1x16xi32>
    tpu.vector_store %arg8[%swap3A_320, %swap3A_321], %swap3A_324 {strides = array<i32>} : memref<4x128xi32, #tpu.memory_space<vmem>>, vector<1x16xi32>,
    %get3A_325 = arith.constant 160 : index
    %get3A_326 = tpu.vector_load %arg6[%get3A_325] {strides = array<i32>} : memref<1024xi32, #tpu.memory_space<vmem>>, vector<16xi32>,
    %get3A_327 = vector.shape_cast %get3A_326 : vector<16xi32> to vector<16xi32>
    %get3A_328 = arith.constant 176 : index
    %get3A_329 = tpu.vector_load %arg6[%get3A_328] {strides = array<i32>} : memref<1024xi32, #tpu.memory_space<vmem>>, vector<16xi32>,
    %get3A_330 = vector.shape_cast %get3A_329 : vector<16xi32> to vector<16xi32>
    %lt3A_331 = arith.constant 0 : i32
    %lt3A_332 = vector.broadcast %lt3A_331 : i32 to vector<16xi32>
    %lt3A_333 = arith.cmpi slt, %select_n3A_22, %lt3A_332 : vector<16xi32>
    %add3A_334 = arith.constant 16 : i32
    %add3A_335 = vector.broadcast %add3A_334 : i32 to vector<16xi32>
    %add3A_336 = arith.addi %select_n3A_22, %add3A_335 : vector<16xi32>
    %select_n3A_337 = arith.select %lt3A_333, %add3A_336, %select_n3A_22 : vector<16xi1>, vector<16xi32>
    %broadcast_in_dim3A_338 = vector.shape_cast %select_n3A_337 : vector<16xi32> to vector<16x1xi32>
    %gather3A_339 = vector.shape_cast %broadcast_in_dim3A_338 : vector<16x1xi32> to vector<16xi32>
    %gather3A_340 = tpu.dynamic_gather %get3A_327[%gather3A_339] in [0] : vector<16xi32>, vector<16xi32> -> vector<16xi32>
    %lt3A_341 = arith.constant 0 : i32
    %lt3A_342 = vector.broadcast %lt3A_341 : i32 to vector<16xi32>
    %lt3A_343 = arith.cmpi slt, %select_n3A_22, %lt3A_342 : vector<16xi32>
    %add3A_344 = arith.constant 16 : i32
    %add3A_345 = vector.broadcast %add3A_344 : i32 to vector<16xi32>
    %add3A_346 = arith.addi %select_n3A_22, %add3A_345 : vector<16xi32>
    %select_n3A_347 = arith.select %lt3A_343, %add3A_346, %select_n3A_22 : vector<16xi1>, vector<16xi32>
    %broadcast_in_dim3A_348 = vector.shape_cast %select_n3A_347 : vector<16xi32> to vector<16x1xi32>
    %gather3A_349 = vector.shape_cast %broadcast_in_dim3A_348 : vector<16x1xi32> to vector<16xi32>
    %gather3A_350 = tpu.dynamic_gather %get3A_330[%gather3A_349] in [0] : vector<16xi32>, vector<16xi32> -> vector<16xi32>
    %select_n3A_351 = arith.select %lt3A_28, %gather3A_340, %gather3A_350 : vector<16xi1>, vector<16xi32>
    %lt3A_352 = arith.constant 0 : i32
    %lt3A_353 = vector.broadcast %lt3A_352 : i32 to vector<16xi32>
    %lt3A_354 = arith.cmpi slt, %add3A_25, %lt3A_353 : vector<16xi32>
    %add3A_355 = arith.constant 16 : i32
    %add3A_356 = vector.broadcast %add3A_355 : i32 to vector<16xi32>
    %add3A_357 = arith.addi %add3A_25, %add3A_356 : vector<16xi32>
    %select_n3A_358 = arith.select %lt3A_354, %add3A_357, %add3A_25 : vector<16xi1>, vector<16xi32>
    %broadcast_in_dim3A_359 = vector.shape_cast %select_n3A_358 : vector<16xi32> to vector<16x1xi32>
    %gather3A_360 = vector.shape_cast %broadcast_in_dim3A_359 : vector<16x1xi32> to vector<16xi32>
    %gather3A_361 = tpu.dynamic_gather %get3A_327[%gather3A_360] in [0] : vector<16xi32>, vector<16xi32> -> vector<16xi32>
    %lt3A_362 = arith.constant 0 : i32
    %lt3A_363 = vector.broadcast %lt3A_362 : i32 to vector<16xi32>
    %lt3A_364 = arith.cmpi slt, %add3A_25, %lt3A_363 : vector<16xi32>
    %add3A_365 = arith.constant 16 : i32
    %add3A_366 = vector.broadcast %add3A_365 : i32 to vector<16xi32>
    %add3A_367 = arith.addi %add3A_25, %add3A_366 : vector<16xi32>
    %select_n3A_368 = arith.select %lt3A_364, %add3A_367, %add3A_25 : vector<16xi1>, vector<16xi32>
    %broadcast_in_dim3A_369 = vector.shape_cast %select_n3A_368 : vector<16xi32> to vector<16x1xi32>
    %gather3A_370 = vector.shape_cast %broadcast_in_dim3A_369 : vector<16x1xi32> to vector<16xi32>
    %gather3A_371 = tpu.dynamic_gather %get3A_330[%gather3A_370] in [0] : vector<16xi32>, vector<16xi32> -> vector<16xi32>
    %select_n3A_372 = arith.select %lt3A_28, %gather3A_361, %gather3A_371 : vector<16xi1>, vector<16xi32>
    %swap3A_373 = arith.constant 0 : i32
    %swap3A_374 = arith.index_cast %swap3A_373 : i32 to index
    %swap3A_375 = arith.constant 80 : index
    %swap3A_376 = tpu.vector_load %arg7[%swap3A_374, %swap3A_375] {strides = array<i32>} : memref<4x128xi32, #tpu.memory_space<vmem>>, vector<1x16xi32>,
    %swap3A_377 = vector.shape_cast %swap3A_376 : vector<1x16xi32> to vector<16xi32>
    %swap3A_378 = vector.shape_cast %select_n3A_351 : vector<16xi32> to vector<1x16xi32>
    tpu.vector_store %arg7[%swap3A_374, %swap3A_375], %swap3A_378 {strides = array<i32>} : memref<4x128xi32, #tpu.memory_space<vmem>>, vector<1x16xi32>,
    %swap3A_379 = arith.constant 0 : i32
    %swap3A_380 = arith.index_cast %swap3A_379 : i32 to index
    %swap3A_381 = arith.constant 80 : index
    %swap3A_382 = tpu.vector_load %arg8[%swap3A_380, %swap3A_381] {strides = array<i32>} : memref<4x128xi32, #tpu.memory_space<vmem>>, vector<1x16xi32>,
    %swap3A_383 = vector.shape_cast %swap3A_382 : vector<1x16xi32> to vector<16xi32>
    %swap3A_384 = vector.shape_cast %select_n3A_372 : vector<16xi32> to vector<1x16xi32>
    tpu.vector_store %arg8[%swap3A_380, %swap3A_381], %swap3A_384 {strides = array<i32>} : memref<4x128xi32, #tpu.memory_space<vmem>>, vector<1x16xi32>,
    %get3A_385 = arith.constant 192 : index
    %get3A_386 = tpu.vector_load %arg6[%get3A_385] {strides = array<i32>} : memref<1024xi32, #tpu.memory_space<vmem>>, vector<16xi32>,
    %get3A_387 = vector.shape_cast %get3A_386 : vector<16xi32> to vector<16xi32>
    %get3A_388 = arith.constant 208 : index
    %get3A_389 = tpu.vector_load %arg6[%get3A_388] {strides = array<i32>} : memref<1024xi32, #tpu.memory_space<vmem>>, vector<16xi32>,
    %get3A_390 = vector.shape_cast %get3A_389 : vector<16xi32> to vector<16xi32>
    %lt3A_391 = arith.constant 0 : i32
    %lt3A_392 = vector.broadcast %lt3A_391 : i32 to vector<16xi32>
    %lt3A_393 = arith.cmpi slt, %select_n3A_22, %lt3A_392 : vector<16xi32>
    %add3A_394 = arith.constant 16 : i32
    %add3A_395 = vector.broadcast %add3A_394 : i32 to vector<16xi32>
    %add3A_396 = arith.addi %select_n3A_22, %add3A_395 : vector<16xi32>
    %select_n3A_397 = arith.select %lt3A_393, %add3A_396, %select_n3A_22 : vector<16xi1>, vector<16xi32>
    %broadcast_in_dim3A_398 = vector.shape_cast %select_n3A_397 : vector<16xi32> to vector<16x1xi32>
    %gather3A_399 = vector.shape_cast %broadcast_in_dim3A_398 : vector<16x1xi32> to vector<16xi32>
    %gather3A_400 = tpu.dynamic_gather %get3A_387[%gather3A_399] in [0] : vector<16xi32>, vector<16xi32> -> vector<16xi32>
    %lt3A_401 = arith.constant 0 : i32
    %lt3A_402 = vector.broadcast %lt3A_401 : i32 to vector<16xi32>
    %lt3A_403 = arith.cmpi slt, %select_n3A_22, %lt3A_402 : vector<16xi32>
    %add3A_404 = arith.constant 16 : i32
    %add3A_405 = vector.broadcast %add3A_404 : i32 to vector<16xi32>
    %add3A_406 = arith.addi %select_n3A_22, %add3A_405 : vector<16xi32>
    %select_n3A_407 = arith.select %lt3A_403, %add3A_406, %select_n3A_22 : vector<16xi1>, vector<16xi32>
    %broadcast_in_dim3A_408 = vector.shape_cast %select_n3A_407 : vector<16xi32> to vector<16x1xi32>
    %gather3A_409 = vector.shape_cast %broadcast_in_dim3A_408 : vector<16x1xi32> to vector<16xi32>
    %gather3A_410 = tpu.dynamic_gather %get3A_390[%gather3A_409] in [0] : vector<16xi32>, vector<16xi32> -> vector<16xi32>
    %select_n3A_411 = arith.select %lt3A_28, %gather3A_400, %gather3A_410 : vector<16xi1>, vector<16xi32>
    %lt3A_412 = arith.constant 0 : i32
    %lt3A_413 = vector.broadcast %lt3A_412 : i32 to vector<16xi32>
    %lt3A_414 = arith.cmpi slt, %add3A_25, %lt3A_413 : vector<16xi32>
    %add3A_415 = arith.constant 16 : i32
    %add3A_416 = vector.broadcast %add3A_415 : i32 to vector<16xi32>
    %add3A_417 = arith.addi %add3A_25, %add3A_416 : vector<16xi32>
    %select_n3A_418 = arith.select %lt3A_414, %add3A_417, %add3A_25 : vector<16xi1>, vector<16xi32>
    %broadcast_in_dim3A_419 = vector.shape_cast %select_n3A_418 : vector<16xi32> to vector<16x1xi32>
    %gather3A_420 = vector.shape_cast %broadcast_in_dim3A_419 : vector<16x1xi32> to vector<16xi32>
    %gather3A_421 = tpu.dynamic_gather %get3A_387[%gather3A_420] in [0] : vector<16xi32>, vector<16xi32> -> vector<16xi32>
    %lt3A_422 = arith.constant 0 : i32
    %lt3A_423 = vector.broadcast %lt3A_422 : i32 to vector<16xi32>
    %lt3A_424 = arith.cmpi slt, %add3A_25, %lt3A_423 : vector<16xi32>
    %add3A_425 = arith.constant 16 : i32
    %add3A_426 = vector.broadcast %add3A_425 : i32 to vector<16xi32>
    %add3A_427 = arith.addi %add3A_25, %add3A_426 : vector<16xi32>
    %select_n3A_428 = arith.select %lt3A_424, %add3A_427, %add3A_25 : vector<16xi1>, vector<16xi32>
    %broadcast_in_dim3A_429 = vector.shape_cast %select_n3A_428 : vector<16xi32> to vector<16x1xi32>
    %gather3A_430 = vector.shape_cast %broadcast_in_dim3A_429 : vector<16x1xi32> to vector<16xi32>
    %gather3A_431 = tpu.dynamic_gather %get3A_390[%gather3A_430] in [0] : vector<16xi32>, vector<16xi32> -> vector<16xi32>
    %select_n3A_432 = arith.select %lt3A_28, %gather3A_421, %gather3A_431 : vector<16xi1>, vector<16xi32>
    %swap3A_433 = arith.constant 0 : i32
    %swap3A_434 = arith.index_cast %swap3A_433 : i32 to index
    %swap3A_435 = arith.constant 96 : index
    %swap3A_436 = tpu.vector_load %arg7[%swap3A_434, %swap3A_435] {strides = array<i32>} : memref<4x128xi32, #tpu.memory_space<vmem>>, vector<1x16xi32>,
    %swap3A_437 = vector.shape_cast %swap3A_436 : vector<1x16xi32> to vector<16xi32>
    %swap3A_438 = vector.shape_cast %select_n3A_411 : vector<16xi32> to vector<1x16xi32>
    tpu.vector_store %arg7[%swap3A_434, %swap3A_435], %swap3A_438 {strides = array<i32>} : memref<4x128xi32, #tpu.memory_space<vmem>>, vector<1x16xi32>,
    %swap3A_439 = arith.constant 0 : i32
    %swap3A_440 = arith.index_cast %swap3A_439 : i32 to index
    %swap3A_441 = arith.constant 96 : index
    %swap3A_442 = tpu.vector_load %arg8[%swap3A_440, %swap3A_441] {strides = array<i32>} : memref<4x128xi32, #tpu.memory_space<vmem>>, vector<1x16xi32>,
    %swap3A_443 = vector.shape_cast %swap3A_442 : vector<1x16xi32> to vector<16xi32>
    %swap3A_444 = vector.shape_cast %select_n3A_432 : vector<16xi32> to vector<1x16xi32>
    tpu.vector_store %arg8[%swap3A_440, %swap3A_441], %swap3A_444 {strides = array<i32>} : memref<4x128xi32, #tpu.memory_space<vmem>>, vector<1x16xi32>,
    %get3A_445 = arith.constant 224 : index
    %get3A_446 = tpu.vector_load %arg6[%get3A_445] {strides = array<i32>} : memref<1024xi32, #tpu.memory_space<vmem>>, vector<16xi32>,
    %get3A_447 = vector.shape_cast %get3A_446 : vector<16xi32> to vector<16xi32>
    %get3A_448 = arith.constant 240 : index
    %get3A_449 = tpu.vector_load %arg6[%get3A_448] {strides = array<i32>} : memref<1024xi32, #tpu.memory_space<vmem>>, vector<16xi32>,
    %get3A_450 = vector.shape_cast %get3A_449 : vector<16xi32> to vector<16xi32>
    %lt3A_451 = arith.constant 0 : i32
    %lt3A_452 = vector.broadcast %lt3A_451 : i32 to vector<16xi32>
    %lt3A_453 = arith.cmpi slt, %select_n3A_22, %lt3A_452 : vector<16xi32>
    %add3A_454 = arith.constant 16 : i32
    %add3A_455 = vector.broadcast %add3A_454 : i32 to vector<16xi32>
    %add3A_456 = arith.addi %select_n3A_22, %add3A_455 : vector<16xi32>
    %select_n3A_457 = arith.select %lt3A_453, %add3A_456, %select_n3A_22 : vector<16xi1>, vector<16xi32>
    %broadcast_in_dim3A_458 = vector.shape_cast %select_n3A_457 : vector<16xi32> to vector<16x1xi32>
    %gather3A_459 = vector.shape_cast %broadcast_in_dim3A_458 : vector<16x1xi32> to vector<16xi32>
    %gather3A_460 = tpu.dynamic_gather %get3A_447[%gather3A_459] in [0] : vector<16xi32>, vector<16xi32> -> vector<16xi32>
    %lt3A_461 = arith.constant 0 : i32
    %lt3A_462 = vector.broadcast %lt3A_461 : i32 to vector<16xi32>
    %lt3A_463 = arith.cmpi slt, %select_n3A_22, %lt3A_462 : vector<16xi32>
    %add3A_464 = arith.constant 16 : i32
    %add3A_465 = vector.broadcast %add3A_464 : i32 to vector<16xi32>
    %add3A_466 = arith.addi %select_n3A_22, %add3A_465 : vector<16xi32>
    %select_n3A_467 = arith.select %lt3A_463, %add3A_466, %select_n3A_22 : vector<16xi1>, vector<16xi32>
    %broadcast_in_dim3A_468 = vector.shape_cast %select_n3A_467 : vector<16xi32> to vector<16x1xi32>
    %gather3A_469 = vector.shape_cast %broadcast_in_dim3A_468 : vector<16x1xi32> to vector<16xi32>
    %gather3A_470 = tpu.dynamic_gather %get3A_450[%gather3A_469] in [0] : vector<16xi32>, vector<16xi32> -> vector<16xi32>
    %select_n3A_471 = arith.select %lt3A_28, %gather3A_460, %gather3A_470 : vector<16xi1>, vector<16xi32>
    %lt3A_472 = arith.constant 0 : i32
    %lt3A_473 = vector.broadcast %lt3A_472 : i32 to vector<16xi32>
    %lt3A_474 = arith.cmpi slt, %add3A_25, %lt3A_473 : vector<16xi32>
    %add3A_475 = arith.constant 16 : i32
    %add3A_476 = vector.broadcast %add3A_475 : i32 to vector<16xi32>
    %add3A_477 = arith.addi %add3A_25, %add3A_476 : vector<16xi32>
    %select_n3A_478 = arith.select %lt3A_474, %add3A_477, %add3A_25 : vector<16xi1>, vector<16xi32>
    %broadcast_in_dim3A_479 = vector.shape_cast %select_n3A_478 : vector<16xi32> to vector<16x1xi32>
    %gather3A_480 = vector.shape_cast %broadcast_in_dim3A_479 : vector<16x1xi32> to vector<16xi32>
    %gather3A_481 = tpu.dynamic_gather %get3A_447[%gather3A_480] in [0] : vector<16xi32>, vector<16xi32> -> vector<16xi32>
    %lt3A_482 = arith.constant 0 : i32
    %lt3A_483 = vector.broadcast %lt3A_482 : i32 to vector<16xi32>
    %lt3A_484 = arith.cmpi slt, %add3A_25, %lt3A_483 : vector<16xi32>
    %add3A_485 = arith.constant 16 : i32
    %add3A_486 = vector.broadcast %add3A_485 : i32 to vector<16xi32>
    %add3A_487 = arith.addi %add3A_25, %add3A_486 : vector<16xi32>
    %select_n3A_488 = arith.select %lt3A_484, %add3A_487, %add3A_25 : vector<16xi1>, vector<16xi32>
    %broadcast_in_dim3A_489 = vector.shape_cast %select_n3A_488 : vector<16xi32> to vector<16x1xi32>
    %gather3A_490 = vector.shape_cast %broadcast_in_dim3A_489 : vector<16x1xi32> to vector<16xi32>
    %gather3A_491 = tpu.dynamic_gather %get3A_450[%gather3A_490] in [0] : vector<16xi32>, vector<16xi32> -> vector<16xi32>
    %select_n3A_492 = arith.select %lt3A_28, %gather3A_481, %gather3A_491 : vector<16xi1>, vector<16xi32>
    %swap3A_493 = arith.constant 0 : i32
    %swap3A_494 = arith.index_cast %swap3A_493 : i32 to index
    %swap3A_495 = arith.constant 112 : index
    %swap3A_496 = tpu.vector_load %arg7[%swap3A_494, %swap3A_495] {strides = array<i32>} : memref<4x128xi32, #tpu.memory_space<vmem>>, vector<1x16xi32>,
    %swap3A_497 = vector.shape_cast %swap3A_496 : vector<1x16xi32> to vector<16xi32>
    %swap3A_498 = vector.shape_cast %select_n3A_471 : vector<16xi32> to vector<1x16xi32>
    tpu.vector_store %arg7[%swap3A_494, %swap3A_495], %swap3A_498 {strides = array<i32>} : memref<4x128xi32, #tpu.memory_space<vmem>>, vector<1x16xi32>,
    %swap3A_499 = arith.constant 0 : i32
    %swap3A_500 = arith.index_cast %swap3A_499 : i32 to index
    %swap3A_501 = arith.constant 112 : index
    %swap3A_502 = tpu.vector_load %arg8[%swap3A_500, %swap3A_501] {strides = array<i32>} : memref<4x128xi32, #tpu.memory_space<vmem>>, vector<1x16xi32>,
    %swap3A_503 = vector.shape_cast %swap3A_502 : vector<1x16xi32> to vector<16xi32>
    %swap3A_504 = vector.shape_cast %select_n3A_492 : vector<16xi32> to vector<1x16xi32>
    tpu.vector_store %arg8[%swap3A_500, %swap3A_501], %swap3A_504 {strides = array<i32>} : memref<4x128xi32, #tpu.memory_space<vmem>>, vector<1x16xi32>,
    %get3A_505 = arith.constant 256 : index
    %get3A_506 = tpu.vector_load %arg6[%get3A_505] {strides = array<i32>} : memref<1024xi32, #tpu.memory_space<vmem>>, vector<16xi32>,
    %get3A_507 = vector.shape_cast %get3A_506 : vector<16xi32> to vector<16xi32>
    %get3A_508 = arith.constant 272 : index
    %get3A_509 = tpu.vector_load %arg6[%get3A_508] {strides = array<i32>} : memref<1024xi32, #tpu.memory_space<vmem>>, vector<16xi32>,
    %get3A_510 = vector.shape_cast %get3A_509 : vector<16xi32> to vector<16xi32>
    %lt3A_511 = arith.constant 0 : i32
    %lt3A_512 = vector.broadcast %lt3A_511 : i32 to vector<16xi32>
    %lt3A_513 = arith.cmpi slt, %select_n3A_22, %lt3A_512 : vector<16xi32>
    %add3A_514 = arith.constant 16 : i32
    %add3A_515 = vector.broadcast %add3A_514 : i32 to vector<16xi32>
    %add3A_516 = arith.addi %select_n3A_22, %add3A_515 : vector<16xi32>
    %select_n3A_517 = arith.select %lt3A_513, %add3A_516, %select_n3A_22 : vector<16xi1>, vector<16xi32>
    %broadcast_in_dim3A_518 = vector.shape_cast %select_n3A_517 : vector<16xi32> to vector<16x1xi32>
    %gather3A_519 = vector.shape_cast %broadcast_in_dim3A_518 : vector<16x1xi32> to vector<16xi32>
    %gather3A_520 = tpu.dynamic_gather %get3A_507[%gather3A_519] in [0] : vector<16xi32>, vector<16xi32> -> vector<16xi32>
    %lt3A_521 = arith.constant 0 : i32
    %lt3A_522 = vector.broadcast %lt3A_521 : i32 to vector<16xi32>
    %lt3A_523 = arith.cmpi slt, %select_n3A_22, %lt3A_522 : vector<16xi32>
    %add3A_524 = arith.constant 16 : i32
    %add3A_525 = vector.broadcast %add3A_524 : i32 to vector<16xi32>
    %add3A_526 = arith.addi %select_n3A_22, %add3A_525 : vector<16xi32>
    %select_n3A_527 = arith.select %lt3A_523, %add3A_526, %select_n3A_22 : vector<16xi1>, vector<16xi32>
    %broadcast_in_dim3A_528 = vector.shape_cast %select_n3A_527 : vector<16xi32> to vector<16x1xi32>
    %gather3A_529 = vector.shape_cast %broadcast_in_dim3A_528 : vector<16x1xi32> to vector<16xi32>
    %gather3A_530 = tpu.dynamic_gather %get3A_510[%gather3A_529] in [0] : vector<16xi32>, vector<16xi32> -> vector<16xi32>
    %select_n3A_531 = arith.select %lt3A_28, %gather3A_520, %gather3A_530 : vector<16xi1>, vector<16xi32>
    %lt3A_532 = arith.constant 0 : i32
    %lt3A_533 = vector.broadcast %lt3A_532 : i32 to vector<16xi32>
    %lt3A_534 = arith.cmpi slt, %add3A_25, %lt3A_533 : vector<16xi32>
    %add3A_535 = arith.constant 16 : i32
    %add3A_536 = vector.broadcast %add3A_535 : i32 to vector<16xi32>
    %add3A_537 = arith.addi %add3A_25, %add3A_536 : vector<16xi32>
    %select_n3A_538 = arith.select %lt3A_534, %add3A_537, %add3A_25 : vector<16xi1>, vector<16xi32>
    %broadcast_in_dim3A_539 = vector.shape_cast %select_n3A_538 : vector<16xi32> to vector<16x1xi32>
    %gather3A_540 = vector.shape_cast %broadcast_in_dim3A_539 : vector<16x1xi32> to vector<16xi32>
    %gather3A_541 = tpu.dynamic_gather %get3A_507[%gather3A_540] in [0] : vector<16xi32>, vector<16xi32> -> vector<16xi32>
    %lt3A_542 = arith.constant 0 : i32
    %lt3A_543 = vector.broadcast %lt3A_542 : i32 to vector<16xi32>
    %lt3A_544 = arith.cmpi slt, %add3A_25, %lt3A_543 : vector<16xi32>
    %add3A_545 = arith.constant 16 : i32
    %add3A_546 = vector.broadcast %add3A_545 : i32 to vector<16xi32>
    %add3A_547 = arith.addi %add3A_25, %add3A_546 : vector<16xi32>
    %select_n3A_548 = arith.select %lt3A_544, %add3A_547, %add3A_25 : vector<16xi1>, vector<16xi32>
    %broadcast_in_dim3A_549 = vector.shape_cast %select_n3A_548 : vector<16xi32> to vector<16x1xi32>
    %gather3A_550 = vector.shape_cast %broadcast_in_dim3A_549 : vector<16x1xi32> to vector<16xi32>
    %gather3A_551 = tpu.dynamic_gather %get3A_510[%gather3A_550] in [0] : vector<16xi32>, vector<16xi32> -> vector<16xi32>
    %select_n3A_552 = arith.select %lt3A_28, %gather3A_541, %gather3A_551 : vector<16xi1>, vector<16xi32>
    %swap3A_553 = arith.constant 1 : i32
    %swap3A_554 = arith.index_cast %swap3A_553 : i32 to index
    %swap3A_555 = arith.constant 0 : index
    %swap3A_556 = tpu.vector_load %arg7[%swap3A_554, %swap3A_555] {strides = array<i32>} : memref<4x128xi32, #tpu.memory_space<vmem>>, vector<1x16xi32>,
    %swap3A_557 = vector.shape_cast %swap3A_556 : vector<1x16xi32> to vector<16xi32>
    %swap3A_558 = vector.shape_cast %select_n3A_531 : vector<16xi32> to vector<1x16xi32>
    tpu.vector_store %arg7[%swap3A_554, %swap3A_555], %swap3A_558 {strides = array<i32>} : memref<4x128xi32, #tpu.memory_space<vmem>>, vector<1x16xi32>,
    %swap3A_559 = arith.constant 1 : i32
    %swap3A_560 = arith.index_cast %swap3A_559 : i32 to index
    %swap3A_561 = arith.constant 0 : index
    %swap3A_562 = tpu.vector_load %arg8[%swap3A_560, %swap3A_561] {strides = array<i32>} : memref<4x128xi32, #tpu.memory_space<vmem>>, vector<1x16xi32>,
    %swap3A_563 = vector.shape_cast %swap3A_562 : vector<1x16xi32> to vector<16xi32>
    %swap3A_564 = vector.shape_cast %select_n3A_552 : vector<16xi32> to vector<1x16xi32>
    tpu.vector_store %arg8[%swap3A_560, %swap3A_561], %swap3A_564 {strides = array<i32>} : memref<4x128xi32, #tpu.memory_space<vmem>>, vector<1x16xi32>,
    %get3A_565 = arith.constant 288 : index
    %get3A_566 = tpu.vector_load %arg6[%get3A_565] {strides = array<i32>} : memref<1024xi32, #tpu.memory_space<vmem>>, vector<16xi32>,
    %get3A_567 = vector.shape_cast %get3A_566 : vector<16xi32> to vector<16xi32>
    %get3A_568 = arith.constant 304 : index
    %get3A_569 = tpu.vector_load %arg6[%get3A_568] {strides = array<i32>} : memref<1024xi32, #tpu.memory_space<vmem>>, vector<16xi32>,
    %get3A_570 = vector.shape_cast %get3A_569 : vector<16xi32> to vector<16xi32>
    %lt3A_571 = arith.constant 0 : i32
    %lt3A_572 = vector.broadcast %lt3A_571 : i32 to vector<16xi32>
    %lt3A_573 = arith.cmpi slt, %select_n3A_22, %lt3A_572 : vector<16xi32>
    %add3A_574 = arith.constant 16 : i32
    %add3A_575 = vector.broadcast %add3A_574 : i32 to vector<16xi32>
    %add3A_576 = arith.addi %select_n3A_22, %add3A_575 : vector<16xi32>
    %select_n3A_577 = arith.select %lt3A_573, %add3A_576, %select_n3A_22 : vector<16xi1>, vector<16xi32>
    %broadcast_in_dim3A_578 = vector.shape_cast %select_n3A_577 : vector<16xi32> to vector<16x1xi32>
    %gather3A_579 = vector.shape_cast %broadcast_in_dim3A_578 : vector<16x1xi32> to vector<16xi32>
    %gather3A_580 = tpu.dynamic_gather %get3A_567[%gather3A_579] in [0] : vector<16xi32>, vector<16xi32> -> vector<16xi32>
    %lt3A_581 = arith.constant 0 : i32
    %lt3A_582 = vector.broadcast %lt3A_581 : i32 to vector<16xi32>
    %lt3A_583 = arith.cmpi slt, %select_n3A_22, %lt3A_582 : vector<16xi32>
    %add3A_584 = arith.constant 16 : i32
    %add3A_585 = vector.broadcast %add3A_584 : i32 to vector<16xi32>
    %add3A_586 = arith.addi %select_n3A_22, %add3A_585 : vector<16xi32>
    %select_n3A_587 = arith.select %lt3A_583, %add3A_586, %select_n3A_22 : vector<16xi1>, vector<16xi32>
    %broadcast_in_dim3A_588 = vector.shape_cast %select_n3A_587 : vector<16xi32> to vector<16x1xi32>
    %gather3A_589 = vector.shape_cast %broadcast_in_dim3A_588 : vector<16x1xi32> to vector<16xi32>
    %gather3A_590 = tpu.dynamic_gather %get3A_570[%gather3A_589] in [0] : vector<16xi32>, vector<16xi32> -> vector<16xi32>
    %select_n3A_591 = arith.select %lt3A_28, %gather3A_580, %gather3A_590 : vector<16xi1>, vector<16xi32>
    %lt3A_592 = arith.constant 0 : i32
    %lt3A_593 = vector.broadcast %lt3A_592 : i32 to vector<16xi32>
    %lt3A_594 = arith.cmpi slt, %add3A_25, %lt3A_593 : vector<16xi32>
    %add3A_595 = arith.constant 16 : i32
    %add3A_596 = vector.broadcast %add3A_595 : i32 to vector<16xi32>
    %add3A_597 = arith.addi %add3A_25, %add3A_596 : vector<16xi32>
    %select_n3A_598 = arith.select %lt3A_594, %add3A_597, %add3A_25 : vector<16xi1>, vector<16xi32>
    %broadcast_in_dim3A_599 = vector.shape_cast %select_n3A_598 : vector<16xi32> to vector<16x1xi32>
    %gather3A_600 = vector.shape_cast %broadcast_in_dim3A_599 : vector<16x1xi32> to vector<16xi32>
    %gather3A_601 = tpu.dynamic_gather %get3A_567[%gather3A_600] in [0] : vector<16xi32>, vector<16xi32> -> vector<16xi32>
    %lt3A_602 = arith.constant 0 : i32
    %lt3A_603 = vector.broadcast %lt3A_602 : i32 to vector<16xi32>
    %lt3A_604 = arith.cmpi slt, %add3A_25, %lt3A_603 : vector<16xi32>
    %add3A_605 = arith.constant 16 : i32
    %add3A_606 = vector.broadcast %add3A_605 : i32 to vector<16xi32>
    %add3A_607 = arith.addi %add3A_25, %add3A_606 : vector<16xi32>
    %select_n3A_608 = arith.select %lt3A_604, %add3A_607, %add3A_25 : vector<16xi1>, vector<16xi32>
    %broadcast_in_dim3A_609 = vector.shape_cast %select_n3A_608 : vector<16xi32> to vector<16x1xi32>
    %gather3A_610 = vector.shape_cast %broadcast_in_dim3A_609 : vector<16x1xi32> to vector<16xi32>
    %gather3A_611 = tpu.dynamic_gather %get3A_570[%gather3A_610] in [0] : vector<16xi32>, vector<16xi32> -> vector<16xi32>
    %select_n3A_612 = arith.select %lt3A_28, %gather3A_601, %gather3A_611 : vector<16xi1>, vector<16xi32>
    %swap3A_613 = arith.constant 1 : i32
    %swap3A_614 = arith.index_cast %swap3A_613 : i32 to index
    %swap3A_615 = arith.constant 16 : index
    %swap3A_616 = tpu.vector_load %arg7[%swap3A_614, %swap3A_615] {strides = array<i32>} : memref<4x128xi32, #tpu.memory_space<vmem>>, vector<1x16xi32>,
    %swap3A_617 = vector.shape_cast %swap3A_616 : vector<1x16xi32> to vector<16xi32>
    %swap3A_618 = vector.shape_cast %select_n3A_591 : vector<16xi32> to vector<1x16xi32>
    tpu.vector_store %arg7[%swap3A_614, %swap3A_615], %swap3A_618 {strides = array<i32>} : memref<4x128xi32, #tpu.memory_space<vmem>>, vector<1x16xi32>,
    %swap3A_619 = arith.constant 1 : i32
    %swap3A_620 = arith.index_cast %swap3A_619 : i32 to index
    %swap3A_621 = arith.constant 16 : index
    %swap3A_622 = tpu.vector_load %arg8[%swap3A_620, %swap3A_621] {strides = array<i32>} : memref<4x128xi32, #tpu.memory_space<vmem>>, vector<1x16xi32>,
    %swap3A_623 = vector.shape_cast %swap3A_622 : vector<1x16xi32> to vector<16xi32>
    %swap3A_624 = vector.shape_cast %select_n3A_612 : vector<16xi32> to vector<1x16xi32>
    tpu.vector_store %arg8[%swap3A_620, %swap3A_621], %swap3A_624 {strides = array<i32>} : memref<4x128xi32, #tpu.memory_space<vmem>>, vector<1x16xi32>,
    %get3A_625 = arith.constant 320 : index
    %get3A_626 = tpu.vector_load %arg6[%get3A_625] {strides = array<i32>} : memref<1024xi32, #tpu.memory_space<vmem>>, vector<16xi32>,
    %get3A_627 = vector.shape_cast %get3A_626 : vector<16xi32> to vector<16xi32>
    %get3A_628 = arith.constant 336 : index
    %get3A_629 = tpu.vector_load %arg6[%get3A_628] {strides = array<i32>} : memref<1024xi32, #tpu.memory_space<vmem>>, vector<16xi32>,
    %get3A_630 = vector.shape_cast %get3A_629 : vector<16xi32> to vector<16xi32>
    %lt3A_631 = arith.constant 0 : i32
    %lt3A_632 = vector.broadcast %lt3A_631 : i32 to vector<16xi32>
    %lt3A_633 = arith.cmpi slt, %select_n3A_22, %lt3A_632 : vector<16xi32>
    %add3A_634 = arith.constant 16 : i32
    %add3A_635 = vector.broadcast %add3A_634 : i32 to vector<16xi32>
    %add3A_636 = arith.addi %select_n3A_22, %add3A_635 : vector<16xi32>
    %select_n3A_637 = arith.select %lt3A_633, %add3A_636, %select_n3A_22 : vector<16xi1>, vector<16xi32>
    %broadcast_in_dim3A_638 = vector.shape_cast %select_n3A_637 : vector<16xi32> to vector<16x1xi32>
    %gather3A_639 = vector.shape_cast %broadcast_in_dim3A_638 : vector<16x1xi32> to vector<16xi32>
    %gather3A_640 = tpu.dynamic_gather %get3A_627[%gather3A_639] in [0] : vector<16xi32>, vector<16xi32> -> vector<16xi32>
    %lt3A_641 = arith.constant 0 : i32
    %lt3A_642 = vector.broadcast %lt3A_641 : i32 to vector<16xi32>
    %lt3A_643 = arith.cmpi slt, %select_n3A_22, %lt3A_642 : vector<16xi32>
    %add3A_644 = arith.constant 16 : i32
    %add3A_645 = vector.broadcast %add3A_644 : i32 to vector<16xi32>
    %add3A_646 = arith.addi %select_n3A_22, %add3A_645 : vector<16xi32>
    %select_n3A_647 = arith.select %lt3A_643, %add3A_646, %select_n3A_22 : vector<16xi1>, vector<16xi32>
    %broadcast_in_dim3A_648 = vector.shape_cast %select_n3A_647 : vector<16xi32> to vector<16x1xi32>
    %gather3A_649 = vector.shape_cast %broadcast_in_dim3A_648 : vector<16x1xi32> to vector<16xi32>
    %gather3A_650 = tpu.dynamic_gather %get3A_630[%gather3A_649] in [0] : vector<16xi32>, vector<16xi32> -> vector<16xi32>
    %select_n3A_651 = arith.select %lt3A_28, %gather3A_640, %gather3A_650 : vector<16xi1>, vector<16xi32>
    %lt3A_652 = arith.constant 0 : i32
    %lt3A_653 = vector.broadcast %lt3A_652 : i32 to vector<16xi32>
    %lt3A_654 = arith.cmpi slt, %add3A_25, %lt3A_653 : vector<16xi32>
    %add3A_655 = arith.constant 16 : i32
    %add3A_656 = vector.broadcast %add3A_655 : i32 to vector<16xi32>
    %add3A_657 = arith.addi %add3A_25, %add3A_656 : vector<16xi32>
    %select_n3A_658 = arith.select %lt3A_654, %add3A_657, %add3A_25 : vector<16xi1>, vector<16xi32>
    %broadcast_in_dim3A_659 = vector.shape_cast %select_n3A_658 : vector<16xi32> to vector<16x1xi32>
    %gather3A_660 = vector.shape_cast %broadcast_in_dim3A_659 : vector<16x1xi32> to vector<16xi32>
    %gather3A_661 = tpu.dynamic_gather %get3A_627[%gather3A_660] in [0] : vector<16xi32>, vector<16xi32> -> vector<16xi32>
    %lt3A_662 = arith.constant 0 : i32
    %lt3A_663 = vector.broadcast %lt3A_662 : i32 to vector<16xi32>
    %lt3A_664 = arith.cmpi slt, %add3A_25, %lt3A_663 : vector<16xi32>
    %add3A_665 = arith.constant 16 : i32
    %add3A_666 = vector.broadcast %add3A_665 : i32 to vector<16xi32>
    %add3A_667 = arith.addi %add3A_25, %add3A_666 : vector<16xi32>
    %select_n3A_668 = arith.select %lt3A_664, %add3A_667, %add3A_25 : vector<16xi1>, vector<16xi32>
    %broadcast_in_dim3A_669 = vector.shape_cast %select_n3A_668 : vector<16xi32> to vector<16x1xi32>
    %gather3A_670 = vector.shape_cast %broadcast_in_dim3A_669 : vector<16x1xi32> to vector<16xi32>
    %gather3A_671 = tpu.dynamic_gather %get3A_630[%gather3A_670] in [0] : vector<16xi32>, vector<16xi32> -> vector<16xi32>
    %select_n3A_672 = arith.select %lt3A_28, %gather3A_661, %gather3A_671 : vector<16xi1>, vector<16xi32>
    %swap3A_673 = arith.constant 1 : i32
    %swap3A_674 = arith.index_cast %swap3A_673 : i32 to index
    %swap3A_675 = arith.constant 32 : index
    %swap3A_676 = tpu.vector_load %arg7[%swap3A_674, %swap3A_675] {strides = array<i32>} : memref<4x128xi32, #tpu.memory_space<vmem>>, vector<1x16xi32>,
    %swap3A_677 = vector.shape_cast %swap3A_676 : vector<1x16xi32> to vector<16xi32>
    %swap3A_678 = vector.shape_cast %select_n3A_651 : vector<16xi32> to vector<1x16xi32>
    tpu.vector_store %arg7[%swap3A_674, %swap3A_675], %swap3A_678 {strides = array<i32>} : memref<4x128xi32, #tpu.memory_space<vmem>>, vector<1x16xi32>,
    %swap3A_679 = arith.constant 1 : i32
    %swap3A_680 = arith.index_cast %swap3A_679 : i32 to index
    %swap3A_681 = arith.constant 32 : index
    %swap3A_682 = tpu.vector_load %arg8[%swap3A_680, %swap3A_681] {strides = array<i32>} : memref<4x128xi32, #tpu.memory_space<vmem>>, vector<1x16xi32>,
    %swap3A_683 = vector.shape_cast %swap3A_682 : vector<1x16xi32> to vector<16xi32>
    %swap3A_684 = vector.shape_cast %select_n3A_672 : vector<16xi32> to vector<1x16xi32>
    tpu.vector_store %arg8[%swap3A_680, %swap3A_681], %swap3A_684 {strides = array<i32>} : memref<4x128xi32, #tpu.memory_space<vmem>>, vector<1x16xi32>,
    %get3A_685 = arith.constant 352 : index
    %get3A_686 = tpu.vector_load %arg6[%get3A_685] {strides = array<i32>} : memref<1024xi32, #tpu.memory_space<vmem>>, vector<16xi32>,
    %get3A_687 = vector.shape_cast %get3A_686 : vector<16xi32> to vector<16xi32>
    %get3A_688 = arith.constant 368 : index
    %get3A_689 = tpu.vector_load %arg6[%get3A_688] {strides = array<i32>} : memref<1024xi32, #tpu.memory_space<vmem>>, vector<16xi32>,
    %get3A_690 = vector.shape_cast %get3A_689 : vector<16xi32> to vector<16xi32>
    %lt3A_691 = arith.constant 0 : i32
    %lt3A_692 = vector.broadcast %lt3A_691 : i32 to vector<16xi32>
    %lt3A_693 = arith.cmpi slt, %select_n3A_22, %lt3A_692 : vector<16xi32>
    %add3A_694 = arith.constant 16 : i32
    %add3A_695 = vector.broadcast %add3A_694 : i32 to vector<16xi32>
    %add3A_696 = arith.addi %select_n3A_22, %add3A_695 : vector<16xi32>
    %select_n3A_697 = arith.select %lt3A_693, %add3A_696, %select_n3A_22 : vector<16xi1>, vector<16xi32>
    %broadcast_in_dim3A_698 = vector.shape_cast %select_n3A_697 : vector<16xi32> to vector<16x1xi32>
    %gather3A_699 = vector.shape_cast %broadcast_in_dim3A_698 : vector<16x1xi32> to vector<16xi32>
    %gather3A_700 = tpu.dynamic_gather %get3A_687[%gather3A_699] in [0] : vector<16xi32>, vector<16xi32> -> vector<16xi32>
    %lt3A_701 = arith.constant 0 : i32
    %lt3A_702 = vector.broadcast %lt3A_701 : i32 to vector<16xi32>
    %lt3A_703 = arith.cmpi slt, %select_n3A_22, %lt3A_702 : vector<16xi32>
    %add3A_704 = arith.constant 16 : i32
    %add3A_705 = vector.broadcast %add3A_704 : i32 to vector<16xi32>
    %add3A_706 = arith.addi %select_n3A_22, %add3A_705 : vector<16xi32>
    %select_n3A_707 = arith.select %lt3A_703, %add3A_706, %select_n3A_22 : vector<16xi1>, vector<16xi32>
    %broadcast_in_dim3A_708 = vector.shape_cast %select_n3A_707 : vector<16xi32> to vector<16x1xi32>
    %gather3A_709 = vector.shape_cast %broadcast_in_dim3A_708 : vector<16x1xi32> to vector<16xi32>
    %gather3A_710 = tpu.dynamic_gather %get3A_690[%gather3A_709] in [0] : vector<16xi32>, vector<16xi32> -> vector<16xi32>
    %select_n3A_711 = arith.select %lt3A_28, %gather3A_700, %gather3A_710 : vector<16xi1>, vector<16xi32>
    %lt3A_712 = arith.constant 0 : i32
    %lt3A_713 = vector.broadcast %lt3A_712 : i32 to vector<16xi32>
    %lt3A_714 = arith.cmpi slt, %add3A_25, %lt3A_713 : vector<16xi32>
    %add3A_715 = arith.constant 16 : i32
    %add3A_716 = vector.broadcast %add3A_715 : i32 to vector<16xi32>
    %add3A_717 = arith.addi %add3A_25, %add3A_716 : vector<16xi32>
    %select_n3A_718 = arith.select %lt3A_714, %add3A_717, %add3A_25 : vector<16xi1>, vector<16xi32>
    %broadcast_in_dim3A_719 = vector.shape_cast %select_n3A_718 : vector<16xi32> to vector<16x1xi32>
    %gather3A_720 = vector.shape_cast %broadcast_in_dim3A_719 : vector<16x1xi32> to vector<16xi32>
    %gather3A_721 = tpu.dynamic_gather %get3A_687[%gather3A_720] in [0] : vector<16xi32>, vector<16xi32> -> vector<16xi32>
    %lt3A_722 = arith.constant 0 : i32
    %lt3A_723 = vector.broadcast %lt3A_722 : i32 to vector<16xi32>
    %lt3A_724 = arith.cmpi slt, %add3A_25, %lt3A_723 : vector<16xi32>
    %add3A_725 = arith.constant 16 : i32
    %add3A_726 = vector.broadcast %add3A_725 : i32 to vector<16xi32>
    %add3A_727 = arith.addi %add3A_25, %add3A_726 : vector<16xi32>
    %select_n3A_728 = arith.select %lt3A_724, %add3A_727, %add3A_25 : vector<16xi1>, vector<16xi32>
    %broadcast_in_dim3A_729 = vector.shape_cast %select_n3A_728 : vector<16xi32> to vector<16x1xi32>
    %gather3A_730 = vector.shape_cast %broadcast_in_dim3A_729 : vector<16x1xi32> to vector<16xi32>
    %gather3A_731 = tpu.dynamic_gather %get3A_690[%gather3A_730] in [0] : vector<16xi32>, vector<16xi32> -> vector<16xi32>
    %select_n3A_732 = arith.select %lt3A_28, %gather3A_721, %gather3A_731 : vector<16xi1>, vector<16xi32>
    %swap3A_733 = arith.constant 1 : i32
    %swap3A_734 = arith.index_cast %swap3A_733 : i32 to index
    %swap3A_735 = arith.constant 48 : index
    %swap3A_736 = tpu.vector_load %arg7[%swap3A_734, %swap3A_735] {strides = array<i32>} : memref<4x128xi32, #tpu.memory_space<vmem>>, vector<1x16xi32>,
    %swap3A_737 = vector.shape_cast %swap3A_736 : vector<1x16xi32> to vector<16xi32>
    %swap3A_738 = vector.shape_cast %select_n3A_711 : vector<16xi32> to vector<1x16xi32>
    tpu.vector_store %arg7[%swap3A_734, %swap3A_735], %swap3A_738 {strides = array<i32>} : memref<4x128xi32, #tpu.memory_space<vmem>>, vector<1x16xi32>,
    %swap3A_739 = arith.constant 1 : i32
    %swap3A_740 = arith.index_cast %swap3A_739 : i32 to index
    %swap3A_741 = arith.constant 48 : index
    %swap3A_742 = tpu.vector_load %arg8[%swap3A_740, %swap3A_741] {strides = array<i32>} : memref<4x128xi32, #tpu.memory_space<vmem>>, vector<1x16xi32>,
    %swap3A_743 = vector.shape_cast %swap3A_742 : vector<1x16xi32> to vector<16xi32>
    %swap3A_744 = vector.shape_cast %select_n3A_732 : vector<16xi32> to vector<1x16xi32>
    tpu.vector_store %arg8[%swap3A_740, %swap3A_741], %swap3A_744 {strides = array<i32>} : memref<4x128xi32, #tpu.memory_space<vmem>>, vector<1x16xi32>,
    %get3A_745 = arith.constant 384 : index
    %get3A_746 = tpu.vector_load %arg6[%get3A_745] {strides = array<i32>} : memref<1024xi32, #tpu.memory_space<vmem>>, vector<16xi32>,
    %get3A_747 = vector.shape_cast %get3A_746 : vector<16xi32> to vector<16xi32>
    %get3A_748 = arith.constant 400 : index
    %get3A_749 = tpu.vector_load %arg6[%get3A_748] {strides = array<i32>} : memref<1024xi32, #tpu.memory_space<vmem>>, vector<16xi32>,
    %get3A_750 = vector.shape_cast %get3A_749 : vector<16xi32> to vector<16xi32>
    %lt3A_751 = arith.constant 0 : i32
    %lt3A_752 = vector.broadcast %lt3A_751 : i32 to vector<16xi32>
    %lt3A_753 = arith.cmpi slt, %select_n3A_22, %lt3A_752 : vector<16xi32>
    %add3A_754 = arith.constant 16 : i32
    %add3A_755 = vector.broadcast %add3A_754 : i32 to vector<16xi32>
    %add3A_756 = arith.addi %select_n3A_22, %add3A_755 : vector<16xi32>
    %select_n3A_757 = arith.select %lt3A_753, %add3A_756, %select_n3A_22 : vector<16xi1>, vector<16xi32>
    %broadcast_in_dim3A_758 = vector.shape_cast %select_n3A_757 : vector<16xi32> to vector<16x1xi32>
    %gather3A_759 = vector.shape_cast %broadcast_in_dim3A_758 : vector<16x1xi32> to vector<16xi32>
    %gather3A_760 = tpu.dynamic_gather %get3A_747[%gather3A_759] in [0] : vector<16xi32>, vector<16xi32> -> vector<16xi32>
    %lt3A_761 = arith.constant 0 : i32
    %lt3A_762 = vector.broadcast %lt3A_761 : i32 to vector<16xi32>
    %lt3A_763 = arith.cmpi slt, %select_n3A_22, %lt3A_762 : vector<16xi32>
    %add3A_764 = arith.constant 16 : i32
    %add3A_765 = vector.broadcast %add3A_764 : i32 to vector<16xi32>
    %add3A_766 = arith.addi %select_n3A_22, %add3A_765 : vector<16xi32>
    %select_n3A_767 = arith.select %lt3A_763, %add3A_766, %select_n3A_22 : vector<16xi1>, vector<16xi32>
    %broadcast_in_dim3A_768 = vector.shape_cast %select_n3A_767 : vector<16xi32> to vector<16x1xi32>
    %gather3A_769 = vector.shape_cast %broadcast_in_dim3A_768 : vector<16x1xi32> to vector<16xi32>
    %gather3A_770 = tpu.dynamic_gather %get3A_750[%gather3A_769] in [0] : vector<16xi32>, vector<16xi32> -> vector<16xi32>
    %select_n3A_771 = arith.select %lt3A_28, %gather3A_760, %gather3A_770 : vector<16xi1>, vector<16xi32>
    %lt3A_772 = arith.constant 0 : i32
    %lt3A_773 = vector.broadcast %lt3A_772 : i32 to vector<16xi32>
    %lt3A_774 = arith.cmpi slt, %add3A_25, %lt3A_773 : vector<16xi32>
    %add3A_775 = arith.constant 16 : i32
    %add3A_776 = vector.broadcast %add3A_775 : i32 to vector<16xi32>
    %add3A_777 = arith.addi %add3A_25, %add3A_776 : vector<16xi32>
    %select_n3A_778 = arith.select %lt3A_774, %add3A_777, %add3A_25 : vector<16xi1>, vector<16xi32>
    %broadcast_in_dim3A_779 = vector.shape_cast %select_n3A_778 : vector<16xi32> to vector<16x1xi32>
    %gather3A_780 = vector.shape_cast %broadcast_in_dim3A_779 : vector<16x1xi32> to vector<16xi32>
    %gather3A_781 = tpu.dynamic_gather %get3A_747[%gather3A_780] in [0] : vector<16xi32>, vector<16xi32> -> vector<16xi32>
    %lt3A_782 = arith.constant 0 : i32
    %lt3A_783 = vector.broadcast %lt3A_782 : i32 to vector<16xi32>
    %lt3A_784 = arith.cmpi slt, %add3A_25, %lt3A_783 : vector<16xi32>
    %add3A_785 = arith.constant 16 : i32
    %add3A_786 = vector.broadcast %add3A_785 : i32 to vector<16xi32>
    %add3A_787 = arith.addi %add3A_25, %add3A_786 : vector<16xi32>
    %select_n3A_788 = arith.select %lt3A_784, %add3A_787, %add3A_25 : vector<16xi1>, vector<16xi32>
    %broadcast_in_dim3A_789 = vector.shape_cast %select_n3A_788 : vector<16xi32> to vector<16x1xi32>
    %gather3A_790 = vector.shape_cast %broadcast_in_dim3A_789 : vector<16x1xi32> to vector<16xi32>
    %gather3A_791 = tpu.dynamic_gather %get3A_750[%gather3A_790] in [0] : vector<16xi32>, vector<16xi32> -> vector<16xi32>
    %select_n3A_792 = arith.select %lt3A_28, %gather3A_781, %gather3A_791 : vector<16xi1>, vector<16xi32>
    %swap3A_793 = arith.constant 1 : i32
    %swap3A_794 = arith.index_cast %swap3A_793 : i32 to index
    %swap3A_795 = arith.constant 64 : index
    %swap3A_796 = tpu.vector_load %arg7[%swap3A_794, %swap3A_795] {strides = array<i32>} : memref<4x128xi32, #tpu.memory_space<vmem>>, vector<1x16xi32>,
    %swap3A_797 = vector.shape_cast %swap3A_796 : vector<1x16xi32> to vector<16xi32>
    %swap3A_798 = vector.shape_cast %select_n3A_771 : vector<16xi32> to vector<1x16xi32>
    tpu.vector_store %arg7[%swap3A_794, %swap3A_795], %swap3A_798 {strides = array<i32>} : memref<4x128xi32, #tpu.memory_space<vmem>>, vector<1x16xi32>,
    %swap3A_799 = arith.constant 1 : i32
    %swap3A_800 = arith.index_cast %swap3A_799 : i32 to index
    %swap3A_801 = arith.constant 64 : index
    %swap3A_802 = tpu.vector_load %arg8[%swap3A_800, %swap3A_801] {strides = array<i32>} : memref<4x128xi32, #tpu.memory_space<vmem>>, vector<1x16xi32>,
    %swap3A_803 = vector.shape_cast %swap3A_802 : vector<1x16xi32> to vector<16xi32>
    %swap3A_804 = vector.shape_cast %select_n3A_792 : vector<16xi32> to vector<1x16xi32>
    tpu.vector_store %arg8[%swap3A_800, %swap3A_801], %swap3A_804 {strides = array<i32>} : memref<4x128xi32, #tpu.memory_space<vmem>>, vector<1x16xi32>,
    %get3A_805 = arith.constant 416 : index
    %get3A_806 = tpu.vector_load %arg6[%get3A_805] {strides = array<i32>} : memref<1024xi32, #tpu.memory_space<vmem>>, vector<16xi32>,
    %get3A_807 = vector.shape_cast %get3A_806 : vector<16xi32> to vector<16xi32>
    %get3A_808 = arith.constant 432 : index
    %get3A_809 = tpu.vector_load %arg6[%get3A_808] {strides = array<i32>} : memref<1024xi32, #tpu.memory_space<vmem>>, vector<16xi32>,
    %get3A_810 = vector.shape_cast %get3A_809 : vector<16xi32> to vector<16xi32>
    %lt3A_811 = arith.constant 0 : i32
    %lt3A_812 = vector.broadcast %lt3A_811 : i32 to vector<16xi32>
    %lt3A_813 = arith.cmpi slt, %select_n3A_22, %lt3A_812 : vector<16xi32>
    %add3A_814 = arith.constant 16 : i32
    %add3A_815 = vector.broadcast %add3A_814 : i32 to vector<16xi32>
    %add3A_816 = arith.addi %select_n3A_22, %add3A_815 : vector<16xi32>
    %select_n3A_817 = arith.select %lt3A_813, %add3A_816, %select_n3A_22 : vector<16xi1>, vector<16xi32>
    %broadcast_in_dim3A_818 = vector.shape_cast %select_n3A_817 : vector<16xi32> to vector<16x1xi32>
    %gather3A_819 = vector.shape_cast %broadcast_in_dim3A_818 : vector<16x1xi32> to vector<16xi32>
    %gather3A_820 = tpu.dynamic_gather %get3A_807[%gather3A_819] in [0] : vector<16xi32>, vector<16xi32> -> vector<16xi32>
    %lt3A_821 = arith.constant 0 : i32
    %lt3A_822 = vector.broadcast %lt3A_821 : i32 to vector<16xi32>
    %lt3A_823 = arith.cmpi slt, %select_n3A_22, %lt3A_822 : vector<16xi32>
    %add3A_824 = arith.constant 16 : i32
    %add3A_825 = vector.broadcast %add3A_824 : i32 to vector<16xi32>
    %add3A_826 = arith.addi %select_n3A_22, %add3A_825 : vector<16xi32>
    %select_n3A_827 = arith.select %lt3A_823, %add3A_826, %select_n3A_22 : vector<16xi1>, vector<16xi32>
    %broadcast_in_dim3A_828 = vector.shape_cast %select_n3A_827 : vector<16xi32> to vector<16x1xi32>
    %gather3A_829 = vector.shape_cast %broadcast_in_dim3A_828 : vector<16x1xi32> to vector<16xi32>
    %gather3A_830 = tpu.dynamic_gather %get3A_810[%gather3A_829] in [0] : vector<16xi32>, vector<16xi32> -> vector<16xi32>
    %select_n3A_831 = arith.select %lt3A_28, %gather3A_820, %gather3A_830 : vector<16xi1>, vector<16xi32>
    %lt3A_832 = arith.constant 0 : i32
    %lt3A_833 = vector.broadcast %lt3A_832 : i32 to vector<16xi32>
    %lt3A_834 = arith.cmpi slt, %add3A_25, %lt3A_833 : vector<16xi32>
    %add3A_835 = arith.constant 16 : i32
    %add3A_836 = vector.broadcast %add3A_835 : i32 to vector<16xi32>
    %add3A_837 = arith.addi %add3A_25, %add3A_836 : vector<16xi32>
    %select_n3A_838 = arith.select %lt3A_834, %add3A_837, %add3A_25 : vector<16xi1>, vector<16xi32>
    %broadcast_in_dim3A_839 = vector.shape_cast %select_n3A_838 : vector<16xi32> to vector<16x1xi32>
    %gather3A_840 = vector.shape_cast %broadcast_in_dim3A_839 : vector<16x1xi32> to vector<16xi32>
    %gather3A_841 = tpu.dynamic_gather %get3A_807[%gather3A_840] in [0] : vector<16xi32>, vector<16xi32> -> vector<16xi32>
    %lt3A_842 = arith.constant 0 : i32
    %lt3A_843 = vector.broadcast %lt3A_842 : i32 to vector<16xi32>
    %lt3A_844 = arith.cmpi slt, %add3A_25, %lt3A_843 : vector<16xi32>
    %add3A_845 = arith.constant 16 : i32
    %add3A_846 = vector.broadcast %add3A_845 : i32 to vector<16xi32>
    %add3A_847 = arith.addi %add3A_25, %add3A_846 : vector<16xi32>
    %select_n3A_848 = arith.select %lt3A_844, %add3A_847, %add3A_25 : vector<16xi1>, vector<16xi32>
    %broadcast_in_dim3A_849 = vector.shape_cast %select_n3A_848 : vector<16xi32> to vector<16x1xi32>
    %gather3A_850 = vector.shape_cast %broadcast_in_dim3A_849 : vector<16x1xi32> to vector<16xi32>
    %gather3A_851 = tpu.dynamic_gather %get3A_810[%gather3A_850] in [0] : vector<16xi32>, vector<16xi32> -> vector<16xi32>
    %select_n3A_852 = arith.select %lt3A_28, %gather3A_841, %gather3A_851 : vector<16xi1>, vector<16xi32>
    %swap3A_853 = arith.constant 1 : i32
    %swap3A_854 = arith.index_cast %swap3A_853 : i32 to index
    %swap3A_855 = arith.constant 80 : index
    %swap3A_856 = tpu.vector_load %arg7[%swap3A_854, %swap3A_855] {strides = array<i32>} : memref<4x128xi32, #tpu.memory_space<vmem>>, vector<1x16xi32>,
    %swap3A_857 = vector.shape_cast %swap3A_856 : vector<1x16xi32> to vector<16xi32>
    %swap3A_858 = vector.shape_cast %select_n3A_831 : vector<16xi32> to vector<1x16xi32>
    tpu.vector_store %arg7[%swap3A_854, %swap3A_855], %swap3A_858 {strides = array<i32>} : memref<4x128xi32, #tpu.memory_space<vmem>>, vector<1x16xi32>,
    %swap3A_859 = arith.constant 1 : i32
    %swap3A_860 = arith.index_cast %swap3A_859 : i32 to index
    %swap3A_861 = arith.constant 80 : index
    %swap3A_862 = tpu.vector_load %arg8[%swap3A_860, %swap3A_861] {strides = array<i32>} : memref<4x128xi32, #tpu.memory_space<vmem>>, vector<1x16xi32>,
    %swap3A_863 = vector.shape_cast %swap3A_862 : vector<1x16xi32> to vector<16xi32>
    %swap3A_864 = vector.shape_cast %select_n3A_852 : vector<16xi32> to vector<1x16xi32>
    tpu.vector_store %arg8[%swap3A_860, %swap3A_861], %swap3A_864 {strides = array<i32>} : memref<4x128xi32, #tpu.memory_space<vmem>>, vector<1x16xi32>,
    %get3A_865 = arith.constant 448 : index
    %get3A_866 = tpu.vector_load %arg6[%get3A_865] {strides = array<i32>} : memref<1024xi32, #tpu.memory_space<vmem>>, vector<16xi32>,
    %get3A_867 = vector.shape_cast %get3A_866 : vector<16xi32> to vector<16xi32>
    %get3A_868 = arith.constant 464 : index
    %get3A_869 = tpu.vector_load %arg6[%get3A_868] {strides = array<i32>} : memref<1024xi32, #tpu.memory_space<vmem>>, vector<16xi32>,
    %get3A_870 = vector.shape_cast %get3A_869 : vector<16xi32> to vector<16xi32>
    %lt3A_871 = arith.constant 0 : i32
    %lt3A_872 = vector.broadcast %lt3A_871 : i32 to vector<16xi32>
    %lt3A_873 = arith.cmpi slt, %select_n3A_22, %lt3A_872 : vector<16xi32>
    %add3A_874 = arith.constant 16 : i32
    %add3A_875 = vector.broadcast %add3A_874 : i32 to vector<16xi32>
    %add3A_876 = arith.addi %select_n3A_22, %add3A_875 : vector<16xi32>
    %select_n3A_877 = arith.select %lt3A_873, %add3A_876, %select_n3A_22 : vector<16xi1>, vector<16xi32>
    %broadcast_in_dim3A_878 = vector.shape_cast %select_n3A_877 : vector<16xi32> to vector<16x1xi32>
    %gather3A_879 = vector.shape_cast %broadcast_in_dim3A_878 : vector<16x1xi32> to vector<16xi32>
    %gather3A_880 = tpu.dynamic_gather %get3A_867[%gather3A_879] in [0] : vector<16xi32>, vector<16xi32> -> vector<16xi32>
    %lt3A_881 = arith.constant 0 : i32
    %lt3A_882 = vector.broadcast %lt3A_881 : i32 to vector<16xi32>
    %lt3A_883 = arith.cmpi slt, %select_n3A_22, %lt3A_882 : vector<16xi32>
    %add3A_884 = arith.constant 16 : i32
    %add3A_885 = vector.broadcast %add3A_884 : i32 to vector<16xi32>
    %add3A_886 = arith.addi %select_n3A_22, %add3A_885 : vector<16xi32>
    %select_n3A_887 = arith.select %lt3A_883, %add3A_886, %select_n3A_22 : vector<16xi1>, vector<16xi32>
    %broadcast_in_dim3A_888 = vector.shape_cast %select_n3A_887 : vector<16xi32> to vector<16x1xi32>
    %gather3A_889 = vector.shape_cast %broadcast_in_dim3A_888 : vector<16x1xi32> to vector<16xi32>
    %gather3A_890 = tpu.dynamic_gather %get3A_870[%gather3A_889] in [0] : vector<16xi32>, vector<16xi32> -> vector<16xi32>
    %select_n3A_891 = arith.select %lt3A_28, %gather3A_880, %gather3A_890 : vector<16xi1>, vector<16xi32>
    %lt3A_892 = arith.constant 0 : i32
    %lt3A_893 = vector.broadcast %lt3A_892 : i32 to vector<16xi32>
    %lt3A_894 = arith.cmpi slt, %add3A_25, %lt3A_893 : vector<16xi32>
    %add3A_895 = arith.constant 16 : i32
    %add3A_896 = vector.broadcast %add3A_895 : i32 to vector<16xi32>
    %add3A_897 = arith.addi %add3A_25, %add3A_896 : vector<16xi32>
    %select_n3A_898 = arith.select %lt3A_894, %add3A_897, %add3A_25 : vector<16xi1>, vector<16xi32>
    %broadcast_in_dim3A_899 = vector.shape_cast %select_n3A_898 : vector<16xi32> to vector<16x1xi32>
    %gather3A_900 = vector.shape_cast %broadcast_in_dim3A_899 : vector<16x1xi32> to vector<16xi32>
    %gather3A_901 = tpu.dynamic_gather %get3A_867[%gather3A_900] in [0] : vector<16xi32>, vector<16xi32> -> vector<16xi32>
    %lt3A_902 = arith.constant 0 : i32
    %lt3A_903 = vector.broadcast %lt3A_902 : i32 to vector<16xi32>
    %lt3A_904 = arith.cmpi slt, %add3A_25, %lt3A_903 : vector<16xi32>
    %add3A_905 = arith.constant 16 : i32
    %add3A_906 = vector.broadcast %add3A_905 : i32 to vector<16xi32>
    %add3A_907 = arith.addi %add3A_25, %add3A_906 : vector<16xi32>
    %select_n3A_908 = arith.select %lt3A_904, %add3A_907, %add3A_25 : vector<16xi1>, vector<16xi32>
    %broadcast_in_dim3A_909 = vector.shape_cast %select_n3A_908 : vector<16xi32> to vector<16x1xi32>
    %gather3A_910 = vector.shape_cast %broadcast_in_dim3A_909 : vector<16x1xi32> to vector<16xi32>
    %gather3A_911 = tpu.dynamic_gather %get3A_870[%gather3A_910] in [0] : vector<16xi32>, vector<16xi32> -> vector<16xi32>
    %select_n3A_912 = arith.select %lt3A_28, %gather3A_901, %gather3A_911 : vector<16xi1>, vector<16xi32>
    %swap3A_913 = arith.constant 1 : i32
    %swap3A_914 = arith.index_cast %swap3A_913 : i32 to index
    %swap3A_915 = arith.constant 96 : index
    %swap3A_916 = tpu.vector_load %arg7[%swap3A_914, %swap3A_915] {strides = array<i32>} : memref<4x128xi32, #tpu.memory_space<vmem>>, vector<1x16xi32>,
    %swap3A_917 = vector.shape_cast %swap3A_916 : vector<1x16xi32> to vector<16xi32>
    %swap3A_918 = vector.shape_cast %select_n3A_891 : vector<16xi32> to vector<1x16xi32>
    tpu.vector_store %arg7[%swap3A_914, %swap3A_915], %swap3A_918 {strides = array<i32>} : memref<4x128xi32, #tpu.memory_space<vmem>>, vector<1x16xi32>,
    %swap3A_919 = arith.constant 1 : i32
    %swap3A_920 = arith.index_cast %swap3A_919 : i32 to index
    %swap3A_921 = arith.constant 96 : index
    %swap3A_922 = tpu.vector_load %arg8[%swap3A_920, %swap3A_921] {strides = array<i32>} : memref<4x128xi32, #tpu.memory_space<vmem>>, vector<1x16xi32>,
    %swap3A_923 = vector.shape_cast %swap3A_922 : vector<1x16xi32> to vector<16xi32>
    %swap3A_924 = vector.shape_cast %select_n3A_912 : vector<16xi32> to vector<1x16xi32>
    tpu.vector_store %arg8[%swap3A_920, %swap3A_921], %swap3A_924 {strides = array<i32>} : memref<4x128xi32, #tpu.memory_space<vmem>>, vector<1x16xi32>,
    %get3A_925 = arith.constant 480 : index
    %get3A_926 = tpu.vector_load %arg6[%get3A_925] {strides = array<i32>} : memref<1024xi32, #tpu.memory_space<vmem>>, vector<16xi32>,
    %get3A_927 = vector.shape_cast %get3A_926 : vector<16xi32> to vector<16xi32>
    %get3A_928 = arith.constant 496 : index
    %get3A_929 = tpu.vector_load %arg6[%get3A_928] {strides = array<i32>} : memref<1024xi32, #tpu.memory_space<vmem>>, vector<16xi32>,
    %get3A_930 = vector.shape_cast %get3A_929 : vector<16xi32> to vector<16xi32>
    %lt3A_931 = arith.constant 0 : i32
    %lt3A_932 = vector.broadcast %lt3A_931 : i32 to vector<16xi32>
    %lt3A_933 = arith.cmpi slt, %select_n3A_22, %lt3A_932 : vector<16xi32>
    %add3A_934 = arith.constant 16 : i32
    %add3A_935 = vector.broadcast %add3A_934 : i32 to vector<16xi32>
    %add3A_936 = arith.addi %select_n3A_22, %add3A_935 : vector<16xi32>
    %select_n3A_937 = arith.select %lt3A_933, %add3A_936, %select_n3A_22 : vector<16xi1>, vector<16xi32>
    %broadcast_in_dim3A_938 = vector.shape_cast %select_n3A_937 : vector<16xi32> to vector<16x1xi32>
    %gather3A_939 = vector.shape_cast %broadcast_in_dim3A_938 : vector<16x1xi32> to vector<16xi32>
    %gather3A_940 = tpu.dynamic_gather %get3A_927[%gather3A_939] in [0] : vector<16xi32>, vector<16xi32> -> vector<16xi32>
    %lt3A_941 = arith.constant 0 : i32
    %lt3A_942 = vector.broadcast %lt3A_941 : i32 to vector<16xi32>
    %lt3A_943 = arith.cmpi slt, %select_n3A_22, %lt3A_942 : vector<16xi32>
    %add3A_944 = arith.constant 16 : i32
    %add3A_945 = vector.broadcast %add3A_944 : i32 to vector<16xi32>
    %add3A_946 = arith.addi %select_n3A_22, %add3A_945 : vector<16xi32>
    %select_n3A_947 = arith.select %lt3A_943, %add3A_946, %select_n3A_22 : vector<16xi1>, vector<16xi32>
    %broadcast_in_dim3A_948 = vector.shape_cast %select_n3A_947 : vector<16xi32> to vector<16x1xi32>
    %gather3A_949 = vector.shape_cast %broadcast_in_dim3A_948 : vector<16x1xi32> to vector<16xi32>
    %gather3A_950 = tpu.dynamic_gather %get3A_930[%gather3A_949] in [0] : vector<16xi32>, vector<16xi32> -> vector<16xi32>
    %select_n3A_951 = arith.select %lt3A_28, %gather3A_940, %gather3A_950 : vector<16xi1>, vector<16xi32>
    %lt3A_952 = arith.constant 0 : i32
    %lt3A_953 = vector.broadcast %lt3A_952 : i32 to vector<16xi32>
    %lt3A_954 = arith.cmpi slt, %add3A_25, %lt3A_953 : vector<16xi32>
    %add3A_955 = arith.constant 16 : i32
    %add3A_956 = vector.broadcast %add3A_955 : i32 to vector<16xi32>
    %add3A_957 = arith.addi %add3A_25, %add3A_956 : vector<16xi32>
    %select_n3A_958 = arith.select %lt3A_954, %add3A_957, %add3A_25 : vector<16xi1>, vector<16xi32>
    %broadcast_in_dim3A_959 = vector.shape_cast %select_n3A_958 : vector<16xi32> to vector<16x1xi32>
    %gather3A_960 = vector.shape_cast %broadcast_in_dim3A_959 : vector<16x1xi32> to vector<16xi32>
    %gather3A_961 = tpu.dynamic_gather %get3A_927[%gather3A_960] in [0] : vector<16xi32>, vector<16xi32> -> vector<16xi32>
    %lt3A_962 = arith.constant 0 : i32
    %lt3A_963 = vector.broadcast %lt3A_962 : i32 to vector<16xi32>
    %lt3A_964 = arith.cmpi slt, %add3A_25, %lt3A_963 : vector<16xi32>
    %add3A_965 = arith.constant 16 : i32
    %add3A_966 = vector.broadcast %add3A_965 : i32 to vector<16xi32>
    %add3A_967 = arith.addi %add3A_25, %add3A_966 : vector<16xi32>
    %select_n3A_968 = arith.select %lt3A_964, %add3A_967, %add3A_25 : vector<16xi1>, vector<16xi32>
    %broadcast_in_dim3A_969 = vector.shape_cast %select_n3A_968 : vector<16xi32> to vector<16x1xi32>
    %gather3A_970 = vector.shape_cast %broadcast_in_dim3A_969 : vector<16x1xi32> to vector<16xi32>
    %gather3A_971 = tpu.dynamic_gather %get3A_930[%gather3A_970] in [0] : vector<16xi32>, vector<16xi32> -> vector<16xi32>
    %select_n3A_972 = arith.select %lt3A_28, %gather3A_961, %gather3A_971 : vector<16xi1>, vector<16xi32>
    %swap3A_973 = arith.constant 1 : i32
    %swap3A_974 = arith.index_cast %swap3A_973 : i32 to index
    %swap3A_975 = arith.constant 112 : index
    %swap3A_976 = tpu.vector_load %arg7[%swap3A_974, %swap3A_975] {strides = array<i32>} : memref<4x128xi32, #tpu.memory_space<vmem>>, vector<1x16xi32>,
    %swap3A_977 = vector.shape_cast %swap3A_976 : vector<1x16xi32> to vector<16xi32>
    %swap3A_978 = vector.shape_cast %select_n3A_951 : vector<16xi32> to vector<1x16xi32>
    tpu.vector_store %arg7[%swap3A_974, %swap3A_975], %swap3A_978 {strides = array<i32>} : memref<4x128xi32, #tpu.memory_space<vmem>>, vector<1x16xi32>,
    %swap3A_979 = arith.constant 1 : i32
    %swap3A_980 = arith.index_cast %swap3A_979 : i32 to index
    %swap3A_981 = arith.constant 112 : index
    %swap3A_982 = tpu.vector_load %arg8[%swap3A_980, %swap3A_981] {strides = array<i32>} : memref<4x128xi32, #tpu.memory_space<vmem>>, vector<1x16xi32>,
    %swap3A_983 = vector.shape_cast %swap3A_982 : vector<1x16xi32> to vector<16xi32>
    %swap3A_984 = vector.shape_cast %select_n3A_972 : vector<16xi32> to vector<1x16xi32>
    tpu.vector_store %arg8[%swap3A_980, %swap3A_981], %swap3A_984 {strides = array<i32>} : memref<4x128xi32, #tpu.memory_space<vmem>>, vector<1x16xi32>,
    %get3A_985 = arith.constant 512 : index
    %get3A_986 = tpu.vector_load %arg6[%get3A_985] {strides = array<i32>} : memref<1024xi32, #tpu.memory_space<vmem>>, vector<16xi32>,
    %get3A_987 = vector.shape_cast %get3A_986 : vector<16xi32> to vector<16xi32>
    %get3A_988 = arith.constant 528 : index
    %get3A_989 = tpu.vector_load %arg6[%get3A_988] {strides = array<i32>} : memref<1024xi32, #tpu.memory_space<vmem>>, vector<16xi32>,
    %get3A_990 = vector.shape_cast %get3A_989 : vector<16xi32> to vector<16xi32>
    %lt3A_991 = arith.constant 0 : i32
    %lt3A_992 = vector.broadcast %lt3A_991 : i32 to vector<16xi32>
    %lt3A_993 = arith.cmpi slt, %select_n3A_22, %lt3A_992 : vector<16xi32>
    %add3A_994 = arith.constant 16 : i32
    %add3A_995 = vector.broadcast %add3A_994 : i32 to vector<16xi32>
    %add3A_996 = arith.addi %select_n3A_22, %add3A_995 : vector<16xi32>
    %select_n3A_997 = arith.select %lt3A_993, %add3A_996, %select_n3A_22 : vector<16xi1>, vector<16xi32>
    %broadcast_in_dim3A_998 = vector.shape_cast %select_n3A_997 : vector<16xi32> to vector<16x1xi32>
    %gather3A_999 = vector.shape_cast %broadcast_in_dim3A_998 : vector<16x1xi32> to vector<16xi32>
    %gather3A_1000 = tpu.dynamic_gather %get3A_987[%gather3A_999] in [0] : vector<16xi32>, vector<16xi32> -> vector<16xi32>
    %lt3A_1001 = arith.constant 0 : i32
    %lt3A_1002 = vector.broadcast %lt3A_1001 : i32 to vector<16xi32>
    %lt3A_1003 = arith.cmpi slt, %select_n3A_22, %lt3A_1002 : vector<16xi32>
    %add3A_1004 = arith.constant 16 : i32
    %add3A_1005 = vector.broadcast %add3A_1004 : i32 to vector<16xi32>
    %add3A_1006 = arith.addi %select_n3A_22, %add3A_1005 : vector<16xi32>
    %select_n3A_1007 = arith.select %lt3A_1003, %add3A_1006, %select_n3A_22 : vector<16xi1>, vector<16xi32>
    %broadcast_in_dim3A_1008 = vector.shape_cast %select_n3A_1007 : vector<16xi32> to vector<16x1xi32>
    %gather3A_1009 = vector.shape_cast %broadcast_in_dim3A_1008 : vector<16x1xi32> to vector<16xi32>
    %gather3A_1010 = tpu.dynamic_gather %get3A_990[%gather3A_1009] in [0] : vector<16xi32>, vector<16xi32> -> vector<16xi32>
    %select_n3A_1011 = arith.select %lt3A_28, %gather3A_1000, %gather3A_1010 : vector<16xi1>, vector<16xi32>
    %lt3A_1012 = arith.constant 0 : i32
    %lt3A_1013 = vector.broadcast %lt3A_1012 : i32 to vector<16xi32>
    %lt3A_1014 = arith.cmpi slt, %add3A_25, %lt3A_1013 : vector<16xi32>
    %add3A_1015 = arith.constant 16 : i32
    %add3A_1016 = vector.broadcast %add3A_1015 : i32 to vector<16xi32>
    %add3A_1017 = arith.addi %add3A_25, %add3A_1016 : vector<16xi32>
    %select_n3A_1018 = arith.select %lt3A_1014, %add3A_1017, %add3A_25 : vector<16xi1>, vector<16xi32>
    %broadcast_in_dim3A_1019 = vector.shape_cast %select_n3A_1018 : vector<16xi32> to vector<16x1xi32>
    %gather3A_1020 = vector.shape_cast %broadcast_in_dim3A_1019 : vector<16x1xi32> to vector<16xi32>
    %gather3A_1021 = tpu.dynamic_gather %get3A_987[%gather3A_1020] in [0] : vector<16xi32>, vector<16xi32> -> vector<16xi32>
    %lt3A_1022 = arith.constant 0 : i32
    %lt3A_1023 = vector.broadcast %lt3A_1022 : i32 to vector<16xi32>
    %lt3A_1024 = arith.cmpi slt, %add3A_25, %lt3A_1023 : vector<16xi32>
    %add3A_1025 = arith.constant 16 : i32
    %add3A_1026 = vector.broadcast %add3A_1025 : i32 to vector<16xi32>
    %add3A_1027 = arith.addi %add3A_25, %add3A_1026 : vector<16xi32>
    %select_n3A_1028 = arith.select %lt3A_1024, %add3A_1027, %add3A_25 : vector<16xi1>, vector<16xi32>
    %broadcast_in_dim3A_1029 = vector.shape_cast %select_n3A_1028 : vector<16xi32> to vector<16x1xi32>
    %gather3A_1030 = vector.shape_cast %broadcast_in_dim3A_1029 : vector<16x1xi32> to vector<16xi32>
    %gather3A_1031 = tpu.dynamic_gather %get3A_990[%gather3A_1030] in [0] : vector<16xi32>, vector<16xi32> -> vector<16xi32>
    %select_n3A_1032 = arith.select %lt3A_28, %gather3A_1021, %gather3A_1031 : vector<16xi1>, vector<16xi32>
    %swap3A_1033 = arith.constant 2 : i32
    %swap3A_1034 = arith.index_cast %swap3A_1033 : i32 to index
    %swap3A_1035 = arith.constant 0 : index
    %swap3A_1036 = tpu.vector_load %arg7[%swap3A_1034, %swap3A_1035] {strides = array<i32>} : memref<4x128xi32, #tpu.memory_space<vmem>>, vector<1x16xi32>,
    %swap3A_1037 = vector.shape_cast %swap3A_1036 : vector<1x16xi32> to vector<16xi32>
    %swap3A_1038 = vector.shape_cast %select_n3A_1011 : vector<16xi32> to vector<1x16xi32>
    tpu.vector_store %arg7[%swap3A_1034, %swap3A_1035], %swap3A_1038 {strides = array<i32>} : memref<4x128xi32, #tpu.memory_space<vmem>>, vector<1x16xi32>,
    %swap3A_1039 = arith.constant 2 : i32
    %swap3A_1040 = arith.index_cast %swap3A_1039 : i32 to index
    %swap3A_1041 = arith.constant 0 : index
    %swap3A_1042 = tpu.vector_load %arg8[%swap3A_1040, %swap3A_1041] {strides = array<i32>} : memref<4x128xi32, #tpu.memory_space<vmem>>, vector<1x16xi32>,
    %swap3A_1043 = vector.shape_cast %swap3A_1042 : vector<1x16xi32> to vector<16xi32>
    %swap3A_1044 = vector.shape_cast %select_n3A_1032 : vector<16xi32> to vector<1x16xi32>
    tpu.vector_store %arg8[%swap3A_1040, %swap3A_1041], %swap3A_1044 {strides = array<i32>} : memref<4x128xi32, #tpu.memory_space<vmem>>, vector<1x16xi32>,
    %get3A_1045 = arith.constant 544 : index
    %get3A_1046 = tpu.vector_load %arg6[%get3A_1045] {strides = array<i32>} : memref<1024xi32, #tpu.memory_space<vmem>>, vector<16xi32>,
    %get3A_1047 = vector.shape_cast %get3A_1046 : vector<16xi32> to vector<16xi32>
    %get3A_1048 = arith.constant 560 : index
    %get3A_1049 = tpu.vector_load %arg6[%get3A_1048] {strides = array<i32>} : memref<1024xi32, #tpu.memory_space<vmem>>, vector<16xi32>,
    %get3A_1050 = vector.shape_cast %get3A_1049 : vector<16xi32> to vector<16xi32>
    %lt3A_1051 = arith.constant 0 : i32
    %lt3A_1052 = vector.broadcast %lt3A_1051 : i32 to vector<16xi32>
    %lt3A_1053 = arith.cmpi slt, %select_n3A_22, %lt3A_1052 : vector<16xi32>
    %add3A_1054 = arith.constant 16 : i32
    %add3A_1055 = vector.broadcast %add3A_1054 : i32 to vector<16xi32>
    %add3A_1056 = arith.addi %select_n3A_22, %add3A_1055 : vector<16xi32>
    %select_n3A_1057 = arith.select %lt3A_1053, %add3A_1056, %select_n3A_22 : vector<16xi1>, vector<16xi32>
    %broadcast_in_dim3A_1058 = vector.shape_cast %select_n3A_1057 : vector<16xi32> to vector<16x1xi32>
    %gather3A_1059 = vector.shape_cast %broadcast_in_dim3A_1058 : vector<16x1xi32> to vector<16xi32>
    %gather3A_1060 = tpu.dynamic_gather %get3A_1047[%gather3A_1059] in [0] : vector<16xi32>, vector<16xi32> -> vector<16xi32>
    %lt3A_1061 = arith.constant 0 : i32
    %lt3A_1062 = vector.broadcast %lt3A_1061 : i32 to vector<16xi32>
    %lt3A_1063 = arith.cmpi slt, %select_n3A_22, %lt3A_1062 : vector<16xi32>
    %add3A_1064 = arith.constant 16 : i32
    %add3A_1065 = vector.broadcast %add3A_1064 : i32 to vector<16xi32>
    %add3A_1066 = arith.addi %select_n3A_22, %add3A_1065 : vector<16xi32>
    %select_n3A_1067 = arith.select %lt3A_1063, %add3A_1066, %select_n3A_22 : vector<16xi1>, vector<16xi32>
    %broadcast_in_dim3A_1068 = vector.shape_cast %select_n3A_1067 : vector<16xi32> to vector<16x1xi32>
    %gather3A_1069 = vector.shape_cast %broadcast_in_dim3A_1068 : vector<16x1xi32> to vector<16xi32>
    %gather3A_1070 = tpu.dynamic_gather %get3A_1050[%gather3A_1069] in [0] : vector<16xi32>, vector<16xi32> -> vector<16xi32>
    %select_n3A_1071 = arith.select %lt3A_28, %gather3A_1060, %gather3A_1070 : vector<16xi1>, vector<16xi32>
    %lt3A_1072 = arith.constant 0 : i32
    %lt3A_1073 = vector.broadcast %lt3A_1072 : i32 to vector<16xi32>
    %lt3A_1074 = arith.cmpi slt, %add3A_25, %lt3A_1073 : vector<16xi32>
    %add3A_1075 = arith.constant 16 : i32
    %add3A_1076 = vector.broadcast %add3A_1075 : i32 to vector<16xi32>
    %add3A_1077 = arith.addi %add3A_25, %add3A_1076 : vector<16xi32>
    %select_n3A_1078 = arith.select %lt3A_1074, %add3A_1077, %add3A_25 : vector<16xi1>, vector<16xi32>
    %broadcast_in_dim3A_1079 = vector.shape_cast %select_n3A_1078 : vector<16xi32> to vector<16x1xi32>
    %gather3A_1080 = vector.shape_cast %broadcast_in_dim3A_1079 : vector<16x1xi32> to vector<16xi32>
    %gather3A_1081 = tpu.dynamic_gather %get3A_1047[%gather3A_1080] in [0] : vector<16xi32>, vector<16xi32> -> vector<16xi32>
    %lt3A_1082 = arith.constant 0 : i32
    %lt3A_1083 = vector.broadcast %lt3A_1082 : i32 to vector<16xi32>
    %lt3A_1084 = arith.cmpi slt, %add3A_25, %lt3A_1083 : vector<16xi32>
    %add3A_1085 = arith.constant 16 : i32
    %add3A_1086 = vector.broadcast %add3A_1085 : i32 to vector<16xi32>
    %add3A_1087 = arith.addi %add3A_25, %add3A_1086 : vector<16xi32>
    %select_n3A_1088 = arith.select %lt3A_1084, %add3A_1087, %add3A_25 : vector<16xi1>, vector<16xi32>
    %broadcast_in_dim3A_1089 = vector.shape_cast %select_n3A_1088 : vector<16xi32> to vector<16x1xi32>
    %gather3A_1090 = vector.shape_cast %broadcast_in_dim3A_1089 : vector<16x1xi32> to vector<16xi32>
    %gather3A_1091 = tpu.dynamic_gather %get3A_1050[%gather3A_1090] in [0] : vector<16xi32>, vector<16xi32> -> vector<16xi32>
    %select_n3A_1092 = arith.select %lt3A_28, %gather3A_1081, %gather3A_1091 : vector<16xi1>, vector<16xi32>
    %swap3A_1093 = arith.constant 2 : i32
    %swap3A_1094 = arith.index_cast %swap3A_1093 : i32 to index
    %swap3A_1095 = arith.constant 16 : index
    %swap3A_1096 = tpu.vector_load %arg7[%swap3A_1094, %swap3A_1095] {strides = array<i32>} : memref<4x128xi32, #tpu.memory_space<vmem>>, vector<1x16xi32>,
    %swap3A_1097 = vector.shape_cast %swap3A_1096 : vector<1x16xi32> to vector<16xi32>
    %swap3A_1098 = vector.shape_cast %select_n3A_1071 : vector<16xi32> to vector<1x16xi32>
    tpu.vector_store %arg7[%swap3A_1094, %swap3A_1095], %swap3A_1098 {strides = array<i32>} : memref<4x128xi32, #tpu.memory_space<vmem>>, vector<1x16xi32>,
    %swap3A_1099 = arith.constant 2 : i32
    %swap3A_1100 = arith.index_cast %swap3A_1099 : i32 to index
    %swap3A_1101 = arith.constant 16 : index
    %swap3A_1102 = tpu.vector_load %arg8[%swap3A_1100, %swap3A_1101] {strides = array<i32>} : memref<4x128xi32, #tpu.memory_space<vmem>>, vector<1x16xi32>,
    %swap3A_1103 = vector.shape_cast %swap3A_1102 : vector<1x16xi32> to vector<16xi32>
    %swap3A_1104 = vector.shape_cast %select_n3A_1092 : vector<16xi32> to vector<1x16xi32>
    tpu.vector_store %arg8[%swap3A_1100, %swap3A_1101], %swap3A_1104 {strides = array<i32>} : memref<4x128xi32, #tpu.memory_space<vmem>>, vector<1x16xi32>,
    %get3A_1105 = arith.constant 576 : index
    %get3A_1106 = tpu.vector_load %arg6[%get3A_1105] {strides = array<i32>} : memref<1024xi32, #tpu.memory_space<vmem>>, vector<16xi32>,
    %get3A_1107 = vector.shape_cast %get3A_1106 : vector<16xi32> to vector<16xi32>
    %get3A_1108 = arith.constant 592 : index
    %get3A_1109 = tpu.vector_load %arg6[%get3A_1108] {strides = array<i32>} : memref<1024xi32, #tpu.memory_space<vmem>>, vector<16xi32>,
    %get3A_1110 = vector.shape_cast %get3A_1109 : vector<16xi32> to vector<16xi32>
    %lt3A_1111 = arith.constant 0 : i32
    %lt3A_1112 = vector.broadcast %lt3A_1111 : i32 to vector<16xi32>
    %lt3A_1113 = arith.cmpi slt, %select_n3A_22, %lt3A_1112 : vector<16xi32>
    %add3A_1114 = arith.constant 16 : i32
    %add3A_1115 = vector.broadcast %add3A_1114 : i32 to vector<16xi32>
    %add3A_1116 = arith.addi %select_n3A_22, %add3A_1115 : vector<16xi32>
    %select_n3A_1117 = arith.select %lt3A_1113, %add3A_1116, %select_n3A_22 : vector<16xi1>, vector<16xi32>
    %broadcast_in_dim3A_1118 = vector.shape_cast %select_n3A_1117 : vector<16xi32> to vector<16x1xi32>
    %gather3A_1119 = vector.shape_cast %broadcast_in_dim3A_1118 : vector<16x1xi32> to vector<16xi32>
    %gather3A_1120 = tpu.dynamic_gather %get3A_1107[%gather3A_1119] in [0] : vector<16xi32>, vector<16xi32> -> vector<16xi32>
    %lt3A_1121 = arith.constant 0 : i32
    %lt3A_1122 = vector.broadcast %lt3A_1121 : i32 to vector<16xi32>
    %lt3A_1123 = arith.cmpi slt, %select_n3A_22, %lt3A_1122 : vector<16xi32>
    %add3A_1124 = arith.constant 16 : i32
    %add3A_1125 = vector.broadcast %add3A_1124 : i32 to vector<16xi32>
    %add3A_1126 = arith.addi %select_n3A_22, %add3A_1125 : vector<16xi32>
    %select_n3A_1127 = arith.select %lt3A_1123, %add3A_1126, %select_n3A_22 : vector<16xi1>, vector<16xi32>
    %broadcast_in_dim3A_1128 = vector.shape_cast %select_n3A_1127 : vector<16xi32> to vector<16x1xi32>
    %gather3A_1129 = vector.shape_cast %broadcast_in_dim3A_1128 : vector<16x1xi32> to vector<16xi32>
    %gather3A_1130 = tpu.dynamic_gather %get3A_1110[%gather3A_1129] in [0] : vector<16xi32>, vector<16xi32> -> vector<16xi32>
    %select_n3A_1131 = arith.select %lt3A_28, %gather3A_1120, %gather3A_1130 : vector<16xi1>, vector<16xi32>
    %lt3A_1132 = arith.constant 0 : i32
    %lt3A_1133 = vector.broadcast %lt3A_1132 : i32 to vector<16xi32>
    %lt3A_1134 = arith.cmpi slt, %add3A_25, %lt3A_1133 : vector<16xi32>
    %add3A_1135 = arith.constant 16 : i32
    %add3A_1136 = vector.broadcast %add3A_1135 : i32 to vector<16xi32>
    %add3A_1137 = arith.addi %add3A_25, %add3A_1136 : vector<16xi32>
    %select_n3A_1138 = arith.select %lt3A_1134, %add3A_1137, %add3A_25 : vector<16xi1>, vector<16xi32>
    %broadcast_in_dim3A_1139 = vector.shape_cast %select_n3A_1138 : vector<16xi32> to vector<16x1xi32>
    %gather3A_1140 = vector.shape_cast %broadcast_in_dim3A_1139 : vector<16x1xi32> to vector<16xi32>
    %gather3A_1141 = tpu.dynamic_gather %get3A_1107[%gather3A_1140] in [0] : vector<16xi32>, vector<16xi32> -> vector<16xi32>
    %lt3A_1142 = arith.constant 0 : i32
    %lt3A_1143 = vector.broadcast %lt3A_1142 : i32 to vector<16xi32>
    %lt3A_1144 = arith.cmpi slt, %add3A_25, %lt3A_1143 : vector<16xi32>
    %add3A_1145 = arith.constant 16 : i32
    %add3A_1146 = vector.broadcast %add3A_1145 : i32 to vector<16xi32>
    %add3A_1147 = arith.addi %add3A_25, %add3A_1146 : vector<16xi32>
    %select_n3A_1148 = arith.select %lt3A_1144, %add3A_1147, %add3A_25 : vector<16xi1>, vector<16xi32>
    %broadcast_in_dim3A_1149 = vector.shape_cast %select_n3A_1148 : vector<16xi32> to vector<16x1xi32>
    %gather3A_1150 = vector.shape_cast %broadcast_in_dim3A_1149 : vector<16x1xi32> to vector<16xi32>
    %gather3A_1151 = tpu.dynamic_gather %get3A_1110[%gather3A_1150] in [0] : vector<16xi32>, vector<16xi32> -> vector<16xi32>
    %select_n3A_1152 = arith.select %lt3A_28, %gather3A_1141, %gather3A_1151 : vector<16xi1>, vector<16xi32>
    %swap3A_1153 = arith.constant 2 : i32
    %swap3A_1154 = arith.index_cast %swap3A_1153 : i32 to index
    %swap3A_1155 = arith.constant 32 : index
    %swap3A_1156 = tpu.vector_load %arg7[%swap3A_1154, %swap3A_1155] {strides = array<i32>} : memref<4x128xi32, #tpu.memory_space<vmem>>, vector<1x16xi32>,
    %swap3A_1157 = vector.shape_cast %swap3A_1156 : vector<1x16xi32> to vector<16xi32>
    %swap3A_1158 = vector.shape_cast %select_n3A_1131 : vector<16xi32> to vector<1x16xi32>
    tpu.vector_store %arg7[%swap3A_1154, %swap3A_1155], %swap3A_1158 {strides = array<i32>} : memref<4x128xi32, #tpu.memory_space<vmem>>, vector<1x16xi32>,
    %swap3A_1159 = arith.constant 2 : i32
    %swap3A_1160 = arith.index_cast %swap3A_1159 : i32 to index
    %swap3A_1161 = arith.constant 32 : index
    %swap3A_1162 = tpu.vector_load %arg8[%swap3A_1160, %swap3A_1161] {strides = array<i32>} : memref<4x128xi32, #tpu.memory_space<vmem>>, vector<1x16xi32>,
    %swap3A_1163 = vector.shape_cast %swap3A_1162 : vector<1x16xi32> to vector<16xi32>
    %swap3A_1164 = vector.shape_cast %select_n3A_1152 : vector<16xi32> to vector<1x16xi32>
    tpu.vector_store %arg8[%swap3A_1160, %swap3A_1161], %swap3A_1164 {strides = array<i32>} : memref<4x128xi32, #tpu.memory_space<vmem>>, vector<1x16xi32>,
    %get3A_1165 = arith.constant 608 : index
    %get3A_1166 = tpu.vector_load %arg6[%get3A_1165] {strides = array<i32>} : memref<1024xi32, #tpu.memory_space<vmem>>, vector<16xi32>,
    %get3A_1167 = vector.shape_cast %get3A_1166 : vector<16xi32> to vector<16xi32>
    %get3A_1168 = arith.constant 624 : index
    %get3A_1169 = tpu.vector_load %arg6[%get3A_1168] {strides = array<i32>} : memref<1024xi32, #tpu.memory_space<vmem>>, vector<16xi32>,
    %get3A_1170 = vector.shape_cast %get3A_1169 : vector<16xi32> to vector<16xi32>
    %lt3A_1171 = arith.constant 0 : i32
    %lt3A_1172 = vector.broadcast %lt3A_1171 : i32 to vector<16xi32>
    %lt3A_1173 = arith.cmpi slt, %select_n3A_22, %lt3A_1172 : vector<16xi32>
    %add3A_1174 = arith.constant 16 : i32
    %add3A_1175 = vector.broadcast %add3A_1174 : i32 to vector<16xi32>
    %add3A_1176 = arith.addi %select_n3A_22, %add3A_1175 : vector<16xi32>
    %select_n3A_1177 = arith.select %lt3A_1173, %add3A_1176, %select_n3A_22 : vector<16xi1>, vector<16xi32>
    %broadcast_in_dim3A_1178 = vector.shape_cast %select_n3A_1177 : vector<16xi32> to vector<16x1xi32>
    %gather3A_1179 = vector.shape_cast %broadcast_in_dim3A_1178 : vector<16x1xi32> to vector<16xi32>
    %gather3A_1180 = tpu.dynamic_gather %get3A_1167[%gather3A_1179] in [0] : vector<16xi32>, vector<16xi32> -> vector<16xi32>
    %lt3A_1181 = arith.constant 0 : i32
    %lt3A_1182 = vector.broadcast %lt3A_1181 : i32 to vector<16xi32>
    %lt3A_1183 = arith.cmpi slt, %select_n3A_22, %lt3A_1182 : vector<16xi32>
    %add3A_1184 = arith.constant 16 : i32
    %add3A_1185 = vector.broadcast %add3A_1184 : i32 to vector<16xi32>
    %add3A_1186 = arith.addi %select_n3A_22, %add3A_1185 : vector<16xi32>
    %select_n3A_1187 = arith.select %lt3A_1183, %add3A_1186, %select_n3A_22 : vector<16xi1>, vector<16xi32>
    %broadcast_in_dim3A_1188 = vector.shape_cast %select_n3A_1187 : vector<16xi32> to vector<16x1xi32>
    %gather3A_1189 = vector.shape_cast %broadcast_in_dim3A_1188 : vector<16x1xi32> to vector<16xi32>
    %gather3A_1190 = tpu.dynamic_gather %get3A_1170[%gather3A_1189] in [0] : vector<16xi32>, vector<16xi32> -> vector<16xi32>
    %select_n3A_1191 = arith.select %lt3A_28, %gather3A_1180, %gather3A_1190 : vector<16xi1>, vector<16xi32>
    %lt3A_1192 = arith.constant 0 : i32
    %lt3A_1193 = vector.broadcast %lt3A_1192 : i32 to vector<16xi32>
    %lt3A_1194 = arith.cmpi slt, %add3A_25, %lt3A_1193 : vector<16xi32>
    %add3A_1195 = arith.constant 16 : i32
    %add3A_1196 = vector.broadcast %add3A_1195 : i32 to vector<16xi32>
    %add3A_1197 = arith.addi %add3A_25, %add3A_1196 : vector<16xi32>
    %select_n3A_1198 = arith.select %lt3A_1194, %add3A_1197, %add3A_25 : vector<16xi1>, vector<16xi32>
    %broadcast_in_dim3A_1199 = vector.shape_cast %select_n3A_1198 : vector<16xi32> to vector<16x1xi32>
    %gather3A_1200 = vector.shape_cast %broadcast_in_dim3A_1199 : vector<16x1xi32> to vector<16xi32>
    %gather3A_1201 = tpu.dynamic_gather %get3A_1167[%gather3A_1200] in [0] : vector<16xi32>, vector<16xi32> -> vector<16xi32>
    %lt3A_1202 = arith.constant 0 : i32
    %lt3A_1203 = vector.broadcast %lt3A_1202 : i32 to vector<16xi32>
    %lt3A_1204 = arith.cmpi slt, %add3A_25, %lt3A_1203 : vector<16xi32>
    %add3A_1205 = arith.constant 16 : i32
    %add3A_1206 = vector.broadcast %add3A_1205 : i32 to vector<16xi32>
    %add3A_1207 = arith.addi %add3A_25, %add3A_1206 : vector<16xi32>
    %select_n3A_1208 = arith.select %lt3A_1204, %add3A_1207, %add3A_25 : vector<16xi1>, vector<16xi32>
    %broadcast_in_dim3A_1209 = vector.shape_cast %select_n3A_1208 : vector<16xi32> to vector<16x1xi32>
    %gather3A_1210 = vector.shape_cast %broadcast_in_dim3A_1209 : vector<16x1xi32> to vector<16xi32>
    %gather3A_1211 = tpu.dynamic_gather %get3A_1170[%gather3A_1210] in [0] : vector<16xi32>, vector<16xi32> -> vector<16xi32>
    %select_n3A_1212 = arith.select %lt3A_28, %gather3A_1201, %gather3A_1211 : vector<16xi1>, vector<16xi32>
    %swap3A_1213 = arith.constant 2 : i32
    %swap3A_1214 = arith.index_cast %swap3A_1213 : i32 to index
    %swap3A_1215 = arith.constant 48 : index
    %swap3A_1216 = tpu.vector_load %arg7[%swap3A_1214, %swap3A_1215] {strides = array<i32>} : memref<4x128xi32, #tpu.memory_space<vmem>>, vector<1x16xi32>,
    %swap3A_1217 = vector.shape_cast %swap3A_1216 : vector<1x16xi32> to vector<16xi32>
    %swap3A_1218 = vector.shape_cast %select_n3A_1191 : vector<16xi32> to vector<1x16xi32>
    tpu.vector_store %arg7[%swap3A_1214, %swap3A_1215], %swap3A_1218 {strides = array<i32>} : memref<4x128xi32, #tpu.memory_space<vmem>>, vector<1x16xi32>,
    %swap3A_1219 = arith.constant 2 : i32
    %swap3A_1220 = arith.index_cast %swap3A_1219 : i32 to index
    %swap3A_1221 = arith.constant 48 : index
    %swap3A_1222 = tpu.vector_load %arg8[%swap3A_1220, %swap3A_1221] {strides = array<i32>} : memref<4x128xi32, #tpu.memory_space<vmem>>, vector<1x16xi32>,
    %swap3A_1223 = vector.shape_cast %swap3A_1222 : vector<1x16xi32> to vector<16xi32>
    %swap3A_1224 = vector.shape_cast %select_n3A_1212 : vector<16xi32> to vector<1x16xi32>
    tpu.vector_store %arg8[%swap3A_1220, %swap3A_1221], %swap3A_1224 {strides = array<i32>} : memref<4x128xi32, #tpu.memory_space<vmem>>, vector<1x16xi32>,
    %get3A_1225 = arith.constant 640 : index
    %get3A_1226 = tpu.vector_load %arg6[%get3A_1225] {strides = array<i32>} : memref<1024xi32, #tpu.memory_space<vmem>>, vector<16xi32>,
    %get3A_1227 = vector.shape_cast %get3A_1226 : vector<16xi32> to vector<16xi32>
    %get3A_1228 = arith.constant 656 : index
    %get3A_1229 = tpu.vector_load %arg6[%get3A_1228] {strides = array<i32>} : memref<1024xi32, #tpu.memory_space<vmem>>, vector<16xi32>,
    %get3A_1230 = vector.shape_cast %get3A_1229 : vector<16xi32> to vector<16xi32>
    %lt3A_1231 = arith.constant 0 : i32
    %lt3A_1232 = vector.broadcast %lt3A_1231 : i32 to vector<16xi32>
    %lt3A_1233 = arith.cmpi slt, %select_n3A_22, %lt3A_1232 : vector<16xi32>
    %add3A_1234 = arith.constant 16 : i32
    %add3A_1235 = vector.broadcast %add3A_1234 : i32 to vector<16xi32>
    %add3A_1236 = arith.addi %select_n3A_22, %add3A_1235 : vector<16xi32>
    %select_n3A_1237 = arith.select %lt3A_1233, %add3A_1236, %select_n3A_22 : vector<16xi1>, vector<16xi32>
    %broadcast_in_dim3A_1238 = vector.shape_cast %select_n3A_1237 : vector<16xi32> to vector<16x1xi32>
    %gather3A_1239 = vector.shape_cast %broadcast_in_dim3A_1238 : vector<16x1xi32> to vector<16xi32>
    %gather3A_1240 = tpu.dynamic_gather %get3A_1227[%gather3A_1239] in [0] : vector<16xi32>, vector<16xi32> -> vector<16xi32>
    %lt3A_1241 = arith.constant 0 : i32
    %lt3A_1242 = vector.broadcast %lt3A_1241 : i32 to vector<16xi32>
    %lt3A_1243 = arith.cmpi slt, %select_n3A_22, %lt3A_1242 : vector<16xi32>
    %add3A_1244 = arith.constant 16 : i32
    %add3A_1245 = vector.broadcast %add3A_1244 : i32 to vector<16xi32>
    %add3A_1246 = arith.addi %select_n3A_22, %add3A_1245 : vector<16xi32>
    %select_n3A_1247 = arith.select %lt3A_1243, %add3A_1246, %select_n3A_22 : vector<16xi1>, vector<16xi32>
    %broadcast_in_dim3A_1248 = vector.shape_cast %select_n3A_1247 : vector<16xi32> to vector<16x1xi32>
    %gather3A_1249 = vector.shape_cast %broadcast_in_dim3A_1248 : vector<16x1xi32> to vector<16xi32>
    %gather3A_1250 = tpu.dynamic_gather %get3A_1230[%gather3A_1249] in [0] : vector<16xi32>, vector<16xi32> -> vector<16xi32>
    %select_n3A_1251 = arith.select %lt3A_28, %gather3A_1240, %gather3A_1250 : vector<16xi1>, vector<16xi32>
    %lt3A_1252 = arith.constant 0 : i32
    %lt3A_1253 = vector.broadcast %lt3A_1252 : i32 to vector<16xi32>
    %lt3A_1254 = arith.cmpi slt, %add3A_25, %lt3A_1253 : vector<16xi32>
    %add3A_1255 = arith.constant 16 : i32
    %add3A_1256 = vector.broadcast %add3A_1255 : i32 to vector<16xi32>
    %add3A_1257 = arith.addi %add3A_25, %add3A_1256 : vector<16xi32>
    %select_n3A_1258 = arith.select %lt3A_1254, %add3A_1257, %add3A_25 : vector<16xi1>, vector<16xi32>
    %broadcast_in_dim3A_1259 = vector.shape_cast %select_n3A_1258 : vector<16xi32> to vector<16x1xi32>
    %gather3A_1260 = vector.shape_cast %broadcast_in_dim3A_1259 : vector<16x1xi32> to vector<16xi32>
    %gather3A_1261 = tpu.dynamic_gather %get3A_1227[%gather3A_1260] in [0] : vector<16xi32>, vector<16xi32> -> vector<16xi32>
    %lt3A_1262 = arith.constant 0 : i32
    %lt3A_1263 = vector.broadcast %lt3A_1262 : i32 to vector<16xi32>
    %lt3A_1264 = arith.cmpi slt, %add3A_25, %lt3A_1263 : vector<16xi32>
    %add3A_1265 = arith.constant 16 : i32
    %add3A_1266 = vector.broadcast %add3A_1265 : i32 to vector<16xi32>
    %add3A_1267 = arith.addi %add3A_25, %add3A_1266 : vector<16xi32>
    %select_n3A_1268 = arith.select %lt3A_1264, %add3A_1267, %add3A_25 : vector<16xi1>, vector<16xi32>
    %broadcast_in_dim3A_1269 = vector.shape_cast %select_n3A_1268 : vector<16xi32> to vector<16x1xi32>
    %gather3A_1270 = vector.shape_cast %broadcast_in_dim3A_1269 : vector<16x1xi32> to vector<16xi32>
    %gather3A_1271 = tpu.dynamic_gather %get3A_1230[%gather3A_1270] in [0] : vector<16xi32>, vector<16xi32> -> vector<16xi32>
    %select_n3A_1272 = arith.select %lt3A_28, %gather3A_1261, %gather3A_1271 : vector<16xi1>, vector<16xi32>
    %swap3A_1273 = arith.constant 2 : i32
    %swap3A_1274 = arith.index_cast %swap3A_1273 : i32 to index
    %swap3A_1275 = arith.constant 64 : index
    %swap3A_1276 = tpu.vector_load %arg7[%swap3A_1274, %swap3A_1275] {strides = array<i32>} : memref<4x128xi32, #tpu.memory_space<vmem>>, vector<1x16xi32>,
    %swap3A_1277 = vector.shape_cast %swap3A_1276 : vector<1x16xi32> to vector<16xi32>
    %swap3A_1278 = vector.shape_cast %select_n3A_1251 : vector<16xi32> to vector<1x16xi32>
    tpu.vector_store %arg7[%swap3A_1274, %swap3A_1275], %swap3A_1278 {strides = array<i32>} : memref<4x128xi32, #tpu.memory_space<vmem>>, vector<1x16xi32>,
    %swap3A_1279 = arith.constant 2 : i32
    %swap3A_1280 = arith.index_cast %swap3A_1279 : i32 to index
    %swap3A_1281 = arith.constant 64 : index
    %swap3A_1282 = tpu.vector_load %arg8[%swap3A_1280, %swap3A_1281] {strides = array<i32>} : memref<4x128xi32, #tpu.memory_space<vmem>>, vector<1x16xi32>,
    %swap3A_1283 = vector.shape_cast %swap3A_1282 : vector<1x16xi32> to vector<16xi32>
    %swap3A_1284 = vector.shape_cast %select_n3A_1272 : vector<16xi32> to vector<1x16xi32>
    tpu.vector_store %arg8[%swap3A_1280, %swap3A_1281], %swap3A_1284 {strides = array<i32>} : memref<4x128xi32, #tpu.memory_space<vmem>>, vector<1x16xi32>,
    %get3A_1285 = arith.constant 672 : index
    %get3A_1286 = tpu.vector_load %arg6[%get3A_1285] {strides = array<i32>} : memref<1024xi32, #tpu.memory_space<vmem>>, vector<16xi32>,
    %get3A_1287 = vector.shape_cast %get3A_1286 : vector<16xi32> to vector<16xi32>
    %get3A_1288 = arith.constant 688 : index
    %get3A_1289 = tpu.vector_load %arg6[%get3A_1288] {strides = array<i32>} : memref<1024xi32, #tpu.memory_space<vmem>>, vector<16xi32>,
    %get3A_1290 = vector.shape_cast %get3A_1289 : vector<16xi32> to vector<16xi32>
    %lt3A_1291 = arith.constant 0 : i32
    %lt3A_1292 = vector.broadcast %lt3A_1291 : i32 to vector<16xi32>
    %lt3A_1293 = arith.cmpi slt, %select_n3A_22, %lt3A_1292 : vector<16xi32>
    %add3A_1294 = arith.constant 16 : i32
    %add3A_1295 = vector.broadcast %add3A_1294 : i32 to vector<16xi32>
    %add3A_1296 = arith.addi %select_n3A_22, %add3A_1295 : vector<16xi32>
    %select_n3A_1297 = arith.select %lt3A_1293, %add3A_1296, %select_n3A_22 : vector<16xi1>, vector<16xi32>
    %broadcast_in_dim3A_1298 = vector.shape_cast %select_n3A_1297 : vector<16xi32> to vector<16x1xi32>
    %gather3A_1299 = vector.shape_cast %broadcast_in_dim3A_1298 : vector<16x1xi32> to vector<16xi32>
    %gather3A_1300 = tpu.dynamic_gather %get3A_1287[%gather3A_1299] in [0] : vector<16xi32>, vector<16xi32> -> vector<16xi32>
    %lt3A_1301 = arith.constant 0 : i32
    %lt3A_1302 = vector.broadcast %lt3A_1301 : i32 to vector<16xi32>
    %lt3A_1303 = arith.cmpi slt, %select_n3A_22, %lt3A_1302 : vector<16xi32>
    %add3A_1304 = arith.constant 16 : i32
    %add3A_1305 = vector.broadcast %add3A_1304 : i32 to vector<16xi32>
    %add3A_1306 = arith.addi %select_n3A_22, %add3A_1305 : vector<16xi32>
    %select_n3A_1307 = arith.select %lt3A_1303, %add3A_1306, %select_n3A_22 : vector<16xi1>, vector<16xi32>
    %broadcast_in_dim3A_1308 = vector.shape_cast %select_n3A_1307 : vector<16xi32> to vector<16x1xi32>
    %gather3A_1309 = vector.shape_cast %broadcast_in_dim3A_1308 : vector<16x1xi32> to vector<16xi32>
    %gather3A_1310 = tpu.dynamic_gather %get3A_1290[%gather3A_1309] in [0] : vector<16xi32>, vector<16xi32> -> vector<16xi32>
    %select_n3A_1311 = arith.select %lt3A_28, %gather3A_1300, %gather3A_1310 : vector<16xi1>, vector<16xi32>
    %lt3A_1312 = arith.constant 0 : i32
    %lt3A_1313 = vector.broadcast %lt3A_1312 : i32 to vector<16xi32>
    %lt3A_1314 = arith.cmpi slt, %add3A_25, %lt3A_1313 : vector<16xi32>
    %add3A_1315 = arith.constant 16 : i32
    %add3A_1316 = vector.broadcast %add3A_1315 : i32 to vector<16xi32>
    %add3A_1317 = arith.addi %add3A_25, %add3A_1316 : vector<16xi32>
    %select_n3A_1318 = arith.select %lt3A_1314, %add3A_1317, %add3A_25 : vector<16xi1>, vector<16xi32>
    %broadcast_in_dim3A_1319 = vector.shape_cast %select_n3A_1318 : vector<16xi32> to vector<16x1xi32>
    %gather3A_1320 = vector.shape_cast %broadcast_in_dim3A_1319 : vector<16x1xi32> to vector<16xi32>
    %gather3A_1321 = tpu.dynamic_gather %get3A_1287[%gather3A_1320] in [0] : vector<16xi32>, vector<16xi32> -> vector<16xi32>
    %lt3A_1322 = arith.constant 0 : i32
    %lt3A_1323 = vector.broadcast %lt3A_1322 : i32 to vector<16xi32>
    %lt3A_1324 = arith.cmpi slt, %add3A_25, %lt3A_1323 : vector<16xi32>
    %add3A_1325 = arith.constant 16 : i32
    %add3A_1326 = vector.broadcast %add3A_1325 : i32 to vector<16xi32>
    %add3A_1327 = arith.addi %add3A_25, %add3A_1326 : vector<16xi32>
    %select_n3A_1328 = arith.select %lt3A_1324, %add3A_1327, %add3A_25 : vector<16xi1>, vector<16xi32>
    %broadcast_in_dim3A_1329 = vector.shape_cast %select_n3A_1328 : vector<16xi32> to vector<16x1xi32>
    %gather3A_1330 = vector.shape_cast %broadcast_in_dim3A_1329 : vector<16x1xi32> to vector<16xi32>
    %gather3A_1331 = tpu.dynamic_gather %get3A_1290[%gather3A_1330] in [0] : vector<16xi32>, vector<16xi32> -> vector<16xi32>
    %select_n3A_1332 = arith.select %lt3A_28, %gather3A_1321, %gather3A_1331 : vector<16xi1>, vector<16xi32>
    %swap3A_1333 = arith.constant 2 : i32
    %swap3A_1334 = arith.index_cast %swap3A_1333 : i32 to index
    %swap3A_1335 = arith.constant 80 : index
    %swap3A_1336 = tpu.vector_load %arg7[%swap3A_1334, %swap3A_1335] {strides = array<i32>} : memref<4x128xi32, #tpu.memory_space<vmem>>, vector<1x16xi32>,
    %swap3A_1337 = vector.shape_cast %swap3A_1336 : vector<1x16xi32> to vector<16xi32>
    %swap3A_1338 = vector.shape_cast %select_n3A_1311 : vector<16xi32> to vector<1x16xi32>
    tpu.vector_store %arg7[%swap3A_1334, %swap3A_1335], %swap3A_1338 {strides = array<i32>} : memref<4x128xi32, #tpu.memory_space<vmem>>, vector<1x16xi32>,
    %swap3A_1339 = arith.constant 2 : i32
    %swap3A_1340 = arith.index_cast %swap3A_1339 : i32 to index
    %swap3A_1341 = arith.constant 80 : index
    %swap3A_1342 = tpu.vector_load %arg8[%swap3A_1340, %swap3A_1341] {strides = array<i32>} : memref<4x128xi32, #tpu.memory_space<vmem>>, vector<1x16xi32>,
    %swap3A_1343 = vector.shape_cast %swap3A_1342 : vector<1x16xi32> to vector<16xi32>
    %swap3A_1344 = vector.shape_cast %select_n3A_1332 : vector<16xi32> to vector<1x16xi32>
    tpu.vector_store %arg8[%swap3A_1340, %swap3A_1341], %swap3A_1344 {strides = array<i32>} : memref<4x128xi32, #tpu.memory_space<vmem>>, vector<1x16xi32>,
    %get3A_1345 = arith.constant 704 : index
    %get3A_1346 = tpu.vector_load %arg6[%get3A_1345] {strides = array<i32>} : memref<1024xi32, #tpu.memory_space<vmem>>, vector<16xi32>,
    %get3A_1347 = vector.shape_cast %get3A_1346 : vector<16xi32> to vector<16xi32>
    %get3A_1348 = arith.constant 720 : index
    %get3A_1349 = tpu.vector_load %arg6[%get3A_1348] {strides = array<i32>} : memref<1024xi32, #tpu.memory_space<vmem>>, vector<16xi32>,
    %get3A_1350 = vector.shape_cast %get3A_1349 : vector<16xi32> to vector<16xi32>
    %lt3A_1351 = arith.constant 0 : i32
    %lt3A_1352 = vector.broadcast %lt3A_1351 : i32 to vector<16xi32>
    %lt3A_1353 = arith.cmpi slt, %select_n3A_22, %lt3A_1352 : vector<16xi32>
    %add3A_1354 = arith.constant 16 : i32
    %add3A_1355 = vector.broadcast %add3A_1354 : i32 to vector<16xi32>
    %add3A_1356 = arith.addi %select_n3A_22, %add3A_1355 : vector<16xi32>
    %select_n3A_1357 = arith.select %lt3A_1353, %add3A_1356, %select_n3A_22 : vector<16xi1>, vector<16xi32>
    %broadcast_in_dim3A_1358 = vector.shape_cast %select_n3A_1357 : vector<16xi32> to vector<16x1xi32>
    %gather3A_1359 = vector.shape_cast %broadcast_in_dim3A_1358 : vector<16x1xi32> to vector<16xi32>
    %gather3A_1360 = tpu.dynamic_gather %get3A_1347[%gather3A_1359] in [0] : vector<16xi32>, vector<16xi32> -> vector<16xi32>
    %lt3A_1361 = arith.constant 0 : i32
    %lt3A_1362 = vector.broadcast %lt3A_1361 : i32 to vector<16xi32>
    %lt3A_1363 = arith.cmpi slt, %select_n3A_22, %lt3A_1362 : vector<16xi32>
    %add3A_1364 = arith.constant 16 : i32
    %add3A_1365 = vector.broadcast %add3A_1364 : i32 to vector<16xi32>
    %add3A_1366 = arith.addi %select_n3A_22, %add3A_1365 : vector<16xi32>
    %select_n3A_1367 = arith.select %lt3A_1363, %add3A_1366, %select_n3A_22 : vector<16xi1>, vector<16xi32>
    %broadcast_in_dim3A_1368 = vector.shape_cast %select_n3A_1367 : vector<16xi32> to vector<16x1xi32>
    %gather3A_1369 = vector.shape_cast %broadcast_in_dim3A_1368 : vector<16x1xi32> to vector<16xi32>
    %gather3A_1370 = tpu.dynamic_gather %get3A_1350[%gather3A_1369] in [0] : vector<16xi32>, vector<16xi32> -> vector<16xi32>
    %select_n3A_1371 = arith.select %lt3A_28, %gather3A_1360, %gather3A_1370 : vector<16xi1>, vector<16xi32>
    %lt3A_1372 = arith.constant 0 : i32
    %lt3A_1373 = vector.broadcast %lt3A_1372 : i32 to vector<16xi32>
    %lt3A_1374 = arith.cmpi slt, %add3A_25, %lt3A_1373 : vector<16xi32>
    %add3A_1375 = arith.constant 16 : i32
    %add3A_1376 = vector.broadcast %add3A_1375 : i32 to vector<16xi32>
    %add3A_1377 = arith.addi %add3A_25, %add3A_1376 : vector<16xi32>
    %select_n3A_1378 = arith.select %lt3A_1374, %add3A_1377, %add3A_25 : vector<16xi1>, vector<16xi32>
    %broadcast_in_dim3A_1379 = vector.shape_cast %select_n3A_1378 : vector<16xi32> to vector<16x1xi32>
    %gather3A_1380 = vector.shape_cast %broadcast_in_dim3A_1379 : vector<16x1xi32> to vector<16xi32>
    %gather3A_1381 = tpu.dynamic_gather %get3A_1347[%gather3A_1380] in [0] : vector<16xi32>, vector<16xi32> -> vector<16xi32>
    %lt3A_1382 = arith.constant 0 : i32
    %lt3A_1383 = vector.broadcast %lt3A_1382 : i32 to vector<16xi32>
    %lt3A_1384 = arith.cmpi slt, %add3A_25, %lt3A_1383 : vector<16xi32>
    %add3A_1385 = arith.constant 16 : i32
    %add3A_1386 = vector.broadcast %add3A_1385 : i32 to vector<16xi32>
    %add3A_1387 = arith.addi %add3A_25, %add3A_1386 : vector<16xi32>
    %select_n3A_1388 = arith.select %lt3A_1384, %add3A_1387, %add3A_25 : vector<16xi1>, vector<16xi32>
    %broadcast_in_dim3A_1389 = vector.shape_cast %select_n3A_1388 : vector<16xi32> to vector<16x1xi32>
    %gather3A_1390 = vector.shape_cast %broadcast_in_dim3A_1389 : vector<16x1xi32> to vector<16xi32>
    %gather3A_1391 = tpu.dynamic_gather %get3A_1350[%gather3A_1390] in [0] : vector<16xi32>, vector<16xi32> -> vector<16xi32>
    %select_n3A_1392 = arith.select %lt3A_28, %gather3A_1381, %gather3A_1391 : vector<16xi1>, vector<16xi32>
    %swap3A_1393 = arith.constant 2 : i32
    %swap3A_1394 = arith.index_cast %swap3A_1393 : i32 to index
    %swap3A_1395 = arith.constant 96 : index
    %swap3A_1396 = tpu.vector_load %arg7[%swap3A_1394, %swap3A_1395] {strides = array<i32>} : memref<4x128xi32, #tpu.memory_space<vmem>>, vector<1x16xi32>,
    %swap3A_1397 = vector.shape_cast %swap3A_1396 : vector<1x16xi32> to vector<16xi32>
    %swap3A_1398 = vector.shape_cast %select_n3A_1371 : vector<16xi32> to vector<1x16xi32>
    tpu.vector_store %arg7[%swap3A_1394, %swap3A_1395], %swap3A_1398 {strides = array<i32>} : memref<4x128xi32, #tpu.memory_space<vmem>>, vector<1x16xi32>,
    %swap3A_1399 = arith.constant 2 : i32
    %swap3A_1400 = arith.index_cast %swap3A_1399 : i32 to index
    %swap3A_1401 = arith.constant 96 : index
    %swap3A_1402 = tpu.vector_load %arg8[%swap3A_1400, %swap3A_1401] {strides = array<i32>} : memref<4x128xi32, #tpu.memory_space<vmem>>, vector<1x16xi32>,
    %swap3A_1403 = vector.shape_cast %swap3A_1402 : vector<1x16xi32> to vector<16xi32>
    %swap3A_1404 = vector.shape_cast %select_n3A_1392 : vector<16xi32> to vector<1x16xi32>
    tpu.vector_store %arg8[%swap3A_1400, %swap3A_1401], %swap3A_1404 {strides = array<i32>} : memref<4x128xi32, #tpu.memory_space<vmem>>, vector<1x16xi32>,
    %get3A_1405 = arith.constant 736 : index
    %get3A_1406 = tpu.vector_load %arg6[%get3A_1405] {strides = array<i32>} : memref<1024xi32, #tpu.memory_space<vmem>>, vector<16xi32>,
    %get3A_1407 = vector.shape_cast %get3A_1406 : vector<16xi32> to vector<16xi32>
    %get3A_1408 = arith.constant 752 : index
    %get3A_1409 = tpu.vector_load %arg6[%get3A_1408] {strides = array<i32>} : memref<1024xi32, #tpu.memory_space<vmem>>, vector<16xi32>,
    %get3A_1410 = vector.shape_cast %get3A_1409 : vector<16xi32> to vector<16xi32>
    %lt3A_1411 = arith.constant 0 : i32
    %lt3A_1412 = vector.broadcast %lt3A_1411 : i32 to vector<16xi32>
    %lt3A_1413 = arith.cmpi slt, %select_n3A_22, %lt3A_1412 : vector<16xi32>
    %add3A_1414 = arith.constant 16 : i32
    %add3A_1415 = vector.broadcast %add3A_1414 : i32 to vector<16xi32>
    %add3A_1416 = arith.addi %select_n3A_22, %add3A_1415 : vector<16xi32>
    %select_n3A_1417 = arith.select %lt3A_1413, %add3A_1416, %select_n3A_22 : vector<16xi1>, vector<16xi32>
    %broadcast_in_dim3A_1418 = vector.shape_cast %select_n3A_1417 : vector<16xi32> to vector<16x1xi32>
    %gather3A_1419 = vector.shape_cast %broadcast_in_dim3A_1418 : vector<16x1xi32> to vector<16xi32>
    %gather3A_1420 = tpu.dynamic_gather %get3A_1407[%gather3A_1419] in [0] : vector<16xi32>, vector<16xi32> -> vector<16xi32>
    %lt3A_1421 = arith.constant 0 : i32
    %lt3A_1422 = vector.broadcast %lt3A_1421 : i32 to vector<16xi32>
    %lt3A_1423 = arith.cmpi slt, %select_n3A_22, %lt3A_1422 : vector<16xi32>
    %add3A_1424 = arith.constant 16 : i32
    %add3A_1425 = vector.broadcast %add3A_1424 : i32 to vector<16xi32>
    %add3A_1426 = arith.addi %select_n3A_22, %add3A_1425 : vector<16xi32>
    %select_n3A_1427 = arith.select %lt3A_1423, %add3A_1426, %select_n3A_22 : vector<16xi1>, vector<16xi32>
    %broadcast_in_dim3A_1428 = vector.shape_cast %select_n3A_1427 : vector<16xi32> to vector<16x1xi32>
    %gather3A_1429 = vector.shape_cast %broadcast_in_dim3A_1428 : vector<16x1xi32> to vector<16xi32>
    %gather3A_1430 = tpu.dynamic_gather %get3A_1410[%gather3A_1429] in [0] : vector<16xi32>, vector<16xi32> -> vector<16xi32>
    %select_n3A_1431 = arith.select %lt3A_28, %gather3A_1420, %gather3A_1430 : vector<16xi1>, vector<16xi32>
    %lt3A_1432 = arith.constant 0 : i32
    %lt3A_1433 = vector.broadcast %lt3A_1432 : i32 to vector<16xi32>
    %lt3A_1434 = arith.cmpi slt, %add3A_25, %lt3A_1433 : vector<16xi32>
    %add3A_1435 = arith.constant 16 : i32
    %add3A_1436 = vector.broadcast %add3A_1435 : i32 to vector<16xi32>
    %add3A_1437 = arith.addi %add3A_25, %add3A_1436 : vector<16xi32>
    %select_n3A_1438 = arith.select %lt3A_1434, %add3A_1437, %add3A_25 : vector<16xi1>, vector<16xi32>
    %broadcast_in_dim3A_1439 = vector.shape_cast %select_n3A_1438 : vector<16xi32> to vector<16x1xi32>
    %gather3A_1440 = vector.shape_cast %broadcast_in_dim3A_1439 : vector<16x1xi32> to vector<16xi32>
    %gather3A_1441 = tpu.dynamic_gather %get3A_1407[%gather3A_1440] in [0] : vector<16xi32>, vector<16xi32> -> vector<16xi32>
    %lt3A_1442 = arith.constant 0 : i32
    %lt3A_1443 = vector.broadcast %lt3A_1442 : i32 to vector<16xi32>
    %lt3A_1444 = arith.cmpi slt, %add3A_25, %lt3A_1443 : vector<16xi32>
    %add3A_1445 = arith.constant 16 : i32
    %add3A_1446 = vector.broadcast %add3A_1445 : i32 to vector<16xi32>
    %add3A_1447 = arith.addi %add3A_25, %add3A_1446 : vector<16xi32>
    %select_n3A_1448 = arith.select %lt3A_1444, %add3A_1447, %add3A_25 : vector<16xi1>, vector<16xi32>
    %broadcast_in_dim3A_1449 = vector.shape_cast %select_n3A_1448 : vector<16xi32> to vector<16x1xi32>
    %gather3A_1450 = vector.shape_cast %broadcast_in_dim3A_1449 : vector<16x1xi32> to vector<16xi32>
    %gather3A_1451 = tpu.dynamic_gather %get3A_1410[%gather3A_1450] in [0] : vector<16xi32>, vector<16xi32> -> vector<16xi32>
    %select_n3A_1452 = arith.select %lt3A_28, %gather3A_1441, %gather3A_1451 : vector<16xi1>, vector<16xi32>
    %swap3A_1453 = arith.constant 2 : i32
    %swap3A_1454 = arith.index_cast %swap3A_1453 : i32 to index
    %swap3A_1455 = arith.constant 112 : index
    %swap3A_1456 = tpu.vector_load %arg7[%swap3A_1454, %swap3A_1455] {strides = array<i32>} : memref<4x128xi32, #tpu.memory_space<vmem>>, vector<1x16xi32>,
    %swap3A_1457 = vector.shape_cast %swap3A_1456 : vector<1x16xi32> to vector<16xi32>
    %swap3A_1458 = vector.shape_cast %select_n3A_1431 : vector<16xi32> to vector<1x16xi32>
    tpu.vector_store %arg7[%swap3A_1454, %swap3A_1455], %swap3A_1458 {strides = array<i32>} : memref<4x128xi32, #tpu.memory_space<vmem>>, vector<1x16xi32>,
    %swap3A_1459 = arith.constant 2 : i32
    %swap3A_1460 = arith.index_cast %swap3A_1459 : i32 to index
    %swap3A_1461 = arith.constant 112 : index
    %swap3A_1462 = tpu.vector_load %arg8[%swap3A_1460, %swap3A_1461] {strides = array<i32>} : memref<4x128xi32, #tpu.memory_space<vmem>>, vector<1x16xi32>,
    %swap3A_1463 = vector.shape_cast %swap3A_1462 : vector<1x16xi32> to vector<16xi32>
    %swap3A_1464 = vector.shape_cast %select_n3A_1452 : vector<16xi32> to vector<1x16xi32>
    tpu.vector_store %arg8[%swap3A_1460, %swap3A_1461], %swap3A_1464 {strides = array<i32>} : memref<4x128xi32, #tpu.memory_space<vmem>>, vector<1x16xi32>,
    %get3A_1465 = arith.constant 768 : index
    %get3A_1466 = tpu.vector_load %arg6[%get3A_1465] {strides = array<i32>} : memref<1024xi32, #tpu.memory_space<vmem>>, vector<16xi32>,
    %get3A_1467 = vector.shape_cast %get3A_1466 : vector<16xi32> to vector<16xi32>
    %get3A_1468 = arith.constant 784 : index
    %get3A_1469 = tpu.vector_load %arg6[%get3A_1468] {strides = array<i32>} : memref<1024xi32, #tpu.memory_space<vmem>>, vector<16xi32>,
    %get3A_1470 = vector.shape_cast %get3A_1469 : vector<16xi32> to vector<16xi32>
    %lt3A_1471 = arith.constant 0 : i32
    %lt3A_1472 = vector.broadcast %lt3A_1471 : i32 to vector<16xi32>
    %lt3A_1473 = arith.cmpi slt, %select_n3A_22, %lt3A_1472 : vector<16xi32>
    %add3A_1474 = arith.constant 16 : i32
    %add3A_1475 = vector.broadcast %add3A_1474 : i32 to vector<16xi32>
    %add3A_1476 = arith.addi %select_n3A_22, %add3A_1475 : vector<16xi32>
    %select_n3A_1477 = arith.select %lt3A_1473, %add3A_1476, %select_n3A_22 : vector<16xi1>, vector<16xi32>
    %broadcast_in_dim3A_1478 = vector.shape_cast %select_n3A_1477 : vector<16xi32> to vector<16x1xi32>
    %gather3A_1479 = vector.shape_cast %broadcast_in_dim3A_1478 : vector<16x1xi32> to vector<16xi32>
    %gather3A_1480 = tpu.dynamic_gather %get3A_1467[%gather3A_1479] in [0] : vector<16xi32>, vector<16xi32> -> vector<16xi32>
    %lt3A_1481 = arith.constant 0 : i32
    %lt3A_1482 = vector.broadcast %lt3A_1481 : i32 to vector<16xi32>
    %lt3A_1483 = arith.cmpi slt, %select_n3A_22, %lt3A_1482 : vector<16xi32>
    %add3A_1484 = arith.constant 16 : i32
    %add3A_1485 = vector.broadcast %add3A_1484 : i32 to vector<16xi32>
    %add3A_1486 = arith.addi %select_n3A_22, %add3A_1485 : vector<16xi32>
    %select_n3A_1487 = arith.select %lt3A_1483, %add3A_1486, %select_n3A_22 : vector<16xi1>, vector<16xi32>
    %broadcast_in_dim3A_1488 = vector.shape_cast %select_n3A_1487 : vector<16xi32> to vector<16x1xi32>
    %gather3A_1489 = vector.shape_cast %broadcast_in_dim3A_1488 : vector<16x1xi32> to vector<16xi32>
    %gather3A_1490 = tpu.dynamic_gather %get3A_1470[%gather3A_1489] in [0] : vector<16xi32>, vector<16xi32> -> vector<16xi32>
    %select_n3A_1491 = arith.select %lt3A_28, %gather3A_1480, %gather3A_1490 : vector<16xi1>, vector<16xi32>
    %lt3A_1492 = arith.constant 0 : i32
    %lt3A_1493 = vector.broadcast %lt3A_1492 : i32 to vector<16xi32>
    %lt3A_1494 = arith.cmpi slt, %add3A_25, %lt3A_1493 : vector<16xi32>
    %add3A_1495 = arith.constant 16 : i32
    %add3A_1496 = vector.broadcast %add3A_1495 : i32 to vector<16xi32>
    %add3A_1497 = arith.addi %add3A_25, %add3A_1496 : vector<16xi32>
    %select_n3A_1498 = arith.select %lt3A_1494, %add3A_1497, %add3A_25 : vector<16xi1>, vector<16xi32>
    %broadcast_in_dim3A_1499 = vector.shape_cast %select_n3A_1498 : vector<16xi32> to vector<16x1xi32>
    %gather3A_1500 = vector.shape_cast %broadcast_in_dim3A_1499 : vector<16x1xi32> to vector<16xi32>
    %gather3A_1501 = tpu.dynamic_gather %get3A_1467[%gather3A_1500] in [0] : vector<16xi32>, vector<16xi32> -> vector<16xi32>
    %lt3A_1502 = arith.constant 0 : i32
    %lt3A_1503 = vector.broadcast %lt3A_1502 : i32 to vector<16xi32>
    %lt3A_1504 = arith.cmpi slt, %add3A_25, %lt3A_1503 : vector<16xi32>
    %add3A_1505 = arith.constant 16 : i32
    %add3A_1506 = vector.broadcast %add3A_1505 : i32 to vector<16xi32>
    %add3A_1507 = arith.addi %add3A_25, %add3A_1506 : vector<16xi32>
    %select_n3A_1508 = arith.select %lt3A_1504, %add3A_1507, %add3A_25 : vector<16xi1>, vector<16xi32>
    %broadcast_in_dim3A_1509 = vector.shape_cast %select_n3A_1508 : vector<16xi32> to vector<16x1xi32>
    %gather3A_1510 = vector.shape_cast %broadcast_in_dim3A_1509 : vector<16x1xi32> to vector<16xi32>
    %gather3A_1511 = tpu.dynamic_gather %get3A_1470[%gather3A_1510] in [0] : vector<16xi32>, vector<16xi32> -> vector<16xi32>
    %select_n3A_1512 = arith.select %lt3A_28, %gather3A_1501, %gather3A_1511 : vector<16xi1>, vector<16xi32>
    %swap3A_1513 = arith.constant 3 : i32
    %swap3A_1514 = arith.index_cast %swap3A_1513 : i32 to index
    %swap3A_1515 = arith.constant 0 : index
    %swap3A_1516 = tpu.vector_load %arg7[%swap3A_1514, %swap3A_1515] {strides = array<i32>} : memref<4x128xi32, #tpu.memory_space<vmem>>, vector<1x16xi32>,
    %swap3A_1517 = vector.shape_cast %swap3A_1516 : vector<1x16xi32> to vector<16xi32>
    %swap3A_1518 = vector.shape_cast %select_n3A_1491 : vector<16xi32> to vector<1x16xi32>
    tpu.vector_store %arg7[%swap3A_1514, %swap3A_1515], %swap3A_1518 {strides = array<i32>} : memref<4x128xi32, #tpu.memory_space<vmem>>, vector<1x16xi32>,
    %swap3A_1519 = arith.constant 3 : i32
    %swap3A_1520 = arith.index_cast %swap3A_1519 : i32 to index
    %swap3A_1521 = arith.constant 0 : index
    %swap3A_1522 = tpu.vector_load %arg8[%swap3A_1520, %swap3A_1521] {strides = array<i32>} : memref<4x128xi32, #tpu.memory_space<vmem>>, vector<1x16xi32>,
    %swap3A_1523 = vector.shape_cast %swap3A_1522 : vector<1x16xi32> to vector<16xi32>
    %swap3A_1524 = vector.shape_cast %select_n3A_1512 : vector<16xi32> to vector<1x16xi32>
    tpu.vector_store %arg8[%swap3A_1520, %swap3A_1521], %swap3A_1524 {strides = array<i32>} : memref<4x128xi32, #tpu.memory_space<vmem>>, vector<1x16xi32>,
    %get3A_1525 = arith.constant 800 : index
    %get3A_1526 = tpu.vector_load %arg6[%get3A_1525] {strides = array<i32>} : memref<1024xi32, #tpu.memory_space<vmem>>, vector<16xi32>,
    %get3A_1527 = vector.shape_cast %get3A_1526 : vector<16xi32> to vector<16xi32>
    %get3A_1528 = arith.constant 816 : index
    %get3A_1529 = tpu.vector_load %arg6[%get3A_1528] {strides = array<i32>} : memref<1024xi32, #tpu.memory_space<vmem>>, vector<16xi32>,
    %get3A_1530 = vector.shape_cast %get3A_1529 : vector<16xi32> to vector<16xi32>
    %lt3A_1531 = arith.constant 0 : i32
    %lt3A_1532 = vector.broadcast %lt3A_1531 : i32 to vector<16xi32>
    %lt3A_1533 = arith.cmpi slt, %select_n3A_22, %lt3A_1532 : vector<16xi32>
    %add3A_1534 = arith.constant 16 : i32
    %add3A_1535 = vector.broadcast %add3A_1534 : i32 to vector<16xi32>
    %add3A_1536 = arith.addi %select_n3A_22, %add3A_1535 : vector<16xi32>
    %select_n3A_1537 = arith.select %lt3A_1533, %add3A_1536, %select_n3A_22 : vector<16xi1>, vector<16xi32>
    %broadcast_in_dim3A_1538 = vector.shape_cast %select_n3A_1537 : vector<16xi32> to vector<16x1xi32>
    %gather3A_1539 = vector.shape_cast %broadcast_in_dim3A_1538 : vector<16x1xi32> to vector<16xi32>
    %gather3A_1540 = tpu.dynamic_gather %get3A_1527[%gather3A_1539] in [0] : vector<16xi32>, vector<16xi32> -> vector<16xi32>
    %lt3A_1541 = arith.constant 0 : i32
    %lt3A_1542 = vector.broadcast %lt3A_1541 : i32 to vector<16xi32>
    %lt3A_1543 = arith.cmpi slt, %select_n3A_22, %lt3A_1542 : vector<16xi32>
    %add3A_1544 = arith.constant 16 : i32
    %add3A_1545 = vector.broadcast %add3A_1544 : i32 to vector<16xi32>
    %add3A_1546 = arith.addi %select_n3A_22, %add3A_1545 : vector<16xi32>
    %select_n3A_1547 = arith.select %lt3A_1543, %add3A_1546, %select_n3A_22 : vector<16xi1>, vector<16xi32>
    %broadcast_in_dim3A_1548 = vector.shape_cast %select_n3A_1547 : vector<16xi32> to vector<16x1xi32>
    %gather3A_1549 = vector.shape_cast %broadcast_in_dim3A_1548 : vector<16x1xi32> to vector<16xi32>
    %gather3A_1550 = tpu.dynamic_gather %get3A_1530[%gather3A_1549] in [0] : vector<16xi32>, vector<16xi32> -> vector<16xi32>
    %select_n3A_1551 = arith.select %lt3A_28, %gather3A_1540, %gather3A_1550 : vector<16xi1>, vector<16xi32>
    %lt3A_1552 = arith.constant 0 : i32
    %lt3A_1553 = vector.broadcast %lt3A_1552 : i32 to vector<16xi32>
    %lt3A_1554 = arith.cmpi slt, %add3A_25, %lt3A_1553 : vector<16xi32>
    %add3A_1555 = arith.constant 16 : i32
    %add3A_1556 = vector.broadcast %add3A_1555 : i32 to vector<16xi32>
    %add3A_1557 = arith.addi %add3A_25, %add3A_1556 : vector<16xi32>
    %select_n3A_1558 = arith.select %lt3A_1554, %add3A_1557, %add3A_25 : vector<16xi1>, vector<16xi32>
    %broadcast_in_dim3A_1559 = vector.shape_cast %select_n3A_1558 : vector<16xi32> to vector<16x1xi32>
    %gather3A_1560 = vector.shape_cast %broadcast_in_dim3A_1559 : vector<16x1xi32> to vector<16xi32>
    %gather3A_1561 = tpu.dynamic_gather %get3A_1527[%gather3A_1560] in [0] : vector<16xi32>, vector<16xi32> -> vector<16xi32>
    %lt3A_1562 = arith.constant 0 : i32
    %lt3A_1563 = vector.broadcast %lt3A_1562 : i32 to vector<16xi32>
    %lt3A_1564 = arith.cmpi slt, %add3A_25, %lt3A_1563 : vector<16xi32>
    %add3A_1565 = arith.constant 16 : i32
    %add3A_1566 = vector.broadcast %add3A_1565 : i32 to vector<16xi32>
    %add3A_1567 = arith.addi %add3A_25, %add3A_1566 : vector<16xi32>
    %select_n3A_1568 = arith.select %lt3A_1564, %add3A_1567, %add3A_25 : vector<16xi1>, vector<16xi32>
    %broadcast_in_dim3A_1569 = vector.shape_cast %select_n3A_1568 : vector<16xi32> to vector<16x1xi32>
    %gather3A_1570 = vector.shape_cast %broadcast_in_dim3A_1569 : vector<16x1xi32> to vector<16xi32>
    %gather3A_1571 = tpu.dynamic_gather %get3A_1530[%gather3A_1570] in [0] : vector<16xi32>, vector<16xi32> -> vector<16xi32>
    %select_n3A_1572 = arith.select %lt3A_28, %gather3A_1561, %gather3A_1571 : vector<16xi1>, vector<16xi32>
    %swap3A_1573 = arith.constant 3 : i32
    %swap3A_1574 = arith.index_cast %swap3A_1573 : i32 to index
    %swap3A_1575 = arith.constant 16 : index
    %swap3A_1576 = tpu.vector_load %arg7[%swap3A_1574, %swap3A_1575] {strides = array<i32>} : memref<4x128xi32, #tpu.memory_space<vmem>>, vector<1x16xi32>,
    %swap3A_1577 = vector.shape_cast %swap3A_1576 : vector<1x16xi32> to vector<16xi32>
    %swap3A_1578 = vector.shape_cast %select_n3A_1551 : vector<16xi32> to vector<1x16xi32>
    tpu.vector_store %arg7[%swap3A_1574, %swap3A_1575], %swap3A_1578 {strides = array<i32>} : memref<4x128xi32, #tpu.memory_space<vmem>>, vector<1x16xi32>,
    %swap3A_1579 = arith.constant 3 : i32
    %swap3A_1580 = arith.index_cast %swap3A_1579 : i32 to index
    %swap3A_1581 = arith.constant 16 : index
    %swap3A_1582 = tpu.vector_load %arg8[%swap3A_1580, %swap3A_1581] {strides = array<i32>} : memref<4x128xi32, #tpu.memory_space<vmem>>, vector<1x16xi32>,
    %swap3A_1583 = vector.shape_cast %swap3A_1582 : vector<1x16xi32> to vector<16xi32>
    %swap3A_1584 = vector.shape_cast %select_n3A_1572 : vector<16xi32> to vector<1x16xi32>
    tpu.vector_store %arg8[%swap3A_1580, %swap3A_1581], %swap3A_1584 {strides = array<i32>} : memref<4x128xi32, #tpu.memory_space<vmem>>, vector<1x16xi32>,
    %get3A_1585 = arith.constant 832 : index
    %get3A_1586 = tpu.vector_load %arg6[%get3A_1585] {strides = array<i32>} : memref<1024xi32, #tpu.memory_space<vmem>>, vector<16xi32>,
    %get3A_1587 = vector.shape_cast %get3A_1586 : vector<16xi32> to vector<16xi32>
    %get3A_1588 = arith.constant 848 : index
    %get3A_1589 = tpu.vector_load %arg6[%get3A_1588] {strides = array<i32>} : memref<1024xi32, #tpu.memory_space<vmem>>, vector<16xi32>,
    %get3A_1590 = vector.shape_cast %get3A_1589 : vector<16xi32> to vector<16xi32>
    %lt3A_1591 = arith.constant 0 : i32
    %lt3A_1592 = vector.broadcast %lt3A_1591 : i32 to vector<16xi32>
    %lt3A_1593 = arith.cmpi slt, %select_n3A_22, %lt3A_1592 : vector<16xi32>
    %add3A_1594 = arith.constant 16 : i32
    %add3A_1595 = vector.broadcast %add3A_1594 : i32 to vector<16xi32>
    %add3A_1596 = arith.addi %select_n3A_22, %add3A_1595 : vector<16xi32>
    %select_n3A_1597 = arith.select %lt3A_1593, %add3A_1596, %select_n3A_22 : vector<16xi1>, vector<16xi32>
    %broadcast_in_dim3A_1598 = vector.shape_cast %select_n3A_1597 : vector<16xi32> to vector<16x1xi32>
    %gather3A_1599 = vector.shape_cast %broadcast_in_dim3A_1598 : vector<16x1xi32> to vector<16xi32>
    %gather3A_1600 = tpu.dynamic_gather %get3A_1587[%gather3A_1599] in [0] : vector<16xi32>, vector<16xi32> -> vector<16xi32>
    %lt3A_1601 = arith.constant 0 : i32
    %lt3A_1602 = vector.broadcast %lt3A_1601 : i32 to vector<16xi32>
    %lt3A_1603 = arith.cmpi slt, %select_n3A_22, %lt3A_1602 : vector<16xi32>
    %add3A_1604 = arith.constant 16 : i32
    %add3A_1605 = vector.broadcast %add3A_1604 : i32 to vector<16xi32>
    %add3A_1606 = arith.addi %select_n3A_22, %add3A_1605 : vector<16xi32>
    %select_n3A_1607 = arith.select %lt3A_1603, %add3A_1606, %select_n3A_22 : vector<16xi1>, vector<16xi32>
    %broadcast_in_dim3A_1608 = vector.shape_cast %select_n3A_1607 : vector<16xi32> to vector<16x1xi32>
    %gather3A_1609 = vector.shape_cast %broadcast_in_dim3A_1608 : vector<16x1xi32> to vector<16xi32>
    %gather3A_1610 = tpu.dynamic_gather %get3A_1590[%gather3A_1609] in [0] : vector<16xi32>, vector<16xi32> -> vector<16xi32>
    %select_n3A_1611 = arith.select %lt3A_28, %gather3A_1600, %gather3A_1610 : vector<16xi1>, vector<16xi32>
    %lt3A_1612 = arith.constant 0 : i32
    %lt3A_1613 = vector.broadcast %lt3A_1612 : i32 to vector<16xi32>
    %lt3A_1614 = arith.cmpi slt, %add3A_25, %lt3A_1613 : vector<16xi32>
    %add3A_1615 = arith.constant 16 : i32
    %add3A_1616 = vector.broadcast %add3A_1615 : i32 to vector<16xi32>
    %add3A_1617 = arith.addi %add3A_25, %add3A_1616 : vector<16xi32>
    %select_n3A_1618 = arith.select %lt3A_1614, %add3A_1617, %add3A_25 : vector<16xi1>, vector<16xi32>
    %broadcast_in_dim3A_1619 = vector.shape_cast %select_n3A_1618 : vector<16xi32> to vector<16x1xi32>
    %gather3A_1620 = vector.shape_cast %broadcast_in_dim3A_1619 : vector<16x1xi32> to vector<16xi32>
    %gather3A_1621 = tpu.dynamic_gather %get3A_1587[%gather3A_1620] in [0] : vector<16xi32>, vector<16xi32> -> vector<16xi32>
    %lt3A_1622 = arith.constant 0 : i32
    %lt3A_1623 = vector.broadcast %lt3A_1622 : i32 to vector<16xi32>
    %lt3A_1624 = arith.cmpi slt, %add3A_25, %lt3A_1623 : vector<16xi32>
    %add3A_1625 = arith.constant 16 : i32
    %add3A_1626 = vector.broadcast %add3A_1625 : i32 to vector<16xi32>
    %add3A_1627 = arith.addi %add3A_25, %add3A_1626 : vector<16xi32>
    %select_n3A_1628 = arith.select %lt3A_1624, %add3A_1627, %add3A_25 : vector<16xi1>, vector<16xi32>
    %broadcast_in_dim3A_1629 = vector.shape_cast %select_n3A_1628 : vector<16xi32> to vector<16x1xi32>
    %gather3A_1630 = vector.shape_cast %broadcast_in_dim3A_1629 : vector<16x1xi32> to vector<16xi32>
    %gather3A_1631 = tpu.dynamic_gather %get3A_1590[%gather3A_1630] in [0] : vector<16xi32>, vector<16xi32> -> vector<16xi32>
    %select_n3A_1632 = arith.select %lt3A_28, %gather3A_1621, %gather3A_1631 : vector<16xi1>, vector<16xi32>
    %swap3A_1633 = arith.constant 3 : i32
    %swap3A_1634 = arith.index_cast %swap3A_1633 : i32 to index
    %swap3A_1635 = arith.constant 32 : index
    %swap3A_1636 = tpu.vector_load %arg7[%swap3A_1634, %swap3A_1635] {strides = array<i32>} : memref<4x128xi32, #tpu.memory_space<vmem>>, vector<1x16xi32>,
    %swap3A_1637 = vector.shape_cast %swap3A_1636 : vector<1x16xi32> to vector<16xi32>
    %swap3A_1638 = vector.shape_cast %select_n3A_1611 : vector<16xi32> to vector<1x16xi32>
    tpu.vector_store %arg7[%swap3A_1634, %swap3A_1635], %swap3A_1638 {strides = array<i32>} : memref<4x128xi32, #tpu.memory_space<vmem>>, vector<1x16xi32>,
    %swap3A_1639 = arith.constant 3 : i32
    %swap3A_1640 = arith.index_cast %swap3A_1639 : i32 to index
    %swap3A_1641 = arith.constant 32 : index
    %swap3A_1642 = tpu.vector_load %arg8[%swap3A_1640, %swap3A_1641] {strides = array<i32>} : memref<4x128xi32, #tpu.memory_space<vmem>>, vector<1x16xi32>,
    %swap3A_1643 = vector.shape_cast %swap3A_1642 : vector<1x16xi32> to vector<16xi32>
    %swap3A_1644 = vector.shape_cast %select_n3A_1632 : vector<16xi32> to vector<1x16xi32>
    tpu.vector_store %arg8[%swap3A_1640, %swap3A_1641], %swap3A_1644 {strides = array<i32>} : memref<4x128xi32, #tpu.memory_space<vmem>>, vector<1x16xi32>,
    %get3A_1645 = arith.constant 864 : index
    %get3A_1646 = tpu.vector_load %arg6[%get3A_1645] {strides = array<i32>} : memref<1024xi32, #tpu.memory_space<vmem>>, vector<16xi32>,
    %get3A_1647 = vector.shape_cast %get3A_1646 : vector<16xi32> to vector<16xi32>
    %get3A_1648 = arith.constant 880 : index
    %get3A_1649 = tpu.vector_load %arg6[%get3A_1648] {strides = array<i32>} : memref<1024xi32, #tpu.memory_space<vmem>>, vector<16xi32>,
    %get3A_1650 = vector.shape_cast %get3A_1649 : vector<16xi32> to vector<16xi32>
    %lt3A_1651 = arith.constant 0 : i32
    %lt3A_1652 = vector.broadcast %lt3A_1651 : i32 to vector<16xi32>
    %lt3A_1653 = arith.cmpi slt, %select_n3A_22, %lt3A_1652 : vector<16xi32>
    %add3A_1654 = arith.constant 16 : i32
    %add3A_1655 = vector.broadcast %add3A_1654 : i32 to vector<16xi32>
    %add3A_1656 = arith.addi %select_n3A_22, %add3A_1655 : vector<16xi32>
    %select_n3A_1657 = arith.select %lt3A_1653, %add3A_1656, %select_n3A_22 : vector<16xi1>, vector<16xi32>
    %broadcast_in_dim3A_1658 = vector.shape_cast %select_n3A_1657 : vector<16xi32> to vector<16x1xi32>
    %gather3A_1659 = vector.shape_cast %broadcast_in_dim3A_1658 : vector<16x1xi32> to vector<16xi32>
    %gather3A_1660 = tpu.dynamic_gather %get3A_1647[%gather3A_1659] in [0] : vector<16xi32>, vector<16xi32> -> vector<16xi32>
    %lt3A_1661 = arith.constant 0 : i32
    %lt3A_1662 = vector.broadcast %lt3A_1661 : i32 to vector<16xi32>
    %lt3A_1663 = arith.cmpi slt, %select_n3A_22, %lt3A_1662 : vector<16xi32>
    %add3A_1664 = arith.constant 16 : i32
    %add3A_1665 = vector.broadcast %add3A_1664 : i32 to vector<16xi32>
    %add3A_1666 = arith.addi %select_n3A_22, %add3A_1665 : vector<16xi32>
    %select_n3A_1667 = arith.select %lt3A_1663, %add3A_1666, %select_n3A_22 : vector<16xi1>, vector<16xi32>
    %broadcast_in_dim3A_1668 = vector.shape_cast %select_n3A_1667 : vector<16xi32> to vector<16x1xi32>
    %gather3A_1669 = vector.shape_cast %broadcast_in_dim3A_1668 : vector<16x1xi32> to vector<16xi32>
    %gather3A_1670 = tpu.dynamic_gather %get3A_1650[%gather3A_1669] in [0] : vector<16xi32>, vector<16xi32> -> vector<16xi32>
    %select_n3A_1671 = arith.select %lt3A_28, %gather3A_1660, %gather3A_1670 : vector<16xi1>, vector<16xi32>
    %lt3A_1672 = arith.constant 0 : i32
    %lt3A_1673 = vector.broadcast %lt3A_1672 : i32 to vector<16xi32>
    %lt3A_1674 = arith.cmpi slt, %add3A_25, %lt3A_1673 : vector<16xi32>
    %add3A_1675 = arith.constant 16 : i32
    %add3A_1676 = vector.broadcast %add3A_1675 : i32 to vector<16xi32>
    %add3A_1677 = arith.addi %add3A_25, %add3A_1676 : vector<16xi32>
    %select_n3A_1678 = arith.select %lt3A_1674, %add3A_1677, %add3A_25 : vector<16xi1>, vector<16xi32>
    %broadcast_in_dim3A_1679 = vector.shape_cast %select_n3A_1678 : vector<16xi32> to vector<16x1xi32>
    %gather3A_1680 = vector.shape_cast %broadcast_in_dim3A_1679 : vector<16x1xi32> to vector<16xi32>
    %gather3A_1681 = tpu.dynamic_gather %get3A_1647[%gather3A_1680] in [0] : vector<16xi32>, vector<16xi32> -> vector<16xi32>
    %lt3A_1682 = arith.constant 0 : i32
    %lt3A_1683 = vector.broadcast %lt3A_1682 : i32 to vector<16xi32>
    %lt3A_1684 = arith.cmpi slt, %add3A_25, %lt3A_1683 : vector<16xi32>
    %add3A_1685 = arith.constant 16 : i32
    %add3A_1686 = vector.broadcast %add3A_1685 : i32 to vector<16xi32>
    %add3A_1687 = arith.addi %add3A_25, %add3A_1686 : vector<16xi32>
    %select_n3A_1688 = arith.select %lt3A_1684, %add3A_1687, %add3A_25 : vector<16xi1>, vector<16xi32>
    %broadcast_in_dim3A_1689 = vector.shape_cast %select_n3A_1688 : vector<16xi32> to vector<16x1xi32>
    %gather3A_1690 = vector.shape_cast %broadcast_in_dim3A_1689 : vector<16x1xi32> to vector<16xi32>
    %gather3A_1691 = tpu.dynamic_gather %get3A_1650[%gather3A_1690] in [0] : vector<16xi32>, vector<16xi32> -> vector<16xi32>
    %select_n3A_1692 = arith.select %lt3A_28, %gather3A_1681, %gather3A_1691 : vector<16xi1>, vector<16xi32>
    %swap3A_1693 = arith.constant 3 : i32
    %swap3A_1694 = arith.index_cast %swap3A_1693 : i32 to index
    %swap3A_1695 = arith.constant 48 : index
    %swap3A_1696 = tpu.vector_load %arg7[%swap3A_1694, %swap3A_1695] {strides = array<i32>} : memref<4x128xi32, #tpu.memory_space<vmem>>, vector<1x16xi32>,
    %swap3A_1697 = vector.shape_cast %swap3A_1696 : vector<1x16xi32> to vector<16xi32>
    %swap3A_1698 = vector.shape_cast %select_n3A_1671 : vector<16xi32> to vector<1x16xi32>
    tpu.vector_store %arg7[%swap3A_1694, %swap3A_1695], %swap3A_1698 {strides = array<i32>} : memref<4x128xi32, #tpu.memory_space<vmem>>, vector<1x16xi32>,
    %swap3A_1699 = arith.constant 3 : i32
    %swap3A_1700 = arith.index_cast %swap3A_1699 : i32 to index
    %swap3A_1701 = arith.constant 48 : index
    %swap3A_1702 = tpu.vector_load %arg8[%swap3A_1700, %swap3A_1701] {strides = array<i32>} : memref<4x128xi32, #tpu.memory_space<vmem>>, vector<1x16xi32>,
    %swap3A_1703 = vector.shape_cast %swap3A_1702 : vector<1x16xi32> to vector<16xi32>
    %swap3A_1704 = vector.shape_cast %select_n3A_1692 : vector<16xi32> to vector<1x16xi32>
    tpu.vector_store %arg8[%swap3A_1700, %swap3A_1701], %swap3A_1704 {strides = array<i32>} : memref<4x128xi32, #tpu.memory_space<vmem>>, vector<1x16xi32>,
    %get3A_1705 = arith.constant 896 : index
    %get3A_1706 = tpu.vector_load %arg6[%get3A_1705] {strides = array<i32>} : memref<1024xi32, #tpu.memory_space<vmem>>, vector<16xi32>,
    %get3A_1707 = vector.shape_cast %get3A_1706 : vector<16xi32> to vector<16xi32>
    %get3A_1708 = arith.constant 912 : index
    %get3A_1709 = tpu.vector_load %arg6[%get3A_1708] {strides = array<i32>} : memref<1024xi32, #tpu.memory_space<vmem>>, vector<16xi32>,
    %get3A_1710 = vector.shape_cast %get3A_1709 : vector<16xi32> to vector<16xi32>
    %lt3A_1711 = arith.constant 0 : i32
    %lt3A_1712 = vector.broadcast %lt3A_1711 : i32 to vector<16xi32>
    %lt3A_1713 = arith.cmpi slt, %select_n3A_22, %lt3A_1712 : vector<16xi32>
    %add3A_1714 = arith.constant 16 : i32
    %add3A_1715 = vector.broadcast %add3A_1714 : i32 to vector<16xi32>
    %add3A_1716 = arith.addi %select_n3A_22, %add3A_1715 : vector<16xi32>
    %select_n3A_1717 = arith.select %lt3A_1713, %add3A_1716, %select_n3A_22 : vector<16xi1>, vector<16xi32>
    %broadcast_in_dim3A_1718 = vector.shape_cast %select_n3A_1717 : vector<16xi32> to vector<16x1xi32>
    %gather3A_1719 = vector.shape_cast %broadcast_in_dim3A_1718 : vector<16x1xi32> to vector<16xi32>
    %gather3A_1720 = tpu.dynamic_gather %get3A_1707[%gather3A_1719] in [0] : vector<16xi32>, vector<16xi32> -> vector<16xi32>
    %lt3A_1721 = arith.constant 0 : i32
    %lt3A_1722 = vector.broadcast %lt3A_1721 : i32 to vector<16xi32>
    %lt3A_1723 = arith.cmpi slt, %select_n3A_22, %lt3A_1722 : vector<16xi32>
    %add3A_1724 = arith.constant 16 : i32
    %add3A_1725 = vector.broadcast %add3A_1724 : i32 to vector<16xi32>
    %add3A_1726 = arith.addi %select_n3A_22, %add3A_1725 : vector<16xi32>
    %select_n3A_1727 = arith.select %lt3A_1723, %add3A_1726, %select_n3A_22 : vector<16xi1>, vector<16xi32>
    %broadcast_in_dim3A_1728 = vector.shape_cast %select_n3A_1727 : vector<16xi32> to vector<16x1xi32>
    %gather3A_1729 = vector.shape_cast %broadcast_in_dim3A_1728 : vector<16x1xi32> to vector<16xi32>
    %gather3A_1730 = tpu.dynamic_gather %get3A_1710[%gather3A_1729] in [0] : vector<16xi32>, vector<16xi32> -> vector<16xi32>
    %select_n3A_1731 = arith.select %lt3A_28, %gather3A_1720, %gather3A_1730 : vector<16xi1>, vector<16xi32>
    %lt3A_1732 = arith.constant 0 : i32
    %lt3A_1733 = vector.broadcast %lt3A_1732 : i32 to vector<16xi32>
    %lt3A_1734 = arith.cmpi slt, %add3A_25, %lt3A_1733 : vector<16xi32>
    %add3A_1735 = arith.constant 16 : i32
    %add3A_1736 = vector.broadcast %add3A_1735 : i32 to vector<16xi32>
    %add3A_1737 = arith.addi %add3A_25, %add3A_1736 : vector<16xi32>
    %select_n3A_1738 = arith.select %lt3A_1734, %add3A_1737, %add3A_25 : vector<16xi1>, vector<16xi32>
    %broadcast_in_dim3A_1739 = vector.shape_cast %select_n3A_1738 : vector<16xi32> to vector<16x1xi32>
    %gather3A_1740 = vector.shape_cast %broadcast_in_dim3A_1739 : vector<16x1xi32> to vector<16xi32>
    %gather3A_1741 = tpu.dynamic_gather %get3A_1707[%gather3A_1740] in [0] : vector<16xi32>, vector<16xi32> -> vector<16xi32>
    %lt3A_1742 = arith.constant 0 : i32
    %lt3A_1743 = vector.broadcast %lt3A_1742 : i32 to vector<16xi32>
    %lt3A_1744 = arith.cmpi slt, %add3A_25, %lt3A_1743 : vector<16xi32>
    %add3A_1745 = arith.constant 16 : i32
    %add3A_1746 = vector.broadcast %add3A_1745 : i32 to vector<16xi32>
    %add3A_1747 = arith.addi %add3A_25, %add3A_1746 : vector<16xi32>
    %select_n3A_1748 = arith.select %lt3A_1744, %add3A_1747, %add3A_25 : vector<16xi1>, vector<16xi32>
    %broadcast_in_dim3A_1749 = vector.shape_cast %select_n3A_1748 : vector<16xi32> to vector<16x1xi32>
    %gather3A_1750 = vector.shape_cast %broadcast_in_dim3A_1749 : vector<16x1xi32> to vector<16xi32>
    %gather3A_1751 = tpu.dynamic_gather %get3A_1710[%gather3A_1750] in [0] : vector<16xi32>, vector<16xi32> -> vector<16xi32>
    %select_n3A_1752 = arith.select %lt3A_28, %gather3A_1741, %gather3A_1751 : vector<16xi1>, vector<16xi32>
    %swap3A_1753 = arith.constant 3 : i32
    %swap3A_1754 = arith.index_cast %swap3A_1753 : i32 to index
    %swap3A_1755 = arith.constant 64 : index
    %swap3A_1756 = tpu.vector_load %arg7[%swap3A_1754, %swap3A_1755] {strides = array<i32>} : memref<4x128xi32, #tpu.memory_space<vmem>>, vector<1x16xi32>,
    %swap3A_1757 = vector.shape_cast %swap3A_1756 : vector<1x16xi32> to vector<16xi32>
    %swap3A_1758 = vector.shape_cast %select_n3A_1731 : vector<16xi32> to vector<1x16xi32>
    tpu.vector_store %arg7[%swap3A_1754, %swap3A_1755], %swap3A_1758 {strides = array<i32>} : memref<4x128xi32, #tpu.memory_space<vmem>>, vector<1x16xi32>,
    %swap3A_1759 = arith.constant 3 : i32
    %swap3A_1760 = arith.index_cast %swap3A_1759 : i32 to index
    %swap3A_1761 = arith.constant 64 : index
    %swap3A_1762 = tpu.vector_load %arg8[%swap3A_1760, %swap3A_1761] {strides = array<i32>} : memref<4x128xi32, #tpu.memory_space<vmem>>, vector<1x16xi32>,
    %swap3A_1763 = vector.shape_cast %swap3A_1762 : vector<1x16xi32> to vector<16xi32>
    %swap3A_1764 = vector.shape_cast %select_n3A_1752 : vector<16xi32> to vector<1x16xi32>
    tpu.vector_store %arg8[%swap3A_1760, %swap3A_1761], %swap3A_1764 {strides = array<i32>} : memref<4x128xi32, #tpu.memory_space<vmem>>, vector<1x16xi32>,
    %get3A_1765 = arith.constant 928 : index
    %get3A_1766 = tpu.vector_load %arg6[%get3A_1765] {strides = array<i32>} : memref<1024xi32, #tpu.memory_space<vmem>>, vector<16xi32>,
    %get3A_1767 = vector.shape_cast %get3A_1766 : vector<16xi32> to vector<16xi32>
    %get3A_1768 = arith.constant 944 : index
    %get3A_1769 = tpu.vector_load %arg6[%get3A_1768] {strides = array<i32>} : memref<1024xi32, #tpu.memory_space<vmem>>, vector<16xi32>,
    %get3A_1770 = vector.shape_cast %get3A_1769 : vector<16xi32> to vector<16xi32>
    %lt3A_1771 = arith.constant 0 : i32
    %lt3A_1772 = vector.broadcast %lt3A_1771 : i32 to vector<16xi32>
    %lt3A_1773 = arith.cmpi slt, %select_n3A_22, %lt3A_1772 : vector<16xi32>
    %add3A_1774 = arith.constant 16 : i32
    %add3A_1775 = vector.broadcast %add3A_1774 : i32 to vector<16xi32>
    %add3A_1776 = arith.addi %select_n3A_22, %add3A_1775 : vector<16xi32>
    %select_n3A_1777 = arith.select %lt3A_1773, %add3A_1776, %select_n3A_22 : vector<16xi1>, vector<16xi32>
    %broadcast_in_dim3A_1778 = vector.shape_cast %select_n3A_1777 : vector<16xi32> to vector<16x1xi32>
    %gather3A_1779 = vector.shape_cast %broadcast_in_dim3A_1778 : vector<16x1xi32> to vector<16xi32>
    %gather3A_1780 = tpu.dynamic_gather %get3A_1767[%gather3A_1779] in [0] : vector<16xi32>, vector<16xi32> -> vector<16xi32>
    %lt3A_1781 = arith.constant 0 : i32
    %lt3A_1782 = vector.broadcast %lt3A_1781 : i32 to vector<16xi32>
    %lt3A_1783 = arith.cmpi slt, %select_n3A_22, %lt3A_1782 : vector<16xi32>
    %add3A_1784 = arith.constant 16 : i32
    %add3A_1785 = vector.broadcast %add3A_1784 : i32 to vector<16xi32>
    %add3A_1786 = arith.addi %select_n3A_22, %add3A_1785 : vector<16xi32>
    %select_n3A_1787 = arith.select %lt3A_1783, %add3A_1786, %select_n3A_22 : vector<16xi1>, vector<16xi32>
    %broadcast_in_dim3A_1788 = vector.shape_cast %select_n3A_1787 : vector<16xi32> to vector<16x1xi32>
    %gather3A_1789 = vector.shape_cast %broadcast_in_dim3A_1788 : vector<16x1xi32> to vector<16xi32>
    %gather3A_1790 = tpu.dynamic_gather %get3A_1770[%gather3A_1789] in [0] : vector<16xi32>, vector<16xi32> -> vector<16xi32>
    %select_n3A_1791 = arith.select %lt3A_28, %gather3A_1780, %gather3A_1790 : vector<16xi1>, vector<16xi32>
    %lt3A_1792 = arith.constant 0 : i32
    %lt3A_1793 = vector.broadcast %lt3A_1792 : i32 to vector<16xi32>
    %lt3A_1794 = arith.cmpi slt, %add3A_25, %lt3A_1793 : vector<16xi32>
    %add3A_1795 = arith.constant 16 : i32
    %add3A_1796 = vector.broadcast %add3A_1795 : i32 to vector<16xi32>
    %add3A_1797 = arith.addi %add3A_25, %add3A_1796 : vector<16xi32>
    %select_n3A_1798 = arith.select %lt3A_1794, %add3A_1797, %add3A_25 : vector<16xi1>, vector<16xi32>
    %broadcast_in_dim3A_1799 = vector.shape_cast %select_n3A_1798 : vector<16xi32> to vector<16x1xi32>
    %gather3A_1800 = vector.shape_cast %broadcast_in_dim3A_1799 : vector<16x1xi32> to vector<16xi32>
    %gather3A_1801 = tpu.dynamic_gather %get3A_1767[%gather3A_1800] in [0] : vector<16xi32>, vector<16xi32> -> vector<16xi32>
    %lt3A_1802 = arith.constant 0 : i32
    %lt3A_1803 = vector.broadcast %lt3A_1802 : i32 to vector<16xi32>
    %lt3A_1804 = arith.cmpi slt, %add3A_25, %lt3A_1803 : vector<16xi32>
    %add3A_1805 = arith.constant 16 : i32
    %add3A_1806 = vector.broadcast %add3A_1805 : i32 to vector<16xi32>
    %add3A_1807 = arith.addi %add3A_25, %add3A_1806 : vector<16xi32>
    %select_n3A_1808 = arith.select %lt3A_1804, %add3A_1807, %add3A_25 : vector<16xi1>, vector<16xi32>
    %broadcast_in_dim3A_1809 = vector.shape_cast %select_n3A_1808 : vector<16xi32> to vector<16x1xi32>
    %gather3A_1810 = vector.shape_cast %broadcast_in_dim3A_1809 : vector<16x1xi32> to vector<16xi32>
    %gather3A_1811 = tpu.dynamic_gather %get3A_1770[%gather3A_1810] in [0] : vector<16xi32>, vector<16xi32> -> vector<16xi32>
    %select_n3A_1812 = arith.select %lt3A_28, %gather3A_1801, %gather3A_1811 : vector<16xi1>, vector<16xi32>
    %swap3A_1813 = arith.constant 3 : i32
    %swap3A_1814 = arith.index_cast %swap3A_1813 : i32 to index
    %swap3A_1815 = arith.constant 80 : index
    %swap3A_1816 = tpu.vector_load %arg7[%swap3A_1814, %swap3A_1815] {strides = array<i32>} : memref<4x128xi32, #tpu.memory_space<vmem>>, vector<1x16xi32>,
    %swap3A_1817 = vector.shape_cast %swap3A_1816 : vector<1x16xi32> to vector<16xi32>
    %swap3A_1818 = vector.shape_cast %select_n3A_1791 : vector<16xi32> to vector<1x16xi32>
    tpu.vector_store %arg7[%swap3A_1814, %swap3A_1815], %swap3A_1818 {strides = array<i32>} : memref<4x128xi32, #tpu.memory_space<vmem>>, vector<1x16xi32>,
    %swap3A_1819 = arith.constant 3 : i32
    %swap3A_1820 = arith.index_cast %swap3A_1819 : i32 to index
    %swap3A_1821 = arith.constant 80 : index
    %swap3A_1822 = tpu.vector_load %arg8[%swap3A_1820, %swap3A_1821] {strides = array<i32>} : memref<4x128xi32, #tpu.memory_space<vmem>>, vector<1x16xi32>,
    %swap3A_1823 = vector.shape_cast %swap3A_1822 : vector<1x16xi32> to vector<16xi32>
    %swap3A_1824 = vector.shape_cast %select_n3A_1812 : vector<16xi32> to vector<1x16xi32>
    tpu.vector_store %arg8[%swap3A_1820, %swap3A_1821], %swap3A_1824 {strides = array<i32>} : memref<4x128xi32, #tpu.memory_space<vmem>>, vector<1x16xi32>,
    %get3A_1825 = arith.constant 960 : index
    %get3A_1826 = tpu.vector_load %arg6[%get3A_1825] {strides = array<i32>} : memref<1024xi32, #tpu.memory_space<vmem>>, vector<16xi32>,
    %get3A_1827 = vector.shape_cast %get3A_1826 : vector<16xi32> to vector<16xi32>
    %get3A_1828 = arith.constant 976 : index
    %get3A_1829 = tpu.vector_load %arg6[%get3A_1828] {strides = array<i32>} : memref<1024xi32, #tpu.memory_space<vmem>>, vector<16xi32>,
    %get3A_1830 = vector.shape_cast %get3A_1829 : vector<16xi32> to vector<16xi32>
    %lt3A_1831 = arith.constant 0 : i32
    %lt3A_1832 = vector.broadcast %lt3A_1831 : i32 to vector<16xi32>
    %lt3A_1833 = arith.cmpi slt, %select_n3A_22, %lt3A_1832 : vector<16xi32>
    %add3A_1834 = arith.constant 16 : i32
    %add3A_1835 = vector.broadcast %add3A_1834 : i32 to vector<16xi32>
    %add3A_1836 = arith.addi %select_n3A_22, %add3A_1835 : vector<16xi32>
    %select_n3A_1837 = arith.select %lt3A_1833, %add3A_1836, %select_n3A_22 : vector<16xi1>, vector<16xi32>
    %broadcast_in_dim3A_1838 = vector.shape_cast %select_n3A_1837 : vector<16xi32> to vector<16x1xi32>
    %gather3A_1839 = vector.shape_cast %broadcast_in_dim3A_1838 : vector<16x1xi32> to vector<16xi32>
    %gather3A_1840 = tpu.dynamic_gather %get3A_1827[%gather3A_1839] in [0] : vector<16xi32>, vector<16xi32> -> vector<16xi32>
    %lt3A_1841 = arith.constant 0 : i32
    %lt3A_1842 = vector.broadcast %lt3A_1841 : i32 to vector<16xi32>
    %lt3A_1843 = arith.cmpi slt, %select_n3A_22, %lt3A_1842 : vector<16xi32>
    %add3A_1844 = arith.constant 16 : i32
    %add3A_1845 = vector.broadcast %add3A_1844 : i32 to vector<16xi32>
    %add3A_1846 = arith.addi %select_n3A_22, %add3A_1845 : vector<16xi32>
    %select_n3A_1847 = arith.select %lt3A_1843, %add3A_1846, %select_n3A_22 : vector<16xi1>, vector<16xi32>
    %broadcast_in_dim3A_1848 = vector.shape_cast %select_n3A_1847 : vector<16xi32> to vector<16x1xi32>
    %gather3A_1849 = vector.shape_cast %broadcast_in_dim3A_1848 : vector<16x1xi32> to vector<16xi32>
    %gather3A_1850 = tpu.dynamic_gather %get3A_1830[%gather3A_1849] in [0] : vector<16xi32>, vector<16xi32> -> vector<16xi32>
    %select_n3A_1851 = arith.select %lt3A_28, %gather3A_1840, %gather3A_1850 : vector<16xi1>, vector<16xi32>
    %lt3A_1852 = arith.constant 0 : i32
    %lt3A_1853 = vector.broadcast %lt3A_1852 : i32 to vector<16xi32>
    %lt3A_1854 = arith.cmpi slt, %add3A_25, %lt3A_1853 : vector<16xi32>
    %add3A_1855 = arith.constant 16 : i32
    %add3A_1856 = vector.broadcast %add3A_1855 : i32 to vector<16xi32>
    %add3A_1857 = arith.addi %add3A_25, %add3A_1856 : vector<16xi32>
    %select_n3A_1858 = arith.select %lt3A_1854, %add3A_1857, %add3A_25 : vector<16xi1>, vector<16xi32>
    %broadcast_in_dim3A_1859 = vector.shape_cast %select_n3A_1858 : vector<16xi32> to vector<16x1xi32>
    %gather3A_1860 = vector.shape_cast %broadcast_in_dim3A_1859 : vector<16x1xi32> to vector<16xi32>
    %gather3A_1861 = tpu.dynamic_gather %get3A_1827[%gather3A_1860] in [0] : vector<16xi32>, vector<16xi32> -> vector<16xi32>
    %lt3A_1862 = arith.constant 0 : i32
    %lt3A_1863 = vector.broadcast %lt3A_1862 : i32 to vector<16xi32>
    %lt3A_1864 = arith.cmpi slt, %add3A_25, %lt3A_1863 : vector<16xi32>
    %add3A_1865 = arith.constant 16 : i32
    %add3A_1866 = vector.broadcast %add3A_1865 : i32 to vector<16xi32>
    %add3A_1867 = arith.addi %add3A_25, %add3A_1866 : vector<16xi32>
    %select_n3A_1868 = arith.select %lt3A_1864, %add3A_1867, %add3A_25 : vector<16xi1>, vector<16xi32>
    %broadcast_in_dim3A_1869 = vector.shape_cast %select_n3A_1868 : vector<16xi32> to vector<16x1xi32>
    %gather3A_1870 = vector.shape_cast %broadcast_in_dim3A_1869 : vector<16x1xi32> to vector<16xi32>
    %gather3A_1871 = tpu.dynamic_gather %get3A_1830[%gather3A_1870] in [0] : vector<16xi32>, vector<16xi32> -> vector<16xi32>
    %select_n3A_1872 = arith.select %lt3A_28, %gather3A_1861, %gather3A_1871 : vector<16xi1>, vector<16xi32>
    %swap3A_1873 = arith.constant 3 : i32
    %swap3A_1874 = arith.index_cast %swap3A_1873 : i32 to index
    %swap3A_1875 = arith.constant 96 : index
    %swap3A_1876 = tpu.vector_load %arg7[%swap3A_1874, %swap3A_1875] {strides = array<i32>} : memref<4x128xi32, #tpu.memory_space<vmem>>, vector<1x16xi32>,
    %swap3A_1877 = vector.shape_cast %swap3A_1876 : vector<1x16xi32> to vector<16xi32>
    %swap3A_1878 = vector.shape_cast %select_n3A_1851 : vector<16xi32> to vector<1x16xi32>
    tpu.vector_store %arg7[%swap3A_1874, %swap3A_1875], %swap3A_1878 {strides = array<i32>} : memref<4x128xi32, #tpu.memory_space<vmem>>, vector<1x16xi32>,
    %swap3A_1879 = arith.constant 3 : i32
    %swap3A_1880 = arith.index_cast %swap3A_1879 : i32 to index
    %swap3A_1881 = arith.constant 96 : index
    %swap3A_1882 = tpu.vector_load %arg8[%swap3A_1880, %swap3A_1881] {strides = array<i32>} : memref<4x128xi32, #tpu.memory_space<vmem>>, vector<1x16xi32>,
    %swap3A_1883 = vector.shape_cast %swap3A_1882 : vector<1x16xi32> to vector<16xi32>
    %swap3A_1884 = vector.shape_cast %select_n3A_1872 : vector<16xi32> to vector<1x16xi32>
    tpu.vector_store %arg8[%swap3A_1880, %swap3A_1881], %swap3A_1884 {strides = array<i32>} : memref<4x128xi32, #tpu.memory_space<vmem>>, vector<1x16xi32>,
    %get3A_1885 = arith.constant 992 : index
    %get3A_1886 = tpu.vector_load %arg6[%get3A_1885] {strides = array<i32>} : memref<1024xi32, #tpu.memory_space<vmem>>, vector<16xi32>,
    %get3A_1887 = vector.shape_cast %get3A_1886 : vector<16xi32> to vector<16xi32>
    %get3A_1888 = arith.constant 1008 : index
    %get3A_1889 = tpu.vector_load %arg6[%get3A_1888] {strides = array<i32>} : memref<1024xi32, #tpu.memory_space<vmem>>, vector<16xi32>,
    %get3A_1890 = vector.shape_cast %get3A_1889 : vector<16xi32> to vector<16xi32>
    %lt3A_1891 = arith.constant 0 : i32
    %lt3A_1892 = vector.broadcast %lt3A_1891 : i32 to vector<16xi32>
    %lt3A_1893 = arith.cmpi slt, %select_n3A_22, %lt3A_1892 : vector<16xi32>
    %add3A_1894 = arith.constant 16 : i32
    %add3A_1895 = vector.broadcast %add3A_1894 : i32 to vector<16xi32>
    %add3A_1896 = arith.addi %select_n3A_22, %add3A_1895 : vector<16xi32>
    %select_n3A_1897 = arith.select %lt3A_1893, %add3A_1896, %select_n3A_22 : vector<16xi1>, vector<16xi32>
    %broadcast_in_dim3A_1898 = vector.shape_cast %select_n3A_1897 : vector<16xi32> to vector<16x1xi32>
    %gather3A_1899 = vector.shape_cast %broadcast_in_dim3A_1898 : vector<16x1xi32> to vector<16xi32>
    %gather3A_1900 = tpu.dynamic_gather %get3A_1887[%gather3A_1899] in [0] : vector<16xi32>, vector<16xi32> -> vector<16xi32>
    %lt3A_1901 = arith.constant 0 : i32
    %lt3A_1902 = vector.broadcast %lt3A_1901 : i32 to vector<16xi32>
    %lt3A_1903 = arith.cmpi slt, %select_n3A_22, %lt3A_1902 : vector<16xi32>
    %add3A_1904 = arith.constant 16 : i32
    %add3A_1905 = vector.broadcast %add3A_1904 : i32 to vector<16xi32>
    %add3A_1906 = arith.addi %select_n3A_22, %add3A_1905 : vector<16xi32>
    %select_n3A_1907 = arith.select %lt3A_1903, %add3A_1906, %select_n3A_22 : vector<16xi1>, vector<16xi32>
    %broadcast_in_dim3A_1908 = vector.shape_cast %select_n3A_1907 : vector<16xi32> to vector<16x1xi32>
    %gather3A_1909 = vector.shape_cast %broadcast_in_dim3A_1908 : vector<16x1xi32> to vector<16xi32>
    %gather3A_1910 = tpu.dynamic_gather %get3A_1890[%gather3A_1909] in [0] : vector<16xi32>, vector<16xi32> -> vector<16xi32>
    %select_n3A_1911 = arith.select %lt3A_28, %gather3A_1900, %gather3A_1910 : vector<16xi1>, vector<16xi32>
    %lt3A_1912 = arith.constant 0 : i32
    %lt3A_1913 = vector.broadcast %lt3A_1912 : i32 to vector<16xi32>
    %lt3A_1914 = arith.cmpi slt, %add3A_25, %lt3A_1913 : vector<16xi32>
    %add3A_1915 = arith.constant 16 : i32
    %add3A_1916 = vector.broadcast %add3A_1915 : i32 to vector<16xi32>
    %add3A_1917 = arith.addi %add3A_25, %add3A_1916 : vector<16xi32>
    %select_n3A_1918 = arith.select %lt3A_1914, %add3A_1917, %add3A_25 : vector<16xi1>, vector<16xi32>
    %broadcast_in_dim3A_1919 = vector.shape_cast %select_n3A_1918 : vector<16xi32> to vector<16x1xi32>
    %gather3A_1920 = vector.shape_cast %broadcast_in_dim3A_1919 : vector<16x1xi32> to vector<16xi32>
    %gather3A_1921 = tpu.dynamic_gather %get3A_1887[%gather3A_1920] in [0] : vector<16xi32>, vector<16xi32> -> vector<16xi32>
    %lt3A_1922 = arith.constant 0 : i32
    %lt3A_1923 = vector.broadcast %lt3A_1922 : i32 to vector<16xi32>
    %lt3A_1924 = arith.cmpi slt, %add3A_25, %lt3A_1923 : vector<16xi32>
    %add3A_1925 = arith.constant 16 : i32
    %add3A_1926 = vector.broadcast %add3A_1925 : i32 to vector<16xi32>
    %add3A_1927 = arith.addi %add3A_25, %add3A_1926 : vector<16xi32>
    %select_n3A_1928 = arith.select %lt3A_1924, %add3A_1927, %add3A_25 : vector<16xi1>, vector<16xi32>
    %broadcast_in_dim3A_1929 = vector.shape_cast %select_n3A_1928 : vector<16xi32> to vector<16x1xi32>
    %gather3A_1930 = vector.shape_cast %broadcast_in_dim3A_1929 : vector<16x1xi32> to vector<16xi32>
    %gather3A_1931 = tpu.dynamic_gather %get3A_1890[%gather3A_1930] in [0] : vector<16xi32>, vector<16xi32> -> vector<16xi32>
    %select_n3A_1932 = arith.select %lt3A_28, %gather3A_1921, %gather3A_1931 : vector<16xi1>, vector<16xi32>
    %swap3A_1933 = arith.constant 3 : i32
    %swap3A_1934 = arith.index_cast %swap3A_1933 : i32 to index
    %swap3A_1935 = arith.constant 112 : index
    %swap3A_1936 = tpu.vector_load %arg7[%swap3A_1934, %swap3A_1935] {strides = array<i32>} : memref<4x128xi32, #tpu.memory_space<vmem>>, vector<1x16xi32>,
    %swap3A_1937 = vector.shape_cast %swap3A_1936 : vector<1x16xi32> to vector<16xi32>
    %swap3A_1938 = vector.shape_cast %select_n3A_1911 : vector<16xi32> to vector<1x16xi32>
    tpu.vector_store %arg7[%swap3A_1934, %swap3A_1935], %swap3A_1938 {strides = array<i32>} : memref<4x128xi32, #tpu.memory_space<vmem>>, vector<1x16xi32>,
    %swap3A_1939 = arith.constant 3 : i32
    %swap3A_1940 = arith.index_cast %swap3A_1939 : i32 to index
    %swap3A_1941 = arith.constant 112 : index
    %swap3A_1942 = tpu.vector_load %arg8[%swap3A_1940, %swap3A_1941] {strides = array<i32>} : memref<4x128xi32, #tpu.memory_space<vmem>>, vector<1x16xi32>,
    %swap3A_1943 = vector.shape_cast %swap3A_1942 : vector<1x16xi32> to vector<16xi32>
    %swap3A_1944 = vector.shape_cast %select_n3A_1932 : vector<16xi32> to vector<1x16xi32>
    tpu.vector_store %arg8[%swap3A_1940, %swap3A_1941], %swap3A_1944 {strides = array<i32>} : memref<4x128xi32, #tpu.memory_space<vmem>>, vector<1x16xi32>,
    %dma_start3A = arith.constant 0 : i32
    %dma_start3A_1945 = arith.constant 0 : i32
    %dma_start3A_1946 = arith.constant 0 : i32
    %dma_start3A_1947 = tpu.memref_slice %arg9[%dma_start3A_1945, %dma_start3A_1946] : memref<512x16xf32, #tpu.memory_space<vmem>> -> memref<128x16xf32, #tpu.memory_space<vmem>>
    %dma_start3A_1948 = arith.constant 0 : i32
    %dma_start3A_1949 = tpu.memref_slice %arg7[%dma_start3A, %dma_start3A_1948] : memref<4x128xi32, #tpu.memory_space<vmem>> -> memref<1x128xi32, #tpu.memory_space<vmem>>
    %dma_start3A_1950 = tpu.memref_squeeze %dma_start3A_1949 : memref<1x128xi32, #tpu.memory_space<vmem>> -> memref<128xi32, #tpu.memory_space<vmem>>
    %dma_start3A_1951 = arith.constant 0 : i32
    %dma_start3A_1952 = arith.constant 0 : i32
    %dma_start3A_1953 = tpu.memref_slice %arg3[%dma_start3A_1951, %dma_start3A_1952] : memref<1000000x16xf32, #tpu.memory_space<hbm>> -> memref<1000000x16xf32, #tpu.memory_space<hbm>>
    tpu.enqueue_indirect_dma source(%dma_start3A_1953 : memref<1000000x16xf32, #tpu.memory_space<hbm>>) target(%dma_start3A_1947 : memref<128x16xf32, #tpu.memory_space<vmem>>) offsets(%dma_start3A_1950 : memref<128xi32, #tpu.memory_space<vmem>>) semaphore(%arg12 : memref<!tpu.dma_semaphore, #tpu.memory_space<semaphore_mem>>)
    %dma_start3A_1954 = arith.constant 0 : i32
    %dma_start3A_1955 = arith.constant 0 : i32
    %dma_start3A_1956 = arith.constant 0 : i32
    %dma_start3A_1957 = tpu.memref_slice %arg10[%dma_start3A_1955, %dma_start3A_1956] : memref<512x16xf32, #tpu.memory_space<vmem>> -> memref<128x16xf32, #tpu.memory_space<vmem>>
    %dma_start3A_1958 = arith.constant 0 : i32
    %dma_start3A_1959 = tpu.memref_slice %arg8[%dma_start3A_1954, %dma_start3A_1958] : memref<4x128xi32, #tpu.memory_space<vmem>> -> memref<1x128xi32, #tpu.memory_space<vmem>>
    %dma_start3A_1960 = tpu.memref_squeeze %dma_start3A_1959 : memref<1x128xi32, #tpu.memory_space<vmem>> -> memref<128xi32, #tpu.memory_space<vmem>>
    %dma_start3A_1961 = arith.constant 0 : i32
    %dma_start3A_1962 = arith.constant 0 : i32
    %dma_start3A_1963 = tpu.memref_slice %arg4[%dma_start3A_1961, %dma_start3A_1962] : memref<1000000x16xf32, #tpu.memory_space<hbm>> -> memref<1000000x16xf32, #tpu.memory_space<hbm>>
    tpu.enqueue_indirect_dma source(%dma_start3A_1963 : memref<1000000x16xf32, #tpu.memory_space<hbm>>) target(%dma_start3A_1957 : memref<128x16xf32, #tpu.memory_space<vmem>>) offsets(%dma_start3A_1960 : memref<128xi32, #tpu.memory_space<vmem>>) semaphore(%arg12 : memref<!tpu.dma_semaphore, #tpu.memory_space<semaphore_mem>>)
    %dma_start3A_1964 = arith.constant 1 : i32
    %dma_start3A_1965 = arith.constant 128 : i32
    %dma_start3A_1966 = arith.constant 0 : i32
    %dma_start3A_1967 = tpu.memref_slice %arg9[%dma_start3A_1965, %dma_start3A_1966] : memref<512x16xf32, #tpu.memory_space<vmem>> -> memref<128x16xf32, #tpu.memory_space<vmem>>
    %dma_start3A_1968 = arith.constant 0 : i32
    %dma_start3A_1969 = tpu.memref_slice %arg7[%dma_start3A_1964, %dma_start3A_1968] : memref<4x128xi32, #tpu.memory_space<vmem>> -> memref<1x128xi32, #tpu.memory_space<vmem>>
    %dma_start3A_1970 = tpu.memref_squeeze %dma_start3A_1969 : memref<1x128xi32, #tpu.memory_space<vmem>> -> memref<128xi32, #tpu.memory_space<vmem>>
    %dma_start3A_1971 = arith.constant 0 : i32
    %dma_start3A_1972 = arith.constant 0 : i32
    %dma_start3A_1973 = tpu.memref_slice %arg3[%dma_start3A_1971, %dma_start3A_1972] : memref<1000000x16xf32, #tpu.memory_space<hbm>> -> memref<1000000x16xf32, #tpu.memory_space<hbm>>
    tpu.enqueue_indirect_dma source(%dma_start3A_1973 : memref<1000000x16xf32, #tpu.memory_space<hbm>>) target(%dma_start3A_1967 : memref<128x16xf32, #tpu.memory_space<vmem>>) offsets(%dma_start3A_1970 : memref<128xi32, #tpu.memory_space<vmem>>) semaphore(%arg12 : memref<!tpu.dma_semaphore, #tpu.memory_space<semaphore_mem>>)
    %dma_start3A_1974 = arith.constant 1 : i32
    %dma_start3A_1975 = arith.constant 128 : i32
    %dma_start3A_1976 = arith.constant 0 : i32
    %dma_start3A_1977 = tpu.memref_slice %arg10[%dma_start3A_1975, %dma_start3A_1976] : memref<512x16xf32, #tpu.memory_space<vmem>> -> memref<128x16xf32, #tpu.memory_space<vmem>>
    %dma_start3A_1978 = arith.constant 0 : i32
    %dma_start3A_1979 = tpu.memref_slice %arg8[%dma_start3A_1974, %dma_start3A_1978] : memref<4x128xi32, #tpu.memory_space<vmem>> -> memref<1x128xi32, #tpu.memory_space<vmem>>
    %dma_start3A_1980 = tpu.memref_squeeze %dma_start3A_1979 : memref<1x128xi32, #tpu.memory_space<vmem>> -> memref<128xi32, #tpu.memory_space<vmem>>
    %dma_start3A_1981 = arith.constant 0 : i32
    %dma_start3A_1982 = arith.constant 0 : i32
    %dma_start3A_1983 = tpu.memref_slice %arg4[%dma_start3A_1981, %dma_start3A_1982] : memref<1000000x16xf32, #tpu.memory_space<hbm>> -> memref<1000000x16xf32, #tpu.memory_space<hbm>>
    tpu.enqueue_indirect_dma source(%dma_start3A_1983 : memref<1000000x16xf32, #tpu.memory_space<hbm>>) target(%dma_start3A_1977 : memref<128x16xf32, #tpu.memory_space<vmem>>) offsets(%dma_start3A_1980 : memref<128xi32, #tpu.memory_space<vmem>>) semaphore(%arg12 : memref<!tpu.dma_semaphore, #tpu.memory_space<semaphore_mem>>)
    %dma_start3A_1984 = arith.constant 2 : i32
    %dma_start3A_1985 = arith.constant 256 : i32
    %dma_start3A_1986 = arith.constant 0 : i32
    %dma_start3A_1987 = tpu.memref_slice %arg9[%dma_start3A_1985, %dma_start3A_1986] : memref<512x16xf32, #tpu.memory_space<vmem>> -> memref<128x16xf32, #tpu.memory_space<vmem>>
    %dma_start3A_1988 = arith.constant 0 : i32
    %dma_start3A_1989 = tpu.memref_slice %arg7[%dma_start3A_1984, %dma_start3A_1988] : memref<4x128xi32, #tpu.memory_space<vmem>> -> memref<1x128xi32, #tpu.memory_space<vmem>>
    %dma_start3A_1990 = tpu.memref_squeeze %dma_start3A_1989 : memref<1x128xi32, #tpu.memory_space<vmem>> -> memref<128xi32, #tpu.memory_space<vmem>>
    %dma_start3A_1991 = arith.constant 0 : i32
    %dma_start3A_1992 = arith.constant 0 : i32
    %dma_start3A_1993 = tpu.memref_slice %arg3[%dma_start3A_1991, %dma_start3A_1992] : memref<1000000x16xf32, #tpu.memory_space<hbm>> -> memref<1000000x16xf32, #tpu.memory_space<hbm>>
    tpu.enqueue_indirect_dma source(%dma_start3A_1993 : memref<1000000x16xf32, #tpu.memory_space<hbm>>) target(%dma_start3A_1987 : memref<128x16xf32, #tpu.memory_space<vmem>>) offsets(%dma_start3A_1990 : memref<128xi32, #tpu.memory_space<vmem>>) semaphore(%arg12 : memref<!tpu.dma_semaphore, #tpu.memory_space<semaphore_mem>>)
    %dma_start3A_1994 = arith.constant 2 : i32
    %dma_start3A_1995 = arith.constant 256 : i32
    %dma_start3A_1996 = arith.constant 0 : i32
    %dma_start3A_1997 = tpu.memref_slice %arg10[%dma_start3A_1995, %dma_start3A_1996] : memref<512x16xf32, #tpu.memory_space<vmem>> -> memref<128x16xf32, #tpu.memory_space<vmem>>
    %dma_start3A_1998 = arith.constant 0 : i32
    %dma_start3A_1999 = tpu.memref_slice %arg8[%dma_start3A_1994, %dma_start3A_1998] : memref<4x128xi32, #tpu.memory_space<vmem>> -> memref<1x128xi32, #tpu.memory_space<vmem>>
    %dma_start3A_2000 = tpu.memref_squeeze %dma_start3A_1999 : memref<1x128xi32, #tpu.memory_space<vmem>> -> memref<128xi32, #tpu.memory_space<vmem>>
    %dma_start3A_2001 = arith.constant 0 : i32
    %dma_start3A_2002 = arith.constant 0 : i32
    %dma_start3A_2003 = tpu.memref_slice %arg4[%dma_start3A_2001, %dma_start3A_2002] : memref<1000000x16xf32, #tpu.memory_space<hbm>> -> memref<1000000x16xf32, #tpu.memory_space<hbm>>
    tpu.enqueue_indirect_dma source(%dma_start3A_2003 : memref<1000000x16xf32, #tpu.memory_space<hbm>>) target(%dma_start3A_1997 : memref<128x16xf32, #tpu.memory_space<vmem>>) offsets(%dma_start3A_2000 : memref<128xi32, #tpu.memory_space<vmem>>) semaphore(%arg12 : memref<!tpu.dma_semaphore, #tpu.memory_space<semaphore_mem>>)
    %dma_start3A_2004 = arith.constant 3 : i32
    %dma_start3A_2005 = arith.constant 384 : i32
    %dma_start3A_2006 = arith.constant 0 : i32
    %dma_start3A_2007 = tpu.memref_slice %arg9[%dma_start3A_2005, %dma_start3A_2006] : memref<512x16xf32, #tpu.memory_space<vmem>> -> memref<128x16xf32, #tpu.memory_space<vmem>>
    %dma_start3A_2008 = arith.constant 0 : i32
    %dma_start3A_2009 = tpu.memref_slice %arg7[%dma_start3A_2004, %dma_start3A_2008] : memref<4x128xi32, #tpu.memory_space<vmem>> -> memref<1x128xi32, #tpu.memory_space<vmem>>
    %dma_start3A_2010 = tpu.memref_squeeze %dma_start3A_2009 : memref<1x128xi32, #tpu.memory_space<vmem>> -> memref<128xi32, #tpu.memory_space<vmem>>
    %dma_start3A_2011 = arith.constant 0 : i32
    %dma_start3A_2012 = arith.constant 0 : i32
    %dma_start3A_2013 = tpu.memref_slice %arg3[%dma_start3A_2011, %dma_start3A_2012] : memref<1000000x16xf32, #tpu.memory_space<hbm>> -> memref<1000000x16xf32, #tpu.memory_space<hbm>>
    tpu.enqueue_indirect_dma source(%dma_start3A_2013 : memref<1000000x16xf32, #tpu.memory_space<hbm>>) target(%dma_start3A_2007 : memref<128x16xf32, #tpu.memory_space<vmem>>) offsets(%dma_start3A_2010 : memref<128xi32, #tpu.memory_space<vmem>>) semaphore(%arg12 : memref<!tpu.dma_semaphore, #tpu.memory_space<semaphore_mem>>)
    %dma_start3A_2014 = arith.constant 3 : i32
    %dma_start3A_2015 = arith.constant 384 : i32
    %dma_start3A_2016 = arith.constant 0 : i32
    %dma_start3A_2017 = tpu.memref_slice %arg10[%dma_start3A_2015, %dma_start3A_2016] : memref<512x16xf32, #tpu.memory_space<vmem>> -> memref<128x16xf32, #tpu.memory_space<vmem>>
    %dma_start3A_2018 = arith.constant 0 : i32
    %dma_start3A_2019 = tpu.memref_slice %arg8[%dma_start3A_2014, %dma_start3A_2018] : memref<4x128xi32, #tpu.memory_space<vmem>> -> memref<1x128xi32, #tpu.memory_space<vmem>>
    %dma_start3A_2020 = tpu.memref_squeeze %dma_start3A_2019 : memref<1x128xi32, #tpu.memory_space<vmem>> -> memref<128xi32, #tpu.memory_space<vmem>>
    %dma_start3A_2021 = arith.constant 0 : i32
    %dma_start3A_2022 = arith.constant 0 : i32
    %dma_start3A_2023 = tpu.memref_slice %arg4[%dma_start3A_2021, %dma_start3A_2022] : memref<1000000x16xf32, #tpu.memory_space<hbm>> -> memref<1000000x16xf32, #tpu.memory_space<hbm>>
    tpu.enqueue_indirect_dma source(%dma_start3A_2023 : memref<1000000x16xf32, #tpu.memory_space<hbm>>) target(%dma_start3A_2017 : memref<128x16xf32, #tpu.memory_space<vmem>>) offsets(%dma_start3A_2020 : memref<128xi32, #tpu.memory_space<vmem>>) semaphore(%arg12 : memref<!tpu.dma_semaphore, #tpu.memory_space<semaphore_mem>>)
    %dma_wait3A = arith.constant 0 : i32
    %dma_wait3A_2024 = arith.constant 0 : i32
    %dma_wait3A_2025 = arith.constant 0 : i32
    %dma_wait3A_2026 = tpu.memref_slice %arg9[%dma_wait3A_2024, %dma_wait3A_2025] : memref<512x16xf32, #tpu.memory_space<vmem>> -> memref<128x16xf32, #tpu.memory_space<vmem>>
    %dma_wait3A_2027 = arith.constant 0 : i32
    %dma_wait3A_2028 = tpu.memref_slice %arg7[%dma_wait3A, %dma_wait3A_2027] : memref<4x128xi32, #tpu.memory_space<vmem>> -> memref<1x128xi32, #tpu.memory_space<vmem>>
    %dma_wait3A_2029 = tpu.memref_squeeze %dma_wait3A_2028 : memref<1x128xi32, #tpu.memory_space<vmem>> -> memref<128xi32, #tpu.memory_space<vmem>>
    %dma_wait3A_2030 = arith.constant 0 : i32
    %dma_wait3A_2031 = arith.constant 0 : i32
    %dma_wait3A_2032 = tpu.memref_slice %arg3[%dma_wait3A_2030, %dma_wait3A_2031] : memref<1000000x16xf32, #tpu.memory_space<hbm>> -> memref<1000000x16xf32, #tpu.memory_space<hbm>>
    tpu.wait_indirect_dma semaphore(%arg12 : memref<!tpu.dma_semaphore, #tpu.memory_space<semaphore_mem>>) src(%dma_wait3A_2032 : memref<1000000x16xf32, #tpu.memory_space<hbm>>) dst(%dma_wait3A_2026 : memref<128x16xf32, #tpu.memory_space<vmem>>)
    %dma_wait3A_2033 = arith.constant 0 : i32
    %dma_wait3A_2034 = arith.constant 0 : i32
    %dma_wait3A_2035 = arith.constant 0 : i32
    %dma_wait3A_2036 = tpu.memref_slice %arg10[%dma_wait3A_2034, %dma_wait3A_2035] : memref<512x16xf32, #tpu.memory_space<vmem>> -> memref<128x16xf32, #tpu.memory_space<vmem>>
    %dma_wait3A_2037 = arith.constant 0 : i32
    %dma_wait3A_2038 = tpu.memref_slice %arg8[%dma_wait3A_2033, %dma_wait3A_2037] : memref<4x128xi32, #tpu.memory_space<vmem>> -> memref<1x128xi32, #tpu.memory_space<vmem>>
    %dma_wait3A_2039 = tpu.memref_squeeze %dma_wait3A_2038 : memref<1x128xi32, #tpu.memory_space<vmem>> -> memref<128xi32, #tpu.memory_space<vmem>>
    %dma_wait3A_2040 = arith.constant 0 : i32
    %dma_wait3A_2041 = arith.constant 0 : i32
    %dma_wait3A_2042 = tpu.memref_slice %arg4[%dma_wait3A_2040, %dma_wait3A_2041] : memref<1000000x16xf32, #tpu.memory_space<hbm>> -> memref<1000000x16xf32, #tpu.memory_space<hbm>>
    tpu.wait_indirect_dma semaphore(%arg12 : memref<!tpu.dma_semaphore, #tpu.memory_space<semaphore_mem>>) src(%dma_wait3A_2042 : memref<1000000x16xf32, #tpu.memory_space<hbm>>) dst(%dma_wait3A_2036 : memref<128x16xf32, #tpu.memory_space<vmem>>)
    %dma_wait3A_2043 = arith.constant 1 : i32
    %dma_wait3A_2044 = arith.constant 128 : i32
    %dma_wait3A_2045 = arith.constant 0 : i32
    %dma_wait3A_2046 = tpu.memref_slice %arg9[%dma_wait3A_2044, %dma_wait3A_2045] : memref<512x16xf32, #tpu.memory_space<vmem>> -> memref<128x16xf32, #tpu.memory_space<vmem>>
    %dma_wait3A_2047 = arith.constant 0 : i32
    %dma_wait3A_2048 = tpu.memref_slice %arg7[%dma_wait3A_2043, %dma_wait3A_2047] : memref<4x128xi32, #tpu.memory_space<vmem>> -> memref<1x128xi32, #tpu.memory_space<vmem>>
    %dma_wait3A_2049 = tpu.memref_squeeze %dma_wait3A_2048 : memref<1x128xi32, #tpu.memory_space<vmem>> -> memref<128xi32, #tpu.memory_space<vmem>>
    %dma_wait3A_2050 = arith.constant 0 : i32
    %dma_wait3A_2051 = arith.constant 0 : i32
    %dma_wait3A_2052 = tpu.memref_slice %arg3[%dma_wait3A_2050, %dma_wait3A_2051] : memref<1000000x16xf32, #tpu.memory_space<hbm>> -> memref<1000000x16xf32, #tpu.memory_space<hbm>>
    tpu.wait_indirect_dma semaphore(%arg12 : memref<!tpu.dma_semaphore, #tpu.memory_space<semaphore_mem>>) src(%dma_wait3A_2052 : memref<1000000x16xf32, #tpu.memory_space<hbm>>) dst(%dma_wait3A_2046 : memref<128x16xf32, #tpu.memory_space<vmem>>)
    %dma_wait3A_2053 = arith.constant 1 : i32
    %dma_wait3A_2054 = arith.constant 128 : i32
    %dma_wait3A_2055 = arith.constant 0 : i32
    %dma_wait3A_2056 = tpu.memref_slice %arg10[%dma_wait3A_2054, %dma_wait3A_2055] : memref<512x16xf32, #tpu.memory_space<vmem>> -> memref<128x16xf32, #tpu.memory_space<vmem>>
    %dma_wait3A_2057 = arith.constant 0 : i32
    %dma_wait3A_2058 = tpu.memref_slice %arg8[%dma_wait3A_2053, %dma_wait3A_2057] : memref<4x128xi32, #tpu.memory_space<vmem>> -> memref<1x128xi32, #tpu.memory_space<vmem>>
    %dma_wait3A_2059 = tpu.memref_squeeze %dma_wait3A_2058 : memref<1x128xi32, #tpu.memory_space<vmem>> -> memref<128xi32, #tpu.memory_space<vmem>>
    %dma_wait3A_2060 = arith.constant 0 : i32
    %dma_wait3A_2061 = arith.constant 0 : i32
    %dma_wait3A_2062 = tpu.memref_slice %arg4[%dma_wait3A_2060, %dma_wait3A_2061] : memref<1000000x16xf32, #tpu.memory_space<hbm>> -> memref<1000000x16xf32, #tpu.memory_space<hbm>>
    tpu.wait_indirect_dma semaphore(%arg12 : memref<!tpu.dma_semaphore, #tpu.memory_space<semaphore_mem>>) src(%dma_wait3A_2062 : memref<1000000x16xf32, #tpu.memory_space<hbm>>) dst(%dma_wait3A_2056 : memref<128x16xf32, #tpu.memory_space<vmem>>)
    %dma_wait3A_2063 = arith.constant 2 : i32
    %dma_wait3A_2064 = arith.constant 256 : i32
    %dma_wait3A_2065 = arith.constant 0 : i32
    %dma_wait3A_2066 = tpu.memref_slice %arg9[%dma_wait3A_2064, %dma_wait3A_2065] : memref<512x16xf32, #tpu.memory_space<vmem>> -> memref<128x16xf32, #tpu.memory_space<vmem>>
    %dma_wait3A_2067 = arith.constant 0 : i32
    %dma_wait3A_2068 = tpu.memref_slice %arg7[%dma_wait3A_2063, %dma_wait3A_2067] : memref<4x128xi32, #tpu.memory_space<vmem>> -> memref<1x128xi32, #tpu.memory_space<vmem>>
    %dma_wait3A_2069 = tpu.memref_squeeze %dma_wait3A_2068 : memref<1x128xi32, #tpu.memory_space<vmem>> -> memref<128xi32, #tpu.memory_space<vmem>>
    %dma_wait3A_2070 = arith.constant 0 : i32
    %dma_wait3A_2071 = arith.constant 0 : i32
    %dma_wait3A_2072 = tpu.memref_slice %arg3[%dma_wait3A_2070, %dma_wait3A_2071] : memref<1000000x16xf32, #tpu.memory_space<hbm>> -> memref<1000000x16xf32, #tpu.memory_space<hbm>>
    tpu.wait_indirect_dma semaphore(%arg12 : memref<!tpu.dma_semaphore, #tpu.memory_space<semaphore_mem>>) src(%dma_wait3A_2072 : memref<1000000x16xf32, #tpu.memory_space<hbm>>) dst(%dma_wait3A_2066 : memref<128x16xf32, #tpu.memory_space<vmem>>)
    %dma_wait3A_2073 = arith.constant 2 : i32
    %dma_wait3A_2074 = arith.constant 256 : i32
    %dma_wait3A_2075 = arith.constant 0 : i32
    %dma_wait3A_2076 = tpu.memref_slice %arg10[%dma_wait3A_2074, %dma_wait3A_2075] : memref<512x16xf32, #tpu.memory_space<vmem>> -> memref<128x16xf32, #tpu.memory_space<vmem>>
    %dma_wait3A_2077 = arith.constant 0 : i32
    %dma_wait3A_2078 = tpu.memref_slice %arg8[%dma_wait3A_2073, %dma_wait3A_2077] : memref<4x128xi32, #tpu.memory_space<vmem>> -> memref<1x128xi32, #tpu.memory_space<vmem>>
    %dma_wait3A_2079 = tpu.memref_squeeze %dma_wait3A_2078 : memref<1x128xi32, #tpu.memory_space<vmem>> -> memref<128xi32, #tpu.memory_space<vmem>>
    %dma_wait3A_2080 = arith.constant 0 : i32
    %dma_wait3A_2081 = arith.constant 0 : i32
    %dma_wait3A_2082 = tpu.memref_slice %arg4[%dma_wait3A_2080, %dma_wait3A_2081] : memref<1000000x16xf32, #tpu.memory_space<hbm>> -> memref<1000000x16xf32, #tpu.memory_space<hbm>>
    tpu.wait_indirect_dma semaphore(%arg12 : memref<!tpu.dma_semaphore, #tpu.memory_space<semaphore_mem>>) src(%dma_wait3A_2082 : memref<1000000x16xf32, #tpu.memory_space<hbm>>) dst(%dma_wait3A_2076 : memref<128x16xf32, #tpu.memory_space<vmem>>)
    %dma_wait3A_2083 = arith.constant 3 : i32
    %dma_wait3A_2084 = arith.constant 384 : i32
    %dma_wait3A_2085 = arith.constant 0 : i32
    %dma_wait3A_2086 = tpu.memref_slice %arg9[%dma_wait3A_2084, %dma_wait3A_2085] : memref<512x16xf32, #tpu.memory_space<vmem>> -> memref<128x16xf32, #tpu.memory_space<vmem>>
    %dma_wait3A_2087 = arith.constant 0 : i32
    %dma_wait3A_2088 = tpu.memref_slice %arg7[%dma_wait3A_2083, %dma_wait3A_2087] : memref<4x128xi32, #tpu.memory_space<vmem>> -> memref<1x128xi32, #tpu.memory_space<vmem>>
    %dma_wait3A_2089 = tpu.memref_squeeze %dma_wait3A_2088 : memref<1x128xi32, #tpu.memory_space<vmem>> -> memref<128xi32, #tpu.memory_space<vmem>>
    %dma_wait3A_2090 = arith.constant 0 : i32
    %dma_wait3A_2091 = arith.constant 0 : i32
    %dma_wait3A_2092 = tpu.memref_slice %arg3[%dma_wait3A_2090, %dma_wait3A_2091] : memref<1000000x16xf32, #tpu.memory_space<hbm>> -> memref<1000000x16xf32, #tpu.memory_space<hbm>>
    tpu.wait_indirect_dma semaphore(%arg12 : memref<!tpu.dma_semaphore, #tpu.memory_space<semaphore_mem>>) src(%dma_wait3A_2092 : memref<1000000x16xf32, #tpu.memory_space<hbm>>) dst(%dma_wait3A_2086 : memref<128x16xf32, #tpu.memory_space<vmem>>)
    %dma_wait3A_2093 = arith.constant 3 : i32
    %dma_wait3A_2094 = arith.constant 384 : i32
    %dma_wait3A_2095 = arith.constant 0 : i32
    %dma_wait3A_2096 = tpu.memref_slice %arg10[%dma_wait3A_2094, %dma_wait3A_2095] : memref<512x16xf32, #tpu.memory_space<vmem>> -> memref<128x16xf32, #tpu.memory_space<vmem>>
    %dma_wait3A_2097 = arith.constant 0 : i32
    %dma_wait3A_2098 = tpu.memref_slice %arg8[%dma_wait3A_2093, %dma_wait3A_2097] : memref<4x128xi32, #tpu.memory_space<vmem>> -> memref<1x128xi32, #tpu.memory_space<vmem>>
    %dma_wait3A_2099 = tpu.memref_squeeze %dma_wait3A_2098 : memref<1x128xi32, #tpu.memory_space<vmem>> -> memref<128xi32, #tpu.memory_space<vmem>>
    %dma_wait3A_2100 = arith.constant 0 : i32
    %dma_wait3A_2101 = arith.constant 0 : i32
    %dma_wait3A_2102 = tpu.memref_slice %arg4[%dma_wait3A_2100, %dma_wait3A_2101] : memref<1000000x16xf32, #tpu.memory_space<hbm>> -> memref<1000000x16xf32, #tpu.memory_space<hbm>>
    tpu.wait_indirect_dma semaphore(%arg12 : memref<!tpu.dma_semaphore, #tpu.memory_space<semaphore_mem>>) src(%dma_wait3A_2102 : memref<1000000x16xf32, #tpu.memory_space<hbm>>) dst(%dma_wait3A_2096 : memref<128x16xf32, #tpu.memory_space<vmem>>)
    %xor3A = arith.constant 1 : i32
    %xor3A_2103 = vector.broadcast %xor3A : i32 to vector<16xi32>
    %xor3A_2104 = arith.xori %iota3A, %xor3A_2103 : vector<16xi32>
    %xor3A_2105 = arith.constant 2 : i32
    %xor3A_2106 = vector.broadcast %xor3A_2105 : i32 to vector<16xi32>
    %xor3A_2107 = arith.xori %iota3A, %xor3A_2106 : vector<16xi32>
    %xor3A_2108 = arith.constant 4 : i32
    %xor3A_2109 = vector.broadcast %xor3A_2108 : i32 to vector<16xi32>
    %xor3A_2110 = arith.xori %iota3A, %xor3A_2109 : vector<16xi32>
    %xor3A_2111 = arith.constant 8 : i32
    %xor3A_2112 = vector.broadcast %xor3A_2111 : i32 to vector<16xi32>
    %xor3A_2113 = arith.xori %iota3A, %xor3A_2112 : vector<16xi32>
    %scan3A = arith.constant 0 : i32
    %scan3A_2114 = arith.constant 0 : i32
    %scan3A_2115 = arith.constant 32 : i32
    %scan3A_2116 = arith.addi %scan3A_2114, %scan3A_2115 : i32
    %scan3A_2117 = arith.constant 1 : i32
    scf.for %scan3A_2119 = %scan3A_2114 to %scan3A_2116 step %scan3A_2117  : i32 {
      %mul3A_2120 = arith.constant 16 : i32
      %mul3A_2121 = arith.muli %scan3A_2119, %mul3A_2120 : i32
      %broadcast_in_dim3A_2122 = arith.constant 0.000000e+00 : f32
      %broadcast_in_dim3A_2123 = vector.broadcast %broadcast_in_dim3A_2122 : f32 to vector<16xf32>
      %add3A_2124 = arith.constant 0 : i32
      %add3A_2125 = arith.addi %mul3A_2121, %add3A_2124 : i32
      %get3A_2126 = arith.index_cast %add3A_2125 : i32 to index
      %get3A_2127 = arith.constant 0 : index
      %get3A_2128 = tpu.vector_load %arg9[%get3A_2126, %get3A_2127] {strides = array<i32>} : memref<512x16xf32, #tpu.memory_space<vmem>>, vector<1x16xf32>,
      %get3A_2129 = vector.shape_cast %get3A_2128 : vector<1x16xf32> to vector<16xf32>
      %add3A_2130 = arith.constant 0 : i32
      %add3A_2131 = arith.addi %mul3A_2121, %add3A_2130 : i32
      %get3A_2132 = arith.index_cast %add3A_2131 : i32 to index
      %get3A_2133 = arith.constant 0 : index
      %get3A_2134 = tpu.vector_load %arg10[%get3A_2132, %get3A_2133] {strides = array<i32>} : memref<512x16xf32, #tpu.memory_space<vmem>>, vector<1x16xf32>,
      %get3A_2135 = vector.shape_cast %get3A_2134 : vector<1x16xf32> to vector<16xf32>
      %mul3A_2136 = arith.mulf %get3A_2129, %get3A_2135 : vector<16xf32>
      %lt3A_2137 = arith.constant 0 : i32
      %lt3A_2138 = vector.broadcast %lt3A_2137 : i32 to vector<16xi32>
      %lt3A_2139 = arith.cmpi slt, %xor3A_2104, %lt3A_2138 : vector<16xi32>
      %add3A_2140 = arith.constant 16 : i32
      %add3A_2141 = vector.broadcast %add3A_2140 : i32 to vector<16xi32>
      %add3A_2142 = arith.addi %xor3A_2104, %add3A_2141 : vector<16xi32>
      %select_n3A_2143 = arith.select %lt3A_2139, %add3A_2142, %xor3A_2104 : vector<16xi1>, vector<16xi32>
      %broadcast_in_dim3A_2144 = vector.shape_cast %select_n3A_2143 : vector<16xi32> to vector<16x1xi32>
      %gather3A_2145 = vector.shape_cast %broadcast_in_dim3A_2144 : vector<16x1xi32> to vector<16xi32>
      %gather3A_2146 = tpu.dynamic_gather %mul3A_2136[%gather3A_2145] in [0] : vector<16xf32>, vector<16xi32> -> vector<16xf32>
      %add3A_2147 = arith.addf %mul3A_2136, %gather3A_2146 : vector<16xf32>
      %lt3A_2148 = arith.constant 0 : i32
      %lt3A_2149 = vector.broadcast %lt3A_2148 : i32 to vector<16xi32>
      %lt3A_2150 = arith.cmpi slt, %xor3A_2107, %lt3A_2149 : vector<16xi32>
      %add3A_2151 = arith.constant 16 : i32
      %add3A_2152 = vector.broadcast %add3A_2151 : i32 to vector<16xi32>
      %add3A_2153 = arith.addi %xor3A_2107, %add3A_2152 : vector<16xi32>
      %select_n3A_2154 = arith.select %lt3A_2150, %add3A_2153, %xor3A_2107 : vector<16xi1>, vector<16xi32>
      %broadcast_in_dim3A_2155 = vector.shape_cast %select_n3A_2154 : vector<16xi32> to vector<16x1xi32>
      %gather3A_2156 = vector.shape_cast %broadcast_in_dim3A_2155 : vector<16x1xi32> to vector<16xi32>
      %gather3A_2157 = tpu.dynamic_gather %add3A_2147[%gather3A_2156] in [0] : vector<16xf32>, vector<16xi32> -> vector<16xf32>
      %add3A_2158 = arith.addf %add3A_2147, %gather3A_2157 : vector<16xf32>
      %lt3A_2159 = arith.constant 0 : i32
      %lt3A_2160 = vector.broadcast %lt3A_2159 : i32 to vector<16xi32>
      %lt3A_2161 = arith.cmpi slt, %xor3A_2110, %lt3A_2160 : vector<16xi32>
      %add3A_2162 = arith.constant 16 : i32
      %add3A_2163 = vector.broadcast %add3A_2162 : i32 to vector<16xi32>
      %add3A_2164 = arith.addi %xor3A_2110, %add3A_2163 : vector<16xi32>
      %select_n3A_2165 = arith.select %lt3A_2161, %add3A_2164, %xor3A_2110 : vector<16xi1>, vector<16xi32>
      %broadcast_in_dim3A_2166 = vector.shape_cast %select_n3A_2165 : vector<16xi32> to vector<16x1xi32>
      %gather3A_2167 = vector.shape_cast %broadcast_in_dim3A_2166 : vector<16x1xi32> to vector<16xi32>
      %gather3A_2168 = tpu.dynamic_gather %add3A_2158[%gather3A_2167] in [0] : vector<16xf32>, vector<16xi32> -> vector<16xf32>
      %add3A_2169 = arith.addf %add3A_2158, %gather3A_2168 : vector<16xf32>
      %lt3A_2170 = arith.constant 0 : i32
      %lt3A_2171 = vector.broadcast %lt3A_2170 : i32 to vector<16xi32>
      %lt3A_2172 = arith.cmpi slt, %xor3A_2113, %lt3A_2171 : vector<16xi32>
      %add3A_2173 = arith.constant 16 : i32
      %add3A_2174 = vector.broadcast %add3A_2173 : i32 to vector<16xi32>
      %add3A_2175 = arith.addi %xor3A_2113, %add3A_2174 : vector<16xi32>
      %select_n3A_2176 = arith.select %lt3A_2172, %add3A_2175, %xor3A_2113 : vector<16xi1>, vector<16xi32>
      %broadcast_in_dim3A_2177 = vector.shape_cast %select_n3A_2176 : vector<16xi32> to vector<16x1xi32>
      %gather3A_2178 = vector.shape_cast %broadcast_in_dim3A_2177 : vector<16x1xi32> to vector<16xi32>
      %gather3A_2179 = tpu.dynamic_gather %add3A_2169[%gather3A_2178] in [0] : vector<16xf32>, vector<16xi32> -> vector<16xf32>
      %add3A_2180 = arith.addf %add3A_2169, %gather3A_2179 : vector<16xf32>
      %eq3A_2181 = arith.constant 0 : i32
      %eq3A_2182 = vector.broadcast %eq3A_2181 : i32 to vector<16xi32>
      %eq3A_2183 = arith.cmpi eq, %iota3A, %eq3A_2182 : vector<16xi32>
      %select_n3A_2184 = arith.select %eq3A_2183, %add3A_2180, %broadcast_in_dim3A_2123 : vector<16xi1>, vector<16xf32>
      %add3A_2185 = arith.constant 1 : i32
      %add3A_2186 = arith.addi %mul3A_2121, %add3A_2185 : i32
      %get3A_2187 = arith.index_cast %add3A_2186 : i32 to index
      %get3A_2188 = arith.constant 0 : index
      %get3A_2189 = tpu.vector_load %arg9[%get3A_2187, %get3A_2188] {strides = array<i32>} : memref<512x16xf32, #tpu.memory_space<vmem>>, vector<1x16xf32>,
      %get3A_2190 = vector.shape_cast %get3A_2189 : vector<1x16xf32> to vector<16xf32>
      %add3A_2191 = arith.constant 1 : i32
      %add3A_2192 = arith.addi %mul3A_2121, %add3A_2191 : i32
      %get3A_2193 = arith.index_cast %add3A_2192 : i32 to index
      %get3A_2194 = arith.constant 0 : index
      %get3A_2195 = tpu.vector_load %arg10[%get3A_2193, %get3A_2194] {strides = array<i32>} : memref<512x16xf32, #tpu.memory_space<vmem>>, vector<1x16xf32>,
      %get3A_2196 = vector.shape_cast %get3A_2195 : vector<1x16xf32> to vector<16xf32>
      %mul3A_2197 = arith.mulf %get3A_2190, %get3A_2196 : vector<16xf32>
      %lt3A_2198 = arith.constant 0 : i32
      %lt3A_2199 = vector.broadcast %lt3A_2198 : i32 to vector<16xi32>
      %lt3A_2200 = arith.cmpi slt, %xor3A_2104, %lt3A_2199 : vector<16xi32>
      %add3A_2201 = arith.constant 16 : i32
      %add3A_2202 = vector.broadcast %add3A_2201 : i32 to vector<16xi32>
      %add3A_2203 = arith.addi %xor3A_2104, %add3A_2202 : vector<16xi32>
      %select_n3A_2204 = arith.select %lt3A_2200, %add3A_2203, %xor3A_2104 : vector<16xi1>, vector<16xi32>
      %broadcast_in_dim3A_2205 = vector.shape_cast %select_n3A_2204 : vector<16xi32> to vector<16x1xi32>
      %gather3A_2206 = vector.shape_cast %broadcast_in_dim3A_2205 : vector<16x1xi32> to vector<16xi32>
      %gather3A_2207 = tpu.dynamic_gather %mul3A_2197[%gather3A_2206] in [0] : vector<16xf32>, vector<16xi32> -> vector<16xf32>
      %add3A_2208 = arith.addf %mul3A_2197, %gather3A_2207 : vector<16xf32>
      %lt3A_2209 = arith.constant 0 : i32
      %lt3A_2210 = vector.broadcast %lt3A_2209 : i32 to vector<16xi32>
      %lt3A_2211 = arith.cmpi slt, %xor3A_2107, %lt3A_2210 : vector<16xi32>
      %add3A_2212 = arith.constant 16 : i32
      %add3A_2213 = vector.broadcast %add3A_2212 : i32 to vector<16xi32>
      %add3A_2214 = arith.addi %xor3A_2107, %add3A_2213 : vector<16xi32>
      %select_n3A_2215 = arith.select %lt3A_2211, %add3A_2214, %xor3A_2107 : vector<16xi1>, vector<16xi32>
      %broadcast_in_dim3A_2216 = vector.shape_cast %select_n3A_2215 : vector<16xi32> to vector<16x1xi32>
      %gather3A_2217 = vector.shape_cast %broadcast_in_dim3A_2216 : vector<16x1xi32> to vector<16xi32>
      %gather3A_2218 = tpu.dynamic_gather %add3A_2208[%gather3A_2217] in [0] : vector<16xf32>, vector<16xi32> -> vector<16xf32>
      %add3A_2219 = arith.addf %add3A_2208, %gather3A_2218 : vector<16xf32>
      %lt3A_2220 = arith.constant 0 : i32
      %lt3A_2221 = vector.broadcast %lt3A_2220 : i32 to vector<16xi32>
      %lt3A_2222 = arith.cmpi slt, %xor3A_2110, %lt3A_2221 : vector<16xi32>
      %add3A_2223 = arith.constant 16 : i32
      %add3A_2224 = vector.broadcast %add3A_2223 : i32 to vector<16xi32>
      %add3A_2225 = arith.addi %xor3A_2110, %add3A_2224 : vector<16xi32>
      %select_n3A_2226 = arith.select %lt3A_2222, %add3A_2225, %xor3A_2110 : vector<16xi1>, vector<16xi32>
      %broadcast_in_dim3A_2227 = vector.shape_cast %select_n3A_2226 : vector<16xi32> to vector<16x1xi32>
      %gather3A_2228 = vector.shape_cast %broadcast_in_dim3A_2227 : vector<16x1xi32> to vector<16xi32>
      %gather3A_2229 = tpu.dynamic_gather %add3A_2219[%gather3A_2228] in [0] : vector<16xf32>, vector<16xi32> -> vector<16xf32>
      %add3A_2230 = arith.addf %add3A_2219, %gather3A_2229 : vector<16xf32>
      %lt3A_2231 = arith.constant 0 : i32
      %lt3A_2232 = vector.broadcast %lt3A_2231 : i32 to vector<16xi32>
      %lt3A_2233 = arith.cmpi slt, %xor3A_2113, %lt3A_2232 : vector<16xi32>
      %add3A_2234 = arith.constant 16 : i32
      %add3A_2235 = vector.broadcast %add3A_2234 : i32 to vector<16xi32>
      %add3A_2236 = arith.addi %xor3A_2113, %add3A_2235 : vector<16xi32>
      %select_n3A_2237 = arith.select %lt3A_2233, %add3A_2236, %xor3A_2113 : vector<16xi1>, vector<16xi32>
      %broadcast_in_dim3A_2238 = vector.shape_cast %select_n3A_2237 : vector<16xi32> to vector<16x1xi32>
      %gather3A_2239 = vector.shape_cast %broadcast_in_dim3A_2238 : vector<16x1xi32> to vector<16xi32>
      %gather3A_2240 = tpu.dynamic_gather %add3A_2230[%gather3A_2239] in [0] : vector<16xf32>, vector<16xi32> -> vector<16xf32>
      %add3A_2241 = arith.addf %add3A_2230, %gather3A_2240 : vector<16xf32>
      %eq3A_2242 = arith.constant 1 : i32
      %eq3A_2243 = vector.broadcast %eq3A_2242 : i32 to vector<16xi32>
      %eq3A_2244 = arith.cmpi eq, %iota3A, %eq3A_2243 : vector<16xi32>
      %select_n3A_2245 = arith.select %eq3A_2244, %add3A_2241, %select_n3A_2184 : vector<16xi1>, vector<16xf32>
      %add3A_2246 = arith.constant 2 : i32
      %add3A_2247 = arith.addi %mul3A_2121, %add3A_2246 : i32
      %get3A_2248 = arith.index_cast %add3A_2247 : i32 to index
      %get3A_2249 = arith.constant 0 : index
      %get3A_2250 = tpu.vector_load %arg9[%get3A_2248, %get3A_2249] {strides = array<i32>} : memref<512x16xf32, #tpu.memory_space<vmem>>, vector<1x16xf32>,
      %get3A_2251 = vector.shape_cast %get3A_2250 : vector<1x16xf32> to vector<16xf32>
      %add3A_2252 = arith.constant 2 : i32
      %add3A_2253 = arith.addi %mul3A_2121, %add3A_2252 : i32
      %get3A_2254 = arith.index_cast %add3A_2253 : i32 to index
      %get3A_2255 = arith.constant 0 : index
      %get3A_2256 = tpu.vector_load %arg10[%get3A_2254, %get3A_2255] {strides = array<i32>} : memref<512x16xf32, #tpu.memory_space<vmem>>, vector<1x16xf32>,
      %get3A_2257 = vector.shape_cast %get3A_2256 : vector<1x16xf32> to vector<16xf32>
      %mul3A_2258 = arith.mulf %get3A_2251, %get3A_2257 : vector<16xf32>
      %lt3A_2259 = arith.constant 0 : i32
      %lt3A_2260 = vector.broadcast %lt3A_2259 : i32 to vector<16xi32>
      %lt3A_2261 = arith.cmpi slt, %xor3A_2104, %lt3A_2260 : vector<16xi32>
      %add3A_2262 = arith.constant 16 : i32
      %add3A_2263 = vector.broadcast %add3A_2262 : i32 to vector<16xi32>
      %add3A_2264 = arith.addi %xor3A_2104, %add3A_2263 : vector<16xi32>
      %select_n3A_2265 = arith.select %lt3A_2261, %add3A_2264, %xor3A_2104 : vector<16xi1>, vector<16xi32>
      %broadcast_in_dim3A_2266 = vector.shape_cast %select_n3A_2265 : vector<16xi32> to vector<16x1xi32>
      %gather3A_2267 = vector.shape_cast %broadcast_in_dim3A_2266 : vector<16x1xi32> to vector<16xi32>
      %gather3A_2268 = tpu.dynamic_gather %mul3A_2258[%gather3A_2267] in [0] : vector<16xf32>, vector<16xi32> -> vector<16xf32>
      %add3A_2269 = arith.addf %mul3A_2258, %gather3A_2268 : vector<16xf32>
      %lt3A_2270 = arith.constant 0 : i32
      %lt3A_2271 = vector.broadcast %lt3A_2270 : i32 to vector<16xi32>
      %lt3A_2272 = arith.cmpi slt, %xor3A_2107, %lt3A_2271 : vector<16xi32>
      %add3A_2273 = arith.constant 16 : i32
      %add3A_2274 = vector.broadcast %add3A_2273 : i32 to vector<16xi32>
      %add3A_2275 = arith.addi %xor3A_2107, %add3A_2274 : vector<16xi32>
      %select_n3A_2276 = arith.select %lt3A_2272, %add3A_2275, %xor3A_2107 : vector<16xi1>, vector<16xi32>
      %broadcast_in_dim3A_2277 = vector.shape_cast %select_n3A_2276 : vector<16xi32> to vector<16x1xi32>
      %gather3A_2278 = vector.shape_cast %broadcast_in_dim3A_2277 : vector<16x1xi32> to vector<16xi32>
      %gather3A_2279 = tpu.dynamic_gather %add3A_2269[%gather3A_2278] in [0] : vector<16xf32>, vector<16xi32> -> vector<16xf32>
      %add3A_2280 = arith.addf %add3A_2269, %gather3A_2279 : vector<16xf32>
      %lt3A_2281 = arith.constant 0 : i32
      %lt3A_2282 = vector.broadcast %lt3A_2281 : i32 to vector<16xi32>
      %lt3A_2283 = arith.cmpi slt, %xor3A_2110, %lt3A_2282 : vector<16xi32>
      %add3A_2284 = arith.constant 16 : i32
      %add3A_2285 = vector.broadcast %add3A_2284 : i32 to vector<16xi32>
      %add3A_2286 = arith.addi %xor3A_2110, %add3A_2285 : vector<16xi32>
      %select_n3A_2287 = arith.select %lt3A_2283, %add3A_2286, %xor3A_2110 : vector<16xi1>, vector<16xi32>
      %broadcast_in_dim3A_2288 = vector.shape_cast %select_n3A_2287 : vector<16xi32> to vector<16x1xi32>
      %gather3A_2289 = vector.shape_cast %broadcast_in_dim3A_2288 : vector<16x1xi32> to vector<16xi32>
      %gather3A_2290 = tpu.dynamic_gather %add3A_2280[%gather3A_2289] in [0] : vector<16xf32>, vector<16xi32> -> vector<16xf32>
      %add3A_2291 = arith.addf %add3A_2280, %gather3A_2290 : vector<16xf32>
      %lt3A_2292 = arith.constant 0 : i32
      %lt3A_2293 = vector.broadcast %lt3A_2292 : i32 to vector<16xi32>
      %lt3A_2294 = arith.cmpi slt, %xor3A_2113, %lt3A_2293 : vector<16xi32>
      %add3A_2295 = arith.constant 16 : i32
      %add3A_2296 = vector.broadcast %add3A_2295 : i32 to vector<16xi32>
      %add3A_2297 = arith.addi %xor3A_2113, %add3A_2296 : vector<16xi32>
      %select_n3A_2298 = arith.select %lt3A_2294, %add3A_2297, %xor3A_2113 : vector<16xi1>, vector<16xi32>
      %broadcast_in_dim3A_2299 = vector.shape_cast %select_n3A_2298 : vector<16xi32> to vector<16x1xi32>
      %gather3A_2300 = vector.shape_cast %broadcast_in_dim3A_2299 : vector<16x1xi32> to vector<16xi32>
      %gather3A_2301 = tpu.dynamic_gather %add3A_2291[%gather3A_2300] in [0] : vector<16xf32>, vector<16xi32> -> vector<16xf32>
      %add3A_2302 = arith.addf %add3A_2291, %gather3A_2301 : vector<16xf32>
      %eq3A_2303 = arith.constant 2 : i32
      %eq3A_2304 = vector.broadcast %eq3A_2303 : i32 to vector<16xi32>
      %eq3A_2305 = arith.cmpi eq, %iota3A, %eq3A_2304 : vector<16xi32>
      %select_n3A_2306 = arith.select %eq3A_2305, %add3A_2302, %select_n3A_2245 : vector<16xi1>, vector<16xf32>
      %add3A_2307 = arith.constant 3 : i32
      %add3A_2308 = arith.addi %mul3A_2121, %add3A_2307 : i32
      %get3A_2309 = arith.index_cast %add3A_2308 : i32 to index
      %get3A_2310 = arith.constant 0 : index
      %get3A_2311 = tpu.vector_load %arg9[%get3A_2309, %get3A_2310] {strides = array<i32>} : memref<512x16xf32, #tpu.memory_space<vmem>>, vector<1x16xf32>,
      %get3A_2312 = vector.shape_cast %get3A_2311 : vector<1x16xf32> to vector<16xf32>
      %add3A_2313 = arith.constant 3 : i32
      %add3A_2314 = arith.addi %mul3A_2121, %add3A_2313 : i32
      %get3A_2315 = arith.index_cast %add3A_2314 : i32 to index
      %get3A_2316 = arith.constant 0 : index
      %get3A_2317 = tpu.vector_load %arg10[%get3A_2315, %get3A_2316] {strides = array<i32>} : memref<512x16xf32, #tpu.memory_space<vmem>>, vector<1x16xf32>,
      %get3A_2318 = vector.shape_cast %get3A_2317 : vector<1x16xf32> to vector<16xf32>
      %mul3A_2319 = arith.mulf %get3A_2312, %get3A_2318 : vector<16xf32>
      %lt3A_2320 = arith.constant 0 : i32
      %lt3A_2321 = vector.broadcast %lt3A_2320 : i32 to vector<16xi32>
      %lt3A_2322 = arith.cmpi slt, %xor3A_2104, %lt3A_2321 : vector<16xi32>
      %add3A_2323 = arith.constant 16 : i32
      %add3A_2324 = vector.broadcast %add3A_2323 : i32 to vector<16xi32>
      %add3A_2325 = arith.addi %xor3A_2104, %add3A_2324 : vector<16xi32>
      %select_n3A_2326 = arith.select %lt3A_2322, %add3A_2325, %xor3A_2104 : vector<16xi1>, vector<16xi32>
      %broadcast_in_dim3A_2327 = vector.shape_cast %select_n3A_2326 : vector<16xi32> to vector<16x1xi32>
      %gather3A_2328 = vector.shape_cast %broadcast_in_dim3A_2327 : vector<16x1xi32> to vector<16xi32>
      %gather3A_2329 = tpu.dynamic_gather %mul3A_2319[%gather3A_2328] in [0] : vector<16xf32>, vector<16xi32> -> vector<16xf32>
      %add3A_2330 = arith.addf %mul3A_2319, %gather3A_2329 : vector<16xf32>
      %lt3A_2331 = arith.constant 0 : i32
      %lt3A_2332 = vector.broadcast %lt3A_2331 : i32 to vector<16xi32>
      %lt3A_2333 = arith.cmpi slt, %xor3A_2107, %lt3A_2332 : vector<16xi32>
      %add3A_2334 = arith.constant 16 : i32
      %add3A_2335 = vector.broadcast %add3A_2334 : i32 to vector<16xi32>
      %add3A_2336 = arith.addi %xor3A_2107, %add3A_2335 : vector<16xi32>
      %select_n3A_2337 = arith.select %lt3A_2333, %add3A_2336, %xor3A_2107 : vector<16xi1>, vector<16xi32>
      %broadcast_in_dim3A_2338 = vector.shape_cast %select_n3A_2337 : vector<16xi32> to vector<16x1xi32>
      %gather3A_2339 = vector.shape_cast %broadcast_in_dim3A_2338 : vector<16x1xi32> to vector<16xi32>
      %gather3A_2340 = tpu.dynamic_gather %add3A_2330[%gather3A_2339] in [0] : vector<16xf32>, vector<16xi32> -> vector<16xf32>
      %add3A_2341 = arith.addf %add3A_2330, %gather3A_2340 : vector<16xf32>
      %lt3A_2342 = arith.constant 0 : i32
      %lt3A_2343 = vector.broadcast %lt3A_2342 : i32 to vector<16xi32>
      %lt3A_2344 = arith.cmpi slt, %xor3A_2110, %lt3A_2343 : vector<16xi32>
      %add3A_2345 = arith.constant 16 : i32
      %add3A_2346 = vector.broadcast %add3A_2345 : i32 to vector<16xi32>
      %add3A_2347 = arith.addi %xor3A_2110, %add3A_2346 : vector<16xi32>
      %select_n3A_2348 = arith.select %lt3A_2344, %add3A_2347, %xor3A_2110 : vector<16xi1>, vector<16xi32>
      %broadcast_in_dim3A_2349 = vector.shape_cast %select_n3A_2348 : vector<16xi32> to vector<16x1xi32>
      %gather3A_2350 = vector.shape_cast %broadcast_in_dim3A_2349 : vector<16x1xi32> to vector<16xi32>
      %gather3A_2351 = tpu.dynamic_gather %add3A_2341[%gather3A_2350] in [0] : vector<16xf32>, vector<16xi32> -> vector<16xf32>
      %add3A_2352 = arith.addf %add3A_2341, %gather3A_2351 : vector<16xf32>
      %lt3A_2353 = arith.constant 0 : i32
      %lt3A_2354 = vector.broadcast %lt3A_2353 : i32 to vector<16xi32>
      %lt3A_2355 = arith.cmpi slt, %xor3A_2113, %lt3A_2354 : vector<16xi32>
      %add3A_2356 = arith.constant 16 : i32
      %add3A_2357 = vector.broadcast %add3A_2356 : i32 to vector<16xi32>
      %add3A_2358 = arith.addi %xor3A_2113, %add3A_2357 : vector<16xi32>
      %select_n3A_2359 = arith.select %lt3A_2355, %add3A_2358, %xor3A_2113 : vector<16xi1>, vector<16xi32>
      %broadcast_in_dim3A_2360 = vector.shape_cast %select_n3A_2359 : vector<16xi32> to vector<16x1xi32>
      %gather3A_2361 = vector.shape_cast %broadcast_in_dim3A_2360 : vector<16x1xi32> to vector<16xi32>
      %gather3A_2362 = tpu.dynamic_gather %add3A_2352[%gather3A_2361] in [0] : vector<16xf32>, vector<16xi32> -> vector<16xf32>
      %add3A_2363 = arith.addf %add3A_2352, %gather3A_2362 : vector<16xf32>
      %eq3A_2364 = arith.constant 3 : i32
      %eq3A_2365 = vector.broadcast %eq3A_2364 : i32 to vector<16xi32>
      %eq3A_2366 = arith.cmpi eq, %iota3A, %eq3A_2365 : vector<16xi32>
      %select_n3A_2367 = arith.select %eq3A_2366, %add3A_2363, %select_n3A_2306 : vector<16xi1>, vector<16xf32>
      %add3A_2368 = arith.constant 4 : i32
      %add3A_2369 = arith.addi %mul3A_2121, %add3A_2368 : i32
      %get3A_2370 = arith.index_cast %add3A_2369 : i32 to index
      %get3A_2371 = arith.constant 0 : index
      %get3A_2372 = tpu.vector_load %arg9[%get3A_2370, %get3A_2371] {strides = array<i32>} : memref<512x16xf32, #tpu.memory_space<vmem>>, vector<1x16xf32>,
      %get3A_2373 = vector.shape_cast %get3A_2372 : vector<1x16xf32> to vector<16xf32>
      %add3A_2374 = arith.constant 4 : i32
      %add3A_2375 = arith.addi %mul3A_2121, %add3A_2374 : i32
      %get3A_2376 = arith.index_cast %add3A_2375 : i32 to index
      %get3A_2377 = arith.constant 0 : index
      %get3A_2378 = tpu.vector_load %arg10[%get3A_2376, %get3A_2377] {strides = array<i32>} : memref<512x16xf32, #tpu.memory_space<vmem>>, vector<1x16xf32>,
      %get3A_2379 = vector.shape_cast %get3A_2378 : vector<1x16xf32> to vector<16xf32>
      %mul3A_2380 = arith.mulf %get3A_2373, %get3A_2379 : vector<16xf32>
      %lt3A_2381 = arith.constant 0 : i32
      %lt3A_2382 = vector.broadcast %lt3A_2381 : i32 to vector<16xi32>
      %lt3A_2383 = arith.cmpi slt, %xor3A_2104, %lt3A_2382 : vector<16xi32>
      %add3A_2384 = arith.constant 16 : i32
      %add3A_2385 = vector.broadcast %add3A_2384 : i32 to vector<16xi32>
      %add3A_2386 = arith.addi %xor3A_2104, %add3A_2385 : vector<16xi32>
      %select_n3A_2387 = arith.select %lt3A_2383, %add3A_2386, %xor3A_2104 : vector<16xi1>, vector<16xi32>
      %broadcast_in_dim3A_2388 = vector.shape_cast %select_n3A_2387 : vector<16xi32> to vector<16x1xi32>
      %gather3A_2389 = vector.shape_cast %broadcast_in_dim3A_2388 : vector<16x1xi32> to vector<16xi32>
      %gather3A_2390 = tpu.dynamic_gather %mul3A_2380[%gather3A_2389] in [0] : vector<16xf32>, vector<16xi32> -> vector<16xf32>
      %add3A_2391 = arith.addf %mul3A_2380, %gather3A_2390 : vector<16xf32>
      %lt3A_2392 = arith.constant 0 : i32
      %lt3A_2393 = vector.broadcast %lt3A_2392 : i32 to vector<16xi32>
      %lt3A_2394 = arith.cmpi slt, %xor3A_2107, %lt3A_2393 : vector<16xi32>
      %add3A_2395 = arith.constant 16 : i32
      %add3A_2396 = vector.broadcast %add3A_2395 : i32 to vector<16xi32>
      %add3A_2397 = arith.addi %xor3A_2107, %add3A_2396 : vector<16xi32>
      %select_n3A_2398 = arith.select %lt3A_2394, %add3A_2397, %xor3A_2107 : vector<16xi1>, vector<16xi32>
      %broadcast_in_dim3A_2399 = vector.shape_cast %select_n3A_2398 : vector<16xi32> to vector<16x1xi32>
      %gather3A_2400 = vector.shape_cast %broadcast_in_dim3A_2399 : vector<16x1xi32> to vector<16xi32>
      %gather3A_2401 = tpu.dynamic_gather %add3A_2391[%gather3A_2400] in [0] : vector<16xf32>, vector<16xi32> -> vector<16xf32>
      %add3A_2402 = arith.addf %add3A_2391, %gather3A_2401 : vector<16xf32>
      %lt3A_2403 = arith.constant 0 : i32
      %lt3A_2404 = vector.broadcast %lt3A_2403 : i32 to vector<16xi32>
      %lt3A_2405 = arith.cmpi slt, %xor3A_2110, %lt3A_2404 : vector<16xi32>
      %add3A_2406 = arith.constant 16 : i32
      %add3A_2407 = vector.broadcast %add3A_2406 : i32 to vector<16xi32>
      %add3A_2408 = arith.addi %xor3A_2110, %add3A_2407 : vector<16xi32>
      %select_n3A_2409 = arith.select %lt3A_2405, %add3A_2408, %xor3A_2110 : vector<16xi1>, vector<16xi32>
      %broadcast_in_dim3A_2410 = vector.shape_cast %select_n3A_2409 : vector<16xi32> to vector<16x1xi32>
      %gather3A_2411 = vector.shape_cast %broadcast_in_dim3A_2410 : vector<16x1xi32> to vector<16xi32>
      %gather3A_2412 = tpu.dynamic_gather %add3A_2402[%gather3A_2411] in [0] : vector<16xf32>, vector<16xi32> -> vector<16xf32>
      %add3A_2413 = arith.addf %add3A_2402, %gather3A_2412 : vector<16xf32>
      %lt3A_2414 = arith.constant 0 : i32
      %lt3A_2415 = vector.broadcast %lt3A_2414 : i32 to vector<16xi32>
      %lt3A_2416 = arith.cmpi slt, %xor3A_2113, %lt3A_2415 : vector<16xi32>
      %add3A_2417 = arith.constant 16 : i32
      %add3A_2418 = vector.broadcast %add3A_2417 : i32 to vector<16xi32>
      %add3A_2419 = arith.addi %xor3A_2113, %add3A_2418 : vector<16xi32>
      %select_n3A_2420 = arith.select %lt3A_2416, %add3A_2419, %xor3A_2113 : vector<16xi1>, vector<16xi32>
      %broadcast_in_dim3A_2421 = vector.shape_cast %select_n3A_2420 : vector<16xi32> to vector<16x1xi32>
      %gather3A_2422 = vector.shape_cast %broadcast_in_dim3A_2421 : vector<16x1xi32> to vector<16xi32>
      %gather3A_2423 = tpu.dynamic_gather %add3A_2413[%gather3A_2422] in [0] : vector<16xf32>, vector<16xi32> -> vector<16xf32>
      %add3A_2424 = arith.addf %add3A_2413, %gather3A_2423 : vector<16xf32>
      %eq3A_2425 = arith.constant 4 : i32
      %eq3A_2426 = vector.broadcast %eq3A_2425 : i32 to vector<16xi32>
      %eq3A_2427 = arith.cmpi eq, %iota3A, %eq3A_2426 : vector<16xi32>
      %select_n3A_2428 = arith.select %eq3A_2427, %add3A_2424, %select_n3A_2367 : vector<16xi1>, vector<16xf32>
      %add3A_2429 = arith.constant 5 : i32
      %add3A_2430 = arith.addi %mul3A_2121, %add3A_2429 : i32
      %get3A_2431 = arith.index_cast %add3A_2430 : i32 to index
      %get3A_2432 = arith.constant 0 : index
      %get3A_2433 = tpu.vector_load %arg9[%get3A_2431, %get3A_2432] {strides = array<i32>} : memref<512x16xf32, #tpu.memory_space<vmem>>, vector<1x16xf32>,
      %get3A_2434 = vector.shape_cast %get3A_2433 : vector<1x16xf32> to vector<16xf32>
      %add3A_2435 = arith.constant 5 : i32
      %add3A_2436 = arith.addi %mul3A_2121, %add3A_2435 : i32
      %get3A_2437 = arith.index_cast %add3A_2436 : i32 to index
      %get3A_2438 = arith.constant 0 : index
      %get3A_2439 = tpu.vector_load %arg10[%get3A_2437, %get3A_2438] {strides = array<i32>} : memref<512x16xf32, #tpu.memory_space<vmem>>, vector<1x16xf32>,
      %get3A_2440 = vector.shape_cast %get3A_2439 : vector<1x16xf32> to vector<16xf32>
      %mul3A_2441 = arith.mulf %get3A_2434, %get3A_2440 : vector<16xf32>
      %lt3A_2442 = arith.constant 0 : i32
      %lt3A_2443 = vector.broadcast %lt3A_2442 : i32 to vector<16xi32>
      %lt3A_2444 = arith.cmpi slt, %xor3A_2104, %lt3A_2443 : vector<16xi32>
      %add3A_2445 = arith.constant 16 : i32
      %add3A_2446 = vector.broadcast %add3A_2445 : i32 to vector<16xi32>
      %add3A_2447 = arith.addi %xor3A_2104, %add3A_2446 : vector<16xi32>
      %select_n3A_2448 = arith.select %lt3A_2444, %add3A_2447, %xor3A_2104 : vector<16xi1>, vector<16xi32>
      %broadcast_in_dim3A_2449 = vector.shape_cast %select_n3A_2448 : vector<16xi32> to vector<16x1xi32>
      %gather3A_2450 = vector.shape_cast %broadcast_in_dim3A_2449 : vector<16x1xi32> to vector<16xi32>
      %gather3A_2451 = tpu.dynamic_gather %mul3A_2441[%gather3A_2450] in [0] : vector<16xf32>, vector<16xi32> -> vector<16xf32>
      %add3A_2452 = arith.addf %mul3A_2441, %gather3A_2451 : vector<16xf32>
      %lt3A_2453 = arith.constant 0 : i32
      %lt3A_2454 = vector.broadcast %lt3A_2453 : i32 to vector<16xi32>
      %lt3A_2455 = arith.cmpi slt, %xor3A_2107, %lt3A_2454 : vector<16xi32>
      %add3A_2456 = arith.constant 16 : i32
      %add3A_2457 = vector.broadcast %add3A_2456 : i32 to vector<16xi32>
      %add3A_2458 = arith.addi %xor3A_2107, %add3A_2457 : vector<16xi32>
      %select_n3A_2459 = arith.select %lt3A_2455, %add3A_2458, %xor3A_2107 : vector<16xi1>, vector<16xi32>
      %broadcast_in_dim3A_2460 = vector.shape_cast %select_n3A_2459 : vector<16xi32> to vector<16x1xi32>
      %gather3A_2461 = vector.shape_cast %broadcast_in_dim3A_2460 : vector<16x1xi32> to vector<16xi32>
      %gather3A_2462 = tpu.dynamic_gather %add3A_2452[%gather3A_2461] in [0] : vector<16xf32>, vector<16xi32> -> vector<16xf32>
      %add3A_2463 = arith.addf %add3A_2452, %gather3A_2462 : vector<16xf32>
      %lt3A_2464 = arith.constant 0 : i32
      %lt3A_2465 = vector.broadcast %lt3A_2464 : i32 to vector<16xi32>
      %lt3A_2466 = arith.cmpi slt, %xor3A_2110, %lt3A_2465 : vector<16xi32>
      %add3A_2467 = arith.constant 16 : i32
      %add3A_2468 = vector.broadcast %add3A_2467 : i32 to vector<16xi32>
      %add3A_2469 = arith.addi %xor3A_2110, %add3A_2468 : vector<16xi32>
      %select_n3A_2470 = arith.select %lt3A_2466, %add3A_2469, %xor3A_2110 : vector<16xi1>, vector<16xi32>
      %broadcast_in_dim3A_2471 = vector.shape_cast %select_n3A_2470 : vector<16xi32> to vector<16x1xi32>
      %gather3A_2472 = vector.shape_cast %broadcast_in_dim3A_2471 : vector<16x1xi32> to vector<16xi32>
      %gather3A_2473 = tpu.dynamic_gather %add3A_2463[%gather3A_2472] in [0] : vector<16xf32>, vector<16xi32> -> vector<16xf32>
      %add3A_2474 = arith.addf %add3A_2463, %gather3A_2473 : vector<16xf32>
      %lt3A_2475 = arith.constant 0 : i32
      %lt3A_2476 = vector.broadcast %lt3A_2475 : i32 to vector<16xi32>
      %lt3A_2477 = arith.cmpi slt, %xor3A_2113, %lt3A_2476 : vector<16xi32>
      %add3A_2478 = arith.constant 16 : i32
      %add3A_2479 = vector.broadcast %add3A_2478 : i32 to vector<16xi32>
      %add3A_2480 = arith.addi %xor3A_2113, %add3A_2479 : vector<16xi32>
      %select_n3A_2481 = arith.select %lt3A_2477, %add3A_2480, %xor3A_2113 : vector<16xi1>, vector<16xi32>
      %broadcast_in_dim3A_2482 = vector.shape_cast %select_n3A_2481 : vector<16xi32> to vector<16x1xi32>
      %gather3A_2483 = vector.shape_cast %broadcast_in_dim3A_2482 : vector<16x1xi32> to vector<16xi32>
      %gather3A_2484 = tpu.dynamic_gather %add3A_2474[%gather3A_2483] in [0] : vector<16xf32>, vector<16xi32> -> vector<16xf32>
      %add3A_2485 = arith.addf %add3A_2474, %gather3A_2484 : vector<16xf32>
      %eq3A_2486 = arith.constant 5 : i32
      %eq3A_2487 = vector.broadcast %eq3A_2486 : i32 to vector<16xi32>
      %eq3A_2488 = arith.cmpi eq, %iota3A, %eq3A_2487 : vector<16xi32>
      %select_n3A_2489 = arith.select %eq3A_2488, %add3A_2485, %select_n3A_2428 : vector<16xi1>, vector<16xf32>
      %add3A_2490 = arith.constant 6 : i32
      %add3A_2491 = arith.addi %mul3A_2121, %add3A_2490 : i32
      %get3A_2492 = arith.index_cast %add3A_2491 : i32 to index
      %get3A_2493 = arith.constant 0 : index
      %get3A_2494 = tpu.vector_load %arg9[%get3A_2492, %get3A_2493] {strides = array<i32>} : memref<512x16xf32, #tpu.memory_space<vmem>>, vector<1x16xf32>,
      %get3A_2495 = vector.shape_cast %get3A_2494 : vector<1x16xf32> to vector<16xf32>
      %add3A_2496 = arith.constant 6 : i32
      %add3A_2497 = arith.addi %mul3A_2121, %add3A_2496 : i32
      %get3A_2498 = arith.index_cast %add3A_2497 : i32 to index
      %get3A_2499 = arith.constant 0 : index
      %get3A_2500 = tpu.vector_load %arg10[%get3A_2498, %get3A_2499] {strides = array<i32>} : memref<512x16xf32, #tpu.memory_space<vmem>>, vector<1x16xf32>,
      %get3A_2501 = vector.shape_cast %get3A_2500 : vector<1x16xf32> to vector<16xf32>
      %mul3A_2502 = arith.mulf %get3A_2495, %get3A_2501 : vector<16xf32>
      %lt3A_2503 = arith.constant 0 : i32
      %lt3A_2504 = vector.broadcast %lt3A_2503 : i32 to vector<16xi32>
      %lt3A_2505 = arith.cmpi slt, %xor3A_2104, %lt3A_2504 : vector<16xi32>
      %add3A_2506 = arith.constant 16 : i32
      %add3A_2507 = vector.broadcast %add3A_2506 : i32 to vector<16xi32>
      %add3A_2508 = arith.addi %xor3A_2104, %add3A_2507 : vector<16xi32>
      %select_n3A_2509 = arith.select %lt3A_2505, %add3A_2508, %xor3A_2104 : vector<16xi1>, vector<16xi32>
      %broadcast_in_dim3A_2510 = vector.shape_cast %select_n3A_2509 : vector<16xi32> to vector<16x1xi32>
      %gather3A_2511 = vector.shape_cast %broadcast_in_dim3A_2510 : vector<16x1xi32> to vector<16xi32>
      %gather3A_2512 = tpu.dynamic_gather %mul3A_2502[%gather3A_2511] in [0] : vector<16xf32>, vector<16xi32> -> vector<16xf32>
      %add3A_2513 = arith.addf %mul3A_2502, %gather3A_2512 : vector<16xf32>
      %lt3A_2514 = arith.constant 0 : i32
      %lt3A_2515 = vector.broadcast %lt3A_2514 : i32 to vector<16xi32>
      %lt3A_2516 = arith.cmpi slt, %xor3A_2107, %lt3A_2515 : vector<16xi32>
      %add3A_2517 = arith.constant 16 : i32
      %add3A_2518 = vector.broadcast %add3A_2517 : i32 to vector<16xi32>
      %add3A_2519 = arith.addi %xor3A_2107, %add3A_2518 : vector<16xi32>
      %select_n3A_2520 = arith.select %lt3A_2516, %add3A_2519, %xor3A_2107 : vector<16xi1>, vector<16xi32>
      %broadcast_in_dim3A_2521 = vector.shape_cast %select_n3A_2520 : vector<16xi32> to vector<16x1xi32>
      %gather3A_2522 = vector.shape_cast %broadcast_in_dim3A_2521 : vector<16x1xi32> to vector<16xi32>
      %gather3A_2523 = tpu.dynamic_gather %add3A_2513[%gather3A_2522] in [0] : vector<16xf32>, vector<16xi32> -> vector<16xf32>
      %add3A_2524 = arith.addf %add3A_2513, %gather3A_2523 : vector<16xf32>
      %lt3A_2525 = arith.constant 0 : i32
      %lt3A_2526 = vector.broadcast %lt3A_2525 : i32 to vector<16xi32>
      %lt3A_2527 = arith.cmpi slt, %xor3A_2110, %lt3A_2526 : vector<16xi32>
      %add3A_2528 = arith.constant 16 : i32
      %add3A_2529 = vector.broadcast %add3A_2528 : i32 to vector<16xi32>
      %add3A_2530 = arith.addi %xor3A_2110, %add3A_2529 : vector<16xi32>
      %select_n3A_2531 = arith.select %lt3A_2527, %add3A_2530, %xor3A_2110 : vector<16xi1>, vector<16xi32>
      %broadcast_in_dim3A_2532 = vector.shape_cast %select_n3A_2531 : vector<16xi32> to vector<16x1xi32>
      %gather3A_2533 = vector.shape_cast %broadcast_in_dim3A_2532 : vector<16x1xi32> to vector<16xi32>
      %gather3A_2534 = tpu.dynamic_gather %add3A_2524[%gather3A_2533] in [0] : vector<16xf32>, vector<16xi32> -> vector<16xf32>
      %add3A_2535 = arith.addf %add3A_2524, %gather3A_2534 : vector<16xf32>
      %lt3A_2536 = arith.constant 0 : i32
      %lt3A_2537 = vector.broadcast %lt3A_2536 : i32 to vector<16xi32>
      %lt3A_2538 = arith.cmpi slt, %xor3A_2113, %lt3A_2537 : vector<16xi32>
      %add3A_2539 = arith.constant 16 : i32
      %add3A_2540 = vector.broadcast %add3A_2539 : i32 to vector<16xi32>
      %add3A_2541 = arith.addi %xor3A_2113, %add3A_2540 : vector<16xi32>
      %select_n3A_2542 = arith.select %lt3A_2538, %add3A_2541, %xor3A_2113 : vector<16xi1>, vector<16xi32>
      %broadcast_in_dim3A_2543 = vector.shape_cast %select_n3A_2542 : vector<16xi32> to vector<16x1xi32>
      %gather3A_2544 = vector.shape_cast %broadcast_in_dim3A_2543 : vector<16x1xi32> to vector<16xi32>
      %gather3A_2545 = tpu.dynamic_gather %add3A_2535[%gather3A_2544] in [0] : vector<16xf32>, vector<16xi32> -> vector<16xf32>
      %add3A_2546 = arith.addf %add3A_2535, %gather3A_2545 : vector<16xf32>
      %eq3A_2547 = arith.constant 6 : i32
      %eq3A_2548 = vector.broadcast %eq3A_2547 : i32 to vector<16xi32>
      %eq3A_2549 = arith.cmpi eq, %iota3A, %eq3A_2548 : vector<16xi32>
      %select_n3A_2550 = arith.select %eq3A_2549, %add3A_2546, %select_n3A_2489 : vector<16xi1>, vector<16xf32>
      %add3A_2551 = arith.constant 7 : i32
      %add3A_2552 = arith.addi %mul3A_2121, %add3A_2551 : i32
      %get3A_2553 = arith.index_cast %add3A_2552 : i32 to index
      %get3A_2554 = arith.constant 0 : index
      %get3A_2555 = tpu.vector_load %arg9[%get3A_2553, %get3A_2554] {strides = array<i32>} : memref<512x16xf32, #tpu.memory_space<vmem>>, vector<1x16xf32>,
      %get3A_2556 = vector.shape_cast %get3A_2555 : vector<1x16xf32> to vector<16xf32>
      %add3A_2557 = arith.constant 7 : i32
      %add3A_2558 = arith.addi %mul3A_2121, %add3A_2557 : i32
      %get3A_2559 = arith.index_cast %add3A_2558 : i32 to index
      %get3A_2560 = arith.constant 0 : index
      %get3A_2561 = tpu.vector_load %arg10[%get3A_2559, %get3A_2560] {strides = array<i32>} : memref<512x16xf32, #tpu.memory_space<vmem>>, vector<1x16xf32>,
      %get3A_2562 = vector.shape_cast %get3A_2561 : vector<1x16xf32> to vector<16xf32>
      %mul3A_2563 = arith.mulf %get3A_2556, %get3A_2562 : vector<16xf32>
      %lt3A_2564 = arith.constant 0 : i32
      %lt3A_2565 = vector.broadcast %lt3A_2564 : i32 to vector<16xi32>
      %lt3A_2566 = arith.cmpi slt, %xor3A_2104, %lt3A_2565 : vector<16xi32>
      %add3A_2567 = arith.constant 16 : i32
      %add3A_2568 = vector.broadcast %add3A_2567 : i32 to vector<16xi32>
      %add3A_2569 = arith.addi %xor3A_2104, %add3A_2568 : vector<16xi32>
      %select_n3A_2570 = arith.select %lt3A_2566, %add3A_2569, %xor3A_2104 : vector<16xi1>, vector<16xi32>
      %broadcast_in_dim3A_2571 = vector.shape_cast %select_n3A_2570 : vector<16xi32> to vector<16x1xi32>
      %gather3A_2572 = vector.shape_cast %broadcast_in_dim3A_2571 : vector<16x1xi32> to vector<16xi32>
      %gather3A_2573 = tpu.dynamic_gather %mul3A_2563[%gather3A_2572] in [0] : vector<16xf32>, vector<16xi32> -> vector<16xf32>
      %add3A_2574 = arith.addf %mul3A_2563, %gather3A_2573 : vector<16xf32>
      %lt3A_2575 = arith.constant 0 : i32
      %lt3A_2576 = vector.broadcast %lt3A_2575 : i32 to vector<16xi32>
      %lt3A_2577 = arith.cmpi slt, %xor3A_2107, %lt3A_2576 : vector<16xi32>
      %add3A_2578 = arith.constant 16 : i32
      %add3A_2579 = vector.broadcast %add3A_2578 : i32 to vector<16xi32>
      %add3A_2580 = arith.addi %xor3A_2107, %add3A_2579 : vector<16xi32>
      %select_n3A_2581 = arith.select %lt3A_2577, %add3A_2580, %xor3A_2107 : vector<16xi1>, vector<16xi32>
      %broadcast_in_dim3A_2582 = vector.shape_cast %select_n3A_2581 : vector<16xi32> to vector<16x1xi32>
      %gather3A_2583 = vector.shape_cast %broadcast_in_dim3A_2582 : vector<16x1xi32> to vector<16xi32>
      %gather3A_2584 = tpu.dynamic_gather %add3A_2574[%gather3A_2583] in [0] : vector<16xf32>, vector<16xi32> -> vector<16xf32>
      %add3A_2585 = arith.addf %add3A_2574, %gather3A_2584 : vector<16xf32>
      %lt3A_2586 = arith.constant 0 : i32
      %lt3A_2587 = vector.broadcast %lt3A_2586 : i32 to vector<16xi32>
      %lt3A_2588 = arith.cmpi slt, %xor3A_2110, %lt3A_2587 : vector<16xi32>
      %add3A_2589 = arith.constant 16 : i32
      %add3A_2590 = vector.broadcast %add3A_2589 : i32 to vector<16xi32>
      %add3A_2591 = arith.addi %xor3A_2110, %add3A_2590 : vector<16xi32>
      %select_n3A_2592 = arith.select %lt3A_2588, %add3A_2591, %xor3A_2110 : vector<16xi1>, vector<16xi32>
      %broadcast_in_dim3A_2593 = vector.shape_cast %select_n3A_2592 : vector<16xi32> to vector<16x1xi32>
      %gather3A_2594 = vector.shape_cast %broadcast_in_dim3A_2593 : vector<16x1xi32> to vector<16xi32>
      %gather3A_2595 = tpu.dynamic_gather %add3A_2585[%gather3A_2594] in [0] : vector<16xf32>, vector<16xi32> -> vector<16xf32>
      %add3A_2596 = arith.addf %add3A_2585, %gather3A_2595 : vector<16xf32>
      %lt3A_2597 = arith.constant 0 : i32
      %lt3A_2598 = vector.broadcast %lt3A_2597 : i32 to vector<16xi32>
      %lt3A_2599 = arith.cmpi slt, %xor3A_2113, %lt3A_2598 : vector<16xi32>
      %add3A_2600 = arith.constant 16 : i32
      %add3A_2601 = vector.broadcast %add3A_2600 : i32 to vector<16xi32>
      %add3A_2602 = arith.addi %xor3A_2113, %add3A_2601 : vector<16xi32>
      %select_n3A_2603 = arith.select %lt3A_2599, %add3A_2602, %xor3A_2113 : vector<16xi1>, vector<16xi32>
      %broadcast_in_dim3A_2604 = vector.shape_cast %select_n3A_2603 : vector<16xi32> to vector<16x1xi32>
      %gather3A_2605 = vector.shape_cast %broadcast_in_dim3A_2604 : vector<16x1xi32> to vector<16xi32>
      %gather3A_2606 = tpu.dynamic_gather %add3A_2596[%gather3A_2605] in [0] : vector<16xf32>, vector<16xi32> -> vector<16xf32>
      %add3A_2607 = arith.addf %add3A_2596, %gather3A_2606 : vector<16xf32>
      %eq3A_2608 = arith.constant 7 : i32
      %eq3A_2609 = vector.broadcast %eq3A_2608 : i32 to vector<16xi32>
      %eq3A_2610 = arith.cmpi eq, %iota3A, %eq3A_2609 : vector<16xi32>
      %select_n3A_2611 = arith.select %eq3A_2610, %add3A_2607, %select_n3A_2550 : vector<16xi1>, vector<16xf32>
      %add3A_2612 = arith.constant 8 : i32
      %add3A_2613 = arith.addi %mul3A_2121, %add3A_2612 : i32
      %get3A_2614 = arith.index_cast %add3A_2613 : i32 to index
      %get3A_2615 = arith.constant 0 : index
      %get3A_2616 = tpu.vector_load %arg9[%get3A_2614, %get3A_2615] {strides = array<i32>} : memref<512x16xf32, #tpu.memory_space<vmem>>, vector<1x16xf32>,
      %get3A_2617 = vector.shape_cast %get3A_2616 : vector<1x16xf32> to vector<16xf32>
      %add3A_2618 = arith.constant 8 : i32
      %add3A_2619 = arith.addi %mul3A_2121, %add3A_2618 : i32
      %get3A_2620 = arith.index_cast %add3A_2619 : i32 to index
      %get3A_2621 = arith.constant 0 : index
      %get3A_2622 = tpu.vector_load %arg10[%get3A_2620, %get3A_2621] {strides = array<i32>} : memref<512x16xf32, #tpu.memory_space<vmem>>, vector<1x16xf32>,
      %get3A_2623 = vector.shape_cast %get3A_2622 : vector<1x16xf32> to vector<16xf32>
      %mul3A_2624 = arith.mulf %get3A_2617, %get3A_2623 : vector<16xf32>
      %lt3A_2625 = arith.constant 0 : i32
      %lt3A_2626 = vector.broadcast %lt3A_2625 : i32 to vector<16xi32>
      %lt3A_2627 = arith.cmpi slt, %xor3A_2104, %lt3A_2626 : vector<16xi32>
      %add3A_2628 = arith.constant 16 : i32
      %add3A_2629 = vector.broadcast %add3A_2628 : i32 to vector<16xi32>
      %add3A_2630 = arith.addi %xor3A_2104, %add3A_2629 : vector<16xi32>
      %select_n3A_2631 = arith.select %lt3A_2627, %add3A_2630, %xor3A_2104 : vector<16xi1>, vector<16xi32>
      %broadcast_in_dim3A_2632 = vector.shape_cast %select_n3A_2631 : vector<16xi32> to vector<16x1xi32>
      %gather3A_2633 = vector.shape_cast %broadcast_in_dim3A_2632 : vector<16x1xi32> to vector<16xi32>
      %gather3A_2634 = tpu.dynamic_gather %mul3A_2624[%gather3A_2633] in [0] : vector<16xf32>, vector<16xi32> -> vector<16xf32>
      %add3A_2635 = arith.addf %mul3A_2624, %gather3A_2634 : vector<16xf32>
      %lt3A_2636 = arith.constant 0 : i32
      %lt3A_2637 = vector.broadcast %lt3A_2636 : i32 to vector<16xi32>
      %lt3A_2638 = arith.cmpi slt, %xor3A_2107, %lt3A_2637 : vector<16xi32>
      %add3A_2639 = arith.constant 16 : i32
      %add3A_2640 = vector.broadcast %add3A_2639 : i32 to vector<16xi32>
      %add3A_2641 = arith.addi %xor3A_2107, %add3A_2640 : vector<16xi32>
      %select_n3A_2642 = arith.select %lt3A_2638, %add3A_2641, %xor3A_2107 : vector<16xi1>, vector<16xi32>
      %broadcast_in_dim3A_2643 = vector.shape_cast %select_n3A_2642 : vector<16xi32> to vector<16x1xi32>
      %gather3A_2644 = vector.shape_cast %broadcast_in_dim3A_2643 : vector<16x1xi32> to vector<16xi32>
      %gather3A_2645 = tpu.dynamic_gather %add3A_2635[%gather3A_2644] in [0] : vector<16xf32>, vector<16xi32> -> vector<16xf32>
      %add3A_2646 = arith.addf %add3A_2635, %gather3A_2645 : vector<16xf32>
      %lt3A_2647 = arith.constant 0 : i32
      %lt3A_2648 = vector.broadcast %lt3A_2647 : i32 to vector<16xi32>
      %lt3A_2649 = arith.cmpi slt, %xor3A_2110, %lt3A_2648 : vector<16xi32>
      %add3A_2650 = arith.constant 16 : i32
      %add3A_2651 = vector.broadcast %add3A_2650 : i32 to vector<16xi32>
      %add3A_2652 = arith.addi %xor3A_2110, %add3A_2651 : vector<16xi32>
      %select_n3A_2653 = arith.select %lt3A_2649, %add3A_2652, %xor3A_2110 : vector<16xi1>, vector<16xi32>
      %broadcast_in_dim3A_2654 = vector.shape_cast %select_n3A_2653 : vector<16xi32> to vector<16x1xi32>
      %gather3A_2655 = vector.shape_cast %broadcast_in_dim3A_2654 : vector<16x1xi32> to vector<16xi32>
      %gather3A_2656 = tpu.dynamic_gather %add3A_2646[%gather3A_2655] in [0] : vector<16xf32>, vector<16xi32> -> vector<16xf32>
      %add3A_2657 = arith.addf %add3A_2646, %gather3A_2656 : vector<16xf32>
      %lt3A_2658 = arith.constant 0 : i32
      %lt3A_2659 = vector.broadcast %lt3A_2658 : i32 to vector<16xi32>
      %lt3A_2660 = arith.cmpi slt, %xor3A_2113, %lt3A_2659 : vector<16xi32>
      %add3A_2661 = arith.constant 16 : i32
      %add3A_2662 = vector.broadcast %add3A_2661 : i32 to vector<16xi32>
      %add3A_2663 = arith.addi %xor3A_2113, %add3A_2662 : vector<16xi32>
      %select_n3A_2664 = arith.select %lt3A_2660, %add3A_2663, %xor3A_2113 : vector<16xi1>, vector<16xi32>
      %broadcast_in_dim3A_2665 = vector.shape_cast %select_n3A_2664 : vector<16xi32> to vector<16x1xi32>
      %gather3A_2666 = vector.shape_cast %broadcast_in_dim3A_2665 : vector<16x1xi32> to vector<16xi32>
      %gather3A_2667 = tpu.dynamic_gather %add3A_2657[%gather3A_2666] in [0] : vector<16xf32>, vector<16xi32> -> vector<16xf32>
      %add3A_2668 = arith.addf %add3A_2657, %gather3A_2667 : vector<16xf32>
      %eq3A_2669 = arith.constant 8 : i32
      %eq3A_2670 = vector.broadcast %eq3A_2669 : i32 to vector<16xi32>
      %eq3A_2671 = arith.cmpi eq, %iota3A, %eq3A_2670 : vector<16xi32>
      %select_n3A_2672 = arith.select %eq3A_2671, %add3A_2668, %select_n3A_2611 : vector<16xi1>, vector<16xf32>
      %add3A_2673 = arith.constant 9 : i32
      %add3A_2674 = arith.addi %mul3A_2121, %add3A_2673 : i32
      %get3A_2675 = arith.index_cast %add3A_2674 : i32 to index
      %get3A_2676 = arith.constant 0 : index
      %get3A_2677 = tpu.vector_load %arg9[%get3A_2675, %get3A_2676] {strides = array<i32>} : memref<512x16xf32, #tpu.memory_space<vmem>>, vector<1x16xf32>,
      %get3A_2678 = vector.shape_cast %get3A_2677 : vector<1x16xf32> to vector<16xf32>
      %add3A_2679 = arith.constant 9 : i32
      %add3A_2680 = arith.addi %mul3A_2121, %add3A_2679 : i32
      %get3A_2681 = arith.index_cast %add3A_2680 : i32 to index
      %get3A_2682 = arith.constant 0 : index
      %get3A_2683 = tpu.vector_load %arg10[%get3A_2681, %get3A_2682] {strides = array<i32>} : memref<512x16xf32, #tpu.memory_space<vmem>>, vector<1x16xf32>,
      %get3A_2684 = vector.shape_cast %get3A_2683 : vector<1x16xf32> to vector<16xf32>
      %mul3A_2685 = arith.mulf %get3A_2678, %get3A_2684 : vector<16xf32>
      %lt3A_2686 = arith.constant 0 : i32
      %lt3A_2687 = vector.broadcast %lt3A_2686 : i32 to vector<16xi32>
      %lt3A_2688 = arith.cmpi slt, %xor3A_2104, %lt3A_2687 : vector<16xi32>
      %add3A_2689 = arith.constant 16 : i32
      %add3A_2690 = vector.broadcast %add3A_2689 : i32 to vector<16xi32>
      %add3A_2691 = arith.addi %xor3A_2104, %add3A_2690 : vector<16xi32>
      %select_n3A_2692 = arith.select %lt3A_2688, %add3A_2691, %xor3A_2104 : vector<16xi1>, vector<16xi32>
      %broadcast_in_dim3A_2693 = vector.shape_cast %select_n3A_2692 : vector<16xi32> to vector<16x1xi32>
      %gather3A_2694 = vector.shape_cast %broadcast_in_dim3A_2693 : vector<16x1xi32> to vector<16xi32>
      %gather3A_2695 = tpu.dynamic_gather %mul3A_2685[%gather3A_2694] in [0] : vector<16xf32>, vector<16xi32> -> vector<16xf32>
      %add3A_2696 = arith.addf %mul3A_2685, %gather3A_2695 : vector<16xf32>
      %lt3A_2697 = arith.constant 0 : i32
      %lt3A_2698 = vector.broadcast %lt3A_2697 : i32 to vector<16xi32>
      %lt3A_2699 = arith.cmpi slt, %xor3A_2107, %lt3A_2698 : vector<16xi32>
      %add3A_2700 = arith.constant 16 : i32
      %add3A_2701 = vector.broadcast %add3A_2700 : i32 to vector<16xi32>
      %add3A_2702 = arith.addi %xor3A_2107, %add3A_2701 : vector<16xi32>
      %select_n3A_2703 = arith.select %lt3A_2699, %add3A_2702, %xor3A_2107 : vector<16xi1>, vector<16xi32>
      %broadcast_in_dim3A_2704 = vector.shape_cast %select_n3A_2703 : vector<16xi32> to vector<16x1xi32>
      %gather3A_2705 = vector.shape_cast %broadcast_in_dim3A_2704 : vector<16x1xi32> to vector<16xi32>
      %gather3A_2706 = tpu.dynamic_gather %add3A_2696[%gather3A_2705] in [0] : vector<16xf32>, vector<16xi32> -> vector<16xf32>
      %add3A_2707 = arith.addf %add3A_2696, %gather3A_2706 : vector<16xf32>
      %lt3A_2708 = arith.constant 0 : i32
      %lt3A_2709 = vector.broadcast %lt3A_2708 : i32 to vector<16xi32>
      %lt3A_2710 = arith.cmpi slt, %xor3A_2110, %lt3A_2709 : vector<16xi32>
      %add3A_2711 = arith.constant 16 : i32
      %add3A_2712 = vector.broadcast %add3A_2711 : i32 to vector<16xi32>
      %add3A_2713 = arith.addi %xor3A_2110, %add3A_2712 : vector<16xi32>
      %select_n3A_2714 = arith.select %lt3A_2710, %add3A_2713, %xor3A_2110 : vector<16xi1>, vector<16xi32>
      %broadcast_in_dim3A_2715 = vector.shape_cast %select_n3A_2714 : vector<16xi32> to vector<16x1xi32>
      %gather3A_2716 = vector.shape_cast %broadcast_in_dim3A_2715 : vector<16x1xi32> to vector<16xi32>
      %gather3A_2717 = tpu.dynamic_gather %add3A_2707[%gather3A_2716] in [0] : vector<16xf32>, vector<16xi32> -> vector<16xf32>
      %add3A_2718 = arith.addf %add3A_2707, %gather3A_2717 : vector<16xf32>
      %lt3A_2719 = arith.constant 0 : i32
      %lt3A_2720 = vector.broadcast %lt3A_2719 : i32 to vector<16xi32>
      %lt3A_2721 = arith.cmpi slt, %xor3A_2113, %lt3A_2720 : vector<16xi32>
      %add3A_2722 = arith.constant 16 : i32
      %add3A_2723 = vector.broadcast %add3A_2722 : i32 to vector<16xi32>
      %add3A_2724 = arith.addi %xor3A_2113, %add3A_2723 : vector<16xi32>
      %select_n3A_2725 = arith.select %lt3A_2721, %add3A_2724, %xor3A_2113 : vector<16xi1>, vector<16xi32>
      %broadcast_in_dim3A_2726 = vector.shape_cast %select_n3A_2725 : vector<16xi32> to vector<16x1xi32>
      %gather3A_2727 = vector.shape_cast %broadcast_in_dim3A_2726 : vector<16x1xi32> to vector<16xi32>
      %gather3A_2728 = tpu.dynamic_gather %add3A_2718[%gather3A_2727] in [0] : vector<16xf32>, vector<16xi32> -> vector<16xf32>
      %add3A_2729 = arith.addf %add3A_2718, %gather3A_2728 : vector<16xf32>
      %eq3A_2730 = arith.constant 9 : i32
      %eq3A_2731 = vector.broadcast %eq3A_2730 : i32 to vector<16xi32>
      %eq3A_2732 = arith.cmpi eq, %iota3A, %eq3A_2731 : vector<16xi32>
      %select_n3A_2733 = arith.select %eq3A_2732, %add3A_2729, %select_n3A_2672 : vector<16xi1>, vector<16xf32>
      %add3A_2734 = arith.constant 10 : i32
      %add3A_2735 = arith.addi %mul3A_2121, %add3A_2734 : i32
      %get3A_2736 = arith.index_cast %add3A_2735 : i32 to index
      %get3A_2737 = arith.constant 0 : index
      %get3A_2738 = tpu.vector_load %arg9[%get3A_2736, %get3A_2737] {strides = array<i32>} : memref<512x16xf32, #tpu.memory_space<vmem>>, vector<1x16xf32>,
      %get3A_2739 = vector.shape_cast %get3A_2738 : vector<1x16xf32> to vector<16xf32>
      %add3A_2740 = arith.constant 10 : i32
      %add3A_2741 = arith.addi %mul3A_2121, %add3A_2740 : i32
      %get3A_2742 = arith.index_cast %add3A_2741 : i32 to index
      %get3A_2743 = arith.constant 0 : index
      %get3A_2744 = tpu.vector_load %arg10[%get3A_2742, %get3A_2743] {strides = array<i32>} : memref<512x16xf32, #tpu.memory_space<vmem>>, vector<1x16xf32>,
      %get3A_2745 = vector.shape_cast %get3A_2744 : vector<1x16xf32> to vector<16xf32>
      %mul3A_2746 = arith.mulf %get3A_2739, %get3A_2745 : vector<16xf32>
      %lt3A_2747 = arith.constant 0 : i32
      %lt3A_2748 = vector.broadcast %lt3A_2747 : i32 to vector<16xi32>
      %lt3A_2749 = arith.cmpi slt, %xor3A_2104, %lt3A_2748 : vector<16xi32>
      %add3A_2750 = arith.constant 16 : i32
      %add3A_2751 = vector.broadcast %add3A_2750 : i32 to vector<16xi32>
      %add3A_2752 = arith.addi %xor3A_2104, %add3A_2751 : vector<16xi32>
      %select_n3A_2753 = arith.select %lt3A_2749, %add3A_2752, %xor3A_2104 : vector<16xi1>, vector<16xi32>
      %broadcast_in_dim3A_2754 = vector.shape_cast %select_n3A_2753 : vector<16xi32> to vector<16x1xi32>
      %gather3A_2755 = vector.shape_cast %broadcast_in_dim3A_2754 : vector<16x1xi32> to vector<16xi32>
      %gather3A_2756 = tpu.dynamic_gather %mul3A_2746[%gather3A_2755] in [0] : vector<16xf32>, vector<16xi32> -> vector<16xf32>
      %add3A_2757 = arith.addf %mul3A_2746, %gather3A_2756 : vector<16xf32>
      %lt3A_2758 = arith.constant 0 : i32
      %lt3A_2759 = vector.broadcast %lt3A_2758 : i32 to vector<16xi32>
      %lt3A_2760 = arith.cmpi slt, %xor3A_2107, %lt3A_2759 : vector<16xi32>
      %add3A_2761 = arith.constant 16 : i32
      %add3A_2762 = vector.broadcast %add3A_2761 : i32 to vector<16xi32>
      %add3A_2763 = arith.addi %xor3A_2107, %add3A_2762 : vector<16xi32>
      %select_n3A_2764 = arith.select %lt3A_2760, %add3A_2763, %xor3A_2107 : vector<16xi1>, vector<16xi32>
      %broadcast_in_dim3A_2765 = vector.shape_cast %select_n3A_2764 : vector<16xi32> to vector<16x1xi32>
      %gather3A_2766 = vector.shape_cast %broadcast_in_dim3A_2765 : vector<16x1xi32> to vector<16xi32>
      %gather3A_2767 = tpu.dynamic_gather %add3A_2757[%gather3A_2766] in [0] : vector<16xf32>, vector<16xi32> -> vector<16xf32>
      %add3A_2768 = arith.addf %add3A_2757, %gather3A_2767 : vector<16xf32>
      %lt3A_2769 = arith.constant 0 : i32
      %lt3A_2770 = vector.broadcast %lt3A_2769 : i32 to vector<16xi32>
      %lt3A_2771 = arith.cmpi slt, %xor3A_2110, %lt3A_2770 : vector<16xi32>
      %add3A_2772 = arith.constant 16 : i32
      %add3A_2773 = vector.broadcast %add3A_2772 : i32 to vector<16xi32>
      %add3A_2774 = arith.addi %xor3A_2110, %add3A_2773 : vector<16xi32>
      %select_n3A_2775 = arith.select %lt3A_2771, %add3A_2774, %xor3A_2110 : vector<16xi1>, vector<16xi32>
      %broadcast_in_dim3A_2776 = vector.shape_cast %select_n3A_2775 : vector<16xi32> to vector<16x1xi32>
      %gather3A_2777 = vector.shape_cast %broadcast_in_dim3A_2776 : vector<16x1xi32> to vector<16xi32>
      %gather3A_2778 = tpu.dynamic_gather %add3A_2768[%gather3A_2777] in [0] : vector<16xf32>, vector<16xi32> -> vector<16xf32>
      %add3A_2779 = arith.addf %add3A_2768, %gather3A_2778 : vector<16xf32>
      %lt3A_2780 = arith.constant 0 : i32
      %lt3A_2781 = vector.broadcast %lt3A_2780 : i32 to vector<16xi32>
      %lt3A_2782 = arith.cmpi slt, %xor3A_2113, %lt3A_2781 : vector<16xi32>
      %add3A_2783 = arith.constant 16 : i32
      %add3A_2784 = vector.broadcast %add3A_2783 : i32 to vector<16xi32>
      %add3A_2785 = arith.addi %xor3A_2113, %add3A_2784 : vector<16xi32>
      %select_n3A_2786 = arith.select %lt3A_2782, %add3A_2785, %xor3A_2113 : vector<16xi1>, vector<16xi32>
      %broadcast_in_dim3A_2787 = vector.shape_cast %select_n3A_2786 : vector<16xi32> to vector<16x1xi32>
      %gather3A_2788 = vector.shape_cast %broadcast_in_dim3A_2787 : vector<16x1xi32> to vector<16xi32>
      %gather3A_2789 = tpu.dynamic_gather %add3A_2779[%gather3A_2788] in [0] : vector<16xf32>, vector<16xi32> -> vector<16xf32>
      %add3A_2790 = arith.addf %add3A_2779, %gather3A_2789 : vector<16xf32>
      %eq3A_2791 = arith.constant 10 : i32
      %eq3A_2792 = vector.broadcast %eq3A_2791 : i32 to vector<16xi32>
      %eq3A_2793 = arith.cmpi eq, %iota3A, %eq3A_2792 : vector<16xi32>
      %select_n3A_2794 = arith.select %eq3A_2793, %add3A_2790, %select_n3A_2733 : vector<16xi1>, vector<16xf32>
      %add3A_2795 = arith.constant 11 : i32
      %add3A_2796 = arith.addi %mul3A_2121, %add3A_2795 : i32
      %get3A_2797 = arith.index_cast %add3A_2796 : i32 to index
      %get3A_2798 = arith.constant 0 : index
      %get3A_2799 = tpu.vector_load %arg9[%get3A_2797, %get3A_2798] {strides = array<i32>} : memref<512x16xf32, #tpu.memory_space<vmem>>, vector<1x16xf32>,
      %get3A_2800 = vector.shape_cast %get3A_2799 : vector<1x16xf32> to vector<16xf32>
      %add3A_2801 = arith.constant 11 : i32
      %add3A_2802 = arith.addi %mul3A_2121, %add3A_2801 : i32
      %get3A_2803 = arith.index_cast %add3A_2802 : i32 to index
      %get3A_2804 = arith.constant 0 : index
      %get3A_2805 = tpu.vector_load %arg10[%get3A_2803, %get3A_2804] {strides = array<i32>} : memref<512x16xf32, #tpu.memory_space<vmem>>, vector<1x16xf32>,
      %get3A_2806 = vector.shape_cast %get3A_2805 : vector<1x16xf32> to vector<16xf32>
      %mul3A_2807 = arith.mulf %get3A_2800, %get3A_2806 : vector<16xf32>
      %lt3A_2808 = arith.constant 0 : i32
      %lt3A_2809 = vector.broadcast %lt3A_2808 : i32 to vector<16xi32>
      %lt3A_2810 = arith.cmpi slt, %xor3A_2104, %lt3A_2809 : vector<16xi32>
      %add3A_2811 = arith.constant 16 : i32
      %add3A_2812 = vector.broadcast %add3A_2811 : i32 to vector<16xi32>
      %add3A_2813 = arith.addi %xor3A_2104, %add3A_2812 : vector<16xi32>
      %select_n3A_2814 = arith.select %lt3A_2810, %add3A_2813, %xor3A_2104 : vector<16xi1>, vector<16xi32>
      %broadcast_in_dim3A_2815 = vector.shape_cast %select_n3A_2814 : vector<16xi32> to vector<16x1xi32>
      %gather3A_2816 = vector.shape_cast %broadcast_in_dim3A_2815 : vector<16x1xi32> to vector<16xi32>
      %gather3A_2817 = tpu.dynamic_gather %mul3A_2807[%gather3A_2816] in [0] : vector<16xf32>, vector<16xi32> -> vector<16xf32>
      %add3A_2818 = arith.addf %mul3A_2807, %gather3A_2817 : vector<16xf32>
      %lt3A_2819 = arith.constant 0 : i32
      %lt3A_2820 = vector.broadcast %lt3A_2819 : i32 to vector<16xi32>
      %lt3A_2821 = arith.cmpi slt, %xor3A_2107, %lt3A_2820 : vector<16xi32>
      %add3A_2822 = arith.constant 16 : i32
      %add3A_2823 = vector.broadcast %add3A_2822 : i32 to vector<16xi32>
      %add3A_2824 = arith.addi %xor3A_2107, %add3A_2823 : vector<16xi32>
      %select_n3A_2825 = arith.select %lt3A_2821, %add3A_2824, %xor3A_2107 : vector<16xi1>, vector<16xi32>
      %broadcast_in_dim3A_2826 = vector.shape_cast %select_n3A_2825 : vector<16xi32> to vector<16x1xi32>
      %gather3A_2827 = vector.shape_cast %broadcast_in_dim3A_2826 : vector<16x1xi32> to vector<16xi32>
      %gather3A_2828 = tpu.dynamic_gather %add3A_2818[%gather3A_2827] in [0] : vector<16xf32>, vector<16xi32> -> vector<16xf32>
      %add3A_2829 = arith.addf %add3A_2818, %gather3A_2828 : vector<16xf32>
      %lt3A_2830 = arith.constant 0 : i32
      %lt3A_2831 = vector.broadcast %lt3A_2830 : i32 to vector<16xi32>
      %lt3A_2832 = arith.cmpi slt, %xor3A_2110, %lt3A_2831 : vector<16xi32>
      %add3A_2833 = arith.constant 16 : i32
      %add3A_2834 = vector.broadcast %add3A_2833 : i32 to vector<16xi32>
      %add3A_2835 = arith.addi %xor3A_2110, %add3A_2834 : vector<16xi32>
      %select_n3A_2836 = arith.select %lt3A_2832, %add3A_2835, %xor3A_2110 : vector<16xi1>, vector<16xi32>
      %broadcast_in_dim3A_2837 = vector.shape_cast %select_n3A_2836 : vector<16xi32> to vector<16x1xi32>
      %gather3A_2838 = vector.shape_cast %broadcast_in_dim3A_2837 : vector<16x1xi32> to vector<16xi32>
      %gather3A_2839 = tpu.dynamic_gather %add3A_2829[%gather3A_2838] in [0] : vector<16xf32>, vector<16xi32> -> vector<16xf32>
      %add3A_2840 = arith.addf %add3A_2829, %gather3A_2839 : vector<16xf32>
      %lt3A_2841 = arith.constant 0 : i32
      %lt3A_2842 = vector.broadcast %lt3A_2841 : i32 to vector<16xi32>
      %lt3A_2843 = arith.cmpi slt, %xor3A_2113, %lt3A_2842 : vector<16xi32>
      %add3A_2844 = arith.constant 16 : i32
      %add3A_2845 = vector.broadcast %add3A_2844 : i32 to vector<16xi32>
      %add3A_2846 = arith.addi %xor3A_2113, %add3A_2845 : vector<16xi32>
      %select_n3A_2847 = arith.select %lt3A_2843, %add3A_2846, %xor3A_2113 : vector<16xi1>, vector<16xi32>
      %broadcast_in_dim3A_2848 = vector.shape_cast %select_n3A_2847 : vector<16xi32> to vector<16x1xi32>
      %gather3A_2849 = vector.shape_cast %broadcast_in_dim3A_2848 : vector<16x1xi32> to vector<16xi32>
      %gather3A_2850 = tpu.dynamic_gather %add3A_2840[%gather3A_2849] in [0] : vector<16xf32>, vector<16xi32> -> vector<16xf32>
      %add3A_2851 = arith.addf %add3A_2840, %gather3A_2850 : vector<16xf32>
      %eq3A_2852 = arith.constant 11 : i32
      %eq3A_2853 = vector.broadcast %eq3A_2852 : i32 to vector<16xi32>
      %eq3A_2854 = arith.cmpi eq, %iota3A, %eq3A_2853 : vector<16xi32>
      %select_n3A_2855 = arith.select %eq3A_2854, %add3A_2851, %select_n3A_2794 : vector<16xi1>, vector<16xf32>
      %add3A_2856 = arith.constant 12 : i32
      %add3A_2857 = arith.addi %mul3A_2121, %add3A_2856 : i32
      %get3A_2858 = arith.index_cast %add3A_2857 : i32 to index
      %get3A_2859 = arith.constant 0 : index
      %get3A_2860 = tpu.vector_load %arg9[%get3A_2858, %get3A_2859] {strides = array<i32>} : memref<512x16xf32, #tpu.memory_space<vmem>>, vector<1x16xf32>,
      %get3A_2861 = vector.shape_cast %get3A_2860 : vector<1x16xf32> to vector<16xf32>
      %add3A_2862 = arith.constant 12 : i32
      %add3A_2863 = arith.addi %mul3A_2121, %add3A_2862 : i32
      %get3A_2864 = arith.index_cast %add3A_2863 : i32 to index
      %get3A_2865 = arith.constant 0 : index
      %get3A_2866 = tpu.vector_load %arg10[%get3A_2864, %get3A_2865] {strides = array<i32>} : memref<512x16xf32, #tpu.memory_space<vmem>>, vector<1x16xf32>,
      %get3A_2867 = vector.shape_cast %get3A_2866 : vector<1x16xf32> to vector<16xf32>
      %mul3A_2868 = arith.mulf %get3A_2861, %get3A_2867 : vector<16xf32>
      %lt3A_2869 = arith.constant 0 : i32
      %lt3A_2870 = vector.broadcast %lt3A_2869 : i32 to vector<16xi32>
      %lt3A_2871 = arith.cmpi slt, %xor3A_2104, %lt3A_2870 : vector<16xi32>
      %add3A_2872 = arith.constant 16 : i32
      %add3A_2873 = vector.broadcast %add3A_2872 : i32 to vector<16xi32>
      %add3A_2874 = arith.addi %xor3A_2104, %add3A_2873 : vector<16xi32>
      %select_n3A_2875 = arith.select %lt3A_2871, %add3A_2874, %xor3A_2104 : vector<16xi1>, vector<16xi32>
      %broadcast_in_dim3A_2876 = vector.shape_cast %select_n3A_2875 : vector<16xi32> to vector<16x1xi32>
      %gather3A_2877 = vector.shape_cast %broadcast_in_dim3A_2876 : vector<16x1xi32> to vector<16xi32>
      %gather3A_2878 = tpu.dynamic_gather %mul3A_2868[%gather3A_2877] in [0] : vector<16xf32>, vector<16xi32> -> vector<16xf32>
      %add3A_2879 = arith.addf %mul3A_2868, %gather3A_2878 : vector<16xf32>
      %lt3A_2880 = arith.constant 0 : i32
      %lt3A_2881 = vector.broadcast %lt3A_2880 : i32 to vector<16xi32>
      %lt3A_2882 = arith.cmpi slt, %xor3A_2107, %lt3A_2881 : vector<16xi32>
      %add3A_2883 = arith.constant 16 : i32
      %add3A_2884 = vector.broadcast %add3A_2883 : i32 to vector<16xi32>
      %add3A_2885 = arith.addi %xor3A_2107, %add3A_2884 : vector<16xi32>
      %select_n3A_2886 = arith.select %lt3A_2882, %add3A_2885, %xor3A_2107 : vector<16xi1>, vector<16xi32>
      %broadcast_in_dim3A_2887 = vector.shape_cast %select_n3A_2886 : vector<16xi32> to vector<16x1xi32>
      %gather3A_2888 = vector.shape_cast %broadcast_in_dim3A_2887 : vector<16x1xi32> to vector<16xi32>
      %gather3A_2889 = tpu.dynamic_gather %add3A_2879[%gather3A_2888] in [0] : vector<16xf32>, vector<16xi32> -> vector<16xf32>
      %add3A_2890 = arith.addf %add3A_2879, %gather3A_2889 : vector<16xf32>
      %lt3A_2891 = arith.constant 0 : i32
      %lt3A_2892 = vector.broadcast %lt3A_2891 : i32 to vector<16xi32>
      %lt3A_2893 = arith.cmpi slt, %xor3A_2110, %lt3A_2892 : vector<16xi32>
      %add3A_2894 = arith.constant 16 : i32
      %add3A_2895 = vector.broadcast %add3A_2894 : i32 to vector<16xi32>
      %add3A_2896 = arith.addi %xor3A_2110, %add3A_2895 : vector<16xi32>
      %select_n3A_2897 = arith.select %lt3A_2893, %add3A_2896, %xor3A_2110 : vector<16xi1>, vector<16xi32>
      %broadcast_in_dim3A_2898 = vector.shape_cast %select_n3A_2897 : vector<16xi32> to vector<16x1xi32>
      %gather3A_2899 = vector.shape_cast %broadcast_in_dim3A_2898 : vector<16x1xi32> to vector<16xi32>
      %gather3A_2900 = tpu.dynamic_gather %add3A_2890[%gather3A_2899] in [0] : vector<16xf32>, vector<16xi32> -> vector<16xf32>
      %add3A_2901 = arith.addf %add3A_2890, %gather3A_2900 : vector<16xf32>
      %lt3A_2902 = arith.constant 0 : i32
      %lt3A_2903 = vector.broadcast %lt3A_2902 : i32 to vector<16xi32>
      %lt3A_2904 = arith.cmpi slt, %xor3A_2113, %lt3A_2903 : vector<16xi32>
      %add3A_2905 = arith.constant 16 : i32
      %add3A_2906 = vector.broadcast %add3A_2905 : i32 to vector<16xi32>
      %add3A_2907 = arith.addi %xor3A_2113, %add3A_2906 : vector<16xi32>
      %select_n3A_2908 = arith.select %lt3A_2904, %add3A_2907, %xor3A_2113 : vector<16xi1>, vector<16xi32>
      %broadcast_in_dim3A_2909 = vector.shape_cast %select_n3A_2908 : vector<16xi32> to vector<16x1xi32>
      %gather3A_2910 = vector.shape_cast %broadcast_in_dim3A_2909 : vector<16x1xi32> to vector<16xi32>
      %gather3A_2911 = tpu.dynamic_gather %add3A_2901[%gather3A_2910] in [0] : vector<16xf32>, vector<16xi32> -> vector<16xf32>
      %add3A_2912 = arith.addf %add3A_2901, %gather3A_2911 : vector<16xf32>
      %eq3A_2913 = arith.constant 12 : i32
      %eq3A_2914 = vector.broadcast %eq3A_2913 : i32 to vector<16xi32>
      %eq3A_2915 = arith.cmpi eq, %iota3A, %eq3A_2914 : vector<16xi32>
      %select_n3A_2916 = arith.select %eq3A_2915, %add3A_2912, %select_n3A_2855 : vector<16xi1>, vector<16xf32>
      %add3A_2917 = arith.constant 13 : i32
      %add3A_2918 = arith.addi %mul3A_2121, %add3A_2917 : i32
      %get3A_2919 = arith.index_cast %add3A_2918 : i32 to index
      %get3A_2920 = arith.constant 0 : index
      %get3A_2921 = tpu.vector_load %arg9[%get3A_2919, %get3A_2920] {strides = array<i32>} : memref<512x16xf32, #tpu.memory_space<vmem>>, vector<1x16xf32>,
      %get3A_2922 = vector.shape_cast %get3A_2921 : vector<1x16xf32> to vector<16xf32>
      %add3A_2923 = arith.constant 13 : i32
      %add3A_2924 = arith.addi %mul3A_2121, %add3A_2923 : i32
      %get3A_2925 = arith.index_cast %add3A_2924 : i32 to index
      %get3A_2926 = arith.constant 0 : index
      %get3A_2927 = tpu.vector_load %arg10[%get3A_2925, %get3A_2926] {strides = array<i32>} : memref<512x16xf32, #tpu.memory_space<vmem>>, vector<1x16xf32>,
      %get3A_2928 = vector.shape_cast %get3A_2927 : vector<1x16xf32> to vector<16xf32>
      %mul3A_2929 = arith.mulf %get3A_2922, %get3A_2928 : vector<16xf32>
      %lt3A_2930 = arith.constant 0 : i32
      %lt3A_2931 = vector.broadcast %lt3A_2930 : i32 to vector<16xi32>
      %lt3A_2932 = arith.cmpi slt, %xor3A_2104, %lt3A_2931 : vector<16xi32>
      %add3A_2933 = arith.constant 16 : i32
      %add3A_2934 = vector.broadcast %add3A_2933 : i32 to vector<16xi32>
      %add3A_2935 = arith.addi %xor3A_2104, %add3A_2934 : vector<16xi32>
      %select_n3A_2936 = arith.select %lt3A_2932, %add3A_2935, %xor3A_2104 : vector<16xi1>, vector<16xi32>
      %broadcast_in_dim3A_2937 = vector.shape_cast %select_n3A_2936 : vector<16xi32> to vector<16x1xi32>
      %gather3A_2938 = vector.shape_cast %broadcast_in_dim3A_2937 : vector<16x1xi32> to vector<16xi32>
      %gather3A_2939 = tpu.dynamic_gather %mul3A_2929[%gather3A_2938] in [0] : vector<16xf32>, vector<16xi32> -> vector<16xf32>
      %add3A_2940 = arith.addf %mul3A_2929, %gather3A_2939 : vector<16xf32>
      %lt3A_2941 = arith.constant 0 : i32
      %lt3A_2942 = vector.broadcast %lt3A_2941 : i32 to vector<16xi32>
      %lt3A_2943 = arith.cmpi slt, %xor3A_2107, %lt3A_2942 : vector<16xi32>
      %add3A_2944 = arith.constant 16 : i32
      %add3A_2945 = vector.broadcast %add3A_2944 : i32 to vector<16xi32>
      %add3A_2946 = arith.addi %xor3A_2107, %add3A_2945 : vector<16xi32>
      %select_n3A_2947 = arith.select %lt3A_2943, %add3A_2946, %xor3A_2107 : vector<16xi1>, vector<16xi32>
      %broadcast_in_dim3A_2948 = vector.shape_cast %select_n3A_2947 : vector<16xi32> to vector<16x1xi32>
      %gather3A_2949 = vector.shape_cast %broadcast_in_dim3A_2948 : vector<16x1xi32> to vector<16xi32>
      %gather3A_2950 = tpu.dynamic_gather %add3A_2940[%gather3A_2949] in [0] : vector<16xf32>, vector<16xi32> -> vector<16xf32>
      %add3A_2951 = arith.addf %add3A_2940, %gather3A_2950 : vector<16xf32>
      %lt3A_2952 = arith.constant 0 : i32
      %lt3A_2953 = vector.broadcast %lt3A_2952 : i32 to vector<16xi32>
      %lt3A_2954 = arith.cmpi slt, %xor3A_2110, %lt3A_2953 : vector<16xi32>
      %add3A_2955 = arith.constant 16 : i32
      %add3A_2956 = vector.broadcast %add3A_2955 : i32 to vector<16xi32>
      %add3A_2957 = arith.addi %xor3A_2110, %add3A_2956 : vector<16xi32>
      %select_n3A_2958 = arith.select %lt3A_2954, %add3A_2957, %xor3A_2110 : vector<16xi1>, vector<16xi32>
      %broadcast_in_dim3A_2959 = vector.shape_cast %select_n3A_2958 : vector<16xi32> to vector<16x1xi32>
      %gather3A_2960 = vector.shape_cast %broadcast_in_dim3A_2959 : vector<16x1xi32> to vector<16xi32>
      %gather3A_2961 = tpu.dynamic_gather %add3A_2951[%gather3A_2960] in [0] : vector<16xf32>, vector<16xi32> -> vector<16xf32>
      %add3A_2962 = arith.addf %add3A_2951, %gather3A_2961 : vector<16xf32>
      %lt3A_2963 = arith.constant 0 : i32
      %lt3A_2964 = vector.broadcast %lt3A_2963 : i32 to vector<16xi32>
      %lt3A_2965 = arith.cmpi slt, %xor3A_2113, %lt3A_2964 : vector<16xi32>
      %add3A_2966 = arith.constant 16 : i32
      %add3A_2967 = vector.broadcast %add3A_2966 : i32 to vector<16xi32>
      %add3A_2968 = arith.addi %xor3A_2113, %add3A_2967 : vector<16xi32>
      %select_n3A_2969 = arith.select %lt3A_2965, %add3A_2968, %xor3A_2113 : vector<16xi1>, vector<16xi32>
      %broadcast_in_dim3A_2970 = vector.shape_cast %select_n3A_2969 : vector<16xi32> to vector<16x1xi32>
      %gather3A_2971 = vector.shape_cast %broadcast_in_dim3A_2970 : vector<16x1xi32> to vector<16xi32>
      %gather3A_2972 = tpu.dynamic_gather %add3A_2962[%gather3A_2971] in [0] : vector<16xf32>, vector<16xi32> -> vector<16xf32>
      %add3A_2973 = arith.addf %add3A_2962, %gather3A_2972 : vector<16xf32>
      %eq3A_2974 = arith.constant 13 : i32
      %eq3A_2975 = vector.broadcast %eq3A_2974 : i32 to vector<16xi32>
      %eq3A_2976 = arith.cmpi eq, %iota3A, %eq3A_2975 : vector<16xi32>
      %select_n3A_2977 = arith.select %eq3A_2976, %add3A_2973, %select_n3A_2916 : vector<16xi1>, vector<16xf32>
      %add3A_2978 = arith.constant 14 : i32
      %add3A_2979 = arith.addi %mul3A_2121, %add3A_2978 : i32
      %get3A_2980 = arith.index_cast %add3A_2979 : i32 to index
      %get3A_2981 = arith.constant 0 : index
      %get3A_2982 = tpu.vector_load %arg9[%get3A_2980, %get3A_2981] {strides = array<i32>} : memref<512x16xf32, #tpu.memory_space<vmem>>, vector<1x16xf32>,
      %get3A_2983 = vector.shape_cast %get3A_2982 : vector<1x16xf32> to vector<16xf32>
      %add3A_2984 = arith.constant 14 : i32
      %add3A_2985 = arith.addi %mul3A_2121, %add3A_2984 : i32
      %get3A_2986 = arith.index_cast %add3A_2985 : i32 to index
      %get3A_2987 = arith.constant 0 : index
      %get3A_2988 = tpu.vector_load %arg10[%get3A_2986, %get3A_2987] {strides = array<i32>} : memref<512x16xf32, #tpu.memory_space<vmem>>, vector<1x16xf32>,
      %get3A_2989 = vector.shape_cast %get3A_2988 : vector<1x16xf32> to vector<16xf32>
      %mul3A_2990 = arith.mulf %get3A_2983, %get3A_2989 : vector<16xf32>
      %lt3A_2991 = arith.constant 0 : i32
      %lt3A_2992 = vector.broadcast %lt3A_2991 : i32 to vector<16xi32>
      %lt3A_2993 = arith.cmpi slt, %xor3A_2104, %lt3A_2992 : vector<16xi32>
      %add3A_2994 = arith.constant 16 : i32
      %add3A_2995 = vector.broadcast %add3A_2994 : i32 to vector<16xi32>
      %add3A_2996 = arith.addi %xor3A_2104, %add3A_2995 : vector<16xi32>
      %select_n3A_2997 = arith.select %lt3A_2993, %add3A_2996, %xor3A_2104 : vector<16xi1>, vector<16xi32>
      %broadcast_in_dim3A_2998 = vector.shape_cast %select_n3A_2997 : vector<16xi32> to vector<16x1xi32>
      %gather3A_2999 = vector.shape_cast %broadcast_in_dim3A_2998 : vector<16x1xi32> to vector<16xi32>
      %gather3A_3000 = tpu.dynamic_gather %mul3A_2990[%gather3A_2999] in [0] : vector<16xf32>, vector<16xi32> -> vector<16xf32>
      %add3A_3001 = arith.addf %mul3A_2990, %gather3A_3000 : vector<16xf32>
      %lt3A_3002 = arith.constant 0 : i32
      %lt3A_3003 = vector.broadcast %lt3A_3002 : i32 to vector<16xi32>
      %lt3A_3004 = arith.cmpi slt, %xor3A_2107, %lt3A_3003 : vector<16xi32>
      %add3A_3005 = arith.constant 16 : i32
      %add3A_3006 = vector.broadcast %add3A_3005 : i32 to vector<16xi32>
      %add3A_3007 = arith.addi %xor3A_2107, %add3A_3006 : vector<16xi32>
      %select_n3A_3008 = arith.select %lt3A_3004, %add3A_3007, %xor3A_2107 : vector<16xi1>, vector<16xi32>
      %broadcast_in_dim3A_3009 = vector.shape_cast %select_n3A_3008 : vector<16xi32> to vector<16x1xi32>
      %gather3A_3010 = vector.shape_cast %broadcast_in_dim3A_3009 : vector<16x1xi32> to vector<16xi32>
      %gather3A_3011 = tpu.dynamic_gather %add3A_3001[%gather3A_3010] in [0] : vector<16xf32>, vector<16xi32> -> vector<16xf32>
      %add3A_3012 = arith.addf %add3A_3001, %gather3A_3011 : vector<16xf32>
      %lt3A_3013 = arith.constant 0 : i32
      %lt3A_3014 = vector.broadcast %lt3A_3013 : i32 to vector<16xi32>
      %lt3A_3015 = arith.cmpi slt, %xor3A_2110, %lt3A_3014 : vector<16xi32>
      %add3A_3016 = arith.constant 16 : i32
      %add3A_3017 = vector.broadcast %add3A_3016 : i32 to vector<16xi32>
      %add3A_3018 = arith.addi %xor3A_2110, %add3A_3017 : vector<16xi32>
      %select_n3A_3019 = arith.select %lt3A_3015, %add3A_3018, %xor3A_2110 : vector<16xi1>, vector<16xi32>
      %broadcast_in_dim3A_3020 = vector.shape_cast %select_n3A_3019 : vector<16xi32> to vector<16x1xi32>
      %gather3A_3021 = vector.shape_cast %broadcast_in_dim3A_3020 : vector<16x1xi32> to vector<16xi32>
      %gather3A_3022 = tpu.dynamic_gather %add3A_3012[%gather3A_3021] in [0] : vector<16xf32>, vector<16xi32> -> vector<16xf32>
      %add3A_3023 = arith.addf %add3A_3012, %gather3A_3022 : vector<16xf32>
      %lt3A_3024 = arith.constant 0 : i32
      %lt3A_3025 = vector.broadcast %lt3A_3024 : i32 to vector<16xi32>
      %lt3A_3026 = arith.cmpi slt, %xor3A_2113, %lt3A_3025 : vector<16xi32>
      %add3A_3027 = arith.constant 16 : i32
      %add3A_3028 = vector.broadcast %add3A_3027 : i32 to vector<16xi32>
      %add3A_3029 = arith.addi %xor3A_2113, %add3A_3028 : vector<16xi32>
      %select_n3A_3030 = arith.select %lt3A_3026, %add3A_3029, %xor3A_2113 : vector<16xi1>, vector<16xi32>
      %broadcast_in_dim3A_3031 = vector.shape_cast %select_n3A_3030 : vector<16xi32> to vector<16x1xi32>
      %gather3A_3032 = vector.shape_cast %broadcast_in_dim3A_3031 : vector<16x1xi32> to vector<16xi32>
      %gather3A_3033 = tpu.dynamic_gather %add3A_3023[%gather3A_3032] in [0] : vector<16xf32>, vector<16xi32> -> vector<16xf32>
      %add3A_3034 = arith.addf %add3A_3023, %gather3A_3033 : vector<16xf32>
      %eq3A_3035 = arith.constant 14 : i32
      %eq3A_3036 = vector.broadcast %eq3A_3035 : i32 to vector<16xi32>
      %eq3A_3037 = arith.cmpi eq, %iota3A, %eq3A_3036 : vector<16xi32>
      %select_n3A_3038 = arith.select %eq3A_3037, %add3A_3034, %select_n3A_2977 : vector<16xi1>, vector<16xf32>
      %add3A_3039 = arith.constant 15 : i32
      %add3A_3040 = arith.addi %mul3A_2121, %add3A_3039 : i32
      %get3A_3041 = arith.index_cast %add3A_3040 : i32 to index
      %get3A_3042 = arith.constant 0 : index
      %get3A_3043 = tpu.vector_load %arg9[%get3A_3041, %get3A_3042] {strides = array<i32>} : memref<512x16xf32, #tpu.memory_space<vmem>>, vector<1x16xf32>,
      %get3A_3044 = vector.shape_cast %get3A_3043 : vector<1x16xf32> to vector<16xf32>
      %add3A_3045 = arith.constant 15 : i32
      %add3A_3046 = arith.addi %mul3A_2121, %add3A_3045 : i32
      %get3A_3047 = arith.index_cast %add3A_3046 : i32 to index
      %get3A_3048 = arith.constant 0 : index
      %get3A_3049 = tpu.vector_load %arg10[%get3A_3047, %get3A_3048] {strides = array<i32>} : memref<512x16xf32, #tpu.memory_space<vmem>>, vector<1x16xf32>,
      %get3A_3050 = vector.shape_cast %get3A_3049 : vector<1x16xf32> to vector<16xf32>
      %mul3A_3051 = arith.mulf %get3A_3044, %get3A_3050 : vector<16xf32>
      %lt3A_3052 = arith.constant 0 : i32
      %lt3A_3053 = vector.broadcast %lt3A_3052 : i32 to vector<16xi32>
      %lt3A_3054 = arith.cmpi slt, %xor3A_2104, %lt3A_3053 : vector<16xi32>
      %add3A_3055 = arith.constant 16 : i32
      %add3A_3056 = vector.broadcast %add3A_3055 : i32 to vector<16xi32>
      %add3A_3057 = arith.addi %xor3A_2104, %add3A_3056 : vector<16xi32>
      %select_n3A_3058 = arith.select %lt3A_3054, %add3A_3057, %xor3A_2104 : vector<16xi1>, vector<16xi32>
      %broadcast_in_dim3A_3059 = vector.shape_cast %select_n3A_3058 : vector<16xi32> to vector<16x1xi32>
      %gather3A_3060 = vector.shape_cast %broadcast_in_dim3A_3059 : vector<16x1xi32> to vector<16xi32>
      %gather3A_3061 = tpu.dynamic_gather %mul3A_3051[%gather3A_3060] in [0] : vector<16xf32>, vector<16xi32> -> vector<16xf32>
      %add3A_3062 = arith.addf %mul3A_3051, %gather3A_3061 : vector<16xf32>
      %lt3A_3063 = arith.constant 0 : i32
      %lt3A_3064 = vector.broadcast %lt3A_3063 : i32 to vector<16xi32>
      %lt3A_3065 = arith.cmpi slt, %xor3A_2107, %lt3A_3064 : vector<16xi32>
      %add3A_3066 = arith.constant 16 : i32
      %add3A_3067 = vector.broadcast %add3A_3066 : i32 to vector<16xi32>
      %add3A_3068 = arith.addi %xor3A_2107, %add3A_3067 : vector<16xi32>
      %select_n3A_3069 = arith.select %lt3A_3065, %add3A_3068, %xor3A_2107 : vector<16xi1>, vector<16xi32>
      %broadcast_in_dim3A_3070 = vector.shape_cast %select_n3A_3069 : vector<16xi32> to vector<16x1xi32>
      %gather3A_3071 = vector.shape_cast %broadcast_in_dim3A_3070 : vector<16x1xi32> to vector<16xi32>
      %gather3A_3072 = tpu.dynamic_gather %add3A_3062[%gather3A_3071] in [0] : vector<16xf32>, vector<16xi32> -> vector<16xf32>
      %add3A_3073 = arith.addf %add3A_3062, %gather3A_3072 : vector<16xf32>
      %lt3A_3074 = arith.constant 0 : i32
      %lt3A_3075 = vector.broadcast %lt3A_3074 : i32 to vector<16xi32>
      %lt3A_3076 = arith.cmpi slt, %xor3A_2110, %lt3A_3075 : vector<16xi32>
      %add3A_3077 = arith.constant 16 : i32
      %add3A_3078 = vector.broadcast %add3A_3077 : i32 to vector<16xi32>
      %add3A_3079 = arith.addi %xor3A_2110, %add3A_3078 : vector<16xi32>
      %select_n3A_3080 = arith.select %lt3A_3076, %add3A_3079, %xor3A_2110 : vector<16xi1>, vector<16xi32>
      %broadcast_in_dim3A_3081 = vector.shape_cast %select_n3A_3080 : vector<16xi32> to vector<16x1xi32>
      %gather3A_3082 = vector.shape_cast %broadcast_in_dim3A_3081 : vector<16x1xi32> to vector<16xi32>
      %gather3A_3083 = tpu.dynamic_gather %add3A_3073[%gather3A_3082] in [0] : vector<16xf32>, vector<16xi32> -> vector<16xf32>
      %add3A_3084 = arith.addf %add3A_3073, %gather3A_3083 : vector<16xf32>
      %lt3A_3085 = arith.constant 0 : i32
      %lt3A_3086 = vector.broadcast %lt3A_3085 : i32 to vector<16xi32>
      %lt3A_3087 = arith.cmpi slt, %xor3A_2113, %lt3A_3086 : vector<16xi32>
      %add3A_3088 = arith.constant 16 : i32
      %add3A_3089 = vector.broadcast %add3A_3088 : i32 to vector<16xi32>
      %add3A_3090 = arith.addi %xor3A_2113, %add3A_3089 : vector<16xi32>
      %select_n3A_3091 = arith.select %lt3A_3087, %add3A_3090, %xor3A_2113 : vector<16xi1>, vector<16xi32>
      %broadcast_in_dim3A_3092 = vector.shape_cast %select_n3A_3091 : vector<16xi32> to vector<16x1xi32>
      %gather3A_3093 = vector.shape_cast %broadcast_in_dim3A_3092 : vector<16x1xi32> to vector<16xi32>
      %gather3A_3094 = tpu.dynamic_gather %add3A_3084[%gather3A_3093] in [0] : vector<16xf32>, vector<16xi32> -> vector<16xf32>
      %add3A_3095 = arith.addf %add3A_3084, %gather3A_3094 : vector<16xf32>
      %eq3A_3096 = arith.constant 15 : i32
      %eq3A_3097 = vector.broadcast %eq3A_3096 : i32 to vector<16xi32>
      %eq3A_3098 = arith.cmpi eq, %iota3A, %eq3A_3097 : vector<16xi32>
      %select_n3A_3099 = arith.select %eq3A_3098, %add3A_3095, %select_n3A_3038 : vector<16xi1>, vector<16xf32>
      %neg3A = arith.constant 0.000000e+00 : f32
      %neg3A_3100 = vector.broadcast %neg3A : f32 to vector<16xf32>
      %neg3A_3101 = arith.subf %neg3A_3100, %select_n3A_3099 : vector<16xf32>
      %exp3A = math.exp %neg3A_3101 : vector<16xf32>
      %add3A_3102 = arith.constant 1.000000e+00 : f32
      %add3A_3103 = vector.broadcast %add3A_3102 : f32 to vector<16xf32>
      %add3A_3104 = arith.addf %add3A_3103, %exp3A : vector<16xf32>
      %div3A = arith.constant 5.500000e+00 : f32
      %div3A_3105 = vector.broadcast %div3A : f32 to vector<16xf32>
      %div3A_3106 = arith.divf %div3A_3105, %add3A_3104 : vector<16xf32>
      %swap3A_3107 = arith.index_cast %mul3A_2121 : i32 to index
      %swap3A_3108 = tpu.vector_load %arg11[%swap3A_3107] {strides = array<i32>} : memref<512xf32, #tpu.memory_space<vmem>>, vector<16xf32>,
      %swap3A_3109 = vector.shape_cast %swap3A_3108 : vector<16xf32> to vector<16xf32>
      %swap3A_3110 = vector.shape_cast %div3A_3106 : vector<16xf32> to vector<16xf32>
      tpu.vector_store %arg11[%swap3A_3107], %swap3A_3110 {strides = array<i32>} : memref<512xf32, #tpu.memory_space<vmem>>, vector<16xf32>,
    }
    %scan3A_2118 = arith.constant 32 : i32
    "tpu.region"() ({
      %run_scoped3A = tpu.sem_alloc : memref<!tpu.dma_semaphore, #tpu.memory_space<semaphore_mem>>
      %dma_start3A_2119 = tpu.memref_slice %arg5[%mul3A_2] : memref<16384xf32, #tpu.memory_space<hbm>> -> memref<512xf32, #tpu.memory_space<hbm>>
      %dma_start3A_2120 = tpu.memref_slice %arg5[%mul3A_2] : memref<16384xf32, #tpu.memory_space<hbm>> -> memref<512xf32, #tpu.memory_space<hbm>>
      tpu.enqueue_dma source(%arg11 : memref<512xf32, #tpu.memory_space<vmem>>) target(%dma_start3A_2120 : memref<512xf32, #tpu.memory_space<hbm>>) target_semaphore(%run_scoped3A : memref<!tpu.dma_semaphore, #tpu.memory_space<semaphore_mem>>)
      %dma_wait3A_2121 = tpu.memref_slice %arg5[%mul3A_2] : memref<16384xf32, #tpu.memory_space<hbm>> -> memref<512xf32, #tpu.memory_space<hbm>>
      %dma_wait3A_2122 = tpu.memref_slice %arg5[%mul3A_2] : memref<16384xf32, #tpu.memory_space<hbm>> -> memref<512xf32, #tpu.memory_space<hbm>>
      tpu.wait_dma2 semaphore(%run_scoped3A : memref<!tpu.dma_semaphore, #tpu.memory_space<semaphore_mem>>) src(%arg11 : memref<512xf32, #tpu.memory_space<vmem>>) dst(%dma_wait3A_2122 : memref<512xf32, #tpu.memory_space<hbm>>)
      tpu.yield
    }) : () -> ()
    return
  }
}

</mosaic_0001>

<sc_bundles>
// kernel: kernel.3.cloned.1.call-start
scs
__scs_entry_jumppad:
0x0: {  	(pc) =	sbr.rel $0x88, $3  }
0x1: {  	(tag) =	ssettag $0x0;
	lr =	simm.s32 $0x1  }
0x2: {  	[smem:$0x3F9E] =	sst lr;
	_ =	strace $0xD0000000  }
0x3: {  	_ = 	snop  }
0x4: {  	_ = 	snop  }
0x5: {  	_ = 	snop  }
0x6: {  	_ = 	snop  }
0x7: {  	_ = 	snop  }
__scs_overlays_trampoline_lowered:
0x8: {  	[smem:$0x3FAD] =	sst s0  }
0x9: {  	[smem:$0x3FAE] =	sst s1  }
0xa: {  	[smem:$0x3FAF] =	sst s2  }
0xb: {  	[smem:$0x3FB0] =	sst s3  }
0xc: {  	[smem:$0x3FB1] =	sst s4  }
0xd: {  	[smem:$0x3FB2] =	sst s5  }
0xe: {  	[smem:$0x3FB3] =	sst s6  }
0xf: {  	[smem:$0x3FB4] =	sst s7  }
0x10: {  	[smem:$0x3FB5] =	sst s8  }
0x11: {  	[smem:$0x3FB6] =	sst s9;
	s0 =	simm.s32 @!p0 $0x0  }
0x12: {  	s1 =	sld [smem:$0x3F9C];
	s0 =	simm.s32 @p0 $0x1  }
0x13: {  	[smem:$0x3FB7] =	sst s0;
	s0 =	simm.s32 @!p1 $0x0  }
0x14: {  	s2 =	sld [smem:$0x3F9B];
	s0 =	simm.s32 @p1 $0x1  }
0x15: {  	[smem:$0x3FB8] =	sst s0;
	s0 =	simm.s32 @!p2 $0x0  }
0x16: {  	s3 =	sld [smem:$0x3FDB];
	s0 =	simm.s32 @p2 $0x1  }
0x17: {  	s4 =	simm.s32 $0x1BF5;
	[smem:$0x3FBA] =	sst s0  }
0x18: {  	s0 =	sld [smem:$0x3F9D];
	_ =	swait.ge [sflag:s4], $0x0  }
0x19: {  	s7 =	sld [smem:$0x3F9E]  }
0x1a: {  	s8 =	sadd.s32 $0xFFFFE003, lr  }
0x1b: {  	s9 =	sadd.s32 $0xFFFFFEF7, lr;
	s5 =	simm.s32 $0xFFFFFFFF;
	p2 =	slt.u32 s8, $0xFFFFF086  }
0x1c: {  	p1 =	slt.u32 s9, $0xF7A;
	s5 =	simm.s32 @!p2 $0x0  }
0x1d: {  	s5 =	simm.s32 @p1 $0x1;
	p0 =	seq.s32 s7, s2  }
0x1e: {  	s7 =	smul.u32 @!p0 $0xF7A, s2;
	p2 =	seq.s32 @!p0 s5, $0x0  }
0x1f: {  	s9 =	smul.u32 $0xF7A, s1;
	s8 =	simm.s32 @!p0 $0x1BF5;
	p2 =	por !p2, p0  }
0x20: {  	[sflag:s8] =	ssyncset.s32 @!p0 $0xFFFFF086;
	s6 =	sadd.s32 @!p0 s3, s7;
	s7 =	simm.s32 @!p0 $0x108  }
0x21: {  	s3 =	sadd.s32 s3, s9;
	s6 =	sadd.s32 @!p0 $0x88, s6;
	s7 =	simm.s32 @p2 $0x1082  }
0x22: {  	[simem:s7], [sflag:s8] =	dma.local @!p0 [hbm:s6], $0xF7A  }
0x23: {  	s9 =	sor.u32 $0xD0000000, s2;
	s6 =	simm.s32 $0x108;
	_ =	swait.ge @!p0 [sflag:s8], $0x0  }
0x24: {  	s3 =	sadd.s32 $0x88, s3;
	s6 =	simm.s32 @!p1 $0x1082;
	[sflag:s4] =	ssyncset.s32 $0xFFFFF086  }
0x25: {  	[simem:s6], [sflag:s4] =	dma.local [hbm:s3], $0xF7A  }
0x26: {  	[smem:$0x3F9E] =	sst s1;
	(tag) =	ssettag s2;
	_ =	strace s9  }
0x27: {  	s1 =	sld [smem:$0x3FAE]  }
0x28: {  	s2 =	sld [smem:$0x3FAF]  }
0x29: {  	s4 =	sld [smem:$0x3FB1]  }
0x2a: {  	p0 =	seq.s32 s5, $0x0;
	s5 =	sld [smem:$0x3FB2]  }
0x2b: {  	s6 =	sld [smem:$0x3FB3]  }
0x2c: {  	s7 =	sld [smem:$0x3FB4]  }
0x2d: {  	s3 =	simm.s32 $0x108;
	s8 =	sld [smem:$0x3FB5]  }
0x2e: {  	s3 =	simm.s32 @!p0 $0x1082;
	s9 =	sld [smem:$0x3FB6]  }
0x2f: {  	lr =	sadd.s32 s0, s3;
	s0 =	sld [smem:$0x3FAD]  }
0x30: {  	s3 =	sld [smem:$0x3FB0]  }
0x31: {  	[smem:$0x3FB9] =	sst s10  }
0x32: {  	s10 =	sld [smem:$0x3FB7];
	_ =	sdelay $0x3  }
0x33: {  	p0 =	seq.s32 s10, $0x1;
	s10 =	sld [smem:$0x3FB9];
	_ =	sdelay $0x3  }
0x34: {  	[smem:$0x3FB9] =	sst s10  }
0x35: {  	s10 =	sld [smem:$0x3FB8];
	_ =	sdelay $0x3  }
0x36: {  	p1 =	seq.s32 s10, $0x1;
	s10 =	sld [smem:$0x3FB9];
	_ =	sdelay $0x3  }
0x37: {  	[smem:$0x3FB9] =	sst s10  }
0x38: {  	s10 =	sld [smem:$0x3FBA]  }
0x39: {  	_ = 	snop;
	(pc) =	sbr.ind lr, $3  }
0x3a: {  	_ = 	snop  }
0x3b: {  	_ = 	snop  }
0x3c: {  	p2 =	seq.s32 s10, $0x1;
	s10 =	sld [smem:$0x3FB9]  }
0x3d: {  	_ =	shalt  }
0x3e: {  	_ =	shalt  }
0x3f: {  	_ =	shalt  }
0x40: {  	_ =	shalt  }
0x41: {  	_ =	shalt  }
0x42: {  	_ =	shalt  }
0x43: {  	_ =	shalt  }
0x44: {  	_ =	shalt  }
0x45: {  	_ =	shalt  }
0x46: {  	_ =	shalt  }
0x47: {  	_ =	shalt  }
0x48: {  	_ =	shalt  }
0x49: {  	_ =	shalt  }
0x4a: {  	_ =	shalt  }
0x4b: {  	_ =	shalt  }
0x4c: {  	_ =	shalt  }
0x4d: {  	_ =	shalt  }
0x4e: {  	_ =	shalt  }
0x4f: {  	_ =	shalt  }
0x50: {  	_ =	shalt  }
0x51: {  	_ =	shalt  }
0x52: {  	_ =	shalt  }
0x53: {  	_ =	shalt  }
0x54: {  	_ =	shalt  }
0x55: {  	_ =	shalt  }
0x56: {  	_ =	shalt  }
0x57: {  	_ =	shalt  }
0x58: {  	_ =	shalt  }
0x59: {  	_ =	shalt  }
0x5a: {  	_ =	shalt  }
0x5b: {  	_ =	shalt  }
0x5c: {  	_ =	shalt  }
0x5d: {  	_ =	shalt  }
0x5e: {  	_ =	shalt  }
0x5f: {  	_ =	shalt  }
0x60: {  	_ =	shalt  }
0x61: {  	_ =	shalt  }
0x62: {  	_ =	shalt  }
0x63: {  	_ =	shalt  }
0x64: {  	_ =	shalt  }
0x65: {  	_ =	shalt  }
0x66: {  	_ =	shalt  }
0x67: {  	_ =	shalt  }
0x68: {  	_ =	shalt  }
0x69: {  	_ =	shalt  }
0x6a: {  	_ =	shalt  }
0x6b: {  	_ =	shalt  }
0x6c: {  	_ =	shalt  }
0x6d: {  	_ =	shalt  }
0x6e: {  	_ =	shalt  }
0x6f: {  	_ =	shalt  }
0x70: {  	_ =	shalt  }
0x71: {  	_ =	shalt  }
0x72: {  	_ =	shalt  }
0x73: {  	_ =	shalt  }
0x74: {  	_ =	shalt  }
0x75: {  	_ =	shalt  }
0x76: {  	_ =	shalt  }
0x77: {  	_ =	shalt  }
0x78: {  	_ =	shalt  }
0x79: {  	_ =	shalt  }
0x7a: {  	_ =	shalt  }
0x7b: {  	_ =	shalt  }
0x7c: {  	_ =	shalt  }
0x7d: {  	_ =	shalt  }
0x7e: {  	_ =	shalt  }
0x7f: {  	_ =	shalt  }
0x80: {  	_ =	shalt  }
0x81: {  	_ =	shalt  }
0x82: {  	_ =	shalt  }
0x83: {  	_ =	shalt  }
0x84: {  	_ =	shalt  }
0x85: {  	_ =	shalt  }
0x86: {  	_ =	shalt  }
0x87: {  	_ =	shalt  }
.Lfunc_end0:
.L_simem_size_0:
called_computation_lowered:
.L_overlay_start_0:
0x88: {  	s2 =	sld [smem:$0x3FD9]  }
0x89: {  	s3 =	sld [smem:$0x3FFE];
	_ =	sdelay $0x1  }
0x8a: {  	s1 =	srdreg.scid  }
0x8b: {  	s0 =	sand.u32 $0x1, s1  }
0x8c: {  	s17 =	sshll.u32 s0, $0xA;
	s2 =	sadd.s32 s3, s2  }
0x8d: {  	s2 =	sadd.s32 s2, s17  }
0x8e: {  	[smem:$0x3FC5] =	sst s2  }
0x8f: {  	_ = 	snop  }
0x90: {  	s2 =	sld [smem:$0x3FD0];
	(tm) =	ssettm $0x1  }
0x91: {  	s18 =	sld [smem:$0x3FFB];
	_ =	sdelay $0x3  }
0x92: {  	_ =	strace s18  }
0x93: {  	s3 =	sld [smem:$0x3FFC];
	_ =	sdelay $0x3  }
0x94: {  	_ =	strace s3  }
0x95: {  	s3 =	sld [smem:$0x3FFD];
	_ =	sdelay $0x3  }
0x96: {  	_ =	strace s3  }
0x97: {  	_ =	strace $0x8FFFFFFF  }
0x98: {  	s19 =	sld [smem:$0x3FDB];
	_ =	sdelay $0x1  }
0x99: {  	s4 =	simm.s32 $_scs_section_size  }
0x9a: {  	s5 =	simm.s32 $_size__tile_overlayer_lowered;
	s6 =	simm.s32 $_tile_overlayer_lowered  }
0x9b: {  	s22 =	simm.s32 $0x1BFF;
	s21 =	sshll.u32 s6, $0x1;
	s3 =	sadd.s32 s4, s19  }
0x9c: {  	s7 =	simm.s32 $0x0;
	s20 =	sshll.u32 s5, $0x1;
	s5 =	sadd.s32 s21, s3  }
0x9d: {  	[timem:s7], [sflag:s22] =	dma.local [hbm:s5], s20  }
0x9e: {  	_ =	swait.ge [sflag:s22], s20  }
0x9f: {  	s4 =	ssub.s32 $0x0, s20;
	[sflag:s22] =	ssyncset.done $0x0  }
0xa0: {  	[sflag:s22] =	ssyncadd.s32 s4;
	_ =	sdelay $0x1  }
0xa1: {  	s23 =	simm.s32 $0x1B8B  }
0xa2: {  	_ =	swait.ge [sflag:s23], $0x1  }
0xa3: {  	[sflag:s23] =	ssyncset.done $0x0  }
0xa4: {  	s25 =	simm.s32 $0x1B8E;
	s24 =	sld [smem:$0x3FFE];
	[sflag:s23] =	ssyncadd.s32 $0xFFFFFFFF  }
0xa5: {  	s26 =	simm.s32 $execute0_lowered;
	[smem:$0x3FD2] =	sst s25  }
0xa6: {  	s5 =	sshll.u32 s26, $0x1;
	_ =	strace $0x80000046;
	[dreg:$0x1] =	wrdreg $0xFFFFFFFF  }
0xa7: {  	s28 =	simm.s32 $_size_execute0_lowered;
	s3 =	sadd.s32 s3, s5;
	[dreg:$0x0] =	wrdreg $0x0  }
0xa8: {  	s5 =	sshll.u32 s28, $0x1;
	[dreg:$0x2] =	wrdreg s3  }
0xa9: {  	[dreg:$0x3] =	wrdreg s5  }
0xaa: {  	[dreg:$0x4] =	wrdreg $0xC0  }
0xab: {  	_ =	task [dreg:s7], $0x5FFFF  }
0xac: {  	[dreg:$0x1] =	wrdreg $0xFFFFFFFF  }
0xad: {  	[dreg:$0x0] =	wrdreg $0x60  }
0xae: {  	[dreg:$0x2] =	wrdreg s24  }
0xaf: {  	[dreg:$0x3] =	wrdreg s2  }
0xb0: {  	[dreg:$0x4] =	wrdreg $0x9  }
0xb1: {  	_ =	task.clear_ibuf [dreg:s7], $0x5FFFF;
	_ =	strace $0x90000046  }
0xb2: {  	s29 =	simm.s32 $0x9;
	_ =	strace $0x80000048  }
0xb3: {  	_ =	swait.ge [sflag:s29], $0x1  }
0xb4: {  	[sflag:s29] =	ssyncadd.s32 $0xFFFFFFFF  }
0xb5: {  	_ =	strace $0x90000048  }
0xb6: {  	_ =	sfence  }
0xb7: {  	s30 =	sld [smem:$0x0];
	_ =	sdelay $0x2  }
0xb8: {  	s31 =	sshll.u32 s1, $0xD;
	s1 =	sshrl.u32 s1, $0x2  }
0xb9: {  	s3 =	sand.u32 $0x4000, s31;
	s1 =	sadd.s32 s1, s30  }
0xba: {  	s0 =	sor.u32 s3, s0;
	s1 =	sshll.u32 s1, $0x11  }
0xbb: {  	s0 =	sor.u32 s1, s0  }
0xbc: {  	s0 =	sadd.s32 $0x8F2B, s0  }
0xbd: {  	[sflag:s0] =	ssyncadd.remote.s32 $0x1  }
0xbe: {  	_ =	sfence.sel $0xFFFF  }
0xbf: {  	[dreg:$0x0] =	wrdreg $0xFFFFFFFF;
	(pc) =	sbr.abs _section_cstart, $3  }
0xc0: {  	[dreg:$0x1] =	wrdreg $0xFFFFFFFF  }
0xc1: {  	_ =	task.clear_ibuf [dreg:s7], $0x2FFFF;
	_ =	strace $0x9FFFFFFF  }
0xc2: {  	(tm) =	ssettm $0x7FFFFFFF  }
0xc3: {  	_ =	shalt  }
tec
execute0_lowered:
.L_overlay_start_1:
0x0: {  	(tag) =	ssettag $0x1  }
0x1: {  	v0 =	vimm.s32 $0xEFCDAB89;
	v1 =	vimm.s32 $0x67452301;
	v2 =	vlaneseq.u32  }
0x2: {  	v3 =	vimm.s32 $0xDCFE98BA;
	v4 =	vimm.s32 $0x54761032;
	v5 =	vimm.s32 $0xBA98FEDC  }
0x3: {  	s0 =	rddreg [dreg:$0x0];
	v6 =	vimm.s32 $0x32107654;
	vm0 =	vmmov $0xff;
	vm1 =	vmmov $0x1  }
0x4: {  	s6 =	rddreg [dreg:$0x1];
	s3 =	srdreg.scid;
	vm2 =	vmmov $0x3;
	vm3 =	vmmov $0x7;
	vm4 =	vmmov $0xf  }
0x5: {  	s1 =	stileid.u32;
	s2 =	simm.s32 $0x0;
	s10 =	simm.s32 $0x400;
	vm5 =	vmmov $0x1f;
	vm6 =	vmmov $0x3f;
	vm7 =	vmmov $0x7f  }
0x6: {  	s11 =	simm.s32 $0x800;
	s12 =	simm.s32 $0x600;
	s13 =	simm.s32 $0x2800;
	vm8 =	vmmov $0x1ff;
	v0 =	vunpack.c.l.s4.s8 v0;
	v1 =	vunpack.c.l.s4.s8 v1  }
0x7: {  	s14 =	simm.s32 $0x480;
	s15 =	simm.s32 $0x1000;
	s16 =	simm.s32 $0x680;
	vm9 =	vmmov $0x3ff;
	vm10 =	vmmov $0x7ff;
	vm11 =	vmmov $0xfff  }
0x8: {  	s17 =	simm.s32 $0x3000;
	s18 =	simm.s32 $0x500;
	s19 =	simm.s32 $0x1800;
	v3 =	vunpack.c.l.s4.s8 v3;
	v0 =	vunpack.c.0.s8.s32 v0;
	v1 =	vunpack.c.0.s8.s32 v1  }
0x9: {  	s20 =	simm.s32 $0x700;
	s21 =	simm.s32 $0x3800;
	s22 =	simm.s32 $0x580;
	vm12 =	vmmov $0x1fff;
	v4 =	vunpack.c.l.s4.s8 v4;
	v5 =	vunpack.c.l.s4.s8 v5  }
0xa: {  	s23 =	simm.s32 $0x2000;
	s24 =	simm.s32 $0x780;
	s25 =	simm.s32 $0x4000;
	v7 =	vcombine.low v1, v0;
	v0 =	vunpack.c.0.s8.s32 v3;
	v1 =	vunpack.c.l.s4.s8 v6  }
0xb: {  	s26 =	simm.s32 $0x1;
	s28 =	simm.s32 $0x4800;
	s29 =	simm.s32 $0x0;
	v3 =	vunpack.c.0.s8.s32 v4;
	v4 =	vunpack.c.0.s8.s32 v5;
	v5 =	vimm.s32 $0xFEDCBA98  }
0xc: {  	vm13 =	vmmov $0x3fff;
	s3 =	sand.u32 $0x1, s3;
	s4 =	sshll.u32 s1, $0x1;
	[smem:$0x7FF] =	sst s2;
	v6 =	vimm.s32 $0x76543210;
	v5 =	vunpack.c.l.s4.s8 v5  }
0xd: {  	v2 =	vand.u32 $0x7, v2;
	s5 =	sor.u32 s3, s4;
	_ =	strace $0x80000047;
	s7 =	ssub.s32 $0x2, s3;
	v6 =	vunpack.c.l.s4.s8 v6;
	v1 =	vunpack.c.0.s8.s32 v1  }
0xe: {  	s3 =	sadd.s32 $0x112B000, s0;
	s4 =	sshll.u32 s5, $0x7;
	s9 =	sshrl.u32 s7, $0x1;
	v3 =	vcombine.low v3, v0;
	v0 =	vmul.u32 $0x2, v2;
	v5 =	vunpack.c.0.s8.s32 v5  }
0xf: {  	vm14 =	vmmov $0x7fff;
	s31 =	sshll.u32 s5, $0x6;
	s8 =	sadd.s32 s4, s0;
	s4 =	sadd.s32 $0xF42A00, s0;
	v6 =	vunpack.c.0.s8.s32 v6;
	v4 =	vcombine.low v1, v4  }
0x10: {  	s30 =	ssub.s32 s7, s9;
	s6 =	sadd.s32 s6, s31;
	s9 =	simm.s32 $0x80;
	v2 =	vand.u32 $0xF, v7;
	v1 =	vor.u32 $0x1, v0;
	v5 =	vand.u32 $0xF, v5  }
0x11: {  	s5 =	sadd.s32 $0x600, s8;
	s7 =	smax.u32 s30, $0x1;
	s8 =	simm.s32 $0x2;
	v3 =	vand.u32 $0xF, v3;
	v4 =	vand.u32 $0xF, v4;
	v5 =	vcombine.low v5, v6  }
.LBB2_1:
0x12: {  	[tilespmem:s2], [sflag:$0x2] =	stream.linear.gather [hbm4b:s5+s2], $0x400, $0x38;
	[tilespmem:$0x4A00] =	vst v63  }
0x13: {  	_ =	swait.ge [sflag:s8], $0x400  }
0x14: {  	[sflag:s8] =	ssyncset.done $0x0  }
0x15: {  	[sflag:s8] =	ssyncadd.s32 $0xFFFFFC00  }
0x16: {  	v6 =	vld [tilespmem:$0x0]  }
0x17: {  	v7 =	vld [tilespmem:$0x10]  }
0x18: {  	v8 =	vld [tilespmem:$0x20]  }
0x19: {  	v9 =	vld [tilespmem:$0x30]  }
0x1a: {  	v10 =	vld [tilespmem:$0x40]  }
0x1b: {  	v11 =	vld [tilespmem:$0x50]  }
0x1c: {  	v14 =	vld [tilespmem:$0x60];
	v12 =	vperm.xlane v6, v0;
	v13 =	vperm.xlane v7, v0  }
0x1d: {  	v15 =	vld [tilespmem:$0x70];
	v6 =	vperm.xlane v6, v1;
	v7 =	vperm.xlane v7, v1  }
0x1e: {  	v17 =	vld [tilespmem:$0x80];
	v16 =	vperm.xlane v9, v0;
	v12 =	vsel vm0, v12, v13;
	v13 =	vperm.xlane v8, v0  }
0x1f: {  	v6 =	vsel vm0, v6, v7;
	v7 =	vperm.xlane v8, v1;
	v8 =	vperm.xlane v9, v1;
	v9 =	vld [tilespmem:$0x90];
	[tilespmem:$0x400] =	vst v12  }
0x20: {  	[tilespmem:$0x600] =	vst v6;
	v12 =	vperm.xlane v10, v0;
	v6 =	vsel vm0, v13, v16;
	v13 =	vperm.xlane v11, v0;
	v16 =	vld [tilespmem:$0xA0]  }
0x21: {  	v7 =	vsel vm0, v7, v8;
	v8 =	vperm.xlane v11, v1;
	[tilespmem:$0x410] =	vst v6;
	v6 =	vperm.xlane v10, v1;
	v10 =	vld [tilespmem:$0xB0]  }
0x22: {  	v11 =	vperm.xlane v14, v0;
	[tilespmem:$0x610] =	vst v7;
	v7 =	vsel vm0, v12, v13;
	v12 =	vperm.xlane v15, v0;
	v13 =	vld [tilespmem:$0xC0]  }
0x23: {  	v6 =	vsel vm0, v6, v8;
	[tilespmem:$0x420] =	vst v7;
	v7 =	vperm.xlane v14, v1;
	v8 =	vperm.xlane v15, v1;
	v14 =	vld [tilespmem:$0xD0]  }
0x24: {  	v15 =	vld [tilespmem:$0xE0];
	[tilespmem:$0x620] =	vst v6;
	v6 =	vsel vm0, v11, v12;
	v11 =	vperm.xlane v17, v0;
	v12 =	vperm.xlane v9, v0  }
0x25: {  	v7 =	vsel vm0, v7, v8;
	[tilespmem:$0x430] =	vst v6;
	v6 =	vperm.xlane v17, v1;
	v8 =	vperm.xlane v9, v1;
	v9 =	vld [tilespmem:$0xF0]  }
0x26: {  	v17 =	vld [tilespmem:$0x100];
	[tilespmem:$0x630] =	vst v7;
	v7 =	vsel vm0, v11, v12;
	v11 =	vperm.xlane v16, v0;
	v12 =	vperm.xlane v10, v0  }
0x27: {  	v6 =	vsel vm0, v6, v8;
	[tilespmem:$0x440] =	vst v7;
	v7 =	vperm.xlane v16, v1;
	v8 =	vperm.xlane v10, v1;
	v10 =	vld [tilespmem:$0x110]  }
0x28: {  	v16 =	vld [tilespmem:$0x120];
	[tilespmem:$0x640] =	vst v6;
	v6 =	vsel vm0, v11, v12;
	v11 =	vperm.xlane v13, v0;
	v12 =	vperm.xlane v14, v0  }
0x29: {  	v7 =	vsel vm0, v7, v8;
	[tilespmem:$0x450] =	vst v6;
	v6 =	vperm.xlane v13, v1;
	v8 =	vperm.xlane v14, v1;
	v13 =	vld [tilespmem:$0x130]  }
0x2a: {  	v14 =	vld [tilespmem:$0x140];
	[tilespmem:$0x650] =	vst v7;
	v7 =	vsel vm0, v11, v12;
	v11 =	vperm.xlane v15, v0;
	v12 =	vperm.xlane v9, v0  }
0x2b: {  	v6 =	vsel vm0, v6, v8;
	[tilespmem:$0x460] =	vst v7;
	v7 =	vperm.xlane v15, v1;
	v8 =	vperm.xlane v9, v1;
	v9 =	vld [tilespmem:$0x150]  }
0x2c: {  	v15 =	vld [tilespmem:$0x160];
	[tilespmem:$0x660] =	vst v6;
	v6 =	vsel vm0, v11, v12;
	v11 =	vperm.xlane v17, v0;
	v12 =	vperm.xlane v10, v0  }
0x2d: {  	v7 =	vsel vm0, v7, v8;
	[tilespmem:$0x470] =	vst v6;
	v6 =	vperm.xlane v17, v1;
	v8 =	vperm.xlane v10, v1;
	v10 =	vld [tilespmem:$0x170]  }
0x2e: {  	v17 =	vld [tilespmem:$0x180];
	[tilespmem:$0x670] =	vst v7;
	v7 =	vsel vm0, v11, v12;
	v11 =	vperm.xlane v16, v0;
	v12 =	vperm.xlane v13, v0  }
0x2f: {  	v6 =	vsel vm0, v6, v8;
	[tilespmem:$0x480] =	vst v7;
	v7 =	vperm.xlane v16, v1;
	v8 =	vperm.xlane v13, v1;
	v13 =	vld [tilespmem:$0x190]  }
0x30: {  	v16 =	vld [tilespmem:$0x1A0];
	[tilespmem:$0x680] =	vst v6;
	v6 =	vsel vm0, v11, v12;
	v11 =	vperm.xlane v14, v0;
	v12 =	vperm.xlane v9, v0  }
0x31: {  	v7 =	vsel vm0, v7, v8;
	[tilespmem:$0x490] =	vst v6;
	v6 =	vperm.xlane v14, v1;
	v8 =	vperm.xlane v9, v1;
	v9 =	vld [tilespmem:$0x1B0]  }
0x32: {  	v14 =	vld [tilespmem:$0x1C0];
	[tilespmem:$0x690] =	vst v7;
	v7 =	vsel vm0, v11, v12;
	v11 =	vperm.xlane v15, v0;
	v12 =	vperm.xlane v10, v0  }
0x33: {  	v6 =	vsel vm0, v6, v8;
	[tilespmem:$0x4A0] =	vst v7;
	v7 =	vperm.xlane v15, v1;
	v8 =	vperm.xlane v10, v1;
	v10 =	vld [tilespmem:$0x1D0]  }
0x34: {  	v15 =	vld [tilespmem:$0x1E0];
	[tilespmem:$0x6A0] =	vst v6;
	v6 =	vsel vm0, v11, v12;
	v11 =	vperm.xlane v17, v0;
	v12 =	vperm.xlane v13, v0  }
0x35: {  	v7 =	vsel vm0, v7, v8;
	[tilespmem:$0x4B0] =	vst v6;
	v6 =	vperm.xlane v17, v1;
	v8 =	vperm.xlane v13, v1;
	v13 =	vld [tilespmem:$0x1F0]  }
0x36: {  	v17 =	vld [tilespmem:$0x200];
	[tilespmem:$0x6B0] =	vst v7;
	v7 =	vsel vm0, v11, v12;
	v11 =	vperm.xlane v16, v0;
	v12 =	vperm.xlane v9, v0  }
0x37: {  	v6 =	vsel vm0, v6, v8;
	[tilespmem:$0x4C0] =	vst v7;
	v7 =	vperm.xlane v16, v1;
	v8 =	vperm.xlane v9, v1;
	v9 =	vld [tilespmem:$0x210]  }
0x38: {  	v16 =	vld [tilespmem:$0x220];
	[tilespmem:$0x6C0] =	vst v6;
	v6 =	vsel vm0, v11, v12;
	v11 =	vperm.xlane v14, v0;
	v12 =	vperm.xlane v10, v0  }
0x39: {  	v7 =	vsel vm0, v7, v8;
	[tilespmem:$0x4D0] =	vst v6;
	v6 =	vperm.xlane v14, v1;
	v8 =	vperm.xlane v10, v1;
	v10 =	vld [tilespmem:$0x230]  }
0x3a: {  	v14 =	vld [tilespmem:$0x240];
	[tilespmem:$0x6D0] =	vst v7;
	v7 =	vsel vm0, v11, v12;
	v11 =	vperm.xlane v15, v0;
	v12 =	vperm.xlane v13, v0  }
0x3b: {  	v6 =	vsel vm0, v6, v8;
	[tilespmem:$0x4E0] =	vst v7;
	v7 =	vperm.xlane v15, v1;
	v8 =	vperm.xlane v13, v1;
	v13 =	vld [tilespmem:$0x250]  }
0x3c: {  	v15 =	vld [tilespmem:$0x260];
	[tilespmem:$0x6E0] =	vst v6;
	v6 =	vsel vm0, v11, v12;
	v11 =	vperm.xlane v17, v0;
	v12 =	vperm.xlane v9, v0  }
0x3d: {  	v7 =	vsel vm0, v7, v8;
	[tilespmem:$0x4F0] =	vst v6;
	v6 =	vperm.xlane v17, v1;
	v8 =	vperm.xlane v9, v1;
	v9 =	vld [tilespmem:$0x270]  }
0x3e: {  	v17 =	vld [tilespmem:$0x280];
	[tilespmem:$0x6F0] =	vst v7;
	v7 =	vsel vm0, v11, v12;
	v11 =	vperm.xlane v16, v0;
	v12 =	vperm.xlane v10, v0  }
0x3f: {  	v6 =	vsel vm0, v6, v8;
	[tilespmem:$0x500] =	vst v7;
	v7 =	vperm.xlane v16, v1;
	v8 =	vperm.xlane v10, v1;
	v10 =	vld [tilespmem:$0x290]  }
0x40: {  	v16 =	vld [tilespmem:$0x2A0];
	[tilespmem:$0x700] =	vst v6;
	v6 =	vsel vm0, v11, v12;
	v11 =	vperm.xlane v14, v0;
	v12 =	vperm.xlane v13, v0  }
0x41: {  	v7 =	vsel vm0, v7, v8;
	[tilespmem:$0x510] =	vst v6;
	v6 =	vperm.xlane v14, v1;
	v8 =	vperm.xlane v13, v1;
	v13 =	vld [tilespmem:$0x2B0]  }
0x42: {  	v14 =	vld [tilespmem:$0x2C0];
	[tilespmem:$0x710] =	vst v7;
	v7 =	vsel vm0, v11, v12;
	v11 =	vperm.xlane v15, v0;
	v12 =	vperm.xlane v9, v0  }
0x43: {  	v6 =	vsel vm0, v6, v8;
	[tilespmem:$0x520] =	vst v7;
	v7 =	vperm.xlane v15, v1;
	v8 =	vperm.xlane v9, v1;
	v9 =	vld [tilespmem:$0x2D0]  }
0x44: {  	v15 =	vld [tilespmem:$0x2E0];
	[tilespmem:$0x720] =	vst v6;
	v6 =	vsel vm0, v11, v12;
	v11 =	vperm.xlane v17, v0;
	v12 =	vperm.xlane v10, v0  }
0x45: {  	v7 =	vsel vm0, v7, v8;
	[tilespmem:$0x530] =	vst v6;
	v6 =	vperm.xlane v17, v1;
	v8 =	vperm.xlane v10, v1;
	v10 =	vld [tilespmem:$0x2F0]  }
0x46: {  	v17 =	vld [tilespmem:$0x300];
	[tilespmem:$0x730] =	vst v7;
	v7 =	vsel vm0, v11, v12;
	v11 =	vperm.xlane v16, v0;
	v12 =	vperm.xlane v13, v0  }
0x47: {  	v6 =	vsel vm0, v6, v8;
	[tilespmem:$0x540] =	vst v7;
	v7 =	vperm.xlane v16, v1;
	v8 =	vperm.xlane v13, v1;
	v13 =	vld [tilespmem:$0x310]  }
0x48: {  	v16 =	vld [tilespmem:$0x320];
	[tilespmem:$0x740] =	vst v6;
	v6 =	vsel vm0, v11, v12;
	v11 =	vperm.xlane v14, v0;
	v12 =	vperm.xlane v9, v0  }
0x49: {  	v7 =	vsel vm0, v7, v8;
	[tilespmem:$0x550] =	vst v6;
	v6 =	vperm.xlane v14, v1;
	v8 =	vperm.xlane v9, v1;
	v9 =	vld [tilespmem:$0x330]  }
0x4a: {  	v14 =	vld [tilespmem:$0x340];
	[tilespmem:$0x750] =	vst v7;
	v7 =	vsel vm0, v11, v12;
	v11 =	vperm.xlane v15, v0;
	v12 =	vperm.xlane v10, v0  }
0x4b: {  	v6 =	vsel vm0, v6, v8;
	[tilespmem:$0x560] =	vst v7;
	v7 =	vperm.xlane v15, v1;
	v8 =	vperm.xlane v10, v1;
	v10 =	vld [tilespmem:$0x350]  }
0x4c: {  	v15 =	vld [tilespmem:$0x360];
	[tilespmem:$0x760] =	vst v6;
	v6 =	vsel vm0, v11, v12;
	v11 =	vperm.xlane v17, v0;
	v12 =	vperm.xlane v13, v0  }
0x4d: {  	v7 =	vsel vm0, v7, v8;
	[tilespmem:$0x570] =	vst v6;
	v6 =	vperm.xlane v17, v1;
	v8 =	vperm.xlane v13, v1;
	v13 =	vld [tilespmem:$0x370]  }
0x4e: {  	v17 =	vld [tilespmem:$0x380];
	[tilespmem:$0x770] =	vst v7;
	v7 =	vsel vm0, v11, v12;
	v11 =	vperm.xlane v16, v0;
	v12 =	vperm.xlane v9, v0  }
0x4f: {  	v6 =	vsel vm0, v6, v8;
	[tilespmem:$0x580] =	vst v7;
	v7 =	vperm.xlane v16, v1;
	v8 =	vperm.xlane v9, v1;
	v9 =	vld [tilespmem:$0x390]  }
0x50: {  	v16 =	vld [tilespmem:$0x3A0];
	[tilespmem:$0x780] =	vst v6;
	v6 =	vsel vm0, v11, v12;
	v11 =	vperm.xlane v14, v0;
	v12 =	vperm.xlane v10, v0  }
0x51: {  	v7 =	vsel vm0, v7, v8;
	[tilespmem:$0x590] =	vst v6;
	v6 =	vperm.xlane v14, v1;
	v8 =	vperm.xlane v10, v1;
	v10 =	vld [tilespmem:$0x3B0]  }
0x52: {  	v14 =	vld [tilespmem:$0x3C0];
	[tilespmem:$0x790] =	vst v7;
	v7 =	vsel vm0, v11, v12;
	v11 =	vperm.xlane v15, v0;
	v12 =	vperm.xlane v13, v0  }
0x53: {  	v6 =	vsel vm0, v6, v8;
	[tilespmem:$0x5A0] =	vst v7;
	v7 =	vperm.xlane v15, v1;
	v8 =	vperm.xlane v13, v1;
	v13 =	vld [tilespmem:$0x3D0]  }
0x54: {  	v15 =	vld [tilespmem:$0x3E0];
	[tilespmem:$0x7A0] =	vst v6;
	v6 =	vsel vm0, v11, v12;
	v11 =	vperm.xlane v17, v0;
	v12 =	vperm.xlane v9, v0  }
0x55: {  	v7 =	vsel vm0, v7, v8;
	[tilespmem:$0x5B0] =	vst v6;
	v6 =	vperm.xlane v17, v1;
	v8 =	vperm.xlane v9, v1;
	v9 =	vld [tilespmem:$0x3F0]  }
0x56: {  	[tilespmem:$0x7B0] =	vst v7;
	v7 =	vsel vm0, v11, v12;
	v11 =	vperm.xlane v16, v0;
	v12 =	vperm.xlane v10, v0  }
0x57: {  	v6 =	vsel vm0, v6, v8;
	[tilespmem:$0x5C0] =	vst v7;
	v7 =	vperm.xlane v16, v1;
	v8 =	vperm.xlane v10, v1  }
0x58: {  	v10 =	vperm.xlane v14, v0;
	[tilespmem:$0x7C0] =	vst v6;
	v6 =	vsel vm0, v11, v12;
	v11 =	vperm.xlane v13, v0  }
0x59: {  	v7 =	vsel vm0, v7, v8;
	[tilespmem:$0x5D0] =	vst v6;
	v6 =	vperm.xlane v14, v1;
	v8 =	vperm.xlane v13, v1  }
0x5a: {  	[tilespmem:$0x7D0] =	vst v7;
	v7 =	vsel vm0, v10, v11;
	v10 =	vperm.xlane v15, v0;
	v11 =	vperm.xlane v9, v0  }
0x5b: {  	v6 =	vsel vm0, v6, v8;
	[tilespmem:$0x5E0] =	vst v7;
	v7 =	vperm.xlane v15, v1;
	v8 =	vperm.xlane v9, v1  }
0x5c: {  	[tilespmem:$0x7E0] =	vst v6;
	v6 =	vsel vm0, v10, v11  }
0x5d: {  	v7 =	vsel vm0, v7, v8;
	[tilespmem:$0x5F0] =	vst v6  }
0x5e: {  	[tilespmem:$0x7F0] =	vst v7  }
0x5f: {  	[tilespmem:s11], [sflag:$0x1] =	stream.indirect.gather [hbm4b:s3+s9], $0x10, s10, s9, $0xb8;
	[tilespmem:$0x4A00] =	vst v63  }
0x60: {  	_ = 	snop  }
0x61: {  	[tilespmem:s13], [sflag:$0x1] =	stream.indirect.gather [hbm4b:s4+s9], $0x10, s12, s9, $0xb8;
	[tilespmem:$0x4A00] =	vst v63  }
0x62: {  	_ = 	snop  }
0x63: {  	[tilespmem:s15], [sflag:$0x1] =	stream.indirect.gather [hbm4b:s3+s9], $0x10, s14, s9, $0xb8;
	[tilespmem:$0x4A00] =	vst v63  }
0x64: {  	_ = 	snop  }
0x65: {  	[tilespmem:s17], [sflag:$0x1] =	stream.indirect.gather [hbm4b:s4+s9], $0x10, s16, s9, $0xb8;
	[tilespmem:$0x4A00] =	vst v63  }
0x66: {  	_ = 	snop  }
0x67: {  	[tilespmem:s19], [sflag:$0x1] =	stream.indirect.gather [hbm4b:s3+s9], $0x10, s18, s9, $0xb8;
	[tilespmem:$0x4A00] =	vst v63  }
0x68: {  	_ = 	snop  }
0x69: {  	[tilespmem:s21], [sflag:$0x1] =	stream.indirect.gather [hbm4b:s4+s9], $0x10, s20, s9, $0xb8;
	[tilespmem:$0x4A00] =	vst v63  }
0x6a: {  	_ = 	snop  }
0x6b: {  	[tilespmem:s23], [sflag:$0x1] =	stream.indirect.gather [hbm4b:s3+s9], $0x10, s22, s9, $0xb8;
	[tilespmem:$0x4A00] =	vst v63  }
0x6c: {  	_ = 	snop  }
0x6d: {  	[tilespmem:s25], [sflag:$0x1] =	stream.indirect.gather [hbm4b:s4+s9], $0x10, s24, s9, $0xb8;
	[tilespmem:$0x4A00] =	vst v63  }
0x6e: {  	_ =	swait.ge [sflag:s26], $0x800  }
0x6f: {  	[sflag:s26] =	ssyncset.done $0x0  }
0x70: {  	[sflag:s26] =	ssyncadd.s32 $0xFFFFF800  }
0x71: {  	_ =	swait.ge [sflag:s26], $0x800  }
0x72: {  	[sflag:s26] =	ssyncset.done $0x0  }
0x73: {  	[sflag:s26] =	ssyncadd.s32 $0xFFFFF800  }
0x74: {  	_ =	swait.ge [sflag:s26], $0x800  }
0x75: {  	[sflag:s26] =	ssyncset.done $0x0  }
0x76: {  	[sflag:s26] =	ssyncadd.s32 $0xFFFFF800  }
0x77: {  	_ =	swait.ge [sflag:s26], $0x800  }
0x78: {  	[sflag:s26] =	ssyncset.done $0x0  }
0x79: {  	[sflag:s26] =	ssyncadd.s32 $0xFFFFF800  }
0x7a: {  	_ =	swait.ge [sflag:s26], $0x800  }
0x7b: {  	[sflag:s26] =	ssyncset.done $0x0  }
0x7c: {  	[sflag:s26] =	ssyncadd.s32 $0xFFFFF800  }
0x7d: {  	_ =	swait.ge [sflag:s26], $0x800  }
0x7e: {  	[sflag:s26] =	ssyncset.done $0x0  }
0x7f: {  	[sflag:s26] =	ssyncadd.s32 $0xFFFFF800  }
0x80: {  	_ =	swait.ge [sflag:s26], $0x800  }
0x81: {  	[sflag:s26] =	ssyncset.done $0x0  }
0x82: {  	[sflag:s26] =	ssyncadd.s32 $0xFFFFF800  }
0x83: {  	_ =	swait.ge [sflag:s26], $0x800  }
0x84: {  	[sflag:s26] =	ssyncset.done $0x0  }
0x85: {  	s0 =	simm.s32 $0x0;
	[sflag:s26] =	ssyncadd.s32 $0xFFFFF800  }
0x86: {  	v6 =	vld [tilespmem:s0+$0x8F0]  }
0x87: {  	v7 =	vld [tilespmem:s0+$0x28F0]  }
0x88: {  	v8 =	vld [tilespmem:s0+$0x8E0]  }
0x89: {  	v9 =	vld [tilespmem:s0+$0x28E0]  }
0x8a: {  	v10 =	vld [tilespmem:s0+$0x8D0]  }
0x8b: {  	v11 =	vld [tilespmem:s0+$0x28D0]  }
0x8c: {  	v12 =	vld [tilespmem:s0+$0x8C0]  }
0x8d: {  	v13 =	vld [tilespmem:s0+$0x28C0];
	_ =	sdelay $0x1  }
0x8e: {  	v14 =	vld [tilespmem:s0+$0x8B0]  }
0x8f: {  	v15 =	vld [tilespmem:s0+$0x28A0]  }
0x90: {  	v6 =	vmul.f32 v7, v6;
	v7 =	vld [tilespmem:s0+$0x28B0];
	v8 =	vmul.f32 v9, v8  }
0x91: {  	v16 =	vld [tilespmem:s0+$0x890];
	v10 =	vmul.f32 v11, v10;
	v12 =	vmul.f32 v13, v12  }
0x92: {  	v9 =	vld [tilespmem:s0+$0x8A0];
	v11 =	vperm.xlane v6, v2;
	v13 =	vperm.xlane v8, v2  }
0x93: {  	v19 =	vld [tilespmem:s0+$0x2880];
	v18 =	vperm.xlane v12, v2  }
0x94: {  	v17 =	vperm.xlane v10, v2;
	v6 =	vadd.f32 v11, v6;
	v11 =	vld [tilespmem:s0+$0x2890];
	v8 =	vadd.f32 v13, v8  }
0x95: {  	v13 =	vld [tilespmem:s0+$0x880];
	v12 =	vadd.f32 v18, v12;
	v14 =	vmul.f32 v7, v14  }
0x96: {  	v20 =	vld [tilespmem:s0+$0x870];
	v10 =	vadd.f32 v17, v10;
	v17 =	vperm.xlane v6, v3;
	v18 =	vperm.xlane v8, v3  }
0x97: {  	v23 =	vld [tilespmem:s0+$0x2860];
	v9 =	vmul.f32 v15, v9;
	v22 =	vperm.xlane v12, v3  }
0x98: {  	v21 =	vperm.xlane v10, v3;
	v6 =	vadd.f32 v17, v6;
	v17 =	vld [tilespmem:s0+$0x2870];
	v8 =	vadd.f32 v18, v8  }
0x99: {  	v18 =	vld [tilespmem:s0+$0x860];
	v12 =	vadd.f32 v22, v12;
	v22 =	vperm.xlane v14, v2;
	v11 =	vmul.f32 v11, v16  }
0x9a: {  	v10 =	vadd.f32 v21, v10;
	v16 =	vperm.xlane v9, v2;
	v13 =	vmul.f32 v19, v13  }
0x9b: {  	v25 =	vld [tilespmem:s0+$0x850];
	v21 =	vperm.xlane v6, v4;
	v7 =	vperm.xlane v8, v4  }
0x9c: {  	v27 =	vld [tilespmem:s0+$0x810];
	v15 =	vperm.xlane v10, v4;
	v24 =	vperm.xlane v12, v4;
	v14 =	vadd.f32 v22, v14  }
0x9d: {  	v19 =	vperm.xlane v11, v2;
	v6 =	vadd.f32 v21, v6;
	v21 =	vld [tilespmem:s0+$0x2850];
	v7 =	vadd.f32 v7, v8  }
0x9e: {  	v8 =	vld [tilespmem:s0+$0x830];
	v10 =	vadd.f32 v15, v10;
	v17 =	vmul.f32 v17, v20;
	v18 =	vmul.f32 v23, v18  }
0x9f: {  	v15 =	vld [tilespmem:s0+$0x2830];
	v23 =	vperm.xlane v13, v2;
	v11 =	vadd.f32 v19, v11;
	v19 =	vperm.xlane v14, v3  }
0xa0: {  	v22 =	vld [tilespmem:s0+$0x820];
	v9 =	vadd.f32 v16, v9;
	v20 =	vperm.xlane v17, v2;
	v26 =	vperm.xlane v18, v2  }
0xa1: {  	v13 =	vadd.f32 v23, v13;
	v23 =	vperm.xlane v11, v3;
	v14 =	vadd.f32 v19, v14;
	v19 =	vld [tilespmem:s0+$0x2810]  }
0xa2: {  	v16 =	vld [tilespmem:s0+$0x2800];
	v17 =	vadd.f32 v20, v17;
	v18 =	vadd.f32 v26, v18;
	v26 =	vperm.xlane v9, v3  }
0xa3: {  	v20 =	vld [tilespmem:s0+$0x800];
	v29 =	vperm.xlane v13, v3;
	v21 =	vmul.f32 v21, v25  }
0xa4: {  	v11 =	vadd.f32 v23, v11;
	v23 =	vld [tilespmem:s0+$0x2820];
	v8 =	vmul.f32 v15, v8;
	v28 =	vperm.xlane v17, v3  }
0xa5: {  	v30 =	vperm.xlane v18, v3;
	v9 =	vadd.f32 v26, v9;
	v26 =	vperm.xlane v14, v4  }
0xa6: {  	v31 =	vld [tilespmem:s0+$0x2840];
	v13 =	vadd.f32 v29, v13;
	v29 =	vperm.xlane v11, v4;
	v19 =	vmul.f32 v19, v27  }
0xa7: {  	v17 =	vadd.f32 v28, v17;
	v28 =	vld [tilespmem:s0+$0x840];
	v18 =	vadd.f32 v30, v18;
	v30 =	vperm.xlane v9, v4  }
0xa8: {  	v12 =	vadd.f32 v24, v12;
	v33 =	vperm.xlane v13, v4;
	v16 =	vmul.f32 v16, v20  }
0xa9: {  	v14 =	vadd.f32 v26, v14;
	v20 =	vmul.f32 v23, v22;
	v22 =	vperm.xlane v19, v2  }
0xaa: {  	v11 =	vadd.f32 v29, v11;
	v32 =	vperm.xlane v17, v4;
	v24 =	vperm.xlane v18, v4  }
0xab: {  	v9 =	vadd.f32 v30, v9;
	v13 =	vadd.f32 v33, v13;
	v15 =	vperm.xlane v16, v2  }
0xac: {  	v23 =	vperm.xlane v20, v2;
	v17 =	vadd.f32 v32, v17;
	v25 =	vmul.f32 v31, v28  }
0xad: {  	v15 =	vadd.f32 v15, v16;
	v16 =	vadd.f32 v22, v19;
	v19 =	vperm.xlane v8, v2  }
0xae: {  	v20 =	vadd.f32 v23, v20;
	v23 =	vperm.xlane v21, v2;
	v22 =	vperm.xlane v25, v2  }
0xaf: {  	v26 =	vperm.xlane v15, v3;
	v27 =	vperm.xlane v16, v3;
	v8 =	vadd.f32 v19, v8  }
0xb0: {  	v19 =	vperm.xlane v20, v3;
	v21 =	vadd.f32 v23, v21;
	v22 =	vadd.f32 v22, v25  }
0xb1: {  	v15 =	vadd.f32 v26, v15;
	v16 =	vadd.f32 v27, v16;
	v23 =	vperm.xlane v8, v3  }
0xb2: {  	v19 =	vadd.f32 v19, v20;
	v25 =	vperm.xlane v21, v3;
	v20 =	vperm.xlane v22, v3  }
0xb3: {  	v26 =	vperm.xlane v15, v4;
	v27 =	vperm.xlane v16, v4;
	v8 =	vadd.f32 v23, v8  }
0xb4: {  	v23 =	vperm.xlane v19, v4;
	v21 =	vadd.f32 v25, v21;
	v20 =	vadd.f32 v20, v22  }
0xb5: {  	v15 =	vadd.f32 v26, v15;
	v16 =	vadd.f32 v27, v16;
	v22 =	vperm.xlane v8, v4  }
0xb6: {  	v19 =	vadd.f32 v23, v19;
	v25 =	vperm.xlane v21, v4;
	v23 =	vperm.xlane v20, v4  }
0xb7: {  	v26 =	vperm.xlane v15, v5;
	v27 =	vperm.xlane v16, v5;
	v8 =	vadd.f32 v22, v8  }
0xb8: {  	v22 =	vperm.xlane v19, v5;
	v21 =	vadd.f32 v25, v21;
	v20 =	vadd.f32 v23, v20  }
0xb9: {  	v15 =	vadd.f32 v26, v15;
	v16 =	vadd.f32 v27, v16;
	v23 =	vperm.xlane v8, v5  }
0xba: {  	v18 =	vadd.f32 v24, v18;
	v19 =	vadd.f32 v22, v19;
	v22 =	vperm.xlane v20, v5  }
0xbb: {  	v15 =	vsel vm1, v15, v16;
	v8 =	vadd.f32 v23, v8;
	v16 =	vperm.xlane v21, v5  }
0xbc: {  	v15 =	vsel vm2, v15, v19;
	v19 =	vadd.f32 v22, v20;
	v20 =	vperm.xlane v18, v5  }
0xbd: {  	v8 =	vsel vm3, v15, v8;
	v15 =	vadd.f32 v16, v21;
	v16 =	vperm.xlane v17, v5  }
0xbe: {  	v8 =	vsel vm4, v8, v19;
	v18 =	vadd.f32 v20, v18;
	v19 =	vperm.xlane v13, v5  }
0xbf: {  	v8 =	vsel vm5, v8, v15;
	v15 =	vadd.f32 v16, v17;
	v16 =	vperm.xlane v11, v5  }
0xc0: {  	v17 =	vperm.xlane v9, v5;
	v8 =	vsel vm6, v8, v18;
	v13 =	vadd.f32 v19, v13  }
0xc1: {  	v8 =	vsel vm7, v8, v15;
	v11 =	vadd.f32 v16, v11;
	v15 =	vperm.xlane v14, v5  }
0xc2: {  	v9 =	vadd.f32 v17, v9;
	v8 =	vsel vm0, v8, v13;
	v13 =	vperm.xlane v12, v5  }
0xc3: {  	v8 =	vsel vm8, v8, v11;
	v11 =	vadd.f32 v15, v14;
	v14 =	vperm.xlane v10, v5  }
0xc4: {  	v8 =	vsel vm9, v8, v9;
	v9 =	vadd.f32 v13, v12;
	v12 =	vperm.xlane v7, v5  }
0xc5: {  	v8 =	vsel vm10, v8, v11;
	v10 =	vadd.f32 v14, v10;
	v11 =	vperm.xlane v6, v5  }
0xc6: {  	v8 =	vsel vm11, v8, v9;
	v7 =	vadd.f32 v12, v7  }
0xc7: {  	v8 =	vsel vm12, v8, v10;
	v6 =	vadd.f32 v11, v6  }
0xc8: {  	v7 =	vsel vm13, v8, v7  }
0xc9: {  	v6 =	vsel vm14, v7, v6  }
0xca: {  	v6 =	vsub.f32 $0.0e+00, v6;
	_ =	sdelay $0x1  }
0xcb: {  	v6 =	vmul.f32 $1.442695020e+00, v6;
	_ =	sdelay $0x1  }
0xcc: {  	(erf) = vpow2.f32 v6;
	_ =	sdelay $0x8  }
0xcd: {  	v6 =	vpop (erf)  }
0xce: {  	v6 =	vadd.f32 $1.000000000e+00, v6;
	_ =	sdelay $0x1  }
0xcf: {  	(erf) = vrcp.f32 v6;
	_ =	sdelay $0x8  }
0xd0: {  	v6 =	vpop (erf)  }
0xd1: {  	v6 =	vmul.f32 $5.500000000e+00, v6;
	_ =	sdelay $0x1  }
0xd2: {  	s0 =	simm.s32 $0x100;
	[tilespmem:s28+$0x0] =	vst v6  }
0xd3: {  	v6 =	vld [tilespmem:s0+$0x8F0]  }
0xd4: {  	v7 =	vld [tilespmem:s0+$0x28F0]  }
0xd5: {  	v8 =	vld [tilespmem:s0+$0x8E0]  }
0xd6: {  	v9 =	vld [tilespmem:s0+$0x28E0]  }
0xd7: {  	v10 =	vld [tilespmem:s0+$0x8D0]  }
0xd8: {  	v11 =	vld [tilespmem:s0+$0x28D0]  }
0xd9: {  	v12 =	vld [tilespmem:s0+$0x8C0]  }
0xda: {  	v13 =	vld [tilespmem:s0+$0x28C0]  }
0xdb: {  	v14 =	vld [tilespmem:s0+$0x8B0]  }
0xdc: {  	v15 =	vld [tilespmem:s0+$0x8A0]  }
0xdd: {  	v16 =	vld [tilespmem:s0+$0x890]  }
0xde: {  	v18 =	vld [tilespmem:s0+$0x2890]  }
0xdf: {  	v20 =	vld [tilespmem:s0+$0x870]  }
0xe0: {  	v22 =	vld [tilespmem:s0+$0x2870]  }
0xe1: {  	v6 =	vmul.f32 v7, v6;
	v7 =	vld [tilespmem:s0+$0x28B0];
	v8 =	vmul.f32 v9, v8  }
0xe2: {  	v9 =	vmul.f32 v11, v10;
	v11 =	vld [tilespmem:s0+$0x28A0];
	v12 =	vmul.f32 v13, v12  }
0xe3: {  	v19 =	vld [tilespmem:s0+$0x880];
	v16 =	vmul.f32 v18, v16;
	v10 =	vperm.xlane v6, v2  }
0xe4: {  	v23 =	vld [tilespmem:s0+$0x860];
	v13 =	vperm.xlane v8, v2;
	v17 =	vperm.xlane v9, v2  }
0xe5: {  	v24 =	vld [tilespmem:s0+$0x2860];
	v20 =	vmul.f32 v22, v20;
	v22 =	vperm.xlane v16, v2;
	v6 =	vadd.f32 v10, v6  }
0xe6: {  	v10 =	vperm.xlane v12, v2;
	v8 =	vadd.f32 v13, v8;
	v9 =	vadd.f32 v17, v9;
	v17 =	vld [tilespmem:s0+$0x2880]  }
0xe7: {  	v25 =	vmul.f32 v7, v14;
	v26 =	vmul.f32 v11, v15  }
0xe8: {  	v13 =	vperm.xlane v6, v3;
	v10 =	vadd.f32 v10, v12;
	v12 =	vperm.xlane v8, v3  }
0xe9: {  	v21 =	vperm.xlane v9, v3;
	v15 =	vperm.xlane v25, v2  }
0xea: {  	v6 =	vadd.f32 v13, v6;
	v13 =	vperm.xlane v10, v3;
	v8 =	vadd.f32 v12, v8  }
0xeb: {  	v21 =	vadd.f32 v21, v9;
	v17 =	vmul.f32 v17, v19;
	v19 =	vmul.f32 v24, v23  }
0xec: {  	v11 =	vld [tilespmem:s0+$0x850];
	v23 =	vperm.xlane v20, v2;
	v29 =	vadd.f32 v15, v25;
	v12 =	vperm.xlane v6, v4  }
0xed: {  	v15 =	vld [tilespmem:s0+$0x820];
	v9 =	vadd.f32 v13, v10;
	v7 =	vperm.xlane v8, v4;
	v14 =	vperm.xlane v21, v4  }
0xee: {  	v18 =	vperm.xlane v26, v2;
	v13 =	vld [tilespmem:s0+$0x2850];
	v23 =	vadd.f32 v23, v20;
	v6 =	vadd.f32 v12, v6  }
0xef: {  	v24 =	vperm.xlane v17, v2;
	v7 =	vadd.f32 v7, v8;
	v12 =	vld [tilespmem:s0+$0x830];
	v8 =	vadd.f32 v14, v21  }
0xf0: {  	v25 =	vperm.xlane v19, v2;
	v14 =	vld [tilespmem:s0+$0x2830];
	v21 =	vadd.f32 v22, v16;
	v22 =	vadd.f32 v18, v26  }
0xf1: {  	v30 =	vperm.xlane v29, v3;
	v10 =	vperm.xlane v9, v4;
	v16 =	vld [tilespmem:s0+$0x2800];
	v24 =	vadd.f32 v24, v17  }
0xf2: {  	v18 =	vld [tilespmem:s0+$0x810];
	v20 =	vadd.f32 v25, v19;
	v25 =	vperm.xlane v21, v3;
	v26 =	vperm.xlane v22, v3  }
0xf3: {  	s31 =	simm.s32 $0x800;
	s30 =	simm.s32 $0x4800;
	v17 =	vld [tilespmem:s0+$0x800];
	v27 =	vperm.xlane v23, v3;
	v19 =	vadd.f32 v30, v29;
	v28 =	vperm.xlane v24, v3  }
.LBB2_2:
0xf4: {  	p0 =	sne.s32 s31, $0x7C00;
	v29 =	vld [tilespmem:s0+$0x2810];
	v30 =	vperm.xlane v20, v3;
	v21 =	vadd.f32 v25, v21;
	v22 =	vadd.f32 v26, v22  }
0xf5: {  	v25 =	vld [tilespmem:s0+$0x2820];
	v23 =	vadd.f32 v27, v23;
	v24 =	vadd.f32 v28, v24;
	v26 =	vperm.xlane v19, v4  }
0xf6: {  	v27 =	vld [tilespmem:s0+$0x840];
	v20 =	vadd.f32 v30, v20;
	v28 =	vperm.xlane v21, v4;
	v30 =	vperm.xlane v22, v4  }
0xf7: {  	v9 =	vadd.f32 v10, v9;
	v31 =	vld [tilespmem:s0+$0x2840];
	v32 =	vperm.xlane v23, v4;
	v33 =	vperm.xlane v24, v4  }
0xf8: {  	v10 =	vmul.f32 v13, v11;
	v13 =	vadd.f32 v26, v19;
	v11 =	vperm.xlane v20, v4  }
0xf9: {  	v16 =	vmul.f32 v16, v17;
	v17 =	vmul.f32 v29, v18;
	v18 =	vadd.f32 v30, v22  }
0xfa: {  	v12 =	vmul.f32 v14, v12;
	v14 =	vadd.f32 v28, v21;
	v15 =	vmul.f32 v25, v15  }
0xfb: {  	v19 =	vperm.xlane v16, v2;
	v22 =	vadd.f32 v33, v24;
	v21 =	vperm.xlane v17, v2  }
0xfc: {  	v23 =	vadd.f32 v32, v23;
	v24 =	vperm.xlane v15, v2;
	v25 =	vmul.f32 v31, v27  }
0xfd: {  	v16 =	vadd.f32 v19, v16;
	v19 =	vperm.xlane v12, v2;
	v17 =	vadd.f32 v21, v17  }
0xfe: {  	v15 =	vadd.f32 v24, v15;
	v21 =	vperm.xlane v25, v2;
	v24 =	vperm.xlane v10, v2  }
0xff: {  	v26 =	vperm.xlane v16, v3;
	v12 =	vadd.f32 v19, v12;
	v27 =	vperm.xlane v17, v3  }
0x100: {  	v19 =	vperm.xlane v15, v3;
	v21 =	vadd.f32 v21, v25;
	v10 =	vadd.f32 v24, v10  }
0x101: {  	v16 =	vadd.f32 v26, v16;
	v24 =	vperm.xlane v12, v3;
	v17 =	vadd.f32 v27, v17  }
0x102: {  	v15 =	vadd.f32 v19, v15;
	v19 =	vperm.xlane v21, v3;
	v25 =	vperm.xlane v10, v3  }
0x103: {  	v26 =	vperm.xlane v16, v4;
	v12 =	vadd.f32 v24, v12;
	v27 =	vperm.xlane v17, v4  }
0x104: {  	v24 =	vperm.xlane v15, v4;
	v19 =	vadd.f32 v19, v21;
	v10 =	vadd.f32 v25, v10  }
0x105: {  	v16 =	vadd.f32 v26, v16;
	v21 =	vperm.xlane v12, v4;
	v17 =	vadd.f32 v27, v17  }
0x106: {  	v15 =	vadd.f32 v24, v15;
	v24 =	vperm.xlane v19, v4;
	v25 =	vperm.xlane v10, v4  }
0x107: {  	v26 =	vperm.xlane v16, v5;
	v12 =	vadd.f32 v21, v12;
	v27 =	vperm.xlane v17, v5  }
0x108: {  	v21 =	vperm.xlane v15, v5;
	v19 =	vadd.f32 v24, v19;
	v10 =	vadd.f32 v25, v10  }
0x109: {  	v16 =	vadd.f32 v26, v16;
	v24 =	vperm.xlane v12, v5;
	v17 =	vadd.f32 v27, v17  }
0x10a: {  	v11 =	vadd.f32 v11, v20;
	v15 =	vadd.f32 v21, v15;
	v21 =	vperm.xlane v19, v5  }
0x10b: {  	v12 =	vadd.f32 v24, v12;
	v16 =	vsel vm1, v16, v17;
	v17 =	vperm.xlane v10, v5  }
0x10c: {  	v15 =	vsel vm2, v16, v15;
	v16 =	vadd.f32 v21, v19;
	v19 =	vperm.xlane v11, v5  }
0x10d: {  	v12 =	vsel vm3, v15, v12;
	v10 =	vadd.f32 v17, v10;
	v15 =	vperm.xlane v23, v5  }
0x10e: {  	v12 =	vsel vm4, v12, v16;
	v11 =	vadd.f32 v19, v11;
	v16 =	vperm.xlane v22, v5  }
0x10f: {  	v10 =	vsel vm5, v12, v10;
	v12 =	vadd.f32 v15, v23;
	v15 =	vperm.xlane v14, v5  }
0x110: {  	v10 =	vsel vm6, v10, v11;
	v11 =	vadd.f32 v16, v22;
	v16 =	vperm.xlane v18, v5  }
0x111: {  	v10 =	vsel vm7, v10, v12;
	v12 =	vadd.f32 v15, v14;
	v14 =	vperm.xlane v13, v5  }
0x112: {  	v15 =	vperm.xlane v9, v5;
	v10 =	vsel vm0, v10, v11;
	v11 =	vadd.f32 v16, v18  }
0x113: {  	v10 =	vsel vm8, v10, v12;
	v12 =	vadd.f32 v14, v13;
	v13 =	vperm.xlane v8, v5  }
0x114: {  	v9 =	vadd.f32 v15, v9;
	v10 =	vsel vm9, v10, v11;
	v11 =	vperm.xlane v7, v5  }
0x115: {  	v10 =	vsel vm10, v10, v12;
	v8 =	vadd.f32 v13, v8;
	v12 =	vperm.xlane v6, v5  }
0x116: {  	v9 =	vsel vm11, v10, v9;
	v7 =	vadd.f32 v11, v7  }
0x117: {  	v8 =	vsel vm12, v9, v8;
	v6 =	vadd.f32 v12, v6  }
0x118: {  	v7 =	vsel vm13, v8, v7  }
0x119: {  	v6 =	vsel vm14, v7, v6  }
0x11a: {  	v6 =	vsub.f32 $0.0e+00, v6;
	_ =	sdelay $0x1  }
0x11b: {  	v6 =	vmul.f32 $1.442695020e+00, v6;
	_ =	sdelay $0x1  }
0x11c: {  	(erf) = vpow2.f32 v6;
	_ =	sdelay $0x8  }
0x11d: {  	v6 =	vpop (erf)  }
0x11e: {  	v6 =	vadd.f32 $1.000000000e+00, v6;
	_ =	sdelay $0x1  }
0x11f: {  	(erf) = vrcp.f32 v6;
	_ =	sdelay $0x8  }
0x120: {  	v6 =	vpop (erf)  }
0x121: {  	v6 =	vmul.f32 $5.500000000e+00, v6  }
0x122: {  	s30 =	sadd.s32 $0x10, s30  }
0x123: {  	s0 =	sshra.s32 s31, $0x2;
	[tilespmem:s30+$0x0] =	vst v6  }
0x124: {  	v6 =	vld [tilespmem:s0+$0x8F0]  }
0x125: {  	v7 =	vld [tilespmem:s0+$0x28F0]  }
0x126: {  	v8 =	vld [tilespmem:s0+$0x8E0]  }
0x127: {  	v9 =	vld [tilespmem:s0+$0x28E0]  }
0x128: {  	v10 =	vld [tilespmem:s0+$0x8D0]  }
0x129: {  	v11 =	vld [tilespmem:s0+$0x28D0]  }
0x12a: {  	v12 =	vld [tilespmem:s0+$0x8C0]  }
0x12b: {  	v13 =	vld [tilespmem:s0+$0x28C0];
	_ =	sdelay $0x1  }
0x12c: {  	v6 =	vmul.f32 v7, v6;
	v14 =	vld [tilespmem:s0+$0x8B0]  }
0x12d: {  	v8 =	vmul.f32 v9, v8;
	v7 =	vld [tilespmem:s0+$0x28B0]  }
0x12e: {  	v9 =	vmul.f32 v11, v10;
	v10 =	vperm.xlane v6, v2;
	v15 =	vld [tilespmem:s0+$0x8A0]  }
0x12f: {  	v11 =	vld [tilespmem:s0+$0x28A0];
	v12 =	vmul.f32 v13, v12;
	v13 =	vperm.xlane v8, v2  }
0x130: {  	v17 =	vperm.xlane v9, v2;
	v6 =	vadd.f32 v10, v6;
	v16 =	vld [tilespmem:s0+$0x890]  }
0x131: {  	v18 =	vld [tilespmem:s0+$0x2890];
	v10 =	vperm.xlane v12, v2;
	v8 =	vadd.f32 v13, v8  }
0x132: {  	v9 =	vadd.f32 v17, v9;
	v13 =	vperm.xlane v6, v3;
	v19 =	vld [tilespmem:s0+$0x880]  }
0x133: {  	v17 =	vld [tilespmem:s0+$0x2880];
	v10 =	vadd.f32 v10, v12;
	v12 =	vperm.xlane v8, v3  }
0x134: {  	v21 =	vperm.xlane v9, v3;
	v6 =	vadd.f32 v13, v6;
	v20 =	vld [tilespmem:s0+$0x870]  }
0x135: {  	v22 =	vld [tilespmem:s0+$0x2870];
	v13 =	vperm.xlane v10, v3;
	v8 =	vadd.f32 v12, v8  }
0x136: {  	v21 =	vadd.f32 v21, v9;
	v12 =	vperm.xlane v6, v4;
	v23 =	vld [tilespmem:s0+$0x860]  }
0x137: {  	v25 =	vmul.f32 v7, v14;
	v24 =	vld [tilespmem:s0+$0x2860];
	v9 =	vadd.f32 v13, v10;
	v7 =	vperm.xlane v8, v4  }
0x138: {  	v26 =	vmul.f32 v11, v15;
	v14 =	vperm.xlane v21, v4  }
0x139: {  	v15 =	vperm.xlane v25, v2;
	v10 =	vperm.xlane v9, v4  }
0x13a: {  	v16 =	vmul.f32 v18, v16;
	v18 =	vperm.xlane v26, v2;
	v6 =	vadd.f32 v12, v6;
	v11 =	vld [tilespmem:s0+$0x850]  }
0x13b: {  	v17 =	vmul.f32 v17, v19;
	v7 =	vadd.f32 v7, v8;
	v20 =	vmul.f32 v22, v20;
	v13 =	vld [tilespmem:s0+$0x2850]  }
0x13c: {  	v8 =	vadd.f32 v14, v21;
	v22 =	vperm.xlane v16, v2;
	v12 =	vld [tilespmem:s0+$0x830];
	v19 =	vmul.f32 v24, v23  }
.Ltmp0:
0x13d: {  	v29 =	vadd.f32 v15, v25;
	v23 =	vperm.xlane v20, v2;
	v24 =	vperm.xlane v17, v2;
	v14 =	vld [tilespmem:s0+$0x2830];
	(pc) =	sbr.rel @p0 .LBB2_2-.Ltmp0, $4  }
0x13e: {  	v21 =	vadd.f32 v22, v16;
	v22 =	vadd.f32 v18, v26;
	v15 =	vld [tilespmem:s0+$0x820];
	v25 =	vperm.xlane v19, v2  }
0x13f: {  	v30 =	vperm.xlane v29, v3;
	v23 =	vadd.f32 v23, v20;
	v24 =	vadd.f32 v24, v17;
	v16 =	vld [tilespmem:s0+$0x2800]  }
0x140: {  	v26 =	vperm.xlane v22, v3;
	v17 =	vld [tilespmem:s0+$0x800];
	v20 =	vadd.f32 v25, v19;
	v25 =	vperm.xlane v21, v3  }
0x141: {  	s31 =	sadd.s32 $0x400, s31;
	v27 =	vperm.xlane v23, v3;
	v28 =	vperm.xlane v24, v3;
	v19 =	vadd.f32 v30, v29;
	v18 =	vld [tilespmem:s0+$0x810]  }
0x142: {  	v29 =	vld [tilespmem:s0+$0x2810];
	v30 =	vperm.xlane v20, v3;
	v21 =	vadd.f32 v25, v21;
	v22 =	vadd.f32 v26, v22  }
0x143: {  	v51 =	vld [tilespmem:s0+$0x2820];
	v56 =	vmul.f32 v13, v11;
	v12 =	vmul.f32 v14, v12;
	v23 =	vadd.f32 v27, v23  }
0x144: {  	v53 =	vld [tilespmem:s0+$0x840];
	v24 =	vadd.f32 v28, v24;
	v52 =	vperm.xlane v19, v4;
	v54 =	vperm.xlane v21, v4  }
0x145: {  	v31 =	vld [tilespmem:s0+$0x2840];
	v9 =	vadd.f32 v10, v9;
	v55 =	vperm.xlane v22, v4;
	v34 =	vperm.xlane v56, v2  }
0x146: {  	v20 =	vadd.f32 v30, v20;
	v32 =	vperm.xlane v23, v4;
	v33 =	vperm.xlane v24, v4  }
0x147: {  	v13 =	vadd.f32 v52, v19;
	v16 =	vmul.f32 v16, v17;
	v58 =	vmul.f32 v29, v18  }
0x148: {  	v57 =	vperm.xlane v20, v4;
	v59 =	vadd.f32 v55, v22;
	v15 =	vmul.f32 v51, v15  }
0x149: {  	v60 =	vadd.f32 v54, v21;
	v61 =	vperm.xlane v16, v2;
	v62 =	vperm.xlane v58, v2  }
0x14a: {  	v31 =	vmul.f32 v31, v53;
	v23 =	vadd.f32 v32, v23;
	v30 =	vperm.xlane v15, v2  }
0x14b: {  	v32 =	vperm.xlane v12, v2;
	v16 =	vadd.f32 v61, v16;
	v17 =	vadd.f32 v62, v58  }
0x14c: {  	v63 =	vadd.f32 v33, v24;
	v33 =	vperm.xlane v31, v2;
	v15 =	vadd.f32 v30, v15  }
0x14d: {  	v12 =	vadd.f32 v32, v12;
	v35 =	vperm.xlane v16, v3;
	v36 =	vperm.xlane v17, v3  }
0x14e: {  	v10 =	vadd.f32 v34, v56;
	v21 =	vadd.f32 v33, v31;
	v37 =	vperm.xlane v15, v3  }
0x14f: {  	v38 =	vperm.xlane v12, v3;
	v16 =	vadd.f32 v35, v16;
	v17 =	vadd.f32 v36, v17  }
0x150: {  	v40 =	vperm.xlane v10, v3;
	v39 =	vperm.xlane v21, v3;
	v15 =	vadd.f32 v37, v15  }
0x151: {  	v12 =	vadd.f32 v38, v12;
	v26 =	vperm.xlane v16, v4;
	v27 =	vperm.xlane v17, v4  }
0x152: {  	v10 =	vadd.f32 v40, v10;
	v19 =	vadd.f32 v39, v21;
	v41 =	vperm.xlane v15, v4  }
0x153: {  	v42 =	vperm.xlane v12, v4;
	v16 =	vadd.f32 v26, v16;
	v17 =	vadd.f32 v27, v17  }
0x154: {  	v25 =	vperm.xlane v10, v4;
	v43 =	vperm.xlane v19, v4;
	v15 =	vadd.f32 v41, v15  }
0x155: {  	v12 =	vadd.f32 v42, v12;
	v26 =	vperm.xlane v16, v5;
	v27 =	vperm.xlane v17, v5  }
0x156: {  	v10 =	vadd.f32 v25, v10;
	v19 =	vadd.f32 v43, v19;
	v44 =	vperm.xlane v15, v5  }
0x157: {  	v45 =	vperm.xlane v12, v5;
	v16 =	vadd.f32 v26, v16;
	v17 =	vadd.f32 v27, v17  }
0x158: {  	v11 =	vadd.f32 v57, v20;
	v46 =	vperm.xlane v19, v5;
	v15 =	vadd.f32 v44, v15  }
0x159: {  	v47 =	vperm.xlane v10, v5;
	v12 =	vadd.f32 v45, v12;
	v16 =	vsel vm1, v16, v17  }
0x15a: {  	v49 =	vperm.xlane v11, v5;
	v48 =	vadd.f32 v46, v19;
	v15 =	vsel vm2, v16, v15  }
0x15b: {  	v50 =	vperm.xlane v23, v5;
	v10 =	vadd.f32 v47, v10;
	v12 =	vsel vm3, v15, v12  }
0x15c: {  	v51 =	vperm.xlane v63, v5;
	v11 =	vadd.f32 v49, v11;
	v12 =	vsel vm4, v12, v48  }
0x15d: {  	v53 =	vperm.xlane v60, v5;
	v52 =	vadd.f32 v50, v23;
	v10 =	vsel vm5, v12, v10  }
0x15e: {  	v55 =	vperm.xlane v59, v5;
	v54 =	vadd.f32 v51, v63;
	v10 =	vsel vm6, v10, v11  }
0x15f: {  	v57 =	vperm.xlane v13, v5;
	v56 =	vadd.f32 v53, v60;
	v10 =	vsel vm7, v10, v52  }
0x160: {  	v58 =	vadd.f32 v55, v59;
	v59 =	vperm.xlane v9, v5;
	v10 =	vsel vm0, v10, v54  }
0x161: {  	v61 =	vperm.xlane v8, v5;
	v60 =	vadd.f32 v57, v13;
	v10 =	vsel vm8, v10, v56  }
0x162: {  	v62 =	vperm.xlane v7, v5;
	v9 =	vadd.f32 v59, v9;
	v10 =	vsel vm9, v10, v58  }
0x163: {  	v8 =	vadd.f32 v61, v8;
	v63 =	vperm.xlane v6, v5;
	v10 =	vsel vm10, v10, v60  }
0x164: {  	v7 =	vadd.f32 v62, v7;
	v9 =	vsel vm11, v10, v9  }
0x165: {  	v6 =	vadd.f32 v63, v6;
	v8 =	vsel vm12, v9, v8  }
0x166: {  	v7 =	vsel vm13, v8, v7  }
0x167: {  	v6 =	vsel vm14, v7, v6  }
0x168: {  	v6 =	vsub.f32 $0.0e+00, v6;
	_ =	sdelay $0x1  }
0x169: {  	v6 =	vmul.f32 $1.442695020e+00, v6;
	_ =	sdelay $0x1  }
0x16a: {  	(erf) = vpow2.f32 v6;
	_ =	sdelay $0x8  }
0x16b: {  	v6 =	vpop (erf)  }
0x16c: {  	v6 =	vadd.f32 $1.000000000e+00, v6;
	_ =	sdelay $0x1  }
0x16d: {  	(erf) = vrcp.f32 v6;
	_ =	sdelay $0x8  }
0x16e: {  	v6 =	vpop (erf)  }
0x16f: {  	s29 =	sadd.s32 $0x1, s29;
	v6 =	vmul.f32 $5.500000000e+00, v6  }
0x170: {  	s31 =	sadd.s32 $0x10, s30;
	p0 =	sne.s32 s29, s7  }
.Ltmp1:
0x171: {  	[tilespmem:s31+$0x0] =	vst v6;
	(pc) =	sbr.rel @p0 .LBB2_1-.Ltmp1, $4  }
0x172: {  	[hbm4b:s6+s2] =	stream.linear.scatter [tilespmem:s28], [sflag:$0x2], $0x200, $0x38;
	[tilespmem:$0x4A00] =	vst v63  }
0x173: {  	_ =	swait.ge [sflag:s8], $0x200  }
0x174: {  	[sflag:s8] =	ssyncset.done $0x0  }
0x175: {  	[sflag:s8] =	ssyncadd.s32 $0xFFFFFE00  }
0x176: {  	_ =	sfence.sel $0x180000  }
0x177: {  	[bflag:$0x0] =	sbarrier.arrive $0xFFFF  }
0x178: {  	_ =	strace $0x90000047  }
0x179: {  	[bflag:$0x2] =	sbarrier.arrive $0xFFFF  }
0x17a: {  	p0 =	sne.s32 s1, $0x0;
	s0 =	rddreg [dreg:$0x2]  }
0x17b: {  	s0 =	sadd.s32 @!p0 $0x100000, s0  }
0x17c: {  	[sflag:s0] =	ssyncadd.tile.s32 @!p0 $0x1;
	_ =	shalt  }
.Lfunc_end2:
_tile_overlayer_lowered:
.L_overlay_start_2:
0x17d: {  	(tag) =	ssettag $0x2  }
0x17e: {  	s0 =	rddreg [dreg:$0x0];
	s2 =	stileid.u32  }
0x17f: {  	s1 =	rddreg [dreg:$0x1];
	p0 =	sne.s32 s2, $0x0  }
0x180: {  	s3 =	rddreg [dreg:$0x2];
	[bflag:$0x3] =	sbarrier.arrive $0xFFFF;
	s2 =	simm.s32 @!p0 $0x1C02  }
0x181: {  	[timem:s3], [sflag:s2] =	dma.local @!p0 [hbm:s0], s1  }
0x182: {  	s0 =	simm.s32 @!p0 $0x2  }
0x183: {  	_ =	swait.ge @!p0 [sflag:s0], s1  }
0x184: {  	s1 =	ssub.s32 @!p0 $0x0, s1;
	[sflag:s0] =	ssyncset.done @!p0 $0x0  }
0x185: {  	[sflag:s0] =	ssyncadd.s32 @!p0 s1  }
0x186: {  	[bflag:$0x3] =	sbarrier.arrive $0xFFFF  }
0x187: {  	_ =	shalt  }

</sc_bundles>
